<compile_context>
chip_gen: v7x
topology: tpu7x:2x2x1
jax: 0.10.2.dev20260603
libtpu: 0.0.44.dev20260713+nightly
codegen_flags: <defaults>
</compile_context>

<pallas_src>
import functools

import jax
import jax.numpy as jnp
from jax import lax
from jax.experimental import pallas as pl
from jax.experimental.pallas import tpu as pltpu
from jax.experimental.pallas import tpu_sc as plsc

_V = 1000000
_D = 32
_BATCH = 16384
_HIST = 50
_NC = 2
_NS = 16
_NW = _NC * _NS

_NT = 7813
_TPW = 245
_LROWS = _NT * 32

_GG = 7
_NBC = _BATCH // 128
_UPW = (_GG * _NBC) // _NW

_mesh = plsc.VectorSubcoreMesh(core_axis_name="c", subcore_axis_name="s")


def _wid():
    return lax.axis_index("s") * _NC + lax.axis_index("c")


@functools.partial(
    pl.kernel,
    mesh=_mesh,
    out_type=jax.ShapeDtypeStruct((_LROWS, 128), jnp.float32),
    scratch_types=[
        [pltpu.VMEM((_D, 128), jnp.float32)] * 2,
        [pltpu.VMEM((_D, 128), jnp.float32)] * 2,
        [pltpu.SemaphoreType.DMA] * 2,
        [pltpu.SemaphoreType.DMA] * 2,
    ],
    compiler_params=pltpu.CompilerParams(needs_layout_passes=False),
)
def _relayout(table_hbm, lin_hbm, src_v, dst_v, sem_i, sem_o):
    w = _wid()
    base = w * _TPW
    nv = jnp.minimum(_TPW, _NT - base)

    iota = lax.iota(jnp.int32, 16)
    rowk = [iota + 16 * (k & 1) for k in range(8)]
    uk = [jnp.full((16,), k >> 1, jnp.int32) for k in range(8)]

    def fire_in(c, b):
        off = pl.multiple_of(c * 128, 128)
        pltpu.async_copy(table_hbm.at[:, pl.ds(off, 128)], src_v[b], sem_i[b])

    def wait_in(b):
        pltpu.make_async_copy(
            table_hbm.at[:, pl.ds(0, 128)], src_v[b], sem_i[b]).wait()

    def fire_out(c, b):
        off = pl.multiple_of(c * 32, 32)
        pltpu.async_copy(dst_v[b], lin_hbm.at[pl.ds(off, 32)], sem_o[b])

    def wait_out(b):
        pltpu.make_async_copy(
            dst_v[b], lin_hbm.at[pl.ds(0, 32)], sem_o[b]).wait()

    fire_in(base, 0)

    def transpose_chunk(b):
        @plsc.parallel_loop(0, _D, unroll=4)
        def per_q(q):
            q4 = jnp.full((16,), 4 * q, jnp.int32)
            vals = [
                plsc.load_gather(src_v[b], [rowk[k], q4 + uk[k]])
                for k in range(8)
            ]
            for k in range(8):
                dst_v[b][q, pl.ds(16 * k, 16)] = vals[k]

    def pair(i2, carry):
        for b in range(2):
            i = i2 * 2 + b
            c = base + i

            @pl.when(i + 1 < nv)
            def _():
                fire_in(c + 1, 1 - b)

            @pl.when(i < nv)
            def _():
                wait_in(b)

                @pl.when(i >= 2)
                def _():
                    wait_out(b)

                transpose_chunk(b)
                fire_out(c, b)
        return carry

    lax.fori_loop(0, (_TPW + 1) // 2, pair, 0)
    wait_out(0)
    wait_out(1)


@functools.partial(
    pl.kernel,
    mesh=_mesh,
    out_type=jax.ShapeDtypeStruct((_HIST, _D, _BATCH), jnp.float32),
    scratch_types=[
        pltpu.VMEM((8, 128), jnp.int32),
        pltpu.VMEM((8, 128), jnp.int32),
        pltpu.VMEM((8, 128), jnp.int32),
        [pltpu.VMEM((128, 128), jnp.float32)] * 2,
        [pltpu.VMEM((_D, 128), jnp.float32)] * 2,
        pltpu.SemaphoreType.DMA,
        [pltpu.SemaphoreType.DMA] * 2,
        [pltpu.SemaphoreType.DMA] * 2,
    ],
    compiler_params=pltpu.CompilerParams(needs_layout_passes=False),
)
def _gather(lin_hbm, idx_hbm, out_hbm, idx_v, gidx_v, rem_v, gath_v, tr_v,
            sem_x, sem_g, sem_o):
    w = _wid()
    iota = lax.iota(jnp.int32, 16)
    rowk = [iota + 16 * k for k in range(8)]

    def fire_gather(s, b):
        pltpu.async_copy(lin_hbm.at[gidx_v.at[s]], gath_v[b], sem_g[b])

    def wait_gather(b):
        pltpu.make_async_copy(
            lin_hbm.at[gidx_v.at[0]], gath_v[b], sem_g[b]).wait()

    def fire_out(h, bc, b):
        off = pl.multiple_of(bc * 128, 128)
        pltpu.async_copy(tr_v[b], out_hbm.at[h, :, pl.ds(off, 128)], sem_o[b])

    def wait_out(b):
        pltpu.make_async_copy(
            tr_v[b], out_hbm.at[0, :, pl.ds(0, 128)], sem_o[b]).wait()

    def unit(u_i, carry):
        u = u_i * _NW + w
        g = u // _NBC
        bc = u % _NBC
        goff = pl.multiple_of(g * 8, 8)
        boff = pl.multiple_of(bc * 128, 128)
        pltpu.async_copy(
            idx_hbm.at[pl.ds(goff, 8), pl.ds(boff, 128)], idx_v, sem_x).wait()

        for s8 in range(8):
            for k in range(8):
                v = idx_v[s8, pl.ds(16 * k, 16)]
                gidx_v[s8, pl.ds(16 * k, 16)] = v >> 2
                rem_v[s8, pl.ds(16 * k, 16)] = (v & 3) * 32

        def valid(s):
            return g * 8 + s < _HIST

        @pl.when(valid(0))
        def _():
            fire_gather(0, 0)

        for s in range(8):
            b = s % 2
            b2 = b
            if s + 1 < 8:
                @pl.when(valid(s + 1))
                def _():
                    fire_gather(s + 1, 1 - b)

            @pl.when(valid(s))
            def _():
                wait_gather(b)
                if s >= 2:
                    wait_out(b2)

                rv = [rem_v[s, pl.ds(16 * k, 16)] for k in range(8)]

                @plsc.parallel_loop(0, _D, unroll=4)
                def per_d(d):
                    vals = [
                        plsc.load_gather(gath_v[b], [rowk[k], rv[k] + d])
                        for k in range(8)
                    ]
                    for k in range(8):
                        tr_v[b2][d, pl.ds(16 * k, 16)] = vals[k]
                fire_out(g * 8 + s, bc, b2)

        wait_out(0)
        wait_out(1)
        return carry

    lax.fori_loop(0, _UPW, unit, 0)


def kernel(inputs, embedding_matrix):
    table_t = embedding_matrix.T
    lin = _relayout(table_t)
    raw = _gather(lin, inputs.T)
    return jnp.transpose(raw, (2, 0, 1))

# --- scband reference (transcript-rebuilt; emitter-appended) ---
"""Pipeline reference for scband-embedding-43628277793172 (READ-ONLY COPY).

The authoritative reference and input builder live on the scoring server;
editing this copy changes nothing except your own understanding.
"""

import jax, jax.numpy as jnp
import numpy as np

VOCAB = 1000000
EMBED_DIM = 32
BATCH = 16384
HIST = 50

def setup_inputs(seed: int = 0) -> dict:
    key = jax.random.key(seed)
    k1, k2 = jax.random.split(key)
    inputs = jax.random.randint(k1, (BATCH, HIST), 0, VOCAB, dtype=jnp.int64 if jax.config.jax_enable_x64 else jnp.int32)
    embedding_matrix = jax.random.normal(k2, (VOCAB, EMBED_DIM), dtype=jnp.float32)
    return {"inputs": inputs, "embedding_matrix": embedding_matrix}

def reference(inputs, embedding_matrix):
    # tf.nn.embedding_lookup(embedding_matrix, inputs) == gather rows
    return jnp.take(embedding_matrix, inputs, axis=0)

if __name__ == "__main__":
    import jax
    _d = setup_inputs()
    print(jax.jit(kernel)(*tuple(_d.values())))

</pallas_src>

<mosaic_0001>
#map = affine_map<(d0, d1) -> (0, 0)>
module attributes {stable_mosaic.version = 14 : i64} {
  func.func @_relayout(%arg0: i32, %arg1: i32, %arg2: memref<32x1000000xf32, #tpu.memory_space<hbm>>, %arg3: memref<250016x128xf32, #tpu.memory_space<hbm>>, %arg4: memref<32x128xf32, #tpu.memory_space<vmem>>, %arg5: memref<32x128xf32, #tpu.memory_space<vmem>>, %arg6: memref<32x128xf32, #tpu.memory_space<vmem>>, %arg7: memref<32x128xf32, #tpu.memory_space<vmem>>, %arg8: memref<!tpu.dma_semaphore, #tpu.memory_space<semaphore_mem>>, %arg9: memref<!tpu.dma_semaphore, #tpu.memory_space<semaphore_mem>>, %arg10: memref<!tpu.dma_semaphore, #tpu.memory_space<semaphore_mem>>, %arg11: memref<!tpu.dma_semaphore, #tpu.memory_space<semaphore_mem>>) attributes {dimension_semantics = [#tpu.dimension_semantics<core_parallel>, #tpu.dimension_semantics<subcore_parallel>], iteration_bounds = array<i64: 2, 16>, scalar_prefetch = 0 : i64, scratch_operands = 8 : i64, tpu.core_type = #tpu.core_type<sc_vector_subcore>, window_params = [{transform_indices = #map}, {transform_indices = #map}]} {
    %mul3A = arith.constant 2 : i32
    %mul3A_0 = arith.muli %arg1, %mul3A : i32
    %add3A = arith.addi %mul3A_0, %arg0 : i32
    %mul3A_1 = arith.constant 245 : i32
    %mul3A_2 = arith.muli %add3A, %mul3A_1 : i32
    %sub3A = arith.constant 7813 : i32
    %sub3A_3 = arith.subi %sub3A, %mul3A_2 : i32
    %min3A = arith.constant 245 : i32
    %min3A_4 = arith.minsi %min3A, %sub3A_3 : i32
    %iota3A = tpu.iota {dimensions = array<i32: 0>} : vector<16xi32>
    %add3A_5 = arith.constant 0 : i32
    %add3A_6 = vector.broadcast %add3A_5 : i32 to vector<16xi32>
    %add3A_7 = arith.addi %iota3A, %add3A_6 : vector<16xi32>
    %add3A_8 = arith.constant 16 : i32
    %add3A_9 = vector.broadcast %add3A_8 : i32 to vector<16xi32>
    %add3A_10 = arith.addi %iota3A, %add3A_9 : vector<16xi32>
    %add3A_11 = arith.constant 0 : i32
    %add3A_12 = vector.broadcast %add3A_11 : i32 to vector<16xi32>
    %add3A_13 = arith.addi %iota3A, %add3A_12 : vector<16xi32>
    %add3A_14 = arith.constant 16 : i32
    %add3A_15 = vector.broadcast %add3A_14 : i32 to vector<16xi32>
    %add3A_16 = arith.addi %iota3A, %add3A_15 : vector<16xi32>
    %add3A_17 = arith.constant 0 : i32
    %add3A_18 = vector.broadcast %add3A_17 : i32 to vector<16xi32>
    %add3A_19 = arith.addi %iota3A, %add3A_18 : vector<16xi32>
    %add3A_20 = arith.constant 16 : i32
    %add3A_21 = vector.broadcast %add3A_20 : i32 to vector<16xi32>
    %add3A_22 = arith.addi %iota3A, %add3A_21 : vector<16xi32>
    %add3A_23 = arith.constant 0 : i32
    %add3A_24 = vector.broadcast %add3A_23 : i32 to vector<16xi32>
    %add3A_25 = arith.addi %iota3A, %add3A_24 : vector<16xi32>
    %add3A_26 = arith.constant 16 : i32
    %add3A_27 = vector.broadcast %add3A_26 : i32 to vector<16xi32>
    %add3A_28 = arith.addi %iota3A, %add3A_27 : vector<16xi32>
    %broadcast_in_dim3A = arith.constant 0 : i32
    %broadcast_in_dim3A_29 = vector.broadcast %broadcast_in_dim3A : i32 to vector<16xi32>
    %broadcast_in_dim3A_30 = arith.constant 0 : i32
    %broadcast_in_dim3A_31 = vector.broadcast %broadcast_in_dim3A_30 : i32 to vector<16xi32>
    %broadcast_in_dim3A_32 = arith.constant 1 : i32
    %broadcast_in_dim3A_33 = vector.broadcast %broadcast_in_dim3A_32 : i32 to vector<16xi32>
    %broadcast_in_dim3A_34 = arith.constant 1 : i32
    %broadcast_in_dim3A_35 = vector.broadcast %broadcast_in_dim3A_34 : i32 to vector<16xi32>
    %broadcast_in_dim3A_36 = arith.constant 2 : i32
    %broadcast_in_dim3A_37 = vector.broadcast %broadcast_in_dim3A_36 : i32 to vector<16xi32>
    %broadcast_in_dim3A_38 = arith.constant 2 : i32
    %broadcast_in_dim3A_39 = vector.broadcast %broadcast_in_dim3A_38 : i32 to vector<16xi32>
    %broadcast_in_dim3A_40 = arith.constant 3 : i32
    %broadcast_in_dim3A_41 = vector.broadcast %broadcast_in_dim3A_40 : i32 to vector<16xi32>
    %broadcast_in_dim3A_42 = arith.constant 3 : i32
    %broadcast_in_dim3A_43 = vector.broadcast %broadcast_in_dim3A_42 : i32 to vector<16xi32>
    %mul3A_44 = arith.constant 128 : i32
    %mul3A_45 = arith.muli %mul3A_2, %mul3A_44 : i32
    %multiple_of3A = tpu.assume_multiple %mul3A_45, 128 : i32
    %dma_start3A = arith.constant 0 : i32
    %dma_start3A_46 = tpu.memref_slice %arg2[%dma_start3A, %multiple_of3A] : memref<32x1000000xf32, #tpu.memory_space<hbm>> -> memref<32x128xf32, #tpu.memory_space<hbm>>
    %dma_start3A_47 = arith.constant 0 : i32
    %dma_start3A_48 = tpu.memref_slice %arg2[%dma_start3A_47, %multiple_of3A] : memref<32x1000000xf32, #tpu.memory_space<hbm>> -> memref<32x128xf32, #tpu.memory_space<hbm>>
    tpu.enqueue_dma source(%dma_start3A_48 : memref<32x128xf32, #tpu.memory_space<hbm>>) target(%arg4 : memref<32x128xf32, #tpu.memory_space<vmem>>) target_semaphore(%arg8 : memref<!tpu.dma_semaphore, #tpu.memory_space<semaphore_mem>>)
    %scan3A = arith.constant 0 : i32
    %scan3A_49 = arith.constant 0 : i32
    %scan3A_50 = arith.constant 123 : i32
    %scan3A_51 = arith.addi %scan3A_49, %scan3A_50 : i32
    %scan3A_52 = arith.constant 1 : i32
    scf.for %scan3A_65 = %scan3A_49 to %scan3A_51 step %scan3A_52  : i32 {
      %mul3A_66 = arith.constant 2 : i32
      %mul3A_67 = arith.muli %scan3A_65, %mul3A_66 : i32
      %add3A_68 = arith.constant 0 : i32
      %add3A_69 = arith.addi %mul3A_67, %add3A_68 : i32
      %add3A_70 = arith.addi %mul3A_2, %add3A_69 : i32
      %add3A_71 = arith.constant 1 : i32
      %add3A_72 = arith.addi %add3A_69, %add3A_71 : i32
      %lt3A = arith.cmpi slt, %add3A_72, %min3A_4 : i32
      %convert_element_type3A = arith.extui %lt3A : i1 to i32
      %cond3A = arith.constant 0 : i32
      %cond3A_73 = arith.cmpi ne, %convert_element_type3A, %cond3A : i32
      scf.if %cond3A_73 {
        %add3A_93 = arith.constant 1 : i32
        %add3A_94 = arith.addi %add3A_70, %add3A_93 : i32
        %mul3A_95 = arith.constant 128 : i32
        %mul3A_96 = arith.muli %add3A_94, %mul3A_95 : i32
        %multiple_of3A_97 = tpu.assume_multiple %mul3A_96, 128 : i32
        %dma_start3A_98 = arith.constant 0 : i32
        %dma_start3A_99 = tpu.memref_slice %arg2[%dma_start3A_98, %multiple_of3A_97] : memref<32x1000000xf32, #tpu.memory_space<hbm>> -> memref<32x128xf32, #tpu.memory_space<hbm>>
        %dma_start3A_100 = arith.constant 0 : i32
        %dma_start3A_101 = tpu.memref_slice %arg2[%dma_start3A_100, %multiple_of3A_97] : memref<32x1000000xf32, #tpu.memory_space<hbm>> -> memref<32x128xf32, #tpu.memory_space<hbm>>
        tpu.enqueue_dma source(%dma_start3A_101 : memref<32x128xf32, #tpu.memory_space<hbm>>) target(%arg5 : memref<32x128xf32, #tpu.memory_space<vmem>>) target_semaphore(%arg9 : memref<!tpu.dma_semaphore, #tpu.memory_space<semaphore_mem>>)
      } else {
      }
      %lt3A_74 = arith.cmpi slt, %add3A_69, %min3A_4 : i32
      %convert_element_type3A_75 = arith.extui %lt3A_74 : i1 to i32
      %cond3A_76 = arith.constant 0 : i32
      %cond3A_77 = arith.cmpi ne, %convert_element_type3A_75, %cond3A_76 : i32
      scf.if %cond3A_77 {
        %dma_wait3A_93 = arith.constant 0 : i32
        %dma_wait3A_94 = arith.constant 0 : i32
        %dma_wait3A_95 = tpu.memref_slice %arg2[%dma_wait3A_93, %dma_wait3A_94] : memref<32x1000000xf32, #tpu.memory_space<hbm>> -> memref<32x128xf32, #tpu.memory_space<hbm>>
        %dma_wait3A_96 = arith.constant 0 : i32
        %dma_wait3A_97 = arith.constant 0 : i32
        %dma_wait3A_98 = tpu.memref_slice %arg2[%dma_wait3A_96, %dma_wait3A_97] : memref<32x1000000xf32, #tpu.memory_space<hbm>> -> memref<32x128xf32, #tpu.memory_space<hbm>>
        tpu.wait_dma2 semaphore(%arg8 : memref<!tpu.dma_semaphore, #tpu.memory_space<semaphore_mem>>) src(%dma_wait3A_98 : memref<32x128xf32, #tpu.memory_space<hbm>>) dst(%arg4 : memref<32x128xf32, #tpu.memory_space<vmem>>)
        %ge3A = arith.constant 2 : i32
        %ge3A_99 = arith.cmpi sge, %add3A_69, %ge3A : i32
        %convert_element_type3A_100 = arith.extui %ge3A_99 : i1 to i32
        %cond3A_101 = arith.constant 0 : i32
        %cond3A_102 = arith.cmpi ne, %convert_element_type3A_100, %cond3A_101 : i32
        scf.if %cond3A_102 {
          %dma_wait3A_112 = arith.constant 0 : i32
          %dma_wait3A_113 = arith.constant 0 : i32
          %dma_wait3A_114 = tpu.memref_slice %arg3[%dma_wait3A_112, %dma_wait3A_113] : memref<250016x128xf32, #tpu.memory_space<hbm>> -> memref<32x128xf32, #tpu.memory_space<hbm>>
          %dma_wait3A_115 = arith.constant 0 : i32
          %dma_wait3A_116 = arith.constant 0 : i32
          %dma_wait3A_117 = tpu.memref_slice %arg3[%dma_wait3A_115, %dma_wait3A_116] : memref<250016x128xf32, #tpu.memory_space<hbm>> -> memref<32x128xf32, #tpu.memory_space<hbm>>
          tpu.wait_dma2 semaphore(%arg10 : memref<!tpu.dma_semaphore, #tpu.memory_space<semaphore_mem>>) src(%arg6 : memref<32x128xf32, #tpu.memory_space<vmem>>) dst(%dma_wait3A_117 : memref<32x128xf32, #tpu.memory_space<hbm>>)
        } else {
        }
        %parallel_loop3A = arith.constant 0 : i32
        %parallel_loop3A_103 = arith.constant 32 : i32
        %parallel_loop3A_104 = arith.constant 1 : i32
        scf.for %parallel_loop3A_112 = %parallel_loop3A to %parallel_loop3A_103 step %parallel_loop3A_104  : i32 {
          %parallel_loop3A_113 = arith.constant 4 : i32
          %parallel_loop3A_114 = arith.muli %parallel_loop3A_113, %parallel_loop3A_112 : i32
          %parallel_loop3A_115 = vector.broadcast %parallel_loop3A_114 : i32 to vector<16xi32>
          %parallel_loop3A_116 = arith.addi %parallel_loop3A_115, %broadcast_in_dim3A_29 : vector<16xi32>
          %parallel_loop3A_117 = tpu.vector_load_idx %arg4[%add3A_7, %parallel_loop3A_116] : memref<32x128xf32, #tpu.memory_space<vmem>>[vector<16xi32>, vector<16xi32>], vector<16xf32>,
          %parallel_loop3A_118 = arith.addi %parallel_loop3A_115, %broadcast_in_dim3A_31 : vector<16xi32>
          %parallel_loop3A_119 = tpu.vector_load_idx %arg4[%add3A_10, %parallel_loop3A_118] : memref<32x128xf32, #tpu.memory_space<vmem>>[vector<16xi32>, vector<16xi32>], vector<16xf32>,
          %parallel_loop3A_120 = arith.addi %parallel_loop3A_115, %broadcast_in_dim3A_33 : vector<16xi32>
          %parallel_loop3A_121 = tpu.vector_load_idx %arg4[%add3A_13, %parallel_loop3A_120] : memref<32x128xf32, #tpu.memory_space<vmem>>[vector<16xi32>, vector<16xi32>], vector<16xf32>,
          %parallel_loop3A_122 = arith.addi %parallel_loop3A_115, %broadcast_in_dim3A_35 : vector<16xi32>
          %parallel_loop3A_123 = tpu.vector_load_idx %arg4[%add3A_16, %parallel_loop3A_122] : memref<32x128xf32, #tpu.memory_space<vmem>>[vector<16xi32>, vector<16xi32>], vector<16xf32>,
          %parallel_loop3A_124 = arith.addi %parallel_loop3A_115, %broadcast_in_dim3A_37 : vector<16xi32>
          %parallel_loop3A_125 = tpu.vector_load_idx %arg4[%add3A_19, %parallel_loop3A_124] : memref<32x128xf32, #tpu.memory_space<vmem>>[vector<16xi32>, vector<16xi32>], vector<16xf32>,
          %parallel_loop3A_126 = arith.addi %parallel_loop3A_115, %broadcast_in_dim3A_39 : vector<16xi32>
          %parallel_loop3A_127 = tpu.vector_load_idx %arg4[%add3A_22, %parallel_loop3A_126] : memref<32x128xf32, #tpu.memory_space<vmem>>[vector<16xi32>, vector<16xi32>], vector<16xf32>,
          %parallel_loop3A_128 = arith.addi %parallel_loop3A_115, %broadcast_in_dim3A_41 : vector<16xi32>
          %parallel_loop3A_129 = tpu.vector_load_idx %arg4[%add3A_25, %parallel_loop3A_128] : memref<32x128xf32, #tpu.memory_space<vmem>>[vector<16xi32>, vector<16xi32>], vector<16xf32>,
          %parallel_loop3A_130 = arith.addi %parallel_loop3A_115, %broadcast_in_dim3A_43 : vector<16xi32>
          %parallel_loop3A_131 = tpu.vector_load_idx %arg4[%add3A_28, %parallel_loop3A_130] : memref<32x128xf32, #tpu.memory_space<vmem>>[vector<16xi32>, vector<16xi32>], vector<16xf32>,
          %parallel_loop3A_132 = arith.index_cast %parallel_loop3A_112 : i32 to index
          %parallel_loop3A_133 = arith.constant 0 : index
          %parallel_loop3A_134 = tpu.vector_load %arg6[%parallel_loop3A_132, %parallel_loop3A_133] {strides = array<i32>} : memref<32x128xf32, #tpu.memory_space<vmem>>, vector<16xf32>,
          tpu.vector_store %arg6[%parallel_loop3A_132, %parallel_loop3A_133], %parallel_loop3A_117 {strides = array<i32>} : memref<32x128xf32, #tpu.memory_space<vmem>>, vector<16xf32>,
          %parallel_loop3A_135 = arith.index_cast %parallel_loop3A_112 : i32 to index
          %parallel_loop3A_136 = arith.constant 16 : index
          %parallel_loop3A_137 = tpu.vector_load %arg6[%parallel_loop3A_135, %parallel_loop3A_136] {strides = array<i32>} : memref<32x128xf32, #tpu.memory_space<vmem>>, vector<16xf32>,
          tpu.vector_store %arg6[%parallel_loop3A_135, %parallel_loop3A_136], %parallel_loop3A_119 {strides = array<i32>} : memref<32x128xf32, #tpu.memory_space<vmem>>, vector<16xf32>,
          %parallel_loop3A_138 = arith.index_cast %parallel_loop3A_112 : i32 to index
          %parallel_loop3A_139 = arith.constant 32 : index
          %parallel_loop3A_140 = tpu.vector_load %arg6[%parallel_loop3A_138, %parallel_loop3A_139] {strides = array<i32>} : memref<32x128xf32, #tpu.memory_space<vmem>>, vector<16xf32>,
          tpu.vector_store %arg6[%parallel_loop3A_138, %parallel_loop3A_139], %parallel_loop3A_121 {strides = array<i32>} : memref<32x128xf32, #tpu.memory_space<vmem>>, vector<16xf32>,
          %parallel_loop3A_141 = arith.index_cast %parallel_loop3A_112 : i32 to index
          %parallel_loop3A_142 = arith.constant 48 : index
          %parallel_loop3A_143 = tpu.vector_load %arg6[%parallel_loop3A_141, %parallel_loop3A_142] {strides = array<i32>} : memref<32x128xf32, #tpu.memory_space<vmem>>, vector<16xf32>,
          tpu.vector_store %arg6[%parallel_loop3A_141, %parallel_loop3A_142], %parallel_loop3A_123 {strides = array<i32>} : memref<32x128xf32, #tpu.memory_space<vmem>>, vector<16xf32>,
          %parallel_loop3A_144 = arith.index_cast %parallel_loop3A_112 : i32 to index
          %parallel_loop3A_145 = arith.constant 64 : index
          %parallel_loop3A_146 = tpu.vector_load %arg6[%parallel_loop3A_144, %parallel_loop3A_145] {strides = array<i32>} : memref<32x128xf32, #tpu.memory_space<vmem>>, vector<16xf32>,
          tpu.vector_store %arg6[%parallel_loop3A_144, %parallel_loop3A_145], %parallel_loop3A_125 {strides = array<i32>} : memref<32x128xf32, #tpu.memory_space<vmem>>, vector<16xf32>,
          %parallel_loop3A_147 = arith.index_cast %parallel_loop3A_112 : i32 to index
          %parallel_loop3A_148 = arith.constant 80 : index
          %parallel_loop3A_149 = tpu.vector_load %arg6[%parallel_loop3A_147, %parallel_loop3A_148] {strides = array<i32>} : memref<32x128xf32, #tpu.memory_space<vmem>>, vector<16xf32>,
          tpu.vector_store %arg6[%parallel_loop3A_147, %parallel_loop3A_148], %parallel_loop3A_127 {strides = array<i32>} : memref<32x128xf32, #tpu.memory_space<vmem>>, vector<16xf32>,
          %parallel_loop3A_150 = arith.index_cast %parallel_loop3A_112 : i32 to index
          %parallel_loop3A_151 = arith.constant 96 : index
          %parallel_loop3A_152 = tpu.vector_load %arg6[%parallel_loop3A_150, %parallel_loop3A_151] {strides = array<i32>} : memref<32x128xf32, #tpu.memory_space<vmem>>, vector<16xf32>,
          tpu.vector_store %arg6[%parallel_loop3A_150, %parallel_loop3A_151], %parallel_loop3A_129 {strides = array<i32>} : memref<32x128xf32, #tpu.memory_space<vmem>>, vector<16xf32>,
          %parallel_loop3A_153 = arith.index_cast %parallel_loop3A_112 : i32 to index
          %parallel_loop3A_154 = arith.constant 112 : index
          %parallel_loop3A_155 = tpu.vector_load %arg6[%parallel_loop3A_153, %parallel_loop3A_154] {strides = array<i32>} : memref<32x128xf32, #tpu.memory_space<vmem>>, vector<16xf32>,
          tpu.vector_store %arg6[%parallel_loop3A_153, %parallel_loop3A_154], %parallel_loop3A_131 {strides = array<i32>} : memref<32x128xf32, #tpu.memory_space<vmem>>, vector<16xf32>,
        } {sc.loop_unroll_factor = 4 : i64, sc.parallel_access}
        %mul3A_105 = arith.constant 32 : i32
        %mul3A_106 = arith.muli %add3A_70, %mul3A_105 : i32
        %multiple_of3A_107 = tpu.assume_multiple %mul3A_106, 32 : i32
        %dma_start3A_108 = arith.constant 0 : i32
        %dma_start3A_109 = tpu.memref_slice %arg3[%multiple_of3A_107, %dma_start3A_108] : memref<250016x128xf32, #tpu.memory_space<hbm>> -> memref<32x128xf32, #tpu.memory_space<hbm>>
        %dma_start3A_110 = arith.constant 0 : i32
        %dma_start3A_111 = tpu.memref_slice %arg3[%multiple_of3A_107, %dma_start3A_110] : memref<250016x128xf32, #tpu.memory_space<hbm>> -> memref<32x128xf32, #tpu.memory_space<hbm>>
        tpu.enqueue_dma source(%arg6 : memref<32x128xf32, #tpu.memory_space<vmem>>) target(%dma_start3A_111 : memref<32x128xf32, #tpu.memory_space<hbm>>) target_semaphore(%arg10 : memref<!tpu.dma_semaphore, #tpu.memory_space<semaphore_mem>>)
      } else {
      }
      %mul3A_78 = arith.constant 2 : i32
      %mul3A_79 = arith.muli %scan3A_65, %mul3A_78 : i32
      %add3A_80 = arith.constant 1 : i32
      %add3A_81 = arith.addi %mul3A_79, %add3A_80 : i32
      %add3A_82 = arith.addi %mul3A_2, %add3A_81 : i32
      %add3A_83 = arith.constant 1 : i32
      %add3A_84 = arith.addi %add3A_81, %add3A_83 : i32
      %lt3A_85 = arith.cmpi slt, %add3A_84, %min3A_4 : i32
      %convert_element_type3A_86 = arith.extui %lt3A_85 : i1 to i32
      %cond3A_87 = arith.constant 0 : i32
      %cond3A_88 = arith.cmpi ne, %convert_element_type3A_86, %cond3A_87 : i32
      scf.if %cond3A_88 {
        %add3A_93 = arith.constant 1 : i32
        %add3A_94 = arith.addi %add3A_82, %add3A_93 : i32
        %mul3A_95 = arith.constant 128 : i32
        %mul3A_96 = arith.muli %add3A_94, %mul3A_95 : i32
        %multiple_of3A_97 = tpu.assume_multiple %mul3A_96, 128 : i32
        %dma_start3A_98 = arith.constant 0 : i32
        %dma_start3A_99 = tpu.memref_slice %arg2[%dma_start3A_98, %multiple_of3A_97] : memref<32x1000000xf32, #tpu.memory_space<hbm>> -> memref<32x128xf32, #tpu.memory_space<hbm>>
        %dma_start3A_100 = arith.constant 0 : i32
        %dma_start3A_101 = tpu.memref_slice %arg2[%dma_start3A_100, %multiple_of3A_97] : memref<32x1000000xf32, #tpu.memory_space<hbm>> -> memref<32x128xf32, #tpu.memory_space<hbm>>
        tpu.enqueue_dma source(%dma_start3A_101 : memref<32x128xf32, #tpu.memory_space<hbm>>) target(%arg4 : memref<32x128xf32, #tpu.memory_space<vmem>>) target_semaphore(%arg8 : memref<!tpu.dma_semaphore, #tpu.memory_space<semaphore_mem>>)
      } else {
      }
      %lt3A_89 = arith.cmpi slt, %add3A_81, %min3A_4 : i32
      %convert_element_type3A_90 = arith.extui %lt3A_89 : i1 to i32
      %cond3A_91 = arith.constant 0 : i32
      %cond3A_92 = arith.cmpi ne, %convert_element_type3A_90, %cond3A_91 : i32
      scf.if %cond3A_92 {
        %dma_wait3A_93 = arith.constant 0 : i32
        %dma_wait3A_94 = arith.constant 0 : i32
        %dma_wait3A_95 = tpu.memref_slice %arg2[%dma_wait3A_93, %dma_wait3A_94] : memref<32x1000000xf32, #tpu.memory_space<hbm>> -> memref<32x128xf32, #tpu.memory_space<hbm>>
        %dma_wait3A_96 = arith.constant 0 : i32
        %dma_wait3A_97 = arith.constant 0 : i32
        %dma_wait3A_98 = tpu.memref_slice %arg2[%dma_wait3A_96, %dma_wait3A_97] : memref<32x1000000xf32, #tpu.memory_space<hbm>> -> memref<32x128xf32, #tpu.memory_space<hbm>>
        tpu.wait_dma2 semaphore(%arg9 : memref<!tpu.dma_semaphore, #tpu.memory_space<semaphore_mem>>) src(%dma_wait3A_98 : memref<32x128xf32, #tpu.memory_space<hbm>>) dst(%arg5 : memref<32x128xf32, #tpu.memory_space<vmem>>)
        %ge3A = arith.constant 2 : i32
        %ge3A_99 = arith.cmpi sge, %add3A_81, %ge3A : i32
        %convert_element_type3A_100 = arith.extui %ge3A_99 : i1 to i32
        %cond3A_101 = arith.constant 0 : i32
        %cond3A_102 = arith.cmpi ne, %convert_element_type3A_100, %cond3A_101 : i32
        scf.if %cond3A_102 {
          %dma_wait3A_112 = arith.constant 0 : i32
          %dma_wait3A_113 = arith.constant 0 : i32
          %dma_wait3A_114 = tpu.memref_slice %arg3[%dma_wait3A_112, %dma_wait3A_113] : memref<250016x128xf32, #tpu.memory_space<hbm>> -> memref<32x128xf32, #tpu.memory_space<hbm>>
          %dma_wait3A_115 = arith.constant 0 : i32
          %dma_wait3A_116 = arith.constant 0 : i32
          %dma_wait3A_117 = tpu.memref_slice %arg3[%dma_wait3A_115, %dma_wait3A_116] : memref<250016x128xf32, #tpu.memory_space<hbm>> -> memref<32x128xf32, #tpu.memory_space<hbm>>
          tpu.wait_dma2 semaphore(%arg11 : memref<!tpu.dma_semaphore, #tpu.memory_space<semaphore_mem>>) src(%arg7 : memref<32x128xf32, #tpu.memory_space<vmem>>) dst(%dma_wait3A_117 : memref<32x128xf32, #tpu.memory_space<hbm>>)
        } else {
        }
        %parallel_loop3A = arith.constant 0 : i32
        %parallel_loop3A_103 = arith.constant 32 : i32
        %parallel_loop3A_104 = arith.constant 1 : i32
        scf.for %parallel_loop3A_112 = %parallel_loop3A to %parallel_loop3A_103 step %parallel_loop3A_104  : i32 {
          %parallel_loop3A_113 = arith.constant 4 : i32
          %parallel_loop3A_114 = arith.muli %parallel_loop3A_113, %parallel_loop3A_112 : i32
          %parallel_loop3A_115 = vector.broadcast %parallel_loop3A_114 : i32 to vector<16xi32>
          %parallel_loop3A_116 = arith.addi %parallel_loop3A_115, %broadcast_in_dim3A_29 : vector<16xi32>
          %parallel_loop3A_117 = tpu.vector_load_idx %arg5[%add3A_7, %parallel_loop3A_116] : memref<32x128xf32, #tpu.memory_space<vmem>>[vector<16xi32>, vector<16xi32>], vector<16xf32>,
          %parallel_loop3A_118 = arith.addi %parallel_loop3A_115, %broadcast_in_dim3A_31 : vector<16xi32>
          %parallel_loop3A_119 = tpu.vector_load_idx %arg5[%add3A_10, %parallel_loop3A_118] : memref<32x128xf32, #tpu.memory_space<vmem>>[vector<16xi32>, vector<16xi32>], vector<16xf32>,
          %parallel_loop3A_120 = arith.addi %parallel_loop3A_115, %broadcast_in_dim3A_33 : vector<16xi32>
          %parallel_loop3A_121 = tpu.vector_load_idx %arg5[%add3A_13, %parallel_loop3A_120] : memref<32x128xf32, #tpu.memory_space<vmem>>[vector<16xi32>, vector<16xi32>], vector<16xf32>,
          %parallel_loop3A_122 = arith.addi %parallel_loop3A_115, %broadcast_in_dim3A_35 : vector<16xi32>
          %parallel_loop3A_123 = tpu.vector_load_idx %arg5[%add3A_16, %parallel_loop3A_122] : memref<32x128xf32, #tpu.memory_space<vmem>>[vector<16xi32>, vector<16xi32>], vector<16xf32>,
          %parallel_loop3A_124 = arith.addi %parallel_loop3A_115, %broadcast_in_dim3A_37 : vector<16xi32>
          %parallel_loop3A_125 = tpu.vector_load_idx %arg5[%add3A_19, %parallel_loop3A_124] : memref<32x128xf32, #tpu.memory_space<vmem>>[vector<16xi32>, vector<16xi32>], vector<16xf32>,
          %parallel_loop3A_126 = arith.addi %parallel_loop3A_115, %broadcast_in_dim3A_39 : vector<16xi32>
          %parallel_loop3A_127 = tpu.vector_load_idx %arg5[%add3A_22, %parallel_loop3A_126] : memref<32x128xf32, #tpu.memory_space<vmem>>[vector<16xi32>, vector<16xi32>], vector<16xf32>,
          %parallel_loop3A_128 = arith.addi %parallel_loop3A_115, %broadcast_in_dim3A_41 : vector<16xi32>
          %parallel_loop3A_129 = tpu.vector_load_idx %arg5[%add3A_25, %parallel_loop3A_128] : memref<32x128xf32, #tpu.memory_space<vmem>>[vector<16xi32>, vector<16xi32>], vector<16xf32>,
          %parallel_loop3A_130 = arith.addi %parallel_loop3A_115, %broadcast_in_dim3A_43 : vector<16xi32>
          %parallel_loop3A_131 = tpu.vector_load_idx %arg5[%add3A_28, %parallel_loop3A_130] : memref<32x128xf32, #tpu.memory_space<vmem>>[vector<16xi32>, vector<16xi32>], vector<16xf32>,
          %parallel_loop3A_132 = arith.index_cast %parallel_loop3A_112 : i32 to index
          %parallel_loop3A_133 = arith.constant 0 : index
          %parallel_loop3A_134 = tpu.vector_load %arg7[%parallel_loop3A_132, %parallel_loop3A_133] {strides = array<i32>} : memref<32x128xf32, #tpu.memory_space<vmem>>, vector<16xf32>,
          tpu.vector_store %arg7[%parallel_loop3A_132, %parallel_loop3A_133], %parallel_loop3A_117 {strides = array<i32>} : memref<32x128xf32, #tpu.memory_space<vmem>>, vector<16xf32>,
          %parallel_loop3A_135 = arith.index_cast %parallel_loop3A_112 : i32 to index
          %parallel_loop3A_136 = arith.constant 16 : index
          %parallel_loop3A_137 = tpu.vector_load %arg7[%parallel_loop3A_135, %parallel_loop3A_136] {strides = array<i32>} : memref<32x128xf32, #tpu.memory_space<vmem>>, vector<16xf32>,
          tpu.vector_store %arg7[%parallel_loop3A_135, %parallel_loop3A_136], %parallel_loop3A_119 {strides = array<i32>} : memref<32x128xf32, #tpu.memory_space<vmem>>, vector<16xf32>,
          %parallel_loop3A_138 = arith.index_cast %parallel_loop3A_112 : i32 to index
          %parallel_loop3A_139 = arith.constant 32 : index
          %parallel_loop3A_140 = tpu.vector_load %arg7[%parallel_loop3A_138, %parallel_loop3A_139] {strides = array<i32>} : memref<32x128xf32, #tpu.memory_space<vmem>>, vector<16xf32>,
          tpu.vector_store %arg7[%parallel_loop3A_138, %parallel_loop3A_139], %parallel_loop3A_121 {strides = array<i32>} : memref<32x128xf32, #tpu.memory_space<vmem>>, vector<16xf32>,
          %parallel_loop3A_141 = arith.index_cast %parallel_loop3A_112 : i32 to index
          %parallel_loop3A_142 = arith.constant 48 : index
          %parallel_loop3A_143 = tpu.vector_load %arg7[%parallel_loop3A_141, %parallel_loop3A_142] {strides = array<i32>} : memref<32x128xf32, #tpu.memory_space<vmem>>, vector<16xf32>,
          tpu.vector_store %arg7[%parallel_loop3A_141, %parallel_loop3A_142], %parallel_loop3A_123 {strides = array<i32>} : memref<32x128xf32, #tpu.memory_space<vmem>>, vector<16xf32>,
          %parallel_loop3A_144 = arith.index_cast %parallel_loop3A_112 : i32 to index
          %parallel_loop3A_145 = arith.constant 64 : index
          %parallel_loop3A_146 = tpu.vector_load %arg7[%parallel_loop3A_144, %parallel_loop3A_145] {strides = array<i32>} : memref<32x128xf32, #tpu.memory_space<vmem>>, vector<16xf32>,
          tpu.vector_store %arg7[%parallel_loop3A_144, %parallel_loop3A_145], %parallel_loop3A_125 {strides = array<i32>} : memref<32x128xf32, #tpu.memory_space<vmem>>, vector<16xf32>,
          %parallel_loop3A_147 = arith.index_cast %parallel_loop3A_112 : i32 to index
          %parallel_loop3A_148 = arith.constant 80 : index
          %parallel_loop3A_149 = tpu.vector_load %arg7[%parallel_loop3A_147, %parallel_loop3A_148] {strides = array<i32>} : memref<32x128xf32, #tpu.memory_space<vmem>>, vector<16xf32>,
          tpu.vector_store %arg7[%parallel_loop3A_147, %parallel_loop3A_148], %parallel_loop3A_127 {strides = array<i32>} : memref<32x128xf32, #tpu.memory_space<vmem>>, vector<16xf32>,
          %parallel_loop3A_150 = arith.index_cast %parallel_loop3A_112 : i32 to index
          %parallel_loop3A_151 = arith.constant 96 : index
          %parallel_loop3A_152 = tpu.vector_load %arg7[%parallel_loop3A_150, %parallel_loop3A_151] {strides = array<i32>} : memref<32x128xf32, #tpu.memory_space<vmem>>, vector<16xf32>,
          tpu.vector_store %arg7[%parallel_loop3A_150, %parallel_loop3A_151], %parallel_loop3A_129 {strides = array<i32>} : memref<32x128xf32, #tpu.memory_space<vmem>>, vector<16xf32>,
          %parallel_loop3A_153 = arith.index_cast %parallel_loop3A_112 : i32 to index
          %parallel_loop3A_154 = arith.constant 112 : index
          %parallel_loop3A_155 = tpu.vector_load %arg7[%parallel_loop3A_153, %parallel_loop3A_154] {strides = array<i32>} : memref<32x128xf32, #tpu.memory_space<vmem>>, vector<16xf32>,
          tpu.vector_store %arg7[%parallel_loop3A_153, %parallel_loop3A_154], %parallel_loop3A_131 {strides = array<i32>} : memref<32x128xf32, #tpu.memory_space<vmem>>, vector<16xf32>,
        } {sc.loop_unroll_factor = 4 : i64, sc.parallel_access}
        %mul3A_105 = arith.constant 32 : i32
        %mul3A_106 = arith.muli %add3A_82, %mul3A_105 : i32
        %multiple_of3A_107 = tpu.assume_multiple %mul3A_106, 32 : i32
        %dma_start3A_108 = arith.constant 0 : i32
        %dma_start3A_109 = tpu.memref_slice %arg3[%multiple_of3A_107, %dma_start3A_108] : memref<250016x128xf32, #tpu.memory_space<hbm>> -> memref<32x128xf32, #tpu.memory_space<hbm>>
        %dma_start3A_110 = arith.constant 0 : i32
        %dma_start3A_111 = tpu.memref_slice %arg3[%multiple_of3A_107, %dma_start3A_110] : memref<250016x128xf32, #tpu.memory_space<hbm>> -> memref<32x128xf32, #tpu.memory_space<hbm>>
        tpu.enqueue_dma source(%arg7 : memref<32x128xf32, #tpu.memory_space<vmem>>) target(%dma_start3A_111 : memref<32x128xf32, #tpu.memory_space<hbm>>) target_semaphore(%arg11 : memref<!tpu.dma_semaphore, #tpu.memory_space<semaphore_mem>>)
      } else {
      }
    }
    %scan3A_53 = arith.constant 123 : i32
    %dma_wait3A = arith.constant 0 : i32
    %dma_wait3A_54 = arith.constant 0 : i32
    %dma_wait3A_55 = tpu.memref_slice %arg3[%dma_wait3A, %dma_wait3A_54] : memref<250016x128xf32, #tpu.memory_space<hbm>> -> memref<32x128xf32, #tpu.memory_space<hbm>>
    %dma_wait3A_56 = arith.constant 0 : i32
    %dma_wait3A_57 = arith.constant 0 : i32
    %dma_wait3A_58 = tpu.memref_slice %arg3[%dma_wait3A_56, %dma_wait3A_57] : memref<250016x128xf32, #tpu.memory_space<hbm>> -> memref<32x128xf32, #tpu.memory_space<hbm>>
    tpu.wait_dma2 semaphore(%arg10 : memref<!tpu.dma_semaphore, #tpu.memory_space<semaphore_mem>>) src(%arg6 : memref<32x128xf32, #tpu.memory_space<vmem>>) dst(%dma_wait3A_58 : memref<32x128xf32, #tpu.memory_space<hbm>>)
    %dma_wait3A_59 = arith.constant 0 : i32
    %dma_wait3A_60 = arith.constant 0 : i32
    %dma_wait3A_61 = tpu.memref_slice %arg3[%dma_wait3A_59, %dma_wait3A_60] : memref<250016x128xf32, #tpu.memory_space<hbm>> -> memref<32x128xf32, #tpu.memory_space<hbm>>
    %dma_wait3A_62 = arith.constant 0 : i32
    %dma_wait3A_63 = arith.constant 0 : i32
    %dma_wait3A_64 = tpu.memref_slice %arg3[%dma_wait3A_62, %dma_wait3A_63] : memref<250016x128xf32, #tpu.memory_space<hbm>> -> memref<32x128xf32, #tpu.memory_space<hbm>>
    tpu.wait_dma2 semaphore(%arg11 : memref<!tpu.dma_semaphore, #tpu.memory_space<semaphore_mem>>) src(%arg7 : memref<32x128xf32, #tpu.memory_space<vmem>>) dst(%dma_wait3A_64 : memref<32x128xf32, #tpu.memory_space<hbm>>)
    return
  }
}

#map = affine_map<(d0, d1) -> (0, 0)>
#map1 = affine_map<(d0, d1) -> (0, 0, 0)>
module attributes {stable_mosaic.version = 14 : i64} {
  func.func @_gather(%arg0: i32, %arg1: i32, %arg2: memref<250016x128xf32, #tpu.memory_space<hbm>>, %arg3: memref<50x16384xi32, #tpu.memory_space<hbm>>, %arg4: memref<50x32x16384xf32, #tpu.memory_space<hbm>>, %arg5: memref<8x128xi32, #tpu.memory_space<vmem>>, %arg6: memref<8x128xi32, #tpu.memory_space<vmem>>, %arg7: memref<8x128xi32, #tpu.memory_space<vmem>>, %arg8: memref<128x128xf32, #tpu.memory_space<vmem>>, %arg9: memref<128x128xf32, #tpu.memory_space<vmem>>, %arg10: memref<32x128xf32, #tpu.memory_space<vmem>>, %arg11: memref<32x128xf32, #tpu.memory_space<vmem>>, %arg12: memref<!tpu.dma_semaphore, #tpu.memory_space<semaphore_mem>>, %arg13: memref<!tpu.dma_semaphore, #tpu.memory_space<semaphore_mem>>, %arg14: memref<!tpu.dma_semaphore, #tpu.memory_space<semaphore_mem>>, %arg15: memref<!tpu.dma_semaphore, #tpu.memory_space<semaphore_mem>>, %arg16: memref<!tpu.dma_semaphore, #tpu.memory_space<semaphore_mem>>) attributes {dimension_semantics = [#tpu.dimension_semantics<core_parallel>, #tpu.dimension_semantics<subcore_parallel>], iteration_bounds = array<i64: 2, 16>, scalar_prefetch = 0 : i64, scratch_operands = 12 : i64, tpu.core_type = #tpu.core_type<sc_vector_subcore>, window_params = [{transform_indices = #map}, {transform_indices = #map}, {transform_indices = #map1}]} {
    %mul3A = arith.constant 2 : i32
    %mul3A_0 = arith.muli %arg1, %mul3A : i32
    %add3A = arith.addi %mul3A_0, %arg0 : i32
    %iota3A = tpu.iota {dimensions = array<i32: 0>} : vector<16xi32>
    %add3A_1 = arith.constant 0 : i32
    %add3A_2 = vector.broadcast %add3A_1 : i32 to vector<16xi32>
    %add3A_3 = arith.addi %iota3A, %add3A_2 : vector<16xi32>
    %add3A_4 = arith.constant 16 : i32
    %add3A_5 = vector.broadcast %add3A_4 : i32 to vector<16xi32>
    %add3A_6 = arith.addi %iota3A, %add3A_5 : vector<16xi32>
    %add3A_7 = arith.constant 32 : i32
    %add3A_8 = vector.broadcast %add3A_7 : i32 to vector<16xi32>
    %add3A_9 = arith.addi %iota3A, %add3A_8 : vector<16xi32>
    %add3A_10 = arith.constant 48 : i32
    %add3A_11 = vector.broadcast %add3A_10 : i32 to vector<16xi32>
    %add3A_12 = arith.addi %iota3A, %add3A_11 : vector<16xi32>
    %add3A_13 = arith.constant 64 : i32
    %add3A_14 = vector.broadcast %add3A_13 : i32 to vector<16xi32>
    %add3A_15 = arith.addi %iota3A, %add3A_14 : vector<16xi32>
    %add3A_16 = arith.constant 80 : i32
    %add3A_17 = vector.broadcast %add3A_16 : i32 to vector<16xi32>
    %add3A_18 = arith.addi %iota3A, %add3A_17 : vector<16xi32>
    %add3A_19 = arith.constant 96 : i32
    %add3A_20 = vector.broadcast %add3A_19 : i32 to vector<16xi32>
    %add3A_21 = arith.addi %iota3A, %add3A_20 : vector<16xi32>
    %add3A_22 = arith.constant 112 : i32
    %add3A_23 = vector.broadcast %add3A_22 : i32 to vector<16xi32>
    %add3A_24 = arith.addi %iota3A, %add3A_23 : vector<16xi32>
    %scan3A = arith.constant 0 : i32
    %scan3A_25 = arith.constant 0 : i32
    %scan3A_26 = arith.constant 28 : i32
    %scan3A_27 = arith.addi %scan3A_25, %scan3A_26 : i32
    %scan3A_28 = arith.constant 1 : i32
    scf.for %scan3A_30 = %scan3A_25 to %scan3A_27 step %scan3A_28  : i32 {
      %mul3A_31 = arith.constant 32 : i32
      %mul3A_32 = arith.muli %scan3A_30, %mul3A_31 : i32
      %add3A_33 = arith.addi %mul3A_32, %add3A : i32
      %jit3A = arith.constant 128 : i32
      %div3A = arith.divsi %add3A_33, %jit3A : i32
      %sign3A = arith.constant 0 : i32
      %sign3A_34 = arith.cmpi sgt, %add3A_33, %sign3A : i32
      %sign3A_35 = arith.extui %sign3A_34 : i1 to i32
      %sign3A_36 = arith.constant 0 : i32
      %sign3A_37 = arith.cmpi slt, %add3A_33, %sign3A_36 : i32
      %sign3A_38 = arith.extui %sign3A_37 : i1 to i32
      %sign3A_39 = arith.subi %sign3A_35, %sign3A_38 : i32
      %sign3A_40 = arith.constant 0 : i32
      %sign3A_41 = arith.cmpi sgt, %jit3A, %sign3A_40 : i32
      %sign3A_42 = arith.extui %sign3A_41 : i1 to i32
      %sign3A_43 = arith.constant 0 : i32
      %sign3A_44 = arith.cmpi slt, %jit3A, %sign3A_43 : i32
      %sign3A_45 = arith.extui %sign3A_44 : i1 to i32
      %sign3A_46 = arith.subi %sign3A_42, %sign3A_45 : i32
      %ne3A = arith.cmpi ne, %sign3A_39, %sign3A_46 : i32
      %rem3A = arith.remsi %add3A_33, %jit3A : i32
      %ne3A_47 = arith.constant 0 : i32
      %ne3A_48 = arith.cmpi ne, %rem3A, %ne3A_47 : i32
      %and3A = arith.andi %ne3A, %ne3A_48 : i1
      %sub3A = arith.constant 1 : i32
      %sub3A_49 = arith.subi %div3A, %sub3A : i32
      %select_n3A = arith.select %and3A, %sub3A_49, %div3A : i32
      %jit3A_50 = arith.constant 128 : i32
      %eq3A = arith.constant 0 : i32
      %eq3A_51 = arith.cmpi eq, %jit3A_50, %eq3A : i32
      %jit3A_52 = arith.constant 1 : i32
      %select_n3A_53 = arith.select %eq3A_51, %jit3A_52, %jit3A_50 : i32
      %rem3A_54 = arith.remsi %add3A_33, %select_n3A_53 : i32
      %ne3A_55 = arith.constant 0 : i32
      %ne3A_56 = arith.cmpi ne, %rem3A_54, %ne3A_55 : i32
      %lt3A = arith.constant 0 : i32
      %lt3A_57 = arith.cmpi slt, %rem3A_54, %lt3A : i32
      %lt3A_58 = arith.constant 0 : i32
      %lt3A_59 = arith.cmpi slt, %select_n3A_53, %lt3A_58 : i32
      %ne3A_60 = arith.xori %lt3A_57, %lt3A_59 : i1
      %and3A_61 = arith.andi %ne3A_60, %ne3A_56 : i1
      %add3A_62 = arith.addi %rem3A_54, %select_n3A_53 : i32
      %select_n3A_63 = arith.select %and3A_61, %add3A_62, %rem3A_54 : i32
      %mul3A_64 = arith.constant 8 : i32
      %mul3A_65 = arith.muli %select_n3A, %mul3A_64 : i32
      %multiple_of3A = tpu.assume_multiple %mul3A_65, 8 : i32
      %mul3A_66 = arith.constant 128 : i32
      %mul3A_67 = arith.muli %select_n3A_63, %mul3A_66 : i32
      %multiple_of3A_68 = tpu.assume_multiple %mul3A_67, 128 : i32
      %dma_start3A = tpu.memref_slice %arg3[%multiple_of3A, %multiple_of3A_68] : memref<50x16384xi32, #tpu.memory_space<hbm>> -> memref<8x128xi32, #tpu.memory_space<hbm>>
      %dma_start3A_69 = tpu.memref_slice %arg3[%multiple_of3A, %multiple_of3A_68] : memref<50x16384xi32, #tpu.memory_space<hbm>> -> memref<8x128xi32, #tpu.memory_space<hbm>>
      tpu.enqueue_dma source(%dma_start3A_69 : memref<8x128xi32, #tpu.memory_space<hbm>>) target(%arg5 : memref<8x128xi32, #tpu.memory_space<vmem>>) target_semaphore(%arg12 : memref<!tpu.dma_semaphore, #tpu.memory_space<semaphore_mem>>)
      %dma_wait3A = tpu.memref_slice %arg3[%multiple_of3A, %multiple_of3A_68] : memref<50x16384xi32, #tpu.memory_space<hbm>> -> memref<8x128xi32, #tpu.memory_space<hbm>>
      %dma_wait3A_70 = tpu.memref_slice %arg3[%multiple_of3A, %multiple_of3A_68] : memref<50x16384xi32, #tpu.memory_space<hbm>> -> memref<8x128xi32, #tpu.memory_space<hbm>>
      tpu.wait_dma2 semaphore(%arg12 : memref<!tpu.dma_semaphore, #tpu.memory_space<semaphore_mem>>) src(%dma_wait3A_70 : memref<8x128xi32, #tpu.memory_space<hbm>>) dst(%arg5 : memref<8x128xi32, #tpu.memory_space<vmem>>)
      %get3A = arith.constant 0 : i32
      %get3A_71 = arith.index_cast %get3A : i32 to index
      %get3A_72 = arith.constant 0 : index
      %get3A_73 = tpu.vector_load %arg5[%get3A_71, %get3A_72] {strides = array<i32>} : memref<8x128xi32, #tpu.memory_space<vmem>>, vector<16xi32>,
      %shift_right_arithmetic3A = arith.constant 2 : i32
      %shift_right_arithmetic3A_74 = vector.broadcast %shift_right_arithmetic3A : i32 to vector<16xi32>
      %shift_right_arithmetic3A_75 = arith.shrsi %get3A_73, %shift_right_arithmetic3A_74 : vector<16xi32>
      %swap3A = arith.constant 0 : i32
      %swap3A_76 = arith.index_cast %swap3A : i32 to index
      %swap3A_77 = arith.constant 0 : index
      %swap3A_78 = tpu.vector_load %arg6[%swap3A_76, %swap3A_77] {strides = array<i32>} : memref<8x128xi32, #tpu.memory_space<vmem>>, vector<16xi32>,
      tpu.vector_store %arg6[%swap3A_76, %swap3A_77], %shift_right_arithmetic3A_75 {strides = array<i32>} : memref<8x128xi32, #tpu.memory_space<vmem>>, vector<16xi32>,
      %and3A_79 = arith.constant 3 : i32
      %and3A_80 = vector.broadcast %and3A_79 : i32 to vector<16xi32>
      %and3A_81 = arith.andi %get3A_73, %and3A_80 : vector<16xi32>
      %mul3A_82 = arith.constant 32 : i32
      %mul3A_83 = vector.broadcast %mul3A_82 : i32 to vector<16xi32>
      %mul3A_84 = arith.muli %and3A_81, %mul3A_83 : vector<16xi32>
      %swap3A_85 = arith.constant 0 : i32
      %swap3A_86 = arith.index_cast %swap3A_85 : i32 to index
      %swap3A_87 = arith.constant 0 : index
      %swap3A_88 = tpu.vector_load %arg7[%swap3A_86, %swap3A_87] {strides = array<i32>} : memref<8x128xi32, #tpu.memory_space<vmem>>, vector<16xi32>,
      tpu.vector_store %arg7[%swap3A_86, %swap3A_87], %mul3A_84 {strides = array<i32>} : memref<8x128xi32, #tpu.memory_space<vmem>>, vector<16xi32>,
      %get3A_89 = arith.constant 0 : i32
      %get3A_90 = arith.index_cast %get3A_89 : i32 to index
      %get3A_91 = arith.constant 16 : index
      %get3A_92 = tpu.vector_load %arg5[%get3A_90, %get3A_91] {strides = array<i32>} : memref<8x128xi32, #tpu.memory_space<vmem>>, vector<16xi32>,
      %shift_right_arithmetic3A_93 = arith.constant 2 : i32
      %shift_right_arithmetic3A_94 = vector.broadcast %shift_right_arithmetic3A_93 : i32 to vector<16xi32>
      %shift_right_arithmetic3A_95 = arith.shrsi %get3A_92, %shift_right_arithmetic3A_94 : vector<16xi32>
      %swap3A_96 = arith.constant 0 : i32
      %swap3A_97 = arith.index_cast %swap3A_96 : i32 to index
      %swap3A_98 = arith.constant 16 : index
      %swap3A_99 = tpu.vector_load %arg6[%swap3A_97, %swap3A_98] {strides = array<i32>} : memref<8x128xi32, #tpu.memory_space<vmem>>, vector<16xi32>,
      tpu.vector_store %arg6[%swap3A_97, %swap3A_98], %shift_right_arithmetic3A_95 {strides = array<i32>} : memref<8x128xi32, #tpu.memory_space<vmem>>, vector<16xi32>,
      %and3A_100 = arith.constant 3 : i32
      %and3A_101 = vector.broadcast %and3A_100 : i32 to vector<16xi32>
      %and3A_102 = arith.andi %get3A_92, %and3A_101 : vector<16xi32>
      %mul3A_103 = arith.constant 32 : i32
      %mul3A_104 = vector.broadcast %mul3A_103 : i32 to vector<16xi32>
      %mul3A_105 = arith.muli %and3A_102, %mul3A_104 : vector<16xi32>
      %swap3A_106 = arith.constant 0 : i32
      %swap3A_107 = arith.index_cast %swap3A_106 : i32 to index
      %swap3A_108 = arith.constant 16 : index
      %swap3A_109 = tpu.vector_load %arg7[%swap3A_107, %swap3A_108] {strides = array<i32>} : memref<8x128xi32, #tpu.memory_space<vmem>>, vector<16xi32>,
      tpu.vector_store %arg7[%swap3A_107, %swap3A_108], %mul3A_105 {strides = array<i32>} : memref<8x128xi32, #tpu.memory_space<vmem>>, vector<16xi32>,
      %get3A_110 = arith.constant 0 : i32
      %get3A_111 = arith.index_cast %get3A_110 : i32 to index
      %get3A_112 = arith.constant 32 : index
      %get3A_113 = tpu.vector_load %arg5[%get3A_111, %get3A_112] {strides = array<i32>} : memref<8x128xi32, #tpu.memory_space<vmem>>, vector<16xi32>,
      %shift_right_arithmetic3A_114 = arith.constant 2 : i32
      %shift_right_arithmetic3A_115 = vector.broadcast %shift_right_arithmetic3A_114 : i32 to vector<16xi32>
      %shift_right_arithmetic3A_116 = arith.shrsi %get3A_113, %shift_right_arithmetic3A_115 : vector<16xi32>
      %swap3A_117 = arith.constant 0 : i32
      %swap3A_118 = arith.index_cast %swap3A_117 : i32 to index
      %swap3A_119 = arith.constant 32 : index
      %swap3A_120 = tpu.vector_load %arg6[%swap3A_118, %swap3A_119] {strides = array<i32>} : memref<8x128xi32, #tpu.memory_space<vmem>>, vector<16xi32>,
      tpu.vector_store %arg6[%swap3A_118, %swap3A_119], %shift_right_arithmetic3A_116 {strides = array<i32>} : memref<8x128xi32, #tpu.memory_space<vmem>>, vector<16xi32>,
      %and3A_121 = arith.constant 3 : i32
      %and3A_122 = vector.broadcast %and3A_121 : i32 to vector<16xi32>
      %and3A_123 = arith.andi %get3A_113, %and3A_122 : vector<16xi32>
      %mul3A_124 = arith.constant 32 : i32
      %mul3A_125 = vector.broadcast %mul3A_124 : i32 to vector<16xi32>
      %mul3A_126 = arith.muli %and3A_123, %mul3A_125 : vector<16xi32>
      %swap3A_127 = arith.constant 0 : i32
      %swap3A_128 = arith.index_cast %swap3A_127 : i32 to index
      %swap3A_129 = arith.constant 32 : index
      %swap3A_130 = tpu.vector_load %arg7[%swap3A_128, %swap3A_129] {strides = array<i32>} : memref<8x128xi32, #tpu.memory_space<vmem>>, vector<16xi32>,
      tpu.vector_store %arg7[%swap3A_128, %swap3A_129], %mul3A_126 {strides = array<i32>} : memref<8x128xi32, #tpu.memory_space<vmem>>, vector<16xi32>,
      %get3A_131 = arith.constant 0 : i32
      %get3A_132 = arith.index_cast %get3A_131 : i32 to index
      %get3A_133 = arith.constant 48 : index
      %get3A_134 = tpu.vector_load %arg5[%get3A_132, %get3A_133] {strides = array<i32>} : memref<8x128xi32, #tpu.memory_space<vmem>>, vector<16xi32>,
      %shift_right_arithmetic3A_135 = arith.constant 2 : i32
      %shift_right_arithmetic3A_136 = vector.broadcast %shift_right_arithmetic3A_135 : i32 to vector<16xi32>
      %shift_right_arithmetic3A_137 = arith.shrsi %get3A_134, %shift_right_arithmetic3A_136 : vector<16xi32>
      %swap3A_138 = arith.constant 0 : i32
      %swap3A_139 = arith.index_cast %swap3A_138 : i32 to index
      %swap3A_140 = arith.constant 48 : index
      %swap3A_141 = tpu.vector_load %arg6[%swap3A_139, %swap3A_140] {strides = array<i32>} : memref<8x128xi32, #tpu.memory_space<vmem>>, vector<16xi32>,
      tpu.vector_store %arg6[%swap3A_139, %swap3A_140], %shift_right_arithmetic3A_137 {strides = array<i32>} : memref<8x128xi32, #tpu.memory_space<vmem>>, vector<16xi32>,
      %and3A_142 = arith.constant 3 : i32
      %and3A_143 = vector.broadcast %and3A_142 : i32 to vector<16xi32>
      %and3A_144 = arith.andi %get3A_134, %and3A_143 : vector<16xi32>
      %mul3A_145 = arith.constant 32 : i32
      %mul3A_146 = vector.broadcast %mul3A_145 : i32 to vector<16xi32>
      %mul3A_147 = arith.muli %and3A_144, %mul3A_146 : vector<16xi32>
      %swap3A_148 = arith.constant 0 : i32
      %swap3A_149 = arith.index_cast %swap3A_148 : i32 to index
      %swap3A_150 = arith.constant 48 : index
      %swap3A_151 = tpu.vector_load %arg7[%swap3A_149, %swap3A_150] {strides = array<i32>} : memref<8x128xi32, #tpu.memory_space<vmem>>, vector<16xi32>,
      tpu.vector_store %arg7[%swap3A_149, %swap3A_150], %mul3A_147 {strides = array<i32>} : memref<8x128xi32, #tpu.memory_space<vmem>>, vector<16xi32>,
      %get3A_152 = arith.constant 0 : i32
      %get3A_153 = arith.index_cast %get3A_152 : i32 to index
      %get3A_154 = arith.constant 64 : index
      %get3A_155 = tpu.vector_load %arg5[%get3A_153, %get3A_154] {strides = array<i32>} : memref<8x128xi32, #tpu.memory_space<vmem>>, vector<16xi32>,
      %shift_right_arithmetic3A_156 = arith.constant 2 : i32
      %shift_right_arithmetic3A_157 = vector.broadcast %shift_right_arithmetic3A_156 : i32 to vector<16xi32>
      %shift_right_arithmetic3A_158 = arith.shrsi %get3A_155, %shift_right_arithmetic3A_157 : vector<16xi32>
      %swap3A_159 = arith.constant 0 : i32
      %swap3A_160 = arith.index_cast %swap3A_159 : i32 to index
      %swap3A_161 = arith.constant 64 : index
      %swap3A_162 = tpu.vector_load %arg6[%swap3A_160, %swap3A_161] {strides = array<i32>} : memref<8x128xi32, #tpu.memory_space<vmem>>, vector<16xi32>,
      tpu.vector_store %arg6[%swap3A_160, %swap3A_161], %shift_right_arithmetic3A_158 {strides = array<i32>} : memref<8x128xi32, #tpu.memory_space<vmem>>, vector<16xi32>,
      %and3A_163 = arith.constant 3 : i32
      %and3A_164 = vector.broadcast %and3A_163 : i32 to vector<16xi32>
      %and3A_165 = arith.andi %get3A_155, %and3A_164 : vector<16xi32>
      %mul3A_166 = arith.constant 32 : i32
      %mul3A_167 = vector.broadcast %mul3A_166 : i32 to vector<16xi32>
      %mul3A_168 = arith.muli %and3A_165, %mul3A_167 : vector<16xi32>
      %swap3A_169 = arith.constant 0 : i32
      %swap3A_170 = arith.index_cast %swap3A_169 : i32 to index
      %swap3A_171 = arith.constant 64 : index
      %swap3A_172 = tpu.vector_load %arg7[%swap3A_170, %swap3A_171] {strides = array<i32>} : memref<8x128xi32, #tpu.memory_space<vmem>>, vector<16xi32>,
      tpu.vector_store %arg7[%swap3A_170, %swap3A_171], %mul3A_168 {strides = array<i32>} : memref<8x128xi32, #tpu.memory_space<vmem>>, vector<16xi32>,
      %get3A_173 = arith.constant 0 : i32
      %get3A_174 = arith.index_cast %get3A_173 : i32 to index
      %get3A_175 = arith.constant 80 : index
      %get3A_176 = tpu.vector_load %arg5[%get3A_174, %get3A_175] {strides = array<i32>} : memref<8x128xi32, #tpu.memory_space<vmem>>, vector<16xi32>,
      %shift_right_arithmetic3A_177 = arith.constant 2 : i32
      %shift_right_arithmetic3A_178 = vector.broadcast %shift_right_arithmetic3A_177 : i32 to vector<16xi32>
      %shift_right_arithmetic3A_179 = arith.shrsi %get3A_176, %shift_right_arithmetic3A_178 : vector<16xi32>
      %swap3A_180 = arith.constant 0 : i32
      %swap3A_181 = arith.index_cast %swap3A_180 : i32 to index
      %swap3A_182 = arith.constant 80 : index
      %swap3A_183 = tpu.vector_load %arg6[%swap3A_181, %swap3A_182] {strides = array<i32>} : memref<8x128xi32, #tpu.memory_space<vmem>>, vector<16xi32>,
      tpu.vector_store %arg6[%swap3A_181, %swap3A_182], %shift_right_arithmetic3A_179 {strides = array<i32>} : memref<8x128xi32, #tpu.memory_space<vmem>>, vector<16xi32>,
      %and3A_184 = arith.constant 3 : i32
      %and3A_185 = vector.broadcast %and3A_184 : i32 to vector<16xi32>
      %and3A_186 = arith.andi %get3A_176, %and3A_185 : vector<16xi32>
      %mul3A_187 = arith.constant 32 : i32
      %mul3A_188 = vector.broadcast %mul3A_187 : i32 to vector<16xi32>
      %mul3A_189 = arith.muli %and3A_186, %mul3A_188 : vector<16xi32>
      %swap3A_190 = arith.constant 0 : i32
      %swap3A_191 = arith.index_cast %swap3A_190 : i32 to index
      %swap3A_192 = arith.constant 80 : index
      %swap3A_193 = tpu.vector_load %arg7[%swap3A_191, %swap3A_192] {strides = array<i32>} : memref<8x128xi32, #tpu.memory_space<vmem>>, vector<16xi32>,
      tpu.vector_store %arg7[%swap3A_191, %swap3A_192], %mul3A_189 {strides = array<i32>} : memref<8x128xi32, #tpu.memory_space<vmem>>, vector<16xi32>,
      %get3A_194 = arith.constant 0 : i32
      %get3A_195 = arith.index_cast %get3A_194 : i32 to index
      %get3A_196 = arith.constant 96 : index
      %get3A_197 = tpu.vector_load %arg5[%get3A_195, %get3A_196] {strides = array<i32>} : memref<8x128xi32, #tpu.memory_space<vmem>>, vector<16xi32>,
      %shift_right_arithmetic3A_198 = arith.constant 2 : i32
      %shift_right_arithmetic3A_199 = vector.broadcast %shift_right_arithmetic3A_198 : i32 to vector<16xi32>
      %shift_right_arithmetic3A_200 = arith.shrsi %get3A_197, %shift_right_arithmetic3A_199 : vector<16xi32>
      %swap3A_201 = arith.constant 0 : i32
      %swap3A_202 = arith.index_cast %swap3A_201 : i32 to index
      %swap3A_203 = arith.constant 96 : index
      %swap3A_204 = tpu.vector_load %arg6[%swap3A_202, %swap3A_203] {strides = array<i32>} : memref<8x128xi32, #tpu.memory_space<vmem>>, vector<16xi32>,
      tpu.vector_store %arg6[%swap3A_202, %swap3A_203], %shift_right_arithmetic3A_200 {strides = array<i32>} : memref<8x128xi32, #tpu.memory_space<vmem>>, vector<16xi32>,
      %and3A_205 = arith.constant 3 : i32
      %and3A_206 = vector.broadcast %and3A_205 : i32 to vector<16xi32>
      %and3A_207 = arith.andi %get3A_197, %and3A_206 : vector<16xi32>
      %mul3A_208 = arith.constant 32 : i32
      %mul3A_209 = vector.broadcast %mul3A_208 : i32 to vector<16xi32>
      %mul3A_210 = arith.muli %and3A_207, %mul3A_209 : vector<16xi32>
      %swap3A_211 = arith.constant 0 : i32
      %swap3A_212 = arith.index_cast %swap3A_211 : i32 to index
      %swap3A_213 = arith.constant 96 : index
      %swap3A_214 = tpu.vector_load %arg7[%swap3A_212, %swap3A_213] {strides = array<i32>} : memref<8x128xi32, #tpu.memory_space<vmem>>, vector<16xi32>,
      tpu.vector_store %arg7[%swap3A_212, %swap3A_213], %mul3A_210 {strides = array<i32>} : memref<8x128xi32, #tpu.memory_space<vmem>>, vector<16xi32>,
      %get3A_215 = arith.constant 0 : i32
      %get3A_216 = arith.index_cast %get3A_215 : i32 to index
      %get3A_217 = arith.constant 112 : index
      %get3A_218 = tpu.vector_load %arg5[%get3A_216, %get3A_217] {strides = array<i32>} : memref<8x128xi32, #tpu.memory_space<vmem>>, vector<16xi32>,
      %shift_right_arithmetic3A_219 = arith.constant 2 : i32
      %shift_right_arithmetic3A_220 = vector.broadcast %shift_right_arithmetic3A_219 : i32 to vector<16xi32>
      %shift_right_arithmetic3A_221 = arith.shrsi %get3A_218, %shift_right_arithmetic3A_220 : vector<16xi32>
      %swap3A_222 = arith.constant 0 : i32
      %swap3A_223 = arith.index_cast %swap3A_222 : i32 to index
      %swap3A_224 = arith.constant 112 : index
      %swap3A_225 = tpu.vector_load %arg6[%swap3A_223, %swap3A_224] {strides = array<i32>} : memref<8x128xi32, #tpu.memory_space<vmem>>, vector<16xi32>,
      tpu.vector_store %arg6[%swap3A_223, %swap3A_224], %shift_right_arithmetic3A_221 {strides = array<i32>} : memref<8x128xi32, #tpu.memory_space<vmem>>, vector<16xi32>,
      %and3A_226 = arith.constant 3 : i32
      %and3A_227 = vector.broadcast %and3A_226 : i32 to vector<16xi32>
      %and3A_228 = arith.andi %get3A_218, %and3A_227 : vector<16xi32>
      %mul3A_229 = arith.constant 32 : i32
      %mul3A_230 = vector.broadcast %mul3A_229 : i32 to vector<16xi32>
      %mul3A_231 = arith.muli %and3A_228, %mul3A_230 : vector<16xi32>
      %swap3A_232 = arith.constant 0 : i32
      %swap3A_233 = arith.index_cast %swap3A_232 : i32 to index
      %swap3A_234 = arith.constant 112 : index
      %swap3A_235 = tpu.vector_load %arg7[%swap3A_233, %swap3A_234] {strides = array<i32>} : memref<8x128xi32, #tpu.memory_space<vmem>>, vector<16xi32>,
      tpu.vector_store %arg7[%swap3A_233, %swap3A_234], %mul3A_231 {strides = array<i32>} : memref<8x128xi32, #tpu.memory_space<vmem>>, vector<16xi32>,
      %get3A_236 = arith.constant 1 : i32
      %get3A_237 = arith.index_cast %get3A_236 : i32 to index
      %get3A_238 = arith.constant 0 : index
      %get3A_239 = tpu.vector_load %arg5[%get3A_237, %get3A_238] {strides = array<i32>} : memref<8x128xi32, #tpu.memory_space<vmem>>, vector<16xi32>,
      %shift_right_arithmetic3A_240 = arith.constant 2 : i32
      %shift_right_arithmetic3A_241 = vector.broadcast %shift_right_arithmetic3A_240 : i32 to vector<16xi32>
      %shift_right_arithmetic3A_242 = arith.shrsi %get3A_239, %shift_right_arithmetic3A_241 : vector<16xi32>
      %swap3A_243 = arith.constant 1 : i32
      %swap3A_244 = arith.index_cast %swap3A_243 : i32 to index
      %swap3A_245 = arith.constant 0 : index
      %swap3A_246 = tpu.vector_load %arg6[%swap3A_244, %swap3A_245] {strides = array<i32>} : memref<8x128xi32, #tpu.memory_space<vmem>>, vector<16xi32>,
      tpu.vector_store %arg6[%swap3A_244, %swap3A_245], %shift_right_arithmetic3A_242 {strides = array<i32>} : memref<8x128xi32, #tpu.memory_space<vmem>>, vector<16xi32>,
      %and3A_247 = arith.constant 3 : i32
      %and3A_248 = vector.broadcast %and3A_247 : i32 to vector<16xi32>
      %and3A_249 = arith.andi %get3A_239, %and3A_248 : vector<16xi32>
      %mul3A_250 = arith.constant 32 : i32
      %mul3A_251 = vector.broadcast %mul3A_250 : i32 to vector<16xi32>
      %mul3A_252 = arith.muli %and3A_249, %mul3A_251 : vector<16xi32>
      %swap3A_253 = arith.constant 1 : i32
      %swap3A_254 = arith.index_cast %swap3A_253 : i32 to index
      %swap3A_255 = arith.constant 0 : index
      %swap3A_256 = tpu.vector_load %arg7[%swap3A_254, %swap3A_255] {strides = array<i32>} : memref<8x128xi32, #tpu.memory_space<vmem>>, vector<16xi32>,
      tpu.vector_store %arg7[%swap3A_254, %swap3A_255], %mul3A_252 {strides = array<i32>} : memref<8x128xi32, #tpu.memory_space<vmem>>, vector<16xi32>,
      %get3A_257 = arith.constant 1 : i32
      %get3A_258 = arith.index_cast %get3A_257 : i32 to index
      %get3A_259 = arith.constant 16 : index
      %get3A_260 = tpu.vector_load %arg5[%get3A_258, %get3A_259] {strides = array<i32>} : memref<8x128xi32, #tpu.memory_space<vmem>>, vector<16xi32>,
      %shift_right_arithmetic3A_261 = arith.constant 2 : i32
      %shift_right_arithmetic3A_262 = vector.broadcast %shift_right_arithmetic3A_261 : i32 to vector<16xi32>
      %shift_right_arithmetic3A_263 = arith.shrsi %get3A_260, %shift_right_arithmetic3A_262 : vector<16xi32>
      %swap3A_264 = arith.constant 1 : i32
      %swap3A_265 = arith.index_cast %swap3A_264 : i32 to index
      %swap3A_266 = arith.constant 16 : index
      %swap3A_267 = tpu.vector_load %arg6[%swap3A_265, %swap3A_266] {strides = array<i32>} : memref<8x128xi32, #tpu.memory_space<vmem>>, vector<16xi32>,
      tpu.vector_store %arg6[%swap3A_265, %swap3A_266], %shift_right_arithmetic3A_263 {strides = array<i32>} : memref<8x128xi32, #tpu.memory_space<vmem>>, vector<16xi32>,
      %and3A_268 = arith.constant 3 : i32
      %and3A_269 = vector.broadcast %and3A_268 : i32 to vector<16xi32>
      %and3A_270 = arith.andi %get3A_260, %and3A_269 : vector<16xi32>
      %mul3A_271 = arith.constant 32 : i32
      %mul3A_272 = vector.broadcast %mul3A_271 : i32 to vector<16xi32>
      %mul3A_273 = arith.muli %and3A_270, %mul3A_272 : vector<16xi32>
      %swap3A_274 = arith.constant 1 : i32
      %swap3A_275 = arith.index_cast %swap3A_274 : i32 to index
      %swap3A_276 = arith.constant 16 : index
      %swap3A_277 = tpu.vector_load %arg7[%swap3A_275, %swap3A_276] {strides = array<i32>} : memref<8x128xi32, #tpu.memory_space<vmem>>, vector<16xi32>,
      tpu.vector_store %arg7[%swap3A_275, %swap3A_276], %mul3A_273 {strides = array<i32>} : memref<8x128xi32, #tpu.memory_space<vmem>>, vector<16xi32>,
      %get3A_278 = arith.constant 1 : i32
      %get3A_279 = arith.index_cast %get3A_278 : i32 to index
      %get3A_280 = arith.constant 32 : index
      %get3A_281 = tpu.vector_load %arg5[%get3A_279, %get3A_280] {strides = array<i32>} : memref<8x128xi32, #tpu.memory_space<vmem>>, vector<16xi32>,
      %shift_right_arithmetic3A_282 = arith.constant 2 : i32
      %shift_right_arithmetic3A_283 = vector.broadcast %shift_right_arithmetic3A_282 : i32 to vector<16xi32>
      %shift_right_arithmetic3A_284 = arith.shrsi %get3A_281, %shift_right_arithmetic3A_283 : vector<16xi32>
      %swap3A_285 = arith.constant 1 : i32
      %swap3A_286 = arith.index_cast %swap3A_285 : i32 to index
      %swap3A_287 = arith.constant 32 : index
      %swap3A_288 = tpu.vector_load %arg6[%swap3A_286, %swap3A_287] {strides = array<i32>} : memref<8x128xi32, #tpu.memory_space<vmem>>, vector<16xi32>,
      tpu.vector_store %arg6[%swap3A_286, %swap3A_287], %shift_right_arithmetic3A_284 {strides = array<i32>} : memref<8x128xi32, #tpu.memory_space<vmem>>, vector<16xi32>,
      %and3A_289 = arith.constant 3 : i32
      %and3A_290 = vector.broadcast %and3A_289 : i32 to vector<16xi32>
      %and3A_291 = arith.andi %get3A_281, %and3A_290 : vector<16xi32>
      %mul3A_292 = arith.constant 32 : i32
      %mul3A_293 = vector.broadcast %mul3A_292 : i32 to vector<16xi32>
      %mul3A_294 = arith.muli %and3A_291, %mul3A_293 : vector<16xi32>
      %swap3A_295 = arith.constant 1 : i32
      %swap3A_296 = arith.index_cast %swap3A_295 : i32 to index
      %swap3A_297 = arith.constant 32 : index
      %swap3A_298 = tpu.vector_load %arg7[%swap3A_296, %swap3A_297] {strides = array<i32>} : memref<8x128xi32, #tpu.memory_space<vmem>>, vector<16xi32>,
      tpu.vector_store %arg7[%swap3A_296, %swap3A_297], %mul3A_294 {strides = array<i32>} : memref<8x128xi32, #tpu.memory_space<vmem>>, vector<16xi32>,
      %get3A_299 = arith.constant 1 : i32
      %get3A_300 = arith.index_cast %get3A_299 : i32 to index
      %get3A_301 = arith.constant 48 : index
      %get3A_302 = tpu.vector_load %arg5[%get3A_300, %get3A_301] {strides = array<i32>} : memref<8x128xi32, #tpu.memory_space<vmem>>, vector<16xi32>,
      %shift_right_arithmetic3A_303 = arith.constant 2 : i32
      %shift_right_arithmetic3A_304 = vector.broadcast %shift_right_arithmetic3A_303 : i32 to vector<16xi32>
      %shift_right_arithmetic3A_305 = arith.shrsi %get3A_302, %shift_right_arithmetic3A_304 : vector<16xi32>
      %swap3A_306 = arith.constant 1 : i32
      %swap3A_307 = arith.index_cast %swap3A_306 : i32 to index
      %swap3A_308 = arith.constant 48 : index
      %swap3A_309 = tpu.vector_load %arg6[%swap3A_307, %swap3A_308] {strides = array<i32>} : memref<8x128xi32, #tpu.memory_space<vmem>>, vector<16xi32>,
      tpu.vector_store %arg6[%swap3A_307, %swap3A_308], %shift_right_arithmetic3A_305 {strides = array<i32>} : memref<8x128xi32, #tpu.memory_space<vmem>>, vector<16xi32>,
      %and3A_310 = arith.constant 3 : i32
      %and3A_311 = vector.broadcast %and3A_310 : i32 to vector<16xi32>
      %and3A_312 = arith.andi %get3A_302, %and3A_311 : vector<16xi32>
      %mul3A_313 = arith.constant 32 : i32
      %mul3A_314 = vector.broadcast %mul3A_313 : i32 to vector<16xi32>
      %mul3A_315 = arith.muli %and3A_312, %mul3A_314 : vector<16xi32>
      %swap3A_316 = arith.constant 1 : i32
      %swap3A_317 = arith.index_cast %swap3A_316 : i32 to index
      %swap3A_318 = arith.constant 48 : index
      %swap3A_319 = tpu.vector_load %arg7[%swap3A_317, %swap3A_318] {strides = array<i32>} : memref<8x128xi32, #tpu.memory_space<vmem>>, vector<16xi32>,
      tpu.vector_store %arg7[%swap3A_317, %swap3A_318], %mul3A_315 {strides = array<i32>} : memref<8x128xi32, #tpu.memory_space<vmem>>, vector<16xi32>,
      %get3A_320 = arith.constant 1 : i32
      %get3A_321 = arith.index_cast %get3A_320 : i32 to index
      %get3A_322 = arith.constant 64 : index
      %get3A_323 = tpu.vector_load %arg5[%get3A_321, %get3A_322] {strides = array<i32>} : memref<8x128xi32, #tpu.memory_space<vmem>>, vector<16xi32>,
      %shift_right_arithmetic3A_324 = arith.constant 2 : i32
      %shift_right_arithmetic3A_325 = vector.broadcast %shift_right_arithmetic3A_324 : i32 to vector<16xi32>
      %shift_right_arithmetic3A_326 = arith.shrsi %get3A_323, %shift_right_arithmetic3A_325 : vector<16xi32>
      %swap3A_327 = arith.constant 1 : i32
      %swap3A_328 = arith.index_cast %swap3A_327 : i32 to index
      %swap3A_329 = arith.constant 64 : index
      %swap3A_330 = tpu.vector_load %arg6[%swap3A_328, %swap3A_329] {strides = array<i32>} : memref<8x128xi32, #tpu.memory_space<vmem>>, vector<16xi32>,
      tpu.vector_store %arg6[%swap3A_328, %swap3A_329], %shift_right_arithmetic3A_326 {strides = array<i32>} : memref<8x128xi32, #tpu.memory_space<vmem>>, vector<16xi32>,
      %and3A_331 = arith.constant 3 : i32
      %and3A_332 = vector.broadcast %and3A_331 : i32 to vector<16xi32>
      %and3A_333 = arith.andi %get3A_323, %and3A_332 : vector<16xi32>
      %mul3A_334 = arith.constant 32 : i32
      %mul3A_335 = vector.broadcast %mul3A_334 : i32 to vector<16xi32>
      %mul3A_336 = arith.muli %and3A_333, %mul3A_335 : vector<16xi32>
      %swap3A_337 = arith.constant 1 : i32
      %swap3A_338 = arith.index_cast %swap3A_337 : i32 to index
      %swap3A_339 = arith.constant 64 : index
      %swap3A_340 = tpu.vector_load %arg7[%swap3A_338, %swap3A_339] {strides = array<i32>} : memref<8x128xi32, #tpu.memory_space<vmem>>, vector<16xi32>,
      tpu.vector_store %arg7[%swap3A_338, %swap3A_339], %mul3A_336 {strides = array<i32>} : memref<8x128xi32, #tpu.memory_space<vmem>>, vector<16xi32>,
      %get3A_341 = arith.constant 1 : i32
      %get3A_342 = arith.index_cast %get3A_341 : i32 to index
      %get3A_343 = arith.constant 80 : index
      %get3A_344 = tpu.vector_load %arg5[%get3A_342, %get3A_343] {strides = array<i32>} : memref<8x128xi32, #tpu.memory_space<vmem>>, vector<16xi32>,
      %shift_right_arithmetic3A_345 = arith.constant 2 : i32
      %shift_right_arithmetic3A_346 = vector.broadcast %shift_right_arithmetic3A_345 : i32 to vector<16xi32>
      %shift_right_arithmetic3A_347 = arith.shrsi %get3A_344, %shift_right_arithmetic3A_346 : vector<16xi32>
      %swap3A_348 = arith.constant 1 : i32
      %swap3A_349 = arith.index_cast %swap3A_348 : i32 to index
      %swap3A_350 = arith.constant 80 : index
      %swap3A_351 = tpu.vector_load %arg6[%swap3A_349, %swap3A_350] {strides = array<i32>} : memref<8x128xi32, #tpu.memory_space<vmem>>, vector<16xi32>,
      tpu.vector_store %arg6[%swap3A_349, %swap3A_350], %shift_right_arithmetic3A_347 {strides = array<i32>} : memref<8x128xi32, #tpu.memory_space<vmem>>, vector<16xi32>,
      %and3A_352 = arith.constant 3 : i32
      %and3A_353 = vector.broadcast %and3A_352 : i32 to vector<16xi32>
      %and3A_354 = arith.andi %get3A_344, %and3A_353 : vector<16xi32>
      %mul3A_355 = arith.constant 32 : i32
      %mul3A_356 = vector.broadcast %mul3A_355 : i32 to vector<16xi32>
      %mul3A_357 = arith.muli %and3A_354, %mul3A_356 : vector<16xi32>
      %swap3A_358 = arith.constant 1 : i32
      %swap3A_359 = arith.index_cast %swap3A_358 : i32 to index
      %swap3A_360 = arith.constant 80 : index
      %swap3A_361 = tpu.vector_load %arg7[%swap3A_359, %swap3A_360] {strides = array<i32>} : memref<8x128xi32, #tpu.memory_space<vmem>>, vector<16xi32>,
      tpu.vector_store %arg7[%swap3A_359, %swap3A_360], %mul3A_357 {strides = array<i32>} : memref<8x128xi32, #tpu.memory_space<vmem>>, vector<16xi32>,
      %get3A_362 = arith.constant 1 : i32
      %get3A_363 = arith.index_cast %get3A_362 : i32 to index
      %get3A_364 = arith.constant 96 : index
      %get3A_365 = tpu.vector_load %arg5[%get3A_363, %get3A_364] {strides = array<i32>} : memref<8x128xi32, #tpu.memory_space<vmem>>, vector<16xi32>,
      %shift_right_arithmetic3A_366 = arith.constant 2 : i32
      %shift_right_arithmetic3A_367 = vector.broadcast %shift_right_arithmetic3A_366 : i32 to vector<16xi32>
      %shift_right_arithmetic3A_368 = arith.shrsi %get3A_365, %shift_right_arithmetic3A_367 : vector<16xi32>
      %swap3A_369 = arith.constant 1 : i32
      %swap3A_370 = arith.index_cast %swap3A_369 : i32 to index
      %swap3A_371 = arith.constant 96 : index
      %swap3A_372 = tpu.vector_load %arg6[%swap3A_370, %swap3A_371] {strides = array<i32>} : memref<8x128xi32, #tpu.memory_space<vmem>>, vector<16xi32>,
      tpu.vector_store %arg6[%swap3A_370, %swap3A_371], %shift_right_arithmetic3A_368 {strides = array<i32>} : memref<8x128xi32, #tpu.memory_space<vmem>>, vector<16xi32>,
      %and3A_373 = arith.constant 3 : i32
      %and3A_374 = vector.broadcast %and3A_373 : i32 to vector<16xi32>
      %and3A_375 = arith.andi %get3A_365, %and3A_374 : vector<16xi32>
      %mul3A_376 = arith.constant 32 : i32
      %mul3A_377 = vector.broadcast %mul3A_376 : i32 to vector<16xi32>
      %mul3A_378 = arith.muli %and3A_375, %mul3A_377 : vector<16xi32>
      %swap3A_379 = arith.constant 1 : i32
      %swap3A_380 = arith.index_cast %swap3A_379 : i32 to index
      %swap3A_381 = arith.constant 96 : index
      %swap3A_382 = tpu.vector_load %arg7[%swap3A_380, %swap3A_381] {strides = array<i32>} : memref<8x128xi32, #tpu.memory_space<vmem>>, vector<16xi32>,
      tpu.vector_store %arg7[%swap3A_380, %swap3A_381], %mul3A_378 {strides = array<i32>} : memref<8x128xi32, #tpu.memory_space<vmem>>, vector<16xi32>,
      %get3A_383 = arith.constant 1 : i32
      %get3A_384 = arith.index_cast %get3A_383 : i32 to index
      %get3A_385 = arith.constant 112 : index
      %get3A_386 = tpu.vector_load %arg5[%get3A_384, %get3A_385] {strides = array<i32>} : memref<8x128xi32, #tpu.memory_space<vmem>>, vector<16xi32>,
      %shift_right_arithmetic3A_387 = arith.constant 2 : i32
      %shift_right_arithmetic3A_388 = vector.broadcast %shift_right_arithmetic3A_387 : i32 to vector<16xi32>
      %shift_right_arithmetic3A_389 = arith.shrsi %get3A_386, %shift_right_arithmetic3A_388 : vector<16xi32>
      %swap3A_390 = arith.constant 1 : i32
      %swap3A_391 = arith.index_cast %swap3A_390 : i32 to index
      %swap3A_392 = arith.constant 112 : index
      %swap3A_393 = tpu.vector_load %arg6[%swap3A_391, %swap3A_392] {strides = array<i32>} : memref<8x128xi32, #tpu.memory_space<vmem>>, vector<16xi32>,
      tpu.vector_store %arg6[%swap3A_391, %swap3A_392], %shift_right_arithmetic3A_389 {strides = array<i32>} : memref<8x128xi32, #tpu.memory_space<vmem>>, vector<16xi32>,
      %and3A_394 = arith.constant 3 : i32
      %and3A_395 = vector.broadcast %and3A_394 : i32 to vector<16xi32>
      %and3A_396 = arith.andi %get3A_386, %and3A_395 : vector<16xi32>
      %mul3A_397 = arith.constant 32 : i32
      %mul3A_398 = vector.broadcast %mul3A_397 : i32 to vector<16xi32>
      %mul3A_399 = arith.muli %and3A_396, %mul3A_398 : vector<16xi32>
      %swap3A_400 = arith.constant 1 : i32
      %swap3A_401 = arith.index_cast %swap3A_400 : i32 to index
      %swap3A_402 = arith.constant 112 : index
      %swap3A_403 = tpu.vector_load %arg7[%swap3A_401, %swap3A_402] {strides = array<i32>} : memref<8x128xi32, #tpu.memory_space<vmem>>, vector<16xi32>,
      tpu.vector_store %arg7[%swap3A_401, %swap3A_402], %mul3A_399 {strides = array<i32>} : memref<8x128xi32, #tpu.memory_space<vmem>>, vector<16xi32>,
      %get3A_404 = arith.constant 2 : i32
      %get3A_405 = arith.index_cast %get3A_404 : i32 to index
      %get3A_406 = arith.constant 0 : index
      %get3A_407 = tpu.vector_load %arg5[%get3A_405, %get3A_406] {strides = array<i32>} : memref<8x128xi32, #tpu.memory_space<vmem>>, vector<16xi32>,
      %shift_right_arithmetic3A_408 = arith.constant 2 : i32
      %shift_right_arithmetic3A_409 = vector.broadcast %shift_right_arithmetic3A_408 : i32 to vector<16xi32>
      %shift_right_arithmetic3A_410 = arith.shrsi %get3A_407, %shift_right_arithmetic3A_409 : vector<16xi32>
      %swap3A_411 = arith.constant 2 : i32
      %swap3A_412 = arith.index_cast %swap3A_411 : i32 to index
      %swap3A_413 = arith.constant 0 : index
      %swap3A_414 = tpu.vector_load %arg6[%swap3A_412, %swap3A_413] {strides = array<i32>} : memref<8x128xi32, #tpu.memory_space<vmem>>, vector<16xi32>,
      tpu.vector_store %arg6[%swap3A_412, %swap3A_413], %shift_right_arithmetic3A_410 {strides = array<i32>} : memref<8x128xi32, #tpu.memory_space<vmem>>, vector<16xi32>,
      %and3A_415 = arith.constant 3 : i32
      %and3A_416 = vector.broadcast %and3A_415 : i32 to vector<16xi32>
      %and3A_417 = arith.andi %get3A_407, %and3A_416 : vector<16xi32>
      %mul3A_418 = arith.constant 32 : i32
      %mul3A_419 = vector.broadcast %mul3A_418 : i32 to vector<16xi32>
      %mul3A_420 = arith.muli %and3A_417, %mul3A_419 : vector<16xi32>
      %swap3A_421 = arith.constant 2 : i32
      %swap3A_422 = arith.index_cast %swap3A_421 : i32 to index
      %swap3A_423 = arith.constant 0 : index
      %swap3A_424 = tpu.vector_load %arg7[%swap3A_422, %swap3A_423] {strides = array<i32>} : memref<8x128xi32, #tpu.memory_space<vmem>>, vector<16xi32>,
      tpu.vector_store %arg7[%swap3A_422, %swap3A_423], %mul3A_420 {strides = array<i32>} : memref<8x128xi32, #tpu.memory_space<vmem>>, vector<16xi32>,
      %get3A_425 = arith.constant 2 : i32
      %get3A_426 = arith.index_cast %get3A_425 : i32 to index
      %get3A_427 = arith.constant 16 : index
      %get3A_428 = tpu.vector_load %arg5[%get3A_426, %get3A_427] {strides = array<i32>} : memref<8x128xi32, #tpu.memory_space<vmem>>, vector<16xi32>,
      %shift_right_arithmetic3A_429 = arith.constant 2 : i32
      %shift_right_arithmetic3A_430 = vector.broadcast %shift_right_arithmetic3A_429 : i32 to vector<16xi32>
      %shift_right_arithmetic3A_431 = arith.shrsi %get3A_428, %shift_right_arithmetic3A_430 : vector<16xi32>
      %swap3A_432 = arith.constant 2 : i32
      %swap3A_433 = arith.index_cast %swap3A_432 : i32 to index
      %swap3A_434 = arith.constant 16 : index
      %swap3A_435 = tpu.vector_load %arg6[%swap3A_433, %swap3A_434] {strides = array<i32>} : memref<8x128xi32, #tpu.memory_space<vmem>>, vector<16xi32>,
      tpu.vector_store %arg6[%swap3A_433, %swap3A_434], %shift_right_arithmetic3A_431 {strides = array<i32>} : memref<8x128xi32, #tpu.memory_space<vmem>>, vector<16xi32>,
      %and3A_436 = arith.constant 3 : i32
      %and3A_437 = vector.broadcast %and3A_436 : i32 to vector<16xi32>
      %and3A_438 = arith.andi %get3A_428, %and3A_437 : vector<16xi32>
      %mul3A_439 = arith.constant 32 : i32
      %mul3A_440 = vector.broadcast %mul3A_439 : i32 to vector<16xi32>
      %mul3A_441 = arith.muli %and3A_438, %mul3A_440 : vector<16xi32>
      %swap3A_442 = arith.constant 2 : i32
      %swap3A_443 = arith.index_cast %swap3A_442 : i32 to index
      %swap3A_444 = arith.constant 16 : index
      %swap3A_445 = tpu.vector_load %arg7[%swap3A_443, %swap3A_444] {strides = array<i32>} : memref<8x128xi32, #tpu.memory_space<vmem>>, vector<16xi32>,
      tpu.vector_store %arg7[%swap3A_443, %swap3A_444], %mul3A_441 {strides = array<i32>} : memref<8x128xi32, #tpu.memory_space<vmem>>, vector<16xi32>,
      %get3A_446 = arith.constant 2 : i32
      %get3A_447 = arith.index_cast %get3A_446 : i32 to index
      %get3A_448 = arith.constant 32 : index
      %get3A_449 = tpu.vector_load %arg5[%get3A_447, %get3A_448] {strides = array<i32>} : memref<8x128xi32, #tpu.memory_space<vmem>>, vector<16xi32>,
      %shift_right_arithmetic3A_450 = arith.constant 2 : i32
      %shift_right_arithmetic3A_451 = vector.broadcast %shift_right_arithmetic3A_450 : i32 to vector<16xi32>
      %shift_right_arithmetic3A_452 = arith.shrsi %get3A_449, %shift_right_arithmetic3A_451 : vector<16xi32>
      %swap3A_453 = arith.constant 2 : i32
      %swap3A_454 = arith.index_cast %swap3A_453 : i32 to index
      %swap3A_455 = arith.constant 32 : index
      %swap3A_456 = tpu.vector_load %arg6[%swap3A_454, %swap3A_455] {strides = array<i32>} : memref<8x128xi32, #tpu.memory_space<vmem>>, vector<16xi32>,
      tpu.vector_store %arg6[%swap3A_454, %swap3A_455], %shift_right_arithmetic3A_452 {strides = array<i32>} : memref<8x128xi32, #tpu.memory_space<vmem>>, vector<16xi32>,
      %and3A_457 = arith.constant 3 : i32
      %and3A_458 = vector.broadcast %and3A_457 : i32 to vector<16xi32>
      %and3A_459 = arith.andi %get3A_449, %and3A_458 : vector<16xi32>
      %mul3A_460 = arith.constant 32 : i32
      %mul3A_461 = vector.broadcast %mul3A_460 : i32 to vector<16xi32>
      %mul3A_462 = arith.muli %and3A_459, %mul3A_461 : vector<16xi32>
      %swap3A_463 = arith.constant 2 : i32
      %swap3A_464 = arith.index_cast %swap3A_463 : i32 to index
      %swap3A_465 = arith.constant 32 : index
      %swap3A_466 = tpu.vector_load %arg7[%swap3A_464, %swap3A_465] {strides = array<i32>} : memref<8x128xi32, #tpu.memory_space<vmem>>, vector<16xi32>,
      tpu.vector_store %arg7[%swap3A_464, %swap3A_465], %mul3A_462 {strides = array<i32>} : memref<8x128xi32, #tpu.memory_space<vmem>>, vector<16xi32>,
      %get3A_467 = arith.constant 2 : i32
      %get3A_468 = arith.index_cast %get3A_467 : i32 to index
      %get3A_469 = arith.constant 48 : index
      %get3A_470 = tpu.vector_load %arg5[%get3A_468, %get3A_469] {strides = array<i32>} : memref<8x128xi32, #tpu.memory_space<vmem>>, vector<16xi32>,
      %shift_right_arithmetic3A_471 = arith.constant 2 : i32
      %shift_right_arithmetic3A_472 = vector.broadcast %shift_right_arithmetic3A_471 : i32 to vector<16xi32>
      %shift_right_arithmetic3A_473 = arith.shrsi %get3A_470, %shift_right_arithmetic3A_472 : vector<16xi32>
      %swap3A_474 = arith.constant 2 : i32
      %swap3A_475 = arith.index_cast %swap3A_474 : i32 to index
      %swap3A_476 = arith.constant 48 : index
      %swap3A_477 = tpu.vector_load %arg6[%swap3A_475, %swap3A_476] {strides = array<i32>} : memref<8x128xi32, #tpu.memory_space<vmem>>, vector<16xi32>,
      tpu.vector_store %arg6[%swap3A_475, %swap3A_476], %shift_right_arithmetic3A_473 {strides = array<i32>} : memref<8x128xi32, #tpu.memory_space<vmem>>, vector<16xi32>,
      %and3A_478 = arith.constant 3 : i32
      %and3A_479 = vector.broadcast %and3A_478 : i32 to vector<16xi32>
      %and3A_480 = arith.andi %get3A_470, %and3A_479 : vector<16xi32>
      %mul3A_481 = arith.constant 32 : i32
      %mul3A_482 = vector.broadcast %mul3A_481 : i32 to vector<16xi32>
      %mul3A_483 = arith.muli %and3A_480, %mul3A_482 : vector<16xi32>
      %swap3A_484 = arith.constant 2 : i32
      %swap3A_485 = arith.index_cast %swap3A_484 : i32 to index
      %swap3A_486 = arith.constant 48 : index
      %swap3A_487 = tpu.vector_load %arg7[%swap3A_485, %swap3A_486] {strides = array<i32>} : memref<8x128xi32, #tpu.memory_space<vmem>>, vector<16xi32>,
      tpu.vector_store %arg7[%swap3A_485, %swap3A_486], %mul3A_483 {strides = array<i32>} : memref<8x128xi32, #tpu.memory_space<vmem>>, vector<16xi32>,
      %get3A_488 = arith.constant 2 : i32
      %get3A_489 = arith.index_cast %get3A_488 : i32 to index
      %get3A_490 = arith.constant 64 : index
      %get3A_491 = tpu.vector_load %arg5[%get3A_489, %get3A_490] {strides = array<i32>} : memref<8x128xi32, #tpu.memory_space<vmem>>, vector<16xi32>,
      %shift_right_arithmetic3A_492 = arith.constant 2 : i32
      %shift_right_arithmetic3A_493 = vector.broadcast %shift_right_arithmetic3A_492 : i32 to vector<16xi32>
      %shift_right_arithmetic3A_494 = arith.shrsi %get3A_491, %shift_right_arithmetic3A_493 : vector<16xi32>
      %swap3A_495 = arith.constant 2 : i32
      %swap3A_496 = arith.index_cast %swap3A_495 : i32 to index
      %swap3A_497 = arith.constant 64 : index
      %swap3A_498 = tpu.vector_load %arg6[%swap3A_496, %swap3A_497] {strides = array<i32>} : memref<8x128xi32, #tpu.memory_space<vmem>>, vector<16xi32>,
      tpu.vector_store %arg6[%swap3A_496, %swap3A_497], %shift_right_arithmetic3A_494 {strides = array<i32>} : memref<8x128xi32, #tpu.memory_space<vmem>>, vector<16xi32>,
      %and3A_499 = arith.constant 3 : i32
      %and3A_500 = vector.broadcast %and3A_499 : i32 to vector<16xi32>
      %and3A_501 = arith.andi %get3A_491, %and3A_500 : vector<16xi32>
      %mul3A_502 = arith.constant 32 : i32
      %mul3A_503 = vector.broadcast %mul3A_502 : i32 to vector<16xi32>
      %mul3A_504 = arith.muli %and3A_501, %mul3A_503 : vector<16xi32>
      %swap3A_505 = arith.constant 2 : i32
      %swap3A_506 = arith.index_cast %swap3A_505 : i32 to index
      %swap3A_507 = arith.constant 64 : index
      %swap3A_508 = tpu.vector_load %arg7[%swap3A_506, %swap3A_507] {strides = array<i32>} : memref<8x128xi32, #tpu.memory_space<vmem>>, vector<16xi32>,
      tpu.vector_store %arg7[%swap3A_506, %swap3A_507], %mul3A_504 {strides = array<i32>} : memref<8x128xi32, #tpu.memory_space<vmem>>, vector<16xi32>,
      %get3A_509 = arith.constant 2 : i32
      %get3A_510 = arith.index_cast %get3A_509 : i32 to index
      %get3A_511 = arith.constant 80 : index
      %get3A_512 = tpu.vector_load %arg5[%get3A_510, %get3A_511] {strides = array<i32>} : memref<8x128xi32, #tpu.memory_space<vmem>>, vector<16xi32>,
      %shift_right_arithmetic3A_513 = arith.constant 2 : i32
      %shift_right_arithmetic3A_514 = vector.broadcast %shift_right_arithmetic3A_513 : i32 to vector<16xi32>
      %shift_right_arithmetic3A_515 = arith.shrsi %get3A_512, %shift_right_arithmetic3A_514 : vector<16xi32>
      %swap3A_516 = arith.constant 2 : i32
      %swap3A_517 = arith.index_cast %swap3A_516 : i32 to index
      %swap3A_518 = arith.constant 80 : index
      %swap3A_519 = tpu.vector_load %arg6[%swap3A_517, %swap3A_518] {strides = array<i32>} : memref<8x128xi32, #tpu.memory_space<vmem>>, vector<16xi32>,
      tpu.vector_store %arg6[%swap3A_517, %swap3A_518], %shift_right_arithmetic3A_515 {strides = array<i32>} : memref<8x128xi32, #tpu.memory_space<vmem>>, vector<16xi32>,
      %and3A_520 = arith.constant 3 : i32
      %and3A_521 = vector.broadcast %and3A_520 : i32 to vector<16xi32>
      %and3A_522 = arith.andi %get3A_512, %and3A_521 : vector<16xi32>
      %mul3A_523 = arith.constant 32 : i32
      %mul3A_524 = vector.broadcast %mul3A_523 : i32 to vector<16xi32>
      %mul3A_525 = arith.muli %and3A_522, %mul3A_524 : vector<16xi32>
      %swap3A_526 = arith.constant 2 : i32
      %swap3A_527 = arith.index_cast %swap3A_526 : i32 to index
      %swap3A_528 = arith.constant 80 : index
      %swap3A_529 = tpu.vector_load %arg7[%swap3A_527, %swap3A_528] {strides = array<i32>} : memref<8x128xi32, #tpu.memory_space<vmem>>, vector<16xi32>,
      tpu.vector_store %arg7[%swap3A_527, %swap3A_528], %mul3A_525 {strides = array<i32>} : memref<8x128xi32, #tpu.memory_space<vmem>>, vector<16xi32>,
      %get3A_530 = arith.constant 2 : i32
      %get3A_531 = arith.index_cast %get3A_530 : i32 to index
      %get3A_532 = arith.constant 96 : index
      %get3A_533 = tpu.vector_load %arg5[%get3A_531, %get3A_532] {strides = array<i32>} : memref<8x128xi32, #tpu.memory_space<vmem>>, vector<16xi32>,
      %shift_right_arithmetic3A_534 = arith.constant 2 : i32
      %shift_right_arithmetic3A_535 = vector.broadcast %shift_right_arithmetic3A_534 : i32 to vector<16xi32>
      %shift_right_arithmetic3A_536 = arith.shrsi %get3A_533, %shift_right_arithmetic3A_535 : vector<16xi32>
      %swap3A_537 = arith.constant 2 : i32
      %swap3A_538 = arith.index_cast %swap3A_537 : i32 to index
      %swap3A_539 = arith.constant 96 : index
      %swap3A_540 = tpu.vector_load %arg6[%swap3A_538, %swap3A_539] {strides = array<i32>} : memref<8x128xi32, #tpu.memory_space<vmem>>, vector<16xi32>,
      tpu.vector_store %arg6[%swap3A_538, %swap3A_539], %shift_right_arithmetic3A_536 {strides = array<i32>} : memref<8x128xi32, #tpu.memory_space<vmem>>, vector<16xi32>,
      %and3A_541 = arith.constant 3 : i32
      %and3A_542 = vector.broadcast %and3A_541 : i32 to vector<16xi32>
      %and3A_543 = arith.andi %get3A_533, %and3A_542 : vector<16xi32>
      %mul3A_544 = arith.constant 32 : i32
      %mul3A_545 = vector.broadcast %mul3A_544 : i32 to vector<16xi32>
      %mul3A_546 = arith.muli %and3A_543, %mul3A_545 : vector<16xi32>
      %swap3A_547 = arith.constant 2 : i32
      %swap3A_548 = arith.index_cast %swap3A_547 : i32 to index
      %swap3A_549 = arith.constant 96 : index
      %swap3A_550 = tpu.vector_load %arg7[%swap3A_548, %swap3A_549] {strides = array<i32>} : memref<8x128xi32, #tpu.memory_space<vmem>>, vector<16xi32>,
      tpu.vector_store %arg7[%swap3A_548, %swap3A_549], %mul3A_546 {strides = array<i32>} : memref<8x128xi32, #tpu.memory_space<vmem>>, vector<16xi32>,
      %get3A_551 = arith.constant 2 : i32
      %get3A_552 = arith.index_cast %get3A_551 : i32 to index
      %get3A_553 = arith.constant 112 : index
      %get3A_554 = tpu.vector_load %arg5[%get3A_552, %get3A_553] {strides = array<i32>} : memref<8x128xi32, #tpu.memory_space<vmem>>, vector<16xi32>,
      %shift_right_arithmetic3A_555 = arith.constant 2 : i32
      %shift_right_arithmetic3A_556 = vector.broadcast %shift_right_arithmetic3A_555 : i32 to vector<16xi32>
      %shift_right_arithmetic3A_557 = arith.shrsi %get3A_554, %shift_right_arithmetic3A_556 : vector<16xi32>
      %swap3A_558 = arith.constant 2 : i32
      %swap3A_559 = arith.index_cast %swap3A_558 : i32 to index
      %swap3A_560 = arith.constant 112 : index
      %swap3A_561 = tpu.vector_load %arg6[%swap3A_559, %swap3A_560] {strides = array<i32>} : memref<8x128xi32, #tpu.memory_space<vmem>>, vector<16xi32>,
      tpu.vector_store %arg6[%swap3A_559, %swap3A_560], %shift_right_arithmetic3A_557 {strides = array<i32>} : memref<8x128xi32, #tpu.memory_space<vmem>>, vector<16xi32>,
      %and3A_562 = arith.constant 3 : i32
      %and3A_563 = vector.broadcast %and3A_562 : i32 to vector<16xi32>
      %and3A_564 = arith.andi %get3A_554, %and3A_563 : vector<16xi32>
      %mul3A_565 = arith.constant 32 : i32
      %mul3A_566 = vector.broadcast %mul3A_565 : i32 to vector<16xi32>
      %mul3A_567 = arith.muli %and3A_564, %mul3A_566 : vector<16xi32>
      %swap3A_568 = arith.constant 2 : i32
      %swap3A_569 = arith.index_cast %swap3A_568 : i32 to index
      %swap3A_570 = arith.constant 112 : index
      %swap3A_571 = tpu.vector_load %arg7[%swap3A_569, %swap3A_570] {strides = array<i32>} : memref<8x128xi32, #tpu.memory_space<vmem>>, vector<16xi32>,
      tpu.vector_store %arg7[%swap3A_569, %swap3A_570], %mul3A_567 {strides = array<i32>} : memref<8x128xi32, #tpu.memory_space<vmem>>, vector<16xi32>,
      %get3A_572 = arith.constant 3 : i32
      %get3A_573 = arith.index_cast %get3A_572 : i32 to index
      %get3A_574 = arith.constant 0 : index
      %get3A_575 = tpu.vector_load %arg5[%get3A_573, %get3A_574] {strides = array<i32>} : memref<8x128xi32, #tpu.memory_space<vmem>>, vector<16xi32>,
      %shift_right_arithmetic3A_576 = arith.constant 2 : i32
      %shift_right_arithmetic3A_577 = vector.broadcast %shift_right_arithmetic3A_576 : i32 to vector<16xi32>
      %shift_right_arithmetic3A_578 = arith.shrsi %get3A_575, %shift_right_arithmetic3A_577 : vector<16xi32>
      %swap3A_579 = arith.constant 3 : i32
      %swap3A_580 = arith.index_cast %swap3A_579 : i32 to index
      %swap3A_581 = arith.constant 0 : index
      %swap3A_582 = tpu.vector_load %arg6[%swap3A_580, %swap3A_581] {strides = array<i32>} : memref<8x128xi32, #tpu.memory_space<vmem>>, vector<16xi32>,
      tpu.vector_store %arg6[%swap3A_580, %swap3A_581], %shift_right_arithmetic3A_578 {strides = array<i32>} : memref<8x128xi32, #tpu.memory_space<vmem>>, vector<16xi32>,
      %and3A_583 = arith.constant 3 : i32
      %and3A_584 = vector.broadcast %and3A_583 : i32 to vector<16xi32>
      %and3A_585 = arith.andi %get3A_575, %and3A_584 : vector<16xi32>
      %mul3A_586 = arith.constant 32 : i32
      %mul3A_587 = vector.broadcast %mul3A_586 : i32 to vector<16xi32>
      %mul3A_588 = arith.muli %and3A_585, %mul3A_587 : vector<16xi32>
      %swap3A_589 = arith.constant 3 : i32
      %swap3A_590 = arith.index_cast %swap3A_589 : i32 to index
      %swap3A_591 = arith.constant 0 : index
      %swap3A_592 = tpu.vector_load %arg7[%swap3A_590, %swap3A_591] {strides = array<i32>} : memref<8x128xi32, #tpu.memory_space<vmem>>, vector<16xi32>,
      tpu.vector_store %arg7[%swap3A_590, %swap3A_591], %mul3A_588 {strides = array<i32>} : memref<8x128xi32, #tpu.memory_space<vmem>>, vector<16xi32>,
      %get3A_593 = arith.constant 3 : i32
      %get3A_594 = arith.index_cast %get3A_593 : i32 to index
      %get3A_595 = arith.constant 16 : index
      %get3A_596 = tpu.vector_load %arg5[%get3A_594, %get3A_595] {strides = array<i32>} : memref<8x128xi32, #tpu.memory_space<vmem>>, vector<16xi32>,
      %shift_right_arithmetic3A_597 = arith.constant 2 : i32
      %shift_right_arithmetic3A_598 = vector.broadcast %shift_right_arithmetic3A_597 : i32 to vector<16xi32>
      %shift_right_arithmetic3A_599 = arith.shrsi %get3A_596, %shift_right_arithmetic3A_598 : vector<16xi32>
      %swap3A_600 = arith.constant 3 : i32
      %swap3A_601 = arith.index_cast %swap3A_600 : i32 to index
      %swap3A_602 = arith.constant 16 : index
      %swap3A_603 = tpu.vector_load %arg6[%swap3A_601, %swap3A_602] {strides = array<i32>} : memref<8x128xi32, #tpu.memory_space<vmem>>, vector<16xi32>,
      tpu.vector_store %arg6[%swap3A_601, %swap3A_602], %shift_right_arithmetic3A_599 {strides = array<i32>} : memref<8x128xi32, #tpu.memory_space<vmem>>, vector<16xi32>,
      %and3A_604 = arith.constant 3 : i32
      %and3A_605 = vector.broadcast %and3A_604 : i32 to vector<16xi32>
      %and3A_606 = arith.andi %get3A_596, %and3A_605 : vector<16xi32>
      %mul3A_607 = arith.constant 32 : i32
      %mul3A_608 = vector.broadcast %mul3A_607 : i32 to vector<16xi32>
      %mul3A_609 = arith.muli %and3A_606, %mul3A_608 : vector<16xi32>
      %swap3A_610 = arith.constant 3 : i32
      %swap3A_611 = arith.index_cast %swap3A_610 : i32 to index
      %swap3A_612 = arith.constant 16 : index
      %swap3A_613 = tpu.vector_load %arg7[%swap3A_611, %swap3A_612] {strides = array<i32>} : memref<8x128xi32, #tpu.memory_space<vmem>>, vector<16xi32>,
      tpu.vector_store %arg7[%swap3A_611, %swap3A_612], %mul3A_609 {strides = array<i32>} : memref<8x128xi32, #tpu.memory_space<vmem>>, vector<16xi32>,
      %get3A_614 = arith.constant 3 : i32
      %get3A_615 = arith.index_cast %get3A_614 : i32 to index
      %get3A_616 = arith.constant 32 : index
      %get3A_617 = tpu.vector_load %arg5[%get3A_615, %get3A_616] {strides = array<i32>} : memref<8x128xi32, #tpu.memory_space<vmem>>, vector<16xi32>,
      %shift_right_arithmetic3A_618 = arith.constant 2 : i32
      %shift_right_arithmetic3A_619 = vector.broadcast %shift_right_arithmetic3A_618 : i32 to vector<16xi32>
      %shift_right_arithmetic3A_620 = arith.shrsi %get3A_617, %shift_right_arithmetic3A_619 : vector<16xi32>
      %swap3A_621 = arith.constant 3 : i32
      %swap3A_622 = arith.index_cast %swap3A_621 : i32 to index
      %swap3A_623 = arith.constant 32 : index
      %swap3A_624 = tpu.vector_load %arg6[%swap3A_622, %swap3A_623] {strides = array<i32>} : memref<8x128xi32, #tpu.memory_space<vmem>>, vector<16xi32>,
      tpu.vector_store %arg6[%swap3A_622, %swap3A_623], %shift_right_arithmetic3A_620 {strides = array<i32>} : memref<8x128xi32, #tpu.memory_space<vmem>>, vector<16xi32>,
      %and3A_625 = arith.constant 3 : i32
      %and3A_626 = vector.broadcast %and3A_625 : i32 to vector<16xi32>
      %and3A_627 = arith.andi %get3A_617, %and3A_626 : vector<16xi32>
      %mul3A_628 = arith.constant 32 : i32
      %mul3A_629 = vector.broadcast %mul3A_628 : i32 to vector<16xi32>
      %mul3A_630 = arith.muli %and3A_627, %mul3A_629 : vector<16xi32>
      %swap3A_631 = arith.constant 3 : i32
      %swap3A_632 = arith.index_cast %swap3A_631 : i32 to index
      %swap3A_633 = arith.constant 32 : index
      %swap3A_634 = tpu.vector_load %arg7[%swap3A_632, %swap3A_633] {strides = array<i32>} : memref<8x128xi32, #tpu.memory_space<vmem>>, vector<16xi32>,
      tpu.vector_store %arg7[%swap3A_632, %swap3A_633], %mul3A_630 {strides = array<i32>} : memref<8x128xi32, #tpu.memory_space<vmem>>, vector<16xi32>,
      %get3A_635 = arith.constant 3 : i32
      %get3A_636 = arith.index_cast %get3A_635 : i32 to index
      %get3A_637 = arith.constant 48 : index
      %get3A_638 = tpu.vector_load %arg5[%get3A_636, %get3A_637] {strides = array<i32>} : memref<8x128xi32, #tpu.memory_space<vmem>>, vector<16xi32>,
      %shift_right_arithmetic3A_639 = arith.constant 2 : i32
      %shift_right_arithmetic3A_640 = vector.broadcast %shift_right_arithmetic3A_639 : i32 to vector<16xi32>
      %shift_right_arithmetic3A_641 = arith.shrsi %get3A_638, %shift_right_arithmetic3A_640 : vector<16xi32>
      %swap3A_642 = arith.constant 3 : i32
      %swap3A_643 = arith.index_cast %swap3A_642 : i32 to index
      %swap3A_644 = arith.constant 48 : index
      %swap3A_645 = tpu.vector_load %arg6[%swap3A_643, %swap3A_644] {strides = array<i32>} : memref<8x128xi32, #tpu.memory_space<vmem>>, vector<16xi32>,
      tpu.vector_store %arg6[%swap3A_643, %swap3A_644], %shift_right_arithmetic3A_641 {strides = array<i32>} : memref<8x128xi32, #tpu.memory_space<vmem>>, vector<16xi32>,
      %and3A_646 = arith.constant 3 : i32
      %and3A_647 = vector.broadcast %and3A_646 : i32 to vector<16xi32>
      %and3A_648 = arith.andi %get3A_638, %and3A_647 : vector<16xi32>
      %mul3A_649 = arith.constant 32 : i32
      %mul3A_650 = vector.broadcast %mul3A_649 : i32 to vector<16xi32>
      %mul3A_651 = arith.muli %and3A_648, %mul3A_650 : vector<16xi32>
      %swap3A_652 = arith.constant 3 : i32
      %swap3A_653 = arith.index_cast %swap3A_652 : i32 to index
      %swap3A_654 = arith.constant 48 : index
      %swap3A_655 = tpu.vector_load %arg7[%swap3A_653, %swap3A_654] {strides = array<i32>} : memref<8x128xi32, #tpu.memory_space<vmem>>, vector<16xi32>,
      tpu.vector_store %arg7[%swap3A_653, %swap3A_654], %mul3A_651 {strides = array<i32>} : memref<8x128xi32, #tpu.memory_space<vmem>>, vector<16xi32>,
      %get3A_656 = arith.constant 3 : i32
      %get3A_657 = arith.index_cast %get3A_656 : i32 to index
      %get3A_658 = arith.constant 64 : index
      %get3A_659 = tpu.vector_load %arg5[%get3A_657, %get3A_658] {strides = array<i32>} : memref<8x128xi32, #tpu.memory_space<vmem>>, vector<16xi32>,
      %shift_right_arithmetic3A_660 = arith.constant 2 : i32
      %shift_right_arithmetic3A_661 = vector.broadcast %shift_right_arithmetic3A_660 : i32 to vector<16xi32>
      %shift_right_arithmetic3A_662 = arith.shrsi %get3A_659, %shift_right_arithmetic3A_661 : vector<16xi32>
      %swap3A_663 = arith.constant 3 : i32
      %swap3A_664 = arith.index_cast %swap3A_663 : i32 to index
      %swap3A_665 = arith.constant 64 : index
      %swap3A_666 = tpu.vector_load %arg6[%swap3A_664, %swap3A_665] {strides = array<i32>} : memref<8x128xi32, #tpu.memory_space<vmem>>, vector<16xi32>,
      tpu.vector_store %arg6[%swap3A_664, %swap3A_665], %shift_right_arithmetic3A_662 {strides = array<i32>} : memref<8x128xi32, #tpu.memory_space<vmem>>, vector<16xi32>,
      %and3A_667 = arith.constant 3 : i32
      %and3A_668 = vector.broadcast %and3A_667 : i32 to vector<16xi32>
      %and3A_669 = arith.andi %get3A_659, %and3A_668 : vector<16xi32>
      %mul3A_670 = arith.constant 32 : i32
      %mul3A_671 = vector.broadcast %mul3A_670 : i32 to vector<16xi32>
      %mul3A_672 = arith.muli %and3A_669, %mul3A_671 : vector<16xi32>
      %swap3A_673 = arith.constant 3 : i32
      %swap3A_674 = arith.index_cast %swap3A_673 : i32 to index
      %swap3A_675 = arith.constant 64 : index
      %swap3A_676 = tpu.vector_load %arg7[%swap3A_674, %swap3A_675] {strides = array<i32>} : memref<8x128xi32, #tpu.memory_space<vmem>>, vector<16xi32>,
      tpu.vector_store %arg7[%swap3A_674, %swap3A_675], %mul3A_672 {strides = array<i32>} : memref<8x128xi32, #tpu.memory_space<vmem>>, vector<16xi32>,
      %get3A_677 = arith.constant 3 : i32
      %get3A_678 = arith.index_cast %get3A_677 : i32 to index
      %get3A_679 = arith.constant 80 : index
      %get3A_680 = tpu.vector_load %arg5[%get3A_678, %get3A_679] {strides = array<i32>} : memref<8x128xi32, #tpu.memory_space<vmem>>, vector<16xi32>,
      %shift_right_arithmetic3A_681 = arith.constant 2 : i32
      %shift_right_arithmetic3A_682 = vector.broadcast %shift_right_arithmetic3A_681 : i32 to vector<16xi32>
      %shift_right_arithmetic3A_683 = arith.shrsi %get3A_680, %shift_right_arithmetic3A_682 : vector<16xi32>
      %swap3A_684 = arith.constant 3 : i32
      %swap3A_685 = arith.index_cast %swap3A_684 : i32 to index
      %swap3A_686 = arith.constant 80 : index
      %swap3A_687 = tpu.vector_load %arg6[%swap3A_685, %swap3A_686] {strides = array<i32>} : memref<8x128xi32, #tpu.memory_space<vmem>>, vector<16xi32>,
      tpu.vector_store %arg6[%swap3A_685, %swap3A_686], %shift_right_arithmetic3A_683 {strides = array<i32>} : memref<8x128xi32, #tpu.memory_space<vmem>>, vector<16xi32>,
      %and3A_688 = arith.constant 3 : i32
      %and3A_689 = vector.broadcast %and3A_688 : i32 to vector<16xi32>
      %and3A_690 = arith.andi %get3A_680, %and3A_689 : vector<16xi32>
      %mul3A_691 = arith.constant 32 : i32
      %mul3A_692 = vector.broadcast %mul3A_691 : i32 to vector<16xi32>
      %mul3A_693 = arith.muli %and3A_690, %mul3A_692 : vector<16xi32>
      %swap3A_694 = arith.constant 3 : i32
      %swap3A_695 = arith.index_cast %swap3A_694 : i32 to index
      %swap3A_696 = arith.constant 80 : index
      %swap3A_697 = tpu.vector_load %arg7[%swap3A_695, %swap3A_696] {strides = array<i32>} : memref<8x128xi32, #tpu.memory_space<vmem>>, vector<16xi32>,
      tpu.vector_store %arg7[%swap3A_695, %swap3A_696], %mul3A_693 {strides = array<i32>} : memref<8x128xi32, #tpu.memory_space<vmem>>, vector<16xi32>,
      %get3A_698 = arith.constant 3 : i32
      %get3A_699 = arith.index_cast %get3A_698 : i32 to index
      %get3A_700 = arith.constant 96 : index
      %get3A_701 = tpu.vector_load %arg5[%get3A_699, %get3A_700] {strides = array<i32>} : memref<8x128xi32, #tpu.memory_space<vmem>>, vector<16xi32>,
      %shift_right_arithmetic3A_702 = arith.constant 2 : i32
      %shift_right_arithmetic3A_703 = vector.broadcast %shift_right_arithmetic3A_702 : i32 to vector<16xi32>
      %shift_right_arithmetic3A_704 = arith.shrsi %get3A_701, %shift_right_arithmetic3A_703 : vector<16xi32>
      %swap3A_705 = arith.constant 3 : i32
      %swap3A_706 = arith.index_cast %swap3A_705 : i32 to index
      %swap3A_707 = arith.constant 96 : index
      %swap3A_708 = tpu.vector_load %arg6[%swap3A_706, %swap3A_707] {strides = array<i32>} : memref<8x128xi32, #tpu.memory_space<vmem>>, vector<16xi32>,
      tpu.vector_store %arg6[%swap3A_706, %swap3A_707], %shift_right_arithmetic3A_704 {strides = array<i32>} : memref<8x128xi32, #tpu.memory_space<vmem>>, vector<16xi32>,
      %and3A_709 = arith.constant 3 : i32
      %and3A_710 = vector.broadcast %and3A_709 : i32 to vector<16xi32>
      %and3A_711 = arith.andi %get3A_701, %and3A_710 : vector<16xi32>
      %mul3A_712 = arith.constant 32 : i32
      %mul3A_713 = vector.broadcast %mul3A_712 : i32 to vector<16xi32>
      %mul3A_714 = arith.muli %and3A_711, %mul3A_713 : vector<16xi32>
      %swap3A_715 = arith.constant 3 : i32
      %swap3A_716 = arith.index_cast %swap3A_715 : i32 to index
      %swap3A_717 = arith.constant 96 : index
      %swap3A_718 = tpu.vector_load %arg7[%swap3A_716, %swap3A_717] {strides = array<i32>} : memref<8x128xi32, #tpu.memory_space<vmem>>, vector<16xi32>,
      tpu.vector_store %arg7[%swap3A_716, %swap3A_717], %mul3A_714 {strides = array<i32>} : memref<8x128xi32, #tpu.memory_space<vmem>>, vector<16xi32>,
      %get3A_719 = arith.constant 3 : i32
      %get3A_720 = arith.index_cast %get3A_719 : i32 to index
      %get3A_721 = arith.constant 112 : index
      %get3A_722 = tpu.vector_load %arg5[%get3A_720, %get3A_721] {strides = array<i32>} : memref<8x128xi32, #tpu.memory_space<vmem>>, vector<16xi32>,
      %shift_right_arithmetic3A_723 = arith.constant 2 : i32
      %shift_right_arithmetic3A_724 = vector.broadcast %shift_right_arithmetic3A_723 : i32 to vector<16xi32>
      %shift_right_arithmetic3A_725 = arith.shrsi %get3A_722, %shift_right_arithmetic3A_724 : vector<16xi32>
      %swap3A_726 = arith.constant 3 : i32
      %swap3A_727 = arith.index_cast %swap3A_726 : i32 to index
      %swap3A_728 = arith.constant 112 : index
      %swap3A_729 = tpu.vector_load %arg6[%swap3A_727, %swap3A_728] {strides = array<i32>} : memref<8x128xi32, #tpu.memory_space<vmem>>, vector<16xi32>,
      tpu.vector_store %arg6[%swap3A_727, %swap3A_728], %shift_right_arithmetic3A_725 {strides = array<i32>} : memref<8x128xi32, #tpu.memory_space<vmem>>, vector<16xi32>,
      %and3A_730 = arith.constant 3 : i32
      %and3A_731 = vector.broadcast %and3A_730 : i32 to vector<16xi32>
      %and3A_732 = arith.andi %get3A_722, %and3A_731 : vector<16xi32>
      %mul3A_733 = arith.constant 32 : i32
      %mul3A_734 = vector.broadcast %mul3A_733 : i32 to vector<16xi32>
      %mul3A_735 = arith.muli %and3A_732, %mul3A_734 : vector<16xi32>
      %swap3A_736 = arith.constant 3 : i32
      %swap3A_737 = arith.index_cast %swap3A_736 : i32 to index
      %swap3A_738 = arith.constant 112 : index
      %swap3A_739 = tpu.vector_load %arg7[%swap3A_737, %swap3A_738] {strides = array<i32>} : memref<8x128xi32, #tpu.memory_space<vmem>>, vector<16xi32>,
      tpu.vector_store %arg7[%swap3A_737, %swap3A_738], %mul3A_735 {strides = array<i32>} : memref<8x128xi32, #tpu.memory_space<vmem>>, vector<16xi32>,
      %get3A_740 = arith.constant 4 : i32
      %get3A_741 = arith.index_cast %get3A_740 : i32 to index
      %get3A_742 = arith.constant 0 : index
      %get3A_743 = tpu.vector_load %arg5[%get3A_741, %get3A_742] {strides = array<i32>} : memref<8x128xi32, #tpu.memory_space<vmem>>, vector<16xi32>,
      %shift_right_arithmetic3A_744 = arith.constant 2 : i32
      %shift_right_arithmetic3A_745 = vector.broadcast %shift_right_arithmetic3A_744 : i32 to vector<16xi32>
      %shift_right_arithmetic3A_746 = arith.shrsi %get3A_743, %shift_right_arithmetic3A_745 : vector<16xi32>
      %swap3A_747 = arith.constant 4 : i32
      %swap3A_748 = arith.index_cast %swap3A_747 : i32 to index
      %swap3A_749 = arith.constant 0 : index
      %swap3A_750 = tpu.vector_load %arg6[%swap3A_748, %swap3A_749] {strides = array<i32>} : memref<8x128xi32, #tpu.memory_space<vmem>>, vector<16xi32>,
      tpu.vector_store %arg6[%swap3A_748, %swap3A_749], %shift_right_arithmetic3A_746 {strides = array<i32>} : memref<8x128xi32, #tpu.memory_space<vmem>>, vector<16xi32>,
      %and3A_751 = arith.constant 3 : i32
      %and3A_752 = vector.broadcast %and3A_751 : i32 to vector<16xi32>
      %and3A_753 = arith.andi %get3A_743, %and3A_752 : vector<16xi32>
      %mul3A_754 = arith.constant 32 : i32
      %mul3A_755 = vector.broadcast %mul3A_754 : i32 to vector<16xi32>
      %mul3A_756 = arith.muli %and3A_753, %mul3A_755 : vector<16xi32>
      %swap3A_757 = arith.constant 4 : i32
      %swap3A_758 = arith.index_cast %swap3A_757 : i32 to index
      %swap3A_759 = arith.constant 0 : index
      %swap3A_760 = tpu.vector_load %arg7[%swap3A_758, %swap3A_759] {strides = array<i32>} : memref<8x128xi32, #tpu.memory_space<vmem>>, vector<16xi32>,
      tpu.vector_store %arg7[%swap3A_758, %swap3A_759], %mul3A_756 {strides = array<i32>} : memref<8x128xi32, #tpu.memory_space<vmem>>, vector<16xi32>,
      %get3A_761 = arith.constant 4 : i32
      %get3A_762 = arith.index_cast %get3A_761 : i32 to index
      %get3A_763 = arith.constant 16 : index
      %get3A_764 = tpu.vector_load %arg5[%get3A_762, %get3A_763] {strides = array<i32>} : memref<8x128xi32, #tpu.memory_space<vmem>>, vector<16xi32>,
      %shift_right_arithmetic3A_765 = arith.constant 2 : i32
      %shift_right_arithmetic3A_766 = vector.broadcast %shift_right_arithmetic3A_765 : i32 to vector<16xi32>
      %shift_right_arithmetic3A_767 = arith.shrsi %get3A_764, %shift_right_arithmetic3A_766 : vector<16xi32>
      %swap3A_768 = arith.constant 4 : i32
      %swap3A_769 = arith.index_cast %swap3A_768 : i32 to index
      %swap3A_770 = arith.constant 16 : index
      %swap3A_771 = tpu.vector_load %arg6[%swap3A_769, %swap3A_770] {strides = array<i32>} : memref<8x128xi32, #tpu.memory_space<vmem>>, vector<16xi32>,
      tpu.vector_store %arg6[%swap3A_769, %swap3A_770], %shift_right_arithmetic3A_767 {strides = array<i32>} : memref<8x128xi32, #tpu.memory_space<vmem>>, vector<16xi32>,
      %and3A_772 = arith.constant 3 : i32
      %and3A_773 = vector.broadcast %and3A_772 : i32 to vector<16xi32>
      %and3A_774 = arith.andi %get3A_764, %and3A_773 : vector<16xi32>
      %mul3A_775 = arith.constant 32 : i32
      %mul3A_776 = vector.broadcast %mul3A_775 : i32 to vector<16xi32>
      %mul3A_777 = arith.muli %and3A_774, %mul3A_776 : vector<16xi32>
      %swap3A_778 = arith.constant 4 : i32
      %swap3A_779 = arith.index_cast %swap3A_778 : i32 to index
      %swap3A_780 = arith.constant 16 : index
      %swap3A_781 = tpu.vector_load %arg7[%swap3A_779, %swap3A_780] {strides = array<i32>} : memref<8x128xi32, #tpu.memory_space<vmem>>, vector<16xi32>,
      tpu.vector_store %arg7[%swap3A_779, %swap3A_780], %mul3A_777 {strides = array<i32>} : memref<8x128xi32, #tpu.memory_space<vmem>>, vector<16xi32>,
      %get3A_782 = arith.constant 4 : i32
      %get3A_783 = arith.index_cast %get3A_782 : i32 to index
      %get3A_784 = arith.constant 32 : index
      %get3A_785 = tpu.vector_load %arg5[%get3A_783, %get3A_784] {strides = array<i32>} : memref<8x128xi32, #tpu.memory_space<vmem>>, vector<16xi32>,
      %shift_right_arithmetic3A_786 = arith.constant 2 : i32
      %shift_right_arithmetic3A_787 = vector.broadcast %shift_right_arithmetic3A_786 : i32 to vector<16xi32>
      %shift_right_arithmetic3A_788 = arith.shrsi %get3A_785, %shift_right_arithmetic3A_787 : vector<16xi32>
      %swap3A_789 = arith.constant 4 : i32
      %swap3A_790 = arith.index_cast %swap3A_789 : i32 to index
      %swap3A_791 = arith.constant 32 : index
      %swap3A_792 = tpu.vector_load %arg6[%swap3A_790, %swap3A_791] {strides = array<i32>} : memref<8x128xi32, #tpu.memory_space<vmem>>, vector<16xi32>,
      tpu.vector_store %arg6[%swap3A_790, %swap3A_791], %shift_right_arithmetic3A_788 {strides = array<i32>} : memref<8x128xi32, #tpu.memory_space<vmem>>, vector<16xi32>,
      %and3A_793 = arith.constant 3 : i32
      %and3A_794 = vector.broadcast %and3A_793 : i32 to vector<16xi32>
      %and3A_795 = arith.andi %get3A_785, %and3A_794 : vector<16xi32>
      %mul3A_796 = arith.constant 32 : i32
      %mul3A_797 = vector.broadcast %mul3A_796 : i32 to vector<16xi32>
      %mul3A_798 = arith.muli %and3A_795, %mul3A_797 : vector<16xi32>
      %swap3A_799 = arith.constant 4 : i32
      %swap3A_800 = arith.index_cast %swap3A_799 : i32 to index
      %swap3A_801 = arith.constant 32 : index
      %swap3A_802 = tpu.vector_load %arg7[%swap3A_800, %swap3A_801] {strides = array<i32>} : memref<8x128xi32, #tpu.memory_space<vmem>>, vector<16xi32>,
      tpu.vector_store %arg7[%swap3A_800, %swap3A_801], %mul3A_798 {strides = array<i32>} : memref<8x128xi32, #tpu.memory_space<vmem>>, vector<16xi32>,
      %get3A_803 = arith.constant 4 : i32
      %get3A_804 = arith.index_cast %get3A_803 : i32 to index
      %get3A_805 = arith.constant 48 : index
      %get3A_806 = tpu.vector_load %arg5[%get3A_804, %get3A_805] {strides = array<i32>} : memref<8x128xi32, #tpu.memory_space<vmem>>, vector<16xi32>,
      %shift_right_arithmetic3A_807 = arith.constant 2 : i32
      %shift_right_arithmetic3A_808 = vector.broadcast %shift_right_arithmetic3A_807 : i32 to vector<16xi32>
      %shift_right_arithmetic3A_809 = arith.shrsi %get3A_806, %shift_right_arithmetic3A_808 : vector<16xi32>
      %swap3A_810 = arith.constant 4 : i32
      %swap3A_811 = arith.index_cast %swap3A_810 : i32 to index
      %swap3A_812 = arith.constant 48 : index
      %swap3A_813 = tpu.vector_load %arg6[%swap3A_811, %swap3A_812] {strides = array<i32>} : memref<8x128xi32, #tpu.memory_space<vmem>>, vector<16xi32>,
      tpu.vector_store %arg6[%swap3A_811, %swap3A_812], %shift_right_arithmetic3A_809 {strides = array<i32>} : memref<8x128xi32, #tpu.memory_space<vmem>>, vector<16xi32>,
      %and3A_814 = arith.constant 3 : i32
      %and3A_815 = vector.broadcast %and3A_814 : i32 to vector<16xi32>
      %and3A_816 = arith.andi %get3A_806, %and3A_815 : vector<16xi32>
      %mul3A_817 = arith.constant 32 : i32
      %mul3A_818 = vector.broadcast %mul3A_817 : i32 to vector<16xi32>
      %mul3A_819 = arith.muli %and3A_816, %mul3A_818 : vector<16xi32>
      %swap3A_820 = arith.constant 4 : i32
      %swap3A_821 = arith.index_cast %swap3A_820 : i32 to index
      %swap3A_822 = arith.constant 48 : index
      %swap3A_823 = tpu.vector_load %arg7[%swap3A_821, %swap3A_822] {strides = array<i32>} : memref<8x128xi32, #tpu.memory_space<vmem>>, vector<16xi32>,
      tpu.vector_store %arg7[%swap3A_821, %swap3A_822], %mul3A_819 {strides = array<i32>} : memref<8x128xi32, #tpu.memory_space<vmem>>, vector<16xi32>,
      %get3A_824 = arith.constant 4 : i32
      %get3A_825 = arith.index_cast %get3A_824 : i32 to index
      %get3A_826 = arith.constant 64 : index
      %get3A_827 = tpu.vector_load %arg5[%get3A_825, %get3A_826] {strides = array<i32>} : memref<8x128xi32, #tpu.memory_space<vmem>>, vector<16xi32>,
      %shift_right_arithmetic3A_828 = arith.constant 2 : i32
      %shift_right_arithmetic3A_829 = vector.broadcast %shift_right_arithmetic3A_828 : i32 to vector<16xi32>
      %shift_right_arithmetic3A_830 = arith.shrsi %get3A_827, %shift_right_arithmetic3A_829 : vector<16xi32>
      %swap3A_831 = arith.constant 4 : i32
      %swap3A_832 = arith.index_cast %swap3A_831 : i32 to index
      %swap3A_833 = arith.constant 64 : index
      %swap3A_834 = tpu.vector_load %arg6[%swap3A_832, %swap3A_833] {strides = array<i32>} : memref<8x128xi32, #tpu.memory_space<vmem>>, vector<16xi32>,
      tpu.vector_store %arg6[%swap3A_832, %swap3A_833], %shift_right_arithmetic3A_830 {strides = array<i32>} : memref<8x128xi32, #tpu.memory_space<vmem>>, vector<16xi32>,
      %and3A_835 = arith.constant 3 : i32
      %and3A_836 = vector.broadcast %and3A_835 : i32 to vector<16xi32>
      %and3A_837 = arith.andi %get3A_827, %and3A_836 : vector<16xi32>
      %mul3A_838 = arith.constant 32 : i32
      %mul3A_839 = vector.broadcast %mul3A_838 : i32 to vector<16xi32>
      %mul3A_840 = arith.muli %and3A_837, %mul3A_839 : vector<16xi32>
      %swap3A_841 = arith.constant 4 : i32
      %swap3A_842 = arith.index_cast %swap3A_841 : i32 to index
      %swap3A_843 = arith.constant 64 : index
      %swap3A_844 = tpu.vector_load %arg7[%swap3A_842, %swap3A_843] {strides = array<i32>} : memref<8x128xi32, #tpu.memory_space<vmem>>, vector<16xi32>,
      tpu.vector_store %arg7[%swap3A_842, %swap3A_843], %mul3A_840 {strides = array<i32>} : memref<8x128xi32, #tpu.memory_space<vmem>>, vector<16xi32>,
      %get3A_845 = arith.constant 4 : i32
      %get3A_846 = arith.index_cast %get3A_845 : i32 to index
      %get3A_847 = arith.constant 80 : index
      %get3A_848 = tpu.vector_load %arg5[%get3A_846, %get3A_847] {strides = array<i32>} : memref<8x128xi32, #tpu.memory_space<vmem>>, vector<16xi32>,
      %shift_right_arithmetic3A_849 = arith.constant 2 : i32
      %shift_right_arithmetic3A_850 = vector.broadcast %shift_right_arithmetic3A_849 : i32 to vector<16xi32>
      %shift_right_arithmetic3A_851 = arith.shrsi %get3A_848, %shift_right_arithmetic3A_850 : vector<16xi32>
      %swap3A_852 = arith.constant 4 : i32
      %swap3A_853 = arith.index_cast %swap3A_852 : i32 to index
      %swap3A_854 = arith.constant 80 : index
      %swap3A_855 = tpu.vector_load %arg6[%swap3A_853, %swap3A_854] {strides = array<i32>} : memref<8x128xi32, #tpu.memory_space<vmem>>, vector<16xi32>,
      tpu.vector_store %arg6[%swap3A_853, %swap3A_854], %shift_right_arithmetic3A_851 {strides = array<i32>} : memref<8x128xi32, #tpu.memory_space<vmem>>, vector<16xi32>,
      %and3A_856 = arith.constant 3 : i32
      %and3A_857 = vector.broadcast %and3A_856 : i32 to vector<16xi32>
      %and3A_858 = arith.andi %get3A_848, %and3A_857 : vector<16xi32>
      %mul3A_859 = arith.constant 32 : i32
      %mul3A_860 = vector.broadcast %mul3A_859 : i32 to vector<16xi32>
      %mul3A_861 = arith.muli %and3A_858, %mul3A_860 : vector<16xi32>
      %swap3A_862 = arith.constant 4 : i32
      %swap3A_863 = arith.index_cast %swap3A_862 : i32 to index
      %swap3A_864 = arith.constant 80 : index
      %swap3A_865 = tpu.vector_load %arg7[%swap3A_863, %swap3A_864] {strides = array<i32>} : memref<8x128xi32, #tpu.memory_space<vmem>>, vector<16xi32>,
      tpu.vector_store %arg7[%swap3A_863, %swap3A_864], %mul3A_861 {strides = array<i32>} : memref<8x128xi32, #tpu.memory_space<vmem>>, vector<16xi32>,
      %get3A_866 = arith.constant 4 : i32
      %get3A_867 = arith.index_cast %get3A_866 : i32 to index
      %get3A_868 = arith.constant 96 : index
      %get3A_869 = tpu.vector_load %arg5[%get3A_867, %get3A_868] {strides = array<i32>} : memref<8x128xi32, #tpu.memory_space<vmem>>, vector<16xi32>,
      %shift_right_arithmetic3A_870 = arith.constant 2 : i32
      %shift_right_arithmetic3A_871 = vector.broadcast %shift_right_arithmetic3A_870 : i32 to vector<16xi32>
      %shift_right_arithmetic3A_872 = arith.shrsi %get3A_869, %shift_right_arithmetic3A_871 : vector<16xi32>
      %swap3A_873 = arith.constant 4 : i32
      %swap3A_874 = arith.index_cast %swap3A_873 : i32 to index
      %swap3A_875 = arith.constant 96 : index
      %swap3A_876 = tpu.vector_load %arg6[%swap3A_874, %swap3A_875] {strides = array<i32>} : memref<8x128xi32, #tpu.memory_space<vmem>>, vector<16xi32>,
      tpu.vector_store %arg6[%swap3A_874, %swap3A_875], %shift_right_arithmetic3A_872 {strides = array<i32>} : memref<8x128xi32, #tpu.memory_space<vmem>>, vector<16xi32>,
      %and3A_877 = arith.constant 3 : i32
      %and3A_878 = vector.broadcast %and3A_877 : i32 to vector<16xi32>
      %and3A_879 = arith.andi %get3A_869, %and3A_878 : vector<16xi32>
      %mul3A_880 = arith.constant 32 : i32
      %mul3A_881 = vector.broadcast %mul3A_880 : i32 to vector<16xi32>
      %mul3A_882 = arith.muli %and3A_879, %mul3A_881 : vector<16xi32>
      %swap3A_883 = arith.constant 4 : i32
      %swap3A_884 = arith.index_cast %swap3A_883 : i32 to index
      %swap3A_885 = arith.constant 96 : index
      %swap3A_886 = tpu.vector_load %arg7[%swap3A_884, %swap3A_885] {strides = array<i32>} : memref<8x128xi32, #tpu.memory_space<vmem>>, vector<16xi32>,
      tpu.vector_store %arg7[%swap3A_884, %swap3A_885], %mul3A_882 {strides = array<i32>} : memref<8x128xi32, #tpu.memory_space<vmem>>, vector<16xi32>,
      %get3A_887 = arith.constant 4 : i32
      %get3A_888 = arith.index_cast %get3A_887 : i32 to index
      %get3A_889 = arith.constant 112 : index
      %get3A_890 = tpu.vector_load %arg5[%get3A_888, %get3A_889] {strides = array<i32>} : memref<8x128xi32, #tpu.memory_space<vmem>>, vector<16xi32>,
      %shift_right_arithmetic3A_891 = arith.constant 2 : i32
      %shift_right_arithmetic3A_892 = vector.broadcast %shift_right_arithmetic3A_891 : i32 to vector<16xi32>
      %shift_right_arithmetic3A_893 = arith.shrsi %get3A_890, %shift_right_arithmetic3A_892 : vector<16xi32>
      %swap3A_894 = arith.constant 4 : i32
      %swap3A_895 = arith.index_cast %swap3A_894 : i32 to index
      %swap3A_896 = arith.constant 112 : index
      %swap3A_897 = tpu.vector_load %arg6[%swap3A_895, %swap3A_896] {strides = array<i32>} : memref<8x128xi32, #tpu.memory_space<vmem>>, vector<16xi32>,
      tpu.vector_store %arg6[%swap3A_895, %swap3A_896], %shift_right_arithmetic3A_893 {strides = array<i32>} : memref<8x128xi32, #tpu.memory_space<vmem>>, vector<16xi32>,
      %and3A_898 = arith.constant 3 : i32
      %and3A_899 = vector.broadcast %and3A_898 : i32 to vector<16xi32>
      %and3A_900 = arith.andi %get3A_890, %and3A_899 : vector<16xi32>
      %mul3A_901 = arith.constant 32 : i32
      %mul3A_902 = vector.broadcast %mul3A_901 : i32 to vector<16xi32>
      %mul3A_903 = arith.muli %and3A_900, %mul3A_902 : vector<16xi32>
      %swap3A_904 = arith.constant 4 : i32
      %swap3A_905 = arith.index_cast %swap3A_904 : i32 to index
      %swap3A_906 = arith.constant 112 : index
      %swap3A_907 = tpu.vector_load %arg7[%swap3A_905, %swap3A_906] {strides = array<i32>} : memref<8x128xi32, #tpu.memory_space<vmem>>, vector<16xi32>,
      tpu.vector_store %arg7[%swap3A_905, %swap3A_906], %mul3A_903 {strides = array<i32>} : memref<8x128xi32, #tpu.memory_space<vmem>>, vector<16xi32>,
      %get3A_908 = arith.constant 5 : i32
      %get3A_909 = arith.index_cast %get3A_908 : i32 to index
      %get3A_910 = arith.constant 0 : index
      %get3A_911 = tpu.vector_load %arg5[%get3A_909, %get3A_910] {strides = array<i32>} : memref<8x128xi32, #tpu.memory_space<vmem>>, vector<16xi32>,
      %shift_right_arithmetic3A_912 = arith.constant 2 : i32
      %shift_right_arithmetic3A_913 = vector.broadcast %shift_right_arithmetic3A_912 : i32 to vector<16xi32>
      %shift_right_arithmetic3A_914 = arith.shrsi %get3A_911, %shift_right_arithmetic3A_913 : vector<16xi32>
      %swap3A_915 = arith.constant 5 : i32
      %swap3A_916 = arith.index_cast %swap3A_915 : i32 to index
      %swap3A_917 = arith.constant 0 : index
      %swap3A_918 = tpu.vector_load %arg6[%swap3A_916, %swap3A_917] {strides = array<i32>} : memref<8x128xi32, #tpu.memory_space<vmem>>, vector<16xi32>,
      tpu.vector_store %arg6[%swap3A_916, %swap3A_917], %shift_right_arithmetic3A_914 {strides = array<i32>} : memref<8x128xi32, #tpu.memory_space<vmem>>, vector<16xi32>,
      %and3A_919 = arith.constant 3 : i32
      %and3A_920 = vector.broadcast %and3A_919 : i32 to vector<16xi32>
      %and3A_921 = arith.andi %get3A_911, %and3A_920 : vector<16xi32>
      %mul3A_922 = arith.constant 32 : i32
      %mul3A_923 = vector.broadcast %mul3A_922 : i32 to vector<16xi32>
      %mul3A_924 = arith.muli %and3A_921, %mul3A_923 : vector<16xi32>
      %swap3A_925 = arith.constant 5 : i32
      %swap3A_926 = arith.index_cast %swap3A_925 : i32 to index
      %swap3A_927 = arith.constant 0 : index
      %swap3A_928 = tpu.vector_load %arg7[%swap3A_926, %swap3A_927] {strides = array<i32>} : memref<8x128xi32, #tpu.memory_space<vmem>>, vector<16xi32>,
      tpu.vector_store %arg7[%swap3A_926, %swap3A_927], %mul3A_924 {strides = array<i32>} : memref<8x128xi32, #tpu.memory_space<vmem>>, vector<16xi32>,
      %get3A_929 = arith.constant 5 : i32
      %get3A_930 = arith.index_cast %get3A_929 : i32 to index
      %get3A_931 = arith.constant 16 : index
      %get3A_932 = tpu.vector_load %arg5[%get3A_930, %get3A_931] {strides = array<i32>} : memref<8x128xi32, #tpu.memory_space<vmem>>, vector<16xi32>,
      %shift_right_arithmetic3A_933 = arith.constant 2 : i32
      %shift_right_arithmetic3A_934 = vector.broadcast %shift_right_arithmetic3A_933 : i32 to vector<16xi32>
      %shift_right_arithmetic3A_935 = arith.shrsi %get3A_932, %shift_right_arithmetic3A_934 : vector<16xi32>
      %swap3A_936 = arith.constant 5 : i32
      %swap3A_937 = arith.index_cast %swap3A_936 : i32 to index
      %swap3A_938 = arith.constant 16 : index
      %swap3A_939 = tpu.vector_load %arg6[%swap3A_937, %swap3A_938] {strides = array<i32>} : memref<8x128xi32, #tpu.memory_space<vmem>>, vector<16xi32>,
      tpu.vector_store %arg6[%swap3A_937, %swap3A_938], %shift_right_arithmetic3A_935 {strides = array<i32>} : memref<8x128xi32, #tpu.memory_space<vmem>>, vector<16xi32>,
      %and3A_940 = arith.constant 3 : i32
      %and3A_941 = vector.broadcast %and3A_940 : i32 to vector<16xi32>
      %and3A_942 = arith.andi %get3A_932, %and3A_941 : vector<16xi32>
      %mul3A_943 = arith.constant 32 : i32
      %mul3A_944 = vector.broadcast %mul3A_943 : i32 to vector<16xi32>
      %mul3A_945 = arith.muli %and3A_942, %mul3A_944 : vector<16xi32>
      %swap3A_946 = arith.constant 5 : i32
      %swap3A_947 = arith.index_cast %swap3A_946 : i32 to index
      %swap3A_948 = arith.constant 16 : index
      %swap3A_949 = tpu.vector_load %arg7[%swap3A_947, %swap3A_948] {strides = array<i32>} : memref<8x128xi32, #tpu.memory_space<vmem>>, vector<16xi32>,
      tpu.vector_store %arg7[%swap3A_947, %swap3A_948], %mul3A_945 {strides = array<i32>} : memref<8x128xi32, #tpu.memory_space<vmem>>, vector<16xi32>,
      %get3A_950 = arith.constant 5 : i32
      %get3A_951 = arith.index_cast %get3A_950 : i32 to index
      %get3A_952 = arith.constant 32 : index
      %get3A_953 = tpu.vector_load %arg5[%get3A_951, %get3A_952] {strides = array<i32>} : memref<8x128xi32, #tpu.memory_space<vmem>>, vector<16xi32>,
      %shift_right_arithmetic3A_954 = arith.constant 2 : i32
      %shift_right_arithmetic3A_955 = vector.broadcast %shift_right_arithmetic3A_954 : i32 to vector<16xi32>
      %shift_right_arithmetic3A_956 = arith.shrsi %get3A_953, %shift_right_arithmetic3A_955 : vector<16xi32>
      %swap3A_957 = arith.constant 5 : i32
      %swap3A_958 = arith.index_cast %swap3A_957 : i32 to index
      %swap3A_959 = arith.constant 32 : index
      %swap3A_960 = tpu.vector_load %arg6[%swap3A_958, %swap3A_959] {strides = array<i32>} : memref<8x128xi32, #tpu.memory_space<vmem>>, vector<16xi32>,
      tpu.vector_store %arg6[%swap3A_958, %swap3A_959], %shift_right_arithmetic3A_956 {strides = array<i32>} : memref<8x128xi32, #tpu.memory_space<vmem>>, vector<16xi32>,
      %and3A_961 = arith.constant 3 : i32
      %and3A_962 = vector.broadcast %and3A_961 : i32 to vector<16xi32>
      %and3A_963 = arith.andi %get3A_953, %and3A_962 : vector<16xi32>
      %mul3A_964 = arith.constant 32 : i32
      %mul3A_965 = vector.broadcast %mul3A_964 : i32 to vector<16xi32>
      %mul3A_966 = arith.muli %and3A_963, %mul3A_965 : vector<16xi32>
      %swap3A_967 = arith.constant 5 : i32
      %swap3A_968 = arith.index_cast %swap3A_967 : i32 to index
      %swap3A_969 = arith.constant 32 : index
      %swap3A_970 = tpu.vector_load %arg7[%swap3A_968, %swap3A_969] {strides = array<i32>} : memref<8x128xi32, #tpu.memory_space<vmem>>, vector<16xi32>,
      tpu.vector_store %arg7[%swap3A_968, %swap3A_969], %mul3A_966 {strides = array<i32>} : memref<8x128xi32, #tpu.memory_space<vmem>>, vector<16xi32>,
      %get3A_971 = arith.constant 5 : i32
      %get3A_972 = arith.index_cast %get3A_971 : i32 to index
      %get3A_973 = arith.constant 48 : index
      %get3A_974 = tpu.vector_load %arg5[%get3A_972, %get3A_973] {strides = array<i32>} : memref<8x128xi32, #tpu.memory_space<vmem>>, vector<16xi32>,
      %shift_right_arithmetic3A_975 = arith.constant 2 : i32
      %shift_right_arithmetic3A_976 = vector.broadcast %shift_right_arithmetic3A_975 : i32 to vector<16xi32>
      %shift_right_arithmetic3A_977 = arith.shrsi %get3A_974, %shift_right_arithmetic3A_976 : vector<16xi32>
      %swap3A_978 = arith.constant 5 : i32
      %swap3A_979 = arith.index_cast %swap3A_978 : i32 to index
      %swap3A_980 = arith.constant 48 : index
      %swap3A_981 = tpu.vector_load %arg6[%swap3A_979, %swap3A_980] {strides = array<i32>} : memref<8x128xi32, #tpu.memory_space<vmem>>, vector<16xi32>,
      tpu.vector_store %arg6[%swap3A_979, %swap3A_980], %shift_right_arithmetic3A_977 {strides = array<i32>} : memref<8x128xi32, #tpu.memory_space<vmem>>, vector<16xi32>,
      %and3A_982 = arith.constant 3 : i32
      %and3A_983 = vector.broadcast %and3A_982 : i32 to vector<16xi32>
      %and3A_984 = arith.andi %get3A_974, %and3A_983 : vector<16xi32>
      %mul3A_985 = arith.constant 32 : i32
      %mul3A_986 = vector.broadcast %mul3A_985 : i32 to vector<16xi32>
      %mul3A_987 = arith.muli %and3A_984, %mul3A_986 : vector<16xi32>
      %swap3A_988 = arith.constant 5 : i32
      %swap3A_989 = arith.index_cast %swap3A_988 : i32 to index
      %swap3A_990 = arith.constant 48 : index
      %swap3A_991 = tpu.vector_load %arg7[%swap3A_989, %swap3A_990] {strides = array<i32>} : memref<8x128xi32, #tpu.memory_space<vmem>>, vector<16xi32>,
      tpu.vector_store %arg7[%swap3A_989, %swap3A_990], %mul3A_987 {strides = array<i32>} : memref<8x128xi32, #tpu.memory_space<vmem>>, vector<16xi32>,
      %get3A_992 = arith.constant 5 : i32
      %get3A_993 = arith.index_cast %get3A_992 : i32 to index
      %get3A_994 = arith.constant 64 : index
      %get3A_995 = tpu.vector_load %arg5[%get3A_993, %get3A_994] {strides = array<i32>} : memref<8x128xi32, #tpu.memory_space<vmem>>, vector<16xi32>,
      %shift_right_arithmetic3A_996 = arith.constant 2 : i32
      %shift_right_arithmetic3A_997 = vector.broadcast %shift_right_arithmetic3A_996 : i32 to vector<16xi32>
      %shift_right_arithmetic3A_998 = arith.shrsi %get3A_995, %shift_right_arithmetic3A_997 : vector<16xi32>
      %swap3A_999 = arith.constant 5 : i32
      %swap3A_1000 = arith.index_cast %swap3A_999 : i32 to index
      %swap3A_1001 = arith.constant 64 : index
      %swap3A_1002 = tpu.vector_load %arg6[%swap3A_1000, %swap3A_1001] {strides = array<i32>} : memref<8x128xi32, #tpu.memory_space<vmem>>, vector<16xi32>,
      tpu.vector_store %arg6[%swap3A_1000, %swap3A_1001], %shift_right_arithmetic3A_998 {strides = array<i32>} : memref<8x128xi32, #tpu.memory_space<vmem>>, vector<16xi32>,
      %and3A_1003 = arith.constant 3 : i32
      %and3A_1004 = vector.broadcast %and3A_1003 : i32 to vector<16xi32>
      %and3A_1005 = arith.andi %get3A_995, %and3A_1004 : vector<16xi32>
      %mul3A_1006 = arith.constant 32 : i32
      %mul3A_1007 = vector.broadcast %mul3A_1006 : i32 to vector<16xi32>
      %mul3A_1008 = arith.muli %and3A_1005, %mul3A_1007 : vector<16xi32>
      %swap3A_1009 = arith.constant 5 : i32
      %swap3A_1010 = arith.index_cast %swap3A_1009 : i32 to index
      %swap3A_1011 = arith.constant 64 : index
      %swap3A_1012 = tpu.vector_load %arg7[%swap3A_1010, %swap3A_1011] {strides = array<i32>} : memref<8x128xi32, #tpu.memory_space<vmem>>, vector<16xi32>,
      tpu.vector_store %arg7[%swap3A_1010, %swap3A_1011], %mul3A_1008 {strides = array<i32>} : memref<8x128xi32, #tpu.memory_space<vmem>>, vector<16xi32>,
      %get3A_1013 = arith.constant 5 : i32
      %get3A_1014 = arith.index_cast %get3A_1013 : i32 to index
      %get3A_1015 = arith.constant 80 : index
      %get3A_1016 = tpu.vector_load %arg5[%get3A_1014, %get3A_1015] {strides = array<i32>} : memref<8x128xi32, #tpu.memory_space<vmem>>, vector<16xi32>,
      %shift_right_arithmetic3A_1017 = arith.constant 2 : i32
      %shift_right_arithmetic3A_1018 = vector.broadcast %shift_right_arithmetic3A_1017 : i32 to vector<16xi32>
      %shift_right_arithmetic3A_1019 = arith.shrsi %get3A_1016, %shift_right_arithmetic3A_1018 : vector<16xi32>
      %swap3A_1020 = arith.constant 5 : i32
      %swap3A_1021 = arith.index_cast %swap3A_1020 : i32 to index
      %swap3A_1022 = arith.constant 80 : index
      %swap3A_1023 = tpu.vector_load %arg6[%swap3A_1021, %swap3A_1022] {strides = array<i32>} : memref<8x128xi32, #tpu.memory_space<vmem>>, vector<16xi32>,
      tpu.vector_store %arg6[%swap3A_1021, %swap3A_1022], %shift_right_arithmetic3A_1019 {strides = array<i32>} : memref<8x128xi32, #tpu.memory_space<vmem>>, vector<16xi32>,
      %and3A_1024 = arith.constant 3 : i32
      %and3A_1025 = vector.broadcast %and3A_1024 : i32 to vector<16xi32>
      %and3A_1026 = arith.andi %get3A_1016, %and3A_1025 : vector<16xi32>
      %mul3A_1027 = arith.constant 32 : i32
      %mul3A_1028 = vector.broadcast %mul3A_1027 : i32 to vector<16xi32>
      %mul3A_1029 = arith.muli %and3A_1026, %mul3A_1028 : vector<16xi32>
      %swap3A_1030 = arith.constant 5 : i32
      %swap3A_1031 = arith.index_cast %swap3A_1030 : i32 to index
      %swap3A_1032 = arith.constant 80 : index
      %swap3A_1033 = tpu.vector_load %arg7[%swap3A_1031, %swap3A_1032] {strides = array<i32>} : memref<8x128xi32, #tpu.memory_space<vmem>>, vector<16xi32>,
      tpu.vector_store %arg7[%swap3A_1031, %swap3A_1032], %mul3A_1029 {strides = array<i32>} : memref<8x128xi32, #tpu.memory_space<vmem>>, vector<16xi32>,
      %get3A_1034 = arith.constant 5 : i32
      %get3A_1035 = arith.index_cast %get3A_1034 : i32 to index
      %get3A_1036 = arith.constant 96 : index
      %get3A_1037 = tpu.vector_load %arg5[%get3A_1035, %get3A_1036] {strides = array<i32>} : memref<8x128xi32, #tpu.memory_space<vmem>>, vector<16xi32>,
      %shift_right_arithmetic3A_1038 = arith.constant 2 : i32
      %shift_right_arithmetic3A_1039 = vector.broadcast %shift_right_arithmetic3A_1038 : i32 to vector<16xi32>
      %shift_right_arithmetic3A_1040 = arith.shrsi %get3A_1037, %shift_right_arithmetic3A_1039 : vector<16xi32>
      %swap3A_1041 = arith.constant 5 : i32
      %swap3A_1042 = arith.index_cast %swap3A_1041 : i32 to index
      %swap3A_1043 = arith.constant 96 : index
      %swap3A_1044 = tpu.vector_load %arg6[%swap3A_1042, %swap3A_1043] {strides = array<i32>} : memref<8x128xi32, #tpu.memory_space<vmem>>, vector<16xi32>,
      tpu.vector_store %arg6[%swap3A_1042, %swap3A_1043], %shift_right_arithmetic3A_1040 {strides = array<i32>} : memref<8x128xi32, #tpu.memory_space<vmem>>, vector<16xi32>,
      %and3A_1045 = arith.constant 3 : i32
      %and3A_1046 = vector.broadcast %and3A_1045 : i32 to vector<16xi32>
      %and3A_1047 = arith.andi %get3A_1037, %and3A_1046 : vector<16xi32>
      %mul3A_1048 = arith.constant 32 : i32
      %mul3A_1049 = vector.broadcast %mul3A_1048 : i32 to vector<16xi32>
      %mul3A_1050 = arith.muli %and3A_1047, %mul3A_1049 : vector<16xi32>
      %swap3A_1051 = arith.constant 5 : i32
      %swap3A_1052 = arith.index_cast %swap3A_1051 : i32 to index
      %swap3A_1053 = arith.constant 96 : index
      %swap3A_1054 = tpu.vector_load %arg7[%swap3A_1052, %swap3A_1053] {strides = array<i32>} : memref<8x128xi32, #tpu.memory_space<vmem>>, vector<16xi32>,
      tpu.vector_store %arg7[%swap3A_1052, %swap3A_1053], %mul3A_1050 {strides = array<i32>} : memref<8x128xi32, #tpu.memory_space<vmem>>, vector<16xi32>,
      %get3A_1055 = arith.constant 5 : i32
      %get3A_1056 = arith.index_cast %get3A_1055 : i32 to index
      %get3A_1057 = arith.constant 112 : index
      %get3A_1058 = tpu.vector_load %arg5[%get3A_1056, %get3A_1057] {strides = array<i32>} : memref<8x128xi32, #tpu.memory_space<vmem>>, vector<16xi32>,
      %shift_right_arithmetic3A_1059 = arith.constant 2 : i32
      %shift_right_arithmetic3A_1060 = vector.broadcast %shift_right_arithmetic3A_1059 : i32 to vector<16xi32>
      %shift_right_arithmetic3A_1061 = arith.shrsi %get3A_1058, %shift_right_arithmetic3A_1060 : vector<16xi32>
      %swap3A_1062 = arith.constant 5 : i32
      %swap3A_1063 = arith.index_cast %swap3A_1062 : i32 to index
      %swap3A_1064 = arith.constant 112 : index
      %swap3A_1065 = tpu.vector_load %arg6[%swap3A_1063, %swap3A_1064] {strides = array<i32>} : memref<8x128xi32, #tpu.memory_space<vmem>>, vector<16xi32>,
      tpu.vector_store %arg6[%swap3A_1063, %swap3A_1064], %shift_right_arithmetic3A_1061 {strides = array<i32>} : memref<8x128xi32, #tpu.memory_space<vmem>>, vector<16xi32>,
      %and3A_1066 = arith.constant 3 : i32
      %and3A_1067 = vector.broadcast %and3A_1066 : i32 to vector<16xi32>
      %and3A_1068 = arith.andi %get3A_1058, %and3A_1067 : vector<16xi32>
      %mul3A_1069 = arith.constant 32 : i32
      %mul3A_1070 = vector.broadcast %mul3A_1069 : i32 to vector<16xi32>
      %mul3A_1071 = arith.muli %and3A_1068, %mul3A_1070 : vector<16xi32>
      %swap3A_1072 = arith.constant 5 : i32
      %swap3A_1073 = arith.index_cast %swap3A_1072 : i32 to index
      %swap3A_1074 = arith.constant 112 : index
      %swap3A_1075 = tpu.vector_load %arg7[%swap3A_1073, %swap3A_1074] {strides = array<i32>} : memref<8x128xi32, #tpu.memory_space<vmem>>, vector<16xi32>,
      tpu.vector_store %arg7[%swap3A_1073, %swap3A_1074], %mul3A_1071 {strides = array<i32>} : memref<8x128xi32, #tpu.memory_space<vmem>>, vector<16xi32>,
      %get3A_1076 = arith.constant 6 : i32
      %get3A_1077 = arith.index_cast %get3A_1076 : i32 to index
      %get3A_1078 = arith.constant 0 : index
      %get3A_1079 = tpu.vector_load %arg5[%get3A_1077, %get3A_1078] {strides = array<i32>} : memref<8x128xi32, #tpu.memory_space<vmem>>, vector<16xi32>,
      %shift_right_arithmetic3A_1080 = arith.constant 2 : i32
      %shift_right_arithmetic3A_1081 = vector.broadcast %shift_right_arithmetic3A_1080 : i32 to vector<16xi32>
      %shift_right_arithmetic3A_1082 = arith.shrsi %get3A_1079, %shift_right_arithmetic3A_1081 : vector<16xi32>
      %swap3A_1083 = arith.constant 6 : i32
      %swap3A_1084 = arith.index_cast %swap3A_1083 : i32 to index
      %swap3A_1085 = arith.constant 0 : index
      %swap3A_1086 = tpu.vector_load %arg6[%swap3A_1084, %swap3A_1085] {strides = array<i32>} : memref<8x128xi32, #tpu.memory_space<vmem>>, vector<16xi32>,
      tpu.vector_store %arg6[%swap3A_1084, %swap3A_1085], %shift_right_arithmetic3A_1082 {strides = array<i32>} : memref<8x128xi32, #tpu.memory_space<vmem>>, vector<16xi32>,
      %and3A_1087 = arith.constant 3 : i32
      %and3A_1088 = vector.broadcast %and3A_1087 : i32 to vector<16xi32>
      %and3A_1089 = arith.andi %get3A_1079, %and3A_1088 : vector<16xi32>
      %mul3A_1090 = arith.constant 32 : i32
      %mul3A_1091 = vector.broadcast %mul3A_1090 : i32 to vector<16xi32>
      %mul3A_1092 = arith.muli %and3A_1089, %mul3A_1091 : vector<16xi32>
      %swap3A_1093 = arith.constant 6 : i32
      %swap3A_1094 = arith.index_cast %swap3A_1093 : i32 to index
      %swap3A_1095 = arith.constant 0 : index
      %swap3A_1096 = tpu.vector_load %arg7[%swap3A_1094, %swap3A_1095] {strides = array<i32>} : memref<8x128xi32, #tpu.memory_space<vmem>>, vector<16xi32>,
      tpu.vector_store %arg7[%swap3A_1094, %swap3A_1095], %mul3A_1092 {strides = array<i32>} : memref<8x128xi32, #tpu.memory_space<vmem>>, vector<16xi32>,
      %get3A_1097 = arith.constant 6 : i32
      %get3A_1098 = arith.index_cast %get3A_1097 : i32 to index
      %get3A_1099 = arith.constant 16 : index
      %get3A_1100 = tpu.vector_load %arg5[%get3A_1098, %get3A_1099] {strides = array<i32>} : memref<8x128xi32, #tpu.memory_space<vmem>>, vector<16xi32>,
      %shift_right_arithmetic3A_1101 = arith.constant 2 : i32
      %shift_right_arithmetic3A_1102 = vector.broadcast %shift_right_arithmetic3A_1101 : i32 to vector<16xi32>
      %shift_right_arithmetic3A_1103 = arith.shrsi %get3A_1100, %shift_right_arithmetic3A_1102 : vector<16xi32>
      %swap3A_1104 = arith.constant 6 : i32
      %swap3A_1105 = arith.index_cast %swap3A_1104 : i32 to index
      %swap3A_1106 = arith.constant 16 : index
      %swap3A_1107 = tpu.vector_load %arg6[%swap3A_1105, %swap3A_1106] {strides = array<i32>} : memref<8x128xi32, #tpu.memory_space<vmem>>, vector<16xi32>,
      tpu.vector_store %arg6[%swap3A_1105, %swap3A_1106], %shift_right_arithmetic3A_1103 {strides = array<i32>} : memref<8x128xi32, #tpu.memory_space<vmem>>, vector<16xi32>,
      %and3A_1108 = arith.constant 3 : i32
      %and3A_1109 = vector.broadcast %and3A_1108 : i32 to vector<16xi32>
      %and3A_1110 = arith.andi %get3A_1100, %and3A_1109 : vector<16xi32>
      %mul3A_1111 = arith.constant 32 : i32
      %mul3A_1112 = vector.broadcast %mul3A_1111 : i32 to vector<16xi32>
      %mul3A_1113 = arith.muli %and3A_1110, %mul3A_1112 : vector<16xi32>
      %swap3A_1114 = arith.constant 6 : i32
      %swap3A_1115 = arith.index_cast %swap3A_1114 : i32 to index
      %swap3A_1116 = arith.constant 16 : index
      %swap3A_1117 = tpu.vector_load %arg7[%swap3A_1115, %swap3A_1116] {strides = array<i32>} : memref<8x128xi32, #tpu.memory_space<vmem>>, vector<16xi32>,
      tpu.vector_store %arg7[%swap3A_1115, %swap3A_1116], %mul3A_1113 {strides = array<i32>} : memref<8x128xi32, #tpu.memory_space<vmem>>, vector<16xi32>,
      %get3A_1118 = arith.constant 6 : i32
      %get3A_1119 = arith.index_cast %get3A_1118 : i32 to index
      %get3A_1120 = arith.constant 32 : index
      %get3A_1121 = tpu.vector_load %arg5[%get3A_1119, %get3A_1120] {strides = array<i32>} : memref<8x128xi32, #tpu.memory_space<vmem>>, vector<16xi32>,
      %shift_right_arithmetic3A_1122 = arith.constant 2 : i32
      %shift_right_arithmetic3A_1123 = vector.broadcast %shift_right_arithmetic3A_1122 : i32 to vector<16xi32>
      %shift_right_arithmetic3A_1124 = arith.shrsi %get3A_1121, %shift_right_arithmetic3A_1123 : vector<16xi32>
      %swap3A_1125 = arith.constant 6 : i32
      %swap3A_1126 = arith.index_cast %swap3A_1125 : i32 to index
      %swap3A_1127 = arith.constant 32 : index
      %swap3A_1128 = tpu.vector_load %arg6[%swap3A_1126, %swap3A_1127] {strides = array<i32>} : memref<8x128xi32, #tpu.memory_space<vmem>>, vector<16xi32>,
      tpu.vector_store %arg6[%swap3A_1126, %swap3A_1127], %shift_right_arithmetic3A_1124 {strides = array<i32>} : memref<8x128xi32, #tpu.memory_space<vmem>>, vector<16xi32>,
      %and3A_1129 = arith.constant 3 : i32
      %and3A_1130 = vector.broadcast %and3A_1129 : i32 to vector<16xi32>
      %and3A_1131 = arith.andi %get3A_1121, %and3A_1130 : vector<16xi32>
      %mul3A_1132 = arith.constant 32 : i32
      %mul3A_1133 = vector.broadcast %mul3A_1132 : i32 to vector<16xi32>
      %mul3A_1134 = arith.muli %and3A_1131, %mul3A_1133 : vector<16xi32>
      %swap3A_1135 = arith.constant 6 : i32
      %swap3A_1136 = arith.index_cast %swap3A_1135 : i32 to index
      %swap3A_1137 = arith.constant 32 : index
      %swap3A_1138 = tpu.vector_load %arg7[%swap3A_1136, %swap3A_1137] {strides = array<i32>} : memref<8x128xi32, #tpu.memory_space<vmem>>, vector<16xi32>,
      tpu.vector_store %arg7[%swap3A_1136, %swap3A_1137], %mul3A_1134 {strides = array<i32>} : memref<8x128xi32, #tpu.memory_space<vmem>>, vector<16xi32>,
      %get3A_1139 = arith.constant 6 : i32
      %get3A_1140 = arith.index_cast %get3A_1139 : i32 to index
      %get3A_1141 = arith.constant 48 : index
      %get3A_1142 = tpu.vector_load %arg5[%get3A_1140, %get3A_1141] {strides = array<i32>} : memref<8x128xi32, #tpu.memory_space<vmem>>, vector<16xi32>,
      %shift_right_arithmetic3A_1143 = arith.constant 2 : i32
      %shift_right_arithmetic3A_1144 = vector.broadcast %shift_right_arithmetic3A_1143 : i32 to vector<16xi32>
      %shift_right_arithmetic3A_1145 = arith.shrsi %get3A_1142, %shift_right_arithmetic3A_1144 : vector<16xi32>
      %swap3A_1146 = arith.constant 6 : i32
      %swap3A_1147 = arith.index_cast %swap3A_1146 : i32 to index
      %swap3A_1148 = arith.constant 48 : index
      %swap3A_1149 = tpu.vector_load %arg6[%swap3A_1147, %swap3A_1148] {strides = array<i32>} : memref<8x128xi32, #tpu.memory_space<vmem>>, vector<16xi32>,
      tpu.vector_store %arg6[%swap3A_1147, %swap3A_1148], %shift_right_arithmetic3A_1145 {strides = array<i32>} : memref<8x128xi32, #tpu.memory_space<vmem>>, vector<16xi32>,
      %and3A_1150 = arith.constant 3 : i32
      %and3A_1151 = vector.broadcast %and3A_1150 : i32 to vector<16xi32>
      %and3A_1152 = arith.andi %get3A_1142, %and3A_1151 : vector<16xi32>
      %mul3A_1153 = arith.constant 32 : i32
      %mul3A_1154 = vector.broadcast %mul3A_1153 : i32 to vector<16xi32>
      %mul3A_1155 = arith.muli %and3A_1152, %mul3A_1154 : vector<16xi32>
      %swap3A_1156 = arith.constant 6 : i32
      %swap3A_1157 = arith.index_cast %swap3A_1156 : i32 to index
      %swap3A_1158 = arith.constant 48 : index
      %swap3A_1159 = tpu.vector_load %arg7[%swap3A_1157, %swap3A_1158] {strides = array<i32>} : memref<8x128xi32, #tpu.memory_space<vmem>>, vector<16xi32>,
      tpu.vector_store %arg7[%swap3A_1157, %swap3A_1158], %mul3A_1155 {strides = array<i32>} : memref<8x128xi32, #tpu.memory_space<vmem>>, vector<16xi32>,
      %get3A_1160 = arith.constant 6 : i32
      %get3A_1161 = arith.index_cast %get3A_1160 : i32 to index
      %get3A_1162 = arith.constant 64 : index
      %get3A_1163 = tpu.vector_load %arg5[%get3A_1161, %get3A_1162] {strides = array<i32>} : memref<8x128xi32, #tpu.memory_space<vmem>>, vector<16xi32>,
      %shift_right_arithmetic3A_1164 = arith.constant 2 : i32
      %shift_right_arithmetic3A_1165 = vector.broadcast %shift_right_arithmetic3A_1164 : i32 to vector<16xi32>
      %shift_right_arithmetic3A_1166 = arith.shrsi %get3A_1163, %shift_right_arithmetic3A_1165 : vector<16xi32>
      %swap3A_1167 = arith.constant 6 : i32
      %swap3A_1168 = arith.index_cast %swap3A_1167 : i32 to index
      %swap3A_1169 = arith.constant 64 : index
      %swap3A_1170 = tpu.vector_load %arg6[%swap3A_1168, %swap3A_1169] {strides = array<i32>} : memref<8x128xi32, #tpu.memory_space<vmem>>, vector<16xi32>,
      tpu.vector_store %arg6[%swap3A_1168, %swap3A_1169], %shift_right_arithmetic3A_1166 {strides = array<i32>} : memref<8x128xi32, #tpu.memory_space<vmem>>, vector<16xi32>,
      %and3A_1171 = arith.constant 3 : i32
      %and3A_1172 = vector.broadcast %and3A_1171 : i32 to vector<16xi32>
      %and3A_1173 = arith.andi %get3A_1163, %and3A_1172 : vector<16xi32>
      %mul3A_1174 = arith.constant 32 : i32
      %mul3A_1175 = vector.broadcast %mul3A_1174 : i32 to vector<16xi32>
      %mul3A_1176 = arith.muli %and3A_1173, %mul3A_1175 : vector<16xi32>
      %swap3A_1177 = arith.constant 6 : i32
      %swap3A_1178 = arith.index_cast %swap3A_1177 : i32 to index
      %swap3A_1179 = arith.constant 64 : index
      %swap3A_1180 = tpu.vector_load %arg7[%swap3A_1178, %swap3A_1179] {strides = array<i32>} : memref<8x128xi32, #tpu.memory_space<vmem>>, vector<16xi32>,
      tpu.vector_store %arg7[%swap3A_1178, %swap3A_1179], %mul3A_1176 {strides = array<i32>} : memref<8x128xi32, #tpu.memory_space<vmem>>, vector<16xi32>,
      %get3A_1181 = arith.constant 6 : i32
      %get3A_1182 = arith.index_cast %get3A_1181 : i32 to index
      %get3A_1183 = arith.constant 80 : index
      %get3A_1184 = tpu.vector_load %arg5[%get3A_1182, %get3A_1183] {strides = array<i32>} : memref<8x128xi32, #tpu.memory_space<vmem>>, vector<16xi32>,
      %shift_right_arithmetic3A_1185 = arith.constant 2 : i32
      %shift_right_arithmetic3A_1186 = vector.broadcast %shift_right_arithmetic3A_1185 : i32 to vector<16xi32>
      %shift_right_arithmetic3A_1187 = arith.shrsi %get3A_1184, %shift_right_arithmetic3A_1186 : vector<16xi32>
      %swap3A_1188 = arith.constant 6 : i32
      %swap3A_1189 = arith.index_cast %swap3A_1188 : i32 to index
      %swap3A_1190 = arith.constant 80 : index
      %swap3A_1191 = tpu.vector_load %arg6[%swap3A_1189, %swap3A_1190] {strides = array<i32>} : memref<8x128xi32, #tpu.memory_space<vmem>>, vector<16xi32>,
      tpu.vector_store %arg6[%swap3A_1189, %swap3A_1190], %shift_right_arithmetic3A_1187 {strides = array<i32>} : memref<8x128xi32, #tpu.memory_space<vmem>>, vector<16xi32>,
      %and3A_1192 = arith.constant 3 : i32
      %and3A_1193 = vector.broadcast %and3A_1192 : i32 to vector<16xi32>
      %and3A_1194 = arith.andi %get3A_1184, %and3A_1193 : vector<16xi32>
      %mul3A_1195 = arith.constant 32 : i32
      %mul3A_1196 = vector.broadcast %mul3A_1195 : i32 to vector<16xi32>
      %mul3A_1197 = arith.muli %and3A_1194, %mul3A_1196 : vector<16xi32>
      %swap3A_1198 = arith.constant 6 : i32
      %swap3A_1199 = arith.index_cast %swap3A_1198 : i32 to index
      %swap3A_1200 = arith.constant 80 : index
      %swap3A_1201 = tpu.vector_load %arg7[%swap3A_1199, %swap3A_1200] {strides = array<i32>} : memref<8x128xi32, #tpu.memory_space<vmem>>, vector<16xi32>,
      tpu.vector_store %arg7[%swap3A_1199, %swap3A_1200], %mul3A_1197 {strides = array<i32>} : memref<8x128xi32, #tpu.memory_space<vmem>>, vector<16xi32>,
      %get3A_1202 = arith.constant 6 : i32
      %get3A_1203 = arith.index_cast %get3A_1202 : i32 to index
      %get3A_1204 = arith.constant 96 : index
      %get3A_1205 = tpu.vector_load %arg5[%get3A_1203, %get3A_1204] {strides = array<i32>} : memref<8x128xi32, #tpu.memory_space<vmem>>, vector<16xi32>,
      %shift_right_arithmetic3A_1206 = arith.constant 2 : i32
      %shift_right_arithmetic3A_1207 = vector.broadcast %shift_right_arithmetic3A_1206 : i32 to vector<16xi32>
      %shift_right_arithmetic3A_1208 = arith.shrsi %get3A_1205, %shift_right_arithmetic3A_1207 : vector<16xi32>
      %swap3A_1209 = arith.constant 6 : i32
      %swap3A_1210 = arith.index_cast %swap3A_1209 : i32 to index
      %swap3A_1211 = arith.constant 96 : index
      %swap3A_1212 = tpu.vector_load %arg6[%swap3A_1210, %swap3A_1211] {strides = array<i32>} : memref<8x128xi32, #tpu.memory_space<vmem>>, vector<16xi32>,
      tpu.vector_store %arg6[%swap3A_1210, %swap3A_1211], %shift_right_arithmetic3A_1208 {strides = array<i32>} : memref<8x128xi32, #tpu.memory_space<vmem>>, vector<16xi32>,
      %and3A_1213 = arith.constant 3 : i32
      %and3A_1214 = vector.broadcast %and3A_1213 : i32 to vector<16xi32>
      %and3A_1215 = arith.andi %get3A_1205, %and3A_1214 : vector<16xi32>
      %mul3A_1216 = arith.constant 32 : i32
      %mul3A_1217 = vector.broadcast %mul3A_1216 : i32 to vector<16xi32>
      %mul3A_1218 = arith.muli %and3A_1215, %mul3A_1217 : vector<16xi32>
      %swap3A_1219 = arith.constant 6 : i32
      %swap3A_1220 = arith.index_cast %swap3A_1219 : i32 to index
      %swap3A_1221 = arith.constant 96 : index
      %swap3A_1222 = tpu.vector_load %arg7[%swap3A_1220, %swap3A_1221] {strides = array<i32>} : memref<8x128xi32, #tpu.memory_space<vmem>>, vector<16xi32>,
      tpu.vector_store %arg7[%swap3A_1220, %swap3A_1221], %mul3A_1218 {strides = array<i32>} : memref<8x128xi32, #tpu.memory_space<vmem>>, vector<16xi32>,
      %get3A_1223 = arith.constant 6 : i32
      %get3A_1224 = arith.index_cast %get3A_1223 : i32 to index
      %get3A_1225 = arith.constant 112 : index
      %get3A_1226 = tpu.vector_load %arg5[%get3A_1224, %get3A_1225] {strides = array<i32>} : memref<8x128xi32, #tpu.memory_space<vmem>>, vector<16xi32>,
      %shift_right_arithmetic3A_1227 = arith.constant 2 : i32
      %shift_right_arithmetic3A_1228 = vector.broadcast %shift_right_arithmetic3A_1227 : i32 to vector<16xi32>
      %shift_right_arithmetic3A_1229 = arith.shrsi %get3A_1226, %shift_right_arithmetic3A_1228 : vector<16xi32>
      %swap3A_1230 = arith.constant 6 : i32
      %swap3A_1231 = arith.index_cast %swap3A_1230 : i32 to index
      %swap3A_1232 = arith.constant 112 : index
      %swap3A_1233 = tpu.vector_load %arg6[%swap3A_1231, %swap3A_1232] {strides = array<i32>} : memref<8x128xi32, #tpu.memory_space<vmem>>, vector<16xi32>,
      tpu.vector_store %arg6[%swap3A_1231, %swap3A_1232], %shift_right_arithmetic3A_1229 {strides = array<i32>} : memref<8x128xi32, #tpu.memory_space<vmem>>, vector<16xi32>,
      %and3A_1234 = arith.constant 3 : i32
      %and3A_1235 = vector.broadcast %and3A_1234 : i32 to vector<16xi32>
      %and3A_1236 = arith.andi %get3A_1226, %and3A_1235 : vector<16xi32>
      %mul3A_1237 = arith.constant 32 : i32
      %mul3A_1238 = vector.broadcast %mul3A_1237 : i32 to vector<16xi32>
      %mul3A_1239 = arith.muli %and3A_1236, %mul3A_1238 : vector<16xi32>
      %swap3A_1240 = arith.constant 6 : i32
      %swap3A_1241 = arith.index_cast %swap3A_1240 : i32 to index
      %swap3A_1242 = arith.constant 112 : index
      %swap3A_1243 = tpu.vector_load %arg7[%swap3A_1241, %swap3A_1242] {strides = array<i32>} : memref<8x128xi32, #tpu.memory_space<vmem>>, vector<16xi32>,
      tpu.vector_store %arg7[%swap3A_1241, %swap3A_1242], %mul3A_1239 {strides = array<i32>} : memref<8x128xi32, #tpu.memory_space<vmem>>, vector<16xi32>,
      %get3A_1244 = arith.constant 7 : i32
      %get3A_1245 = arith.index_cast %get3A_1244 : i32 to index
      %get3A_1246 = arith.constant 0 : index
      %get3A_1247 = tpu.vector_load %arg5[%get3A_1245, %get3A_1246] {strides = array<i32>} : memref<8x128xi32, #tpu.memory_space<vmem>>, vector<16xi32>,
      %shift_right_arithmetic3A_1248 = arith.constant 2 : i32
      %shift_right_arithmetic3A_1249 = vector.broadcast %shift_right_arithmetic3A_1248 : i32 to vector<16xi32>
      %shift_right_arithmetic3A_1250 = arith.shrsi %get3A_1247, %shift_right_arithmetic3A_1249 : vector<16xi32>
      %swap3A_1251 = arith.constant 7 : i32
      %swap3A_1252 = arith.index_cast %swap3A_1251 : i32 to index
      %swap3A_1253 = arith.constant 0 : index
      %swap3A_1254 = tpu.vector_load %arg6[%swap3A_1252, %swap3A_1253] {strides = array<i32>} : memref<8x128xi32, #tpu.memory_space<vmem>>, vector<16xi32>,
      tpu.vector_store %arg6[%swap3A_1252, %swap3A_1253], %shift_right_arithmetic3A_1250 {strides = array<i32>} : memref<8x128xi32, #tpu.memory_space<vmem>>, vector<16xi32>,
      %and3A_1255 = arith.constant 3 : i32
      %and3A_1256 = vector.broadcast %and3A_1255 : i32 to vector<16xi32>
      %and3A_1257 = arith.andi %get3A_1247, %and3A_1256 : vector<16xi32>
      %mul3A_1258 = arith.constant 32 : i32
      %mul3A_1259 = vector.broadcast %mul3A_1258 : i32 to vector<16xi32>
      %mul3A_1260 = arith.muli %and3A_1257, %mul3A_1259 : vector<16xi32>
      %swap3A_1261 = arith.constant 7 : i32
      %swap3A_1262 = arith.index_cast %swap3A_1261 : i32 to index
      %swap3A_1263 = arith.constant 0 : index
      %swap3A_1264 = tpu.vector_load %arg7[%swap3A_1262, %swap3A_1263] {strides = array<i32>} : memref<8x128xi32, #tpu.memory_space<vmem>>, vector<16xi32>,
      tpu.vector_store %arg7[%swap3A_1262, %swap3A_1263], %mul3A_1260 {strides = array<i32>} : memref<8x128xi32, #tpu.memory_space<vmem>>, vector<16xi32>,
      %get3A_1265 = arith.constant 7 : i32
      %get3A_1266 = arith.index_cast %get3A_1265 : i32 to index
      %get3A_1267 = arith.constant 16 : index
      %get3A_1268 = tpu.vector_load %arg5[%get3A_1266, %get3A_1267] {strides = array<i32>} : memref<8x128xi32, #tpu.memory_space<vmem>>, vector<16xi32>,
      %shift_right_arithmetic3A_1269 = arith.constant 2 : i32
      %shift_right_arithmetic3A_1270 = vector.broadcast %shift_right_arithmetic3A_1269 : i32 to vector<16xi32>
      %shift_right_arithmetic3A_1271 = arith.shrsi %get3A_1268, %shift_right_arithmetic3A_1270 : vector<16xi32>
      %swap3A_1272 = arith.constant 7 : i32
      %swap3A_1273 = arith.index_cast %swap3A_1272 : i32 to index
      %swap3A_1274 = arith.constant 16 : index
      %swap3A_1275 = tpu.vector_load %arg6[%swap3A_1273, %swap3A_1274] {strides = array<i32>} : memref<8x128xi32, #tpu.memory_space<vmem>>, vector<16xi32>,
      tpu.vector_store %arg6[%swap3A_1273, %swap3A_1274], %shift_right_arithmetic3A_1271 {strides = array<i32>} : memref<8x128xi32, #tpu.memory_space<vmem>>, vector<16xi32>,
      %and3A_1276 = arith.constant 3 : i32
      %and3A_1277 = vector.broadcast %and3A_1276 : i32 to vector<16xi32>
      %and3A_1278 = arith.andi %get3A_1268, %and3A_1277 : vector<16xi32>
      %mul3A_1279 = arith.constant 32 : i32
      %mul3A_1280 = vector.broadcast %mul3A_1279 : i32 to vector<16xi32>
      %mul3A_1281 = arith.muli %and3A_1278, %mul3A_1280 : vector<16xi32>
      %swap3A_1282 = arith.constant 7 : i32
      %swap3A_1283 = arith.index_cast %swap3A_1282 : i32 to index
      %swap3A_1284 = arith.constant 16 : index
      %swap3A_1285 = tpu.vector_load %arg7[%swap3A_1283, %swap3A_1284] {strides = array<i32>} : memref<8x128xi32, #tpu.memory_space<vmem>>, vector<16xi32>,
      tpu.vector_store %arg7[%swap3A_1283, %swap3A_1284], %mul3A_1281 {strides = array<i32>} : memref<8x128xi32, #tpu.memory_space<vmem>>, vector<16xi32>,
      %get3A_1286 = arith.constant 7 : i32
      %get3A_1287 = arith.index_cast %get3A_1286 : i32 to index
      %get3A_1288 = arith.constant 32 : index
      %get3A_1289 = tpu.vector_load %arg5[%get3A_1287, %get3A_1288] {strides = array<i32>} : memref<8x128xi32, #tpu.memory_space<vmem>>, vector<16xi32>,
      %shift_right_arithmetic3A_1290 = arith.constant 2 : i32
      %shift_right_arithmetic3A_1291 = vector.broadcast %shift_right_arithmetic3A_1290 : i32 to vector<16xi32>
      %shift_right_arithmetic3A_1292 = arith.shrsi %get3A_1289, %shift_right_arithmetic3A_1291 : vector<16xi32>
      %swap3A_1293 = arith.constant 7 : i32
      %swap3A_1294 = arith.index_cast %swap3A_1293 : i32 to index
      %swap3A_1295 = arith.constant 32 : index
      %swap3A_1296 = tpu.vector_load %arg6[%swap3A_1294, %swap3A_1295] {strides = array<i32>} : memref<8x128xi32, #tpu.memory_space<vmem>>, vector<16xi32>,
      tpu.vector_store %arg6[%swap3A_1294, %swap3A_1295], %shift_right_arithmetic3A_1292 {strides = array<i32>} : memref<8x128xi32, #tpu.memory_space<vmem>>, vector<16xi32>,
      %and3A_1297 = arith.constant 3 : i32
      %and3A_1298 = vector.broadcast %and3A_1297 : i32 to vector<16xi32>
      %and3A_1299 = arith.andi %get3A_1289, %and3A_1298 : vector<16xi32>
      %mul3A_1300 = arith.constant 32 : i32
      %mul3A_1301 = vector.broadcast %mul3A_1300 : i32 to vector<16xi32>
      %mul3A_1302 = arith.muli %and3A_1299, %mul3A_1301 : vector<16xi32>
      %swap3A_1303 = arith.constant 7 : i32
      %swap3A_1304 = arith.index_cast %swap3A_1303 : i32 to index
      %swap3A_1305 = arith.constant 32 : index
      %swap3A_1306 = tpu.vector_load %arg7[%swap3A_1304, %swap3A_1305] {strides = array<i32>} : memref<8x128xi32, #tpu.memory_space<vmem>>, vector<16xi32>,
      tpu.vector_store %arg7[%swap3A_1304, %swap3A_1305], %mul3A_1302 {strides = array<i32>} : memref<8x128xi32, #tpu.memory_space<vmem>>, vector<16xi32>,
      %get3A_1307 = arith.constant 7 : i32
      %get3A_1308 = arith.index_cast %get3A_1307 : i32 to index
      %get3A_1309 = arith.constant 48 : index
      %get3A_1310 = tpu.vector_load %arg5[%get3A_1308, %get3A_1309] {strides = array<i32>} : memref<8x128xi32, #tpu.memory_space<vmem>>, vector<16xi32>,
      %shift_right_arithmetic3A_1311 = arith.constant 2 : i32
      %shift_right_arithmetic3A_1312 = vector.broadcast %shift_right_arithmetic3A_1311 : i32 to vector<16xi32>
      %shift_right_arithmetic3A_1313 = arith.shrsi %get3A_1310, %shift_right_arithmetic3A_1312 : vector<16xi32>
      %swap3A_1314 = arith.constant 7 : i32
      %swap3A_1315 = arith.index_cast %swap3A_1314 : i32 to index
      %swap3A_1316 = arith.constant 48 : index
      %swap3A_1317 = tpu.vector_load %arg6[%swap3A_1315, %swap3A_1316] {strides = array<i32>} : memref<8x128xi32, #tpu.memory_space<vmem>>, vector<16xi32>,
      tpu.vector_store %arg6[%swap3A_1315, %swap3A_1316], %shift_right_arithmetic3A_1313 {strides = array<i32>} : memref<8x128xi32, #tpu.memory_space<vmem>>, vector<16xi32>,
      %and3A_1318 = arith.constant 3 : i32
      %and3A_1319 = vector.broadcast %and3A_1318 : i32 to vector<16xi32>
      %and3A_1320 = arith.andi %get3A_1310, %and3A_1319 : vector<16xi32>
      %mul3A_1321 = arith.constant 32 : i32
      %mul3A_1322 = vector.broadcast %mul3A_1321 : i32 to vector<16xi32>
      %mul3A_1323 = arith.muli %and3A_1320, %mul3A_1322 : vector<16xi32>
      %swap3A_1324 = arith.constant 7 : i32
      %swap3A_1325 = arith.index_cast %swap3A_1324 : i32 to index
      %swap3A_1326 = arith.constant 48 : index
      %swap3A_1327 = tpu.vector_load %arg7[%swap3A_1325, %swap3A_1326] {strides = array<i32>} : memref<8x128xi32, #tpu.memory_space<vmem>>, vector<16xi32>,
      tpu.vector_store %arg7[%swap3A_1325, %swap3A_1326], %mul3A_1323 {strides = array<i32>} : memref<8x128xi32, #tpu.memory_space<vmem>>, vector<16xi32>,
      %get3A_1328 = arith.constant 7 : i32
      %get3A_1329 = arith.index_cast %get3A_1328 : i32 to index
      %get3A_1330 = arith.constant 64 : index
      %get3A_1331 = tpu.vector_load %arg5[%get3A_1329, %get3A_1330] {strides = array<i32>} : memref<8x128xi32, #tpu.memory_space<vmem>>, vector<16xi32>,
      %shift_right_arithmetic3A_1332 = arith.constant 2 : i32
      %shift_right_arithmetic3A_1333 = vector.broadcast %shift_right_arithmetic3A_1332 : i32 to vector<16xi32>
      %shift_right_arithmetic3A_1334 = arith.shrsi %get3A_1331, %shift_right_arithmetic3A_1333 : vector<16xi32>
      %swap3A_1335 = arith.constant 7 : i32
      %swap3A_1336 = arith.index_cast %swap3A_1335 : i32 to index
      %swap3A_1337 = arith.constant 64 : index
      %swap3A_1338 = tpu.vector_load %arg6[%swap3A_1336, %swap3A_1337] {strides = array<i32>} : memref<8x128xi32, #tpu.memory_space<vmem>>, vector<16xi32>,
      tpu.vector_store %arg6[%swap3A_1336, %swap3A_1337], %shift_right_arithmetic3A_1334 {strides = array<i32>} : memref<8x128xi32, #tpu.memory_space<vmem>>, vector<16xi32>,
      %and3A_1339 = arith.constant 3 : i32
      %and3A_1340 = vector.broadcast %and3A_1339 : i32 to vector<16xi32>
      %and3A_1341 = arith.andi %get3A_1331, %and3A_1340 : vector<16xi32>
      %mul3A_1342 = arith.constant 32 : i32
      %mul3A_1343 = vector.broadcast %mul3A_1342 : i32 to vector<16xi32>
      %mul3A_1344 = arith.muli %and3A_1341, %mul3A_1343 : vector<16xi32>
      %swap3A_1345 = arith.constant 7 : i32
      %swap3A_1346 = arith.index_cast %swap3A_1345 : i32 to index
      %swap3A_1347 = arith.constant 64 : index
      %swap3A_1348 = tpu.vector_load %arg7[%swap3A_1346, %swap3A_1347] {strides = array<i32>} : memref<8x128xi32, #tpu.memory_space<vmem>>, vector<16xi32>,
      tpu.vector_store %arg7[%swap3A_1346, %swap3A_1347], %mul3A_1344 {strides = array<i32>} : memref<8x128xi32, #tpu.memory_space<vmem>>, vector<16xi32>,
      %get3A_1349 = arith.constant 7 : i32
      %get3A_1350 = arith.index_cast %get3A_1349 : i32 to index
      %get3A_1351 = arith.constant 80 : index
      %get3A_1352 = tpu.vector_load %arg5[%get3A_1350, %get3A_1351] {strides = array<i32>} : memref<8x128xi32, #tpu.memory_space<vmem>>, vector<16xi32>,
      %shift_right_arithmetic3A_1353 = arith.constant 2 : i32
      %shift_right_arithmetic3A_1354 = vector.broadcast %shift_right_arithmetic3A_1353 : i32 to vector<16xi32>
      %shift_right_arithmetic3A_1355 = arith.shrsi %get3A_1352, %shift_right_arithmetic3A_1354 : vector<16xi32>
      %swap3A_1356 = arith.constant 7 : i32
      %swap3A_1357 = arith.index_cast %swap3A_1356 : i32 to index
      %swap3A_1358 = arith.constant 80 : index
      %swap3A_1359 = tpu.vector_load %arg6[%swap3A_1357, %swap3A_1358] {strides = array<i32>} : memref<8x128xi32, #tpu.memory_space<vmem>>, vector<16xi32>,
      tpu.vector_store %arg6[%swap3A_1357, %swap3A_1358], %shift_right_arithmetic3A_1355 {strides = array<i32>} : memref<8x128xi32, #tpu.memory_space<vmem>>, vector<16xi32>,
      %and3A_1360 = arith.constant 3 : i32
      %and3A_1361 = vector.broadcast %and3A_1360 : i32 to vector<16xi32>
      %and3A_1362 = arith.andi %get3A_1352, %and3A_1361 : vector<16xi32>
      %mul3A_1363 = arith.constant 32 : i32
      %mul3A_1364 = vector.broadcast %mul3A_1363 : i32 to vector<16xi32>
      %mul3A_1365 = arith.muli %and3A_1362, %mul3A_1364 : vector<16xi32>
      %swap3A_1366 = arith.constant 7 : i32
      %swap3A_1367 = arith.index_cast %swap3A_1366 : i32 to index
      %swap3A_1368 = arith.constant 80 : index
      %swap3A_1369 = tpu.vector_load %arg7[%swap3A_1367, %swap3A_1368] {strides = array<i32>} : memref<8x128xi32, #tpu.memory_space<vmem>>, vector<16xi32>,
      tpu.vector_store %arg7[%swap3A_1367, %swap3A_1368], %mul3A_1365 {strides = array<i32>} : memref<8x128xi32, #tpu.memory_space<vmem>>, vector<16xi32>,
      %get3A_1370 = arith.constant 7 : i32
      %get3A_1371 = arith.index_cast %get3A_1370 : i32 to index
      %get3A_1372 = arith.constant 96 : index
      %get3A_1373 = tpu.vector_load %arg5[%get3A_1371, %get3A_1372] {strides = array<i32>} : memref<8x128xi32, #tpu.memory_space<vmem>>, vector<16xi32>,
      %shift_right_arithmetic3A_1374 = arith.constant 2 : i32
      %shift_right_arithmetic3A_1375 = vector.broadcast %shift_right_arithmetic3A_1374 : i32 to vector<16xi32>
      %shift_right_arithmetic3A_1376 = arith.shrsi %get3A_1373, %shift_right_arithmetic3A_1375 : vector<16xi32>
      %swap3A_1377 = arith.constant 7 : i32
      %swap3A_1378 = arith.index_cast %swap3A_1377 : i32 to index
      %swap3A_1379 = arith.constant 96 : index
      %swap3A_1380 = tpu.vector_load %arg6[%swap3A_1378, %swap3A_1379] {strides = array<i32>} : memref<8x128xi32, #tpu.memory_space<vmem>>, vector<16xi32>,
      tpu.vector_store %arg6[%swap3A_1378, %swap3A_1379], %shift_right_arithmetic3A_1376 {strides = array<i32>} : memref<8x128xi32, #tpu.memory_space<vmem>>, vector<16xi32>,
      %and3A_1381 = arith.constant 3 : i32
      %and3A_1382 = vector.broadcast %and3A_1381 : i32 to vector<16xi32>
      %and3A_1383 = arith.andi %get3A_1373, %and3A_1382 : vector<16xi32>
      %mul3A_1384 = arith.constant 32 : i32
      %mul3A_1385 = vector.broadcast %mul3A_1384 : i32 to vector<16xi32>
      %mul3A_1386 = arith.muli %and3A_1383, %mul3A_1385 : vector<16xi32>
      %swap3A_1387 = arith.constant 7 : i32
      %swap3A_1388 = arith.index_cast %swap3A_1387 : i32 to index
      %swap3A_1389 = arith.constant 96 : index
      %swap3A_1390 = tpu.vector_load %arg7[%swap3A_1388, %swap3A_1389] {strides = array<i32>} : memref<8x128xi32, #tpu.memory_space<vmem>>, vector<16xi32>,
      tpu.vector_store %arg7[%swap3A_1388, %swap3A_1389], %mul3A_1386 {strides = array<i32>} : memref<8x128xi32, #tpu.memory_space<vmem>>, vector<16xi32>,
      %get3A_1391 = arith.constant 7 : i32
      %get3A_1392 = arith.index_cast %get3A_1391 : i32 to index
      %get3A_1393 = arith.constant 112 : index
      %get3A_1394 = tpu.vector_load %arg5[%get3A_1392, %get3A_1393] {strides = array<i32>} : memref<8x128xi32, #tpu.memory_space<vmem>>, vector<16xi32>,
      %shift_right_arithmetic3A_1395 = arith.constant 2 : i32
      %shift_right_arithmetic3A_1396 = vector.broadcast %shift_right_arithmetic3A_1395 : i32 to vector<16xi32>
      %shift_right_arithmetic3A_1397 = arith.shrsi %get3A_1394, %shift_right_arithmetic3A_1396 : vector<16xi32>
      %swap3A_1398 = arith.constant 7 : i32
      %swap3A_1399 = arith.index_cast %swap3A_1398 : i32 to index
      %swap3A_1400 = arith.constant 112 : index
      %swap3A_1401 = tpu.vector_load %arg6[%swap3A_1399, %swap3A_1400] {strides = array<i32>} : memref<8x128xi32, #tpu.memory_space<vmem>>, vector<16xi32>,
      tpu.vector_store %arg6[%swap3A_1399, %swap3A_1400], %shift_right_arithmetic3A_1397 {strides = array<i32>} : memref<8x128xi32, #tpu.memory_space<vmem>>, vector<16xi32>,
      %and3A_1402 = arith.constant 3 : i32
      %and3A_1403 = vector.broadcast %and3A_1402 : i32 to vector<16xi32>
      %and3A_1404 = arith.andi %get3A_1394, %and3A_1403 : vector<16xi32>
      %mul3A_1405 = arith.constant 32 : i32
      %mul3A_1406 = vector.broadcast %mul3A_1405 : i32 to vector<16xi32>
      %mul3A_1407 = arith.muli %and3A_1404, %mul3A_1406 : vector<16xi32>
      %swap3A_1408 = arith.constant 7 : i32
      %swap3A_1409 = arith.index_cast %swap3A_1408 : i32 to index
      %swap3A_1410 = arith.constant 112 : index
      %swap3A_1411 = tpu.vector_load %arg7[%swap3A_1409, %swap3A_1410] {strides = array<i32>} : memref<8x128xi32, #tpu.memory_space<vmem>>, vector<16xi32>,
      tpu.vector_store %arg7[%swap3A_1409, %swap3A_1410], %mul3A_1407 {strides = array<i32>} : memref<8x128xi32, #tpu.memory_space<vmem>>, vector<16xi32>,
      %mul3A_1412 = arith.constant 8 : i32
      %mul3A_1413 = arith.muli %select_n3A, %mul3A_1412 : i32
      %add3A_1414 = arith.constant 0 : i32
      %add3A_1415 = arith.addi %mul3A_1413, %add3A_1414 : i32
      %lt3A_1416 = arith.constant 50 : i32
      %lt3A_1417 = arith.cmpi slt, %add3A_1415, %lt3A_1416 : i32
      %convert_element_type3A = arith.extui %lt3A_1417 : i1 to i32
      %cond3A = arith.constant 0 : i32
      %cond3A_1418 = arith.cmpi ne, %convert_element_type3A, %cond3A : i32
      scf.if %cond3A_1418 {
        %dma_start3A_1572 = arith.constant 0 : i32
        %dma_start3A_1573 = arith.constant 0 : i32
        %dma_start3A_1574 = tpu.memref_slice %arg6[%dma_start3A_1572, %dma_start3A_1573] : memref<8x128xi32, #tpu.memory_space<vmem>> -> memref<1x128xi32, #tpu.memory_space<vmem>>
        %dma_start3A_1575 = tpu.memref_squeeze %dma_start3A_1574 : memref<1x128xi32, #tpu.memory_space<vmem>> -> memref<128xi32, #tpu.memory_space<vmem>>
        %dma_start3A_1576 = arith.constant 0 : i32
        %dma_start3A_1577 = arith.constant 0 : i32
        %dma_start3A_1578 = tpu.memref_slice %arg2[%dma_start3A_1576, %dma_start3A_1577] : memref<250016x128xf32, #tpu.memory_space<hbm>> -> memref<250016x128xf32, #tpu.memory_space<hbm>>
        tpu.enqueue_indirect_dma source(%dma_start3A_1578 : memref<250016x128xf32, #tpu.memory_space<hbm>>) target(%arg8 : memref<128x128xf32, #tpu.memory_space<vmem>>) offsets(%dma_start3A_1575 : memref<128xi32, #tpu.memory_space<vmem>>) semaphore(%arg13 : memref<!tpu.dma_semaphore, #tpu.memory_space<semaphore_mem>>)
      } else {
      }
      %mul3A_1419 = arith.constant 8 : i32
      %mul3A_1420 = arith.muli %select_n3A, %mul3A_1419 : i32
      %add3A_1421 = arith.constant 1 : i32
      %add3A_1422 = arith.addi %mul3A_1420, %add3A_1421 : i32
      %lt3A_1423 = arith.constant 50 : i32
      %lt3A_1424 = arith.cmpi slt, %add3A_1422, %lt3A_1423 : i32
      %convert_element_type3A_1425 = arith.extui %lt3A_1424 : i1 to i32
      %cond3A_1426 = arith.constant 0 : i32
      %cond3A_1427 = arith.cmpi ne, %convert_element_type3A_1425, %cond3A_1426 : i32
      scf.if %cond3A_1427 {
        %dma_start3A_1572 = arith.constant 1 : i32
        %dma_start3A_1573 = arith.constant 0 : i32
        %dma_start3A_1574 = tpu.memref_slice %arg6[%dma_start3A_1572, %dma_start3A_1573] : memref<8x128xi32, #tpu.memory_space<vmem>> -> memref<1x128xi32, #tpu.memory_space<vmem>>
        %dma_start3A_1575 = tpu.memref_squeeze %dma_start3A_1574 : memref<1x128xi32, #tpu.memory_space<vmem>> -> memref<128xi32, #tpu.memory_space<vmem>>
        %dma_start3A_1576 = arith.constant 0 : i32
        %dma_start3A_1577 = arith.constant 0 : i32
        %dma_start3A_1578 = tpu.memref_slice %arg2[%dma_start3A_1576, %dma_start3A_1577] : memref<250016x128xf32, #tpu.memory_space<hbm>> -> memref<250016x128xf32, #tpu.memory_space<hbm>>
        tpu.enqueue_indirect_dma source(%dma_start3A_1578 : memref<250016x128xf32, #tpu.memory_space<hbm>>) target(%arg9 : memref<128x128xf32, #tpu.memory_space<vmem>>) offsets(%dma_start3A_1575 : memref<128xi32, #tpu.memory_space<vmem>>) semaphore(%arg14 : memref<!tpu.dma_semaphore, #tpu.memory_space<semaphore_mem>>)
      } else {
      }
      %mul3A_1428 = arith.constant 8 : i32
      %mul3A_1429 = arith.muli %select_n3A, %mul3A_1428 : i32
      %add3A_1430 = arith.constant 0 : i32
      %add3A_1431 = arith.addi %mul3A_1429, %add3A_1430 : i32
      %lt3A_1432 = arith.constant 50 : i32
      %lt3A_1433 = arith.cmpi slt, %add3A_1431, %lt3A_1432 : i32
      %convert_element_type3A_1434 = arith.extui %lt3A_1433 : i1 to i32
      %cond3A_1435 = arith.constant 0 : i32
      %cond3A_1436 = arith.cmpi ne, %convert_element_type3A_1434, %cond3A_1435 : i32
      scf.if %cond3A_1436 {
        %dma_wait3A_1572 = arith.constant 0 : i32
        %dma_wait3A_1573 = arith.constant 0 : i32
        %dma_wait3A_1574 = tpu.memref_slice %arg6[%dma_wait3A_1572, %dma_wait3A_1573] : memref<8x128xi32, #tpu.memory_space<vmem>> -> memref<1x128xi32, #tpu.memory_space<vmem>>
        %dma_wait3A_1575 = tpu.memref_squeeze %dma_wait3A_1574 : memref<1x128xi32, #tpu.memory_space<vmem>> -> memref<128xi32, #tpu.memory_space<vmem>>
        %dma_wait3A_1576 = arith.constant 0 : i32
        %dma_wait3A_1577 = arith.constant 0 : i32
        %dma_wait3A_1578 = tpu.memref_slice %arg2[%dma_wait3A_1576, %dma_wait3A_1577] : memref<250016x128xf32, #tpu.memory_space<hbm>> -> memref<250016x128xf32, #tpu.memory_space<hbm>>
        tpu.wait_indirect_dma semaphore(%arg13 : memref<!tpu.dma_semaphore, #tpu.memory_space<semaphore_mem>>) src(%dma_wait3A_1578 : memref<250016x128xf32, #tpu.memory_space<hbm>>) dst(%arg8 : memref<128x128xf32, #tpu.memory_space<vmem>>)
        %get3A_1579 = arith.constant 0 : i32
        %get3A_1580 = arith.index_cast %get3A_1579 : i32 to index
        %get3A_1581 = arith.constant 0 : index
        %get3A_1582 = tpu.vector_load %arg7[%get3A_1580, %get3A_1581] {strides = array<i32>} : memref<8x128xi32, #tpu.memory_space<vmem>>, vector<16xi32>,
        %get3A_1583 = arith.constant 0 : i32
        %get3A_1584 = arith.index_cast %get3A_1583 : i32 to index
        %get3A_1585 = arith.constant 16 : index
        %get3A_1586 = tpu.vector_load %arg7[%get3A_1584, %get3A_1585] {strides = array<i32>} : memref<8x128xi32, #tpu.memory_space<vmem>>, vector<16xi32>,
        %get3A_1587 = arith.constant 0 : i32
        %get3A_1588 = arith.index_cast %get3A_1587 : i32 to index
        %get3A_1589 = arith.constant 32 : index
        %get3A_1590 = tpu.vector_load %arg7[%get3A_1588, %get3A_1589] {strides = array<i32>} : memref<8x128xi32, #tpu.memory_space<vmem>>, vector<16xi32>,
        %get3A_1591 = arith.constant 0 : i32
        %get3A_1592 = arith.index_cast %get3A_1591 : i32 to index
        %get3A_1593 = arith.constant 48 : index
        %get3A_1594 = tpu.vector_load %arg7[%get3A_1592, %get3A_1593] {strides = array<i32>} : memref<8x128xi32, #tpu.memory_space<vmem>>, vector<16xi32>,
        %get3A_1595 = arith.constant 0 : i32
        %get3A_1596 = arith.index_cast %get3A_1595 : i32 to index
        %get3A_1597 = arith.constant 64 : index
        %get3A_1598 = tpu.vector_load %arg7[%get3A_1596, %get3A_1597] {strides = array<i32>} : memref<8x128xi32, #tpu.memory_space<vmem>>, vector<16xi32>,
        %get3A_1599 = arith.constant 0 : i32
        %get3A_1600 = arith.index_cast %get3A_1599 : i32 to index
        %get3A_1601 = arith.constant 80 : index
        %get3A_1602 = tpu.vector_load %arg7[%get3A_1600, %get3A_1601] {strides = array<i32>} : memref<8x128xi32, #tpu.memory_space<vmem>>, vector<16xi32>,
        %get3A_1603 = arith.constant 0 : i32
        %get3A_1604 = arith.index_cast %get3A_1603 : i32 to index
        %get3A_1605 = arith.constant 96 : index
        %get3A_1606 = tpu.vector_load %arg7[%get3A_1604, %get3A_1605] {strides = array<i32>} : memref<8x128xi32, #tpu.memory_space<vmem>>, vector<16xi32>,
        %get3A_1607 = arith.constant 0 : i32
        %get3A_1608 = arith.index_cast %get3A_1607 : i32 to index
        %get3A_1609 = arith.constant 112 : index
        %get3A_1610 = tpu.vector_load %arg7[%get3A_1608, %get3A_1609] {strides = array<i32>} : memref<8x128xi32, #tpu.memory_space<vmem>>, vector<16xi32>,
        %parallel_loop3A = arith.constant 0 : i32
        %parallel_loop3A_1611 = arith.constant 32 : i32
        %parallel_loop3A_1612 = arith.constant 1 : i32
        scf.for %parallel_loop3A_1626 = %parallel_loop3A to %parallel_loop3A_1611 step %parallel_loop3A_1612  : i32 {
          %parallel_loop3A_1627 = vector.broadcast %parallel_loop3A_1626 : i32 to vector<16xi32>
          %parallel_loop3A_1628 = arith.addi %get3A_1582, %parallel_loop3A_1627 : vector<16xi32>
          %parallel_loop3A_1629 = tpu.vector_load_idx %arg8[%add3A_3, %parallel_loop3A_1628] : memref<128x128xf32, #tpu.memory_space<vmem>>[vector<16xi32>, vector<16xi32>], vector<16xf32>,
          %parallel_loop3A_1630 = vector.broadcast %parallel_loop3A_1626 : i32 to vector<16xi32>
          %parallel_loop3A_1631 = arith.addi %get3A_1586, %parallel_loop3A_1630 : vector<16xi32>
          %parallel_loop3A_1632 = tpu.vector_load_idx %arg8[%add3A_6, %parallel_loop3A_1631] : memref<128x128xf32, #tpu.memory_space<vmem>>[vector<16xi32>, vector<16xi32>], vector<16xf32>,
          %parallel_loop3A_1633 = vector.broadcast %parallel_loop3A_1626 : i32 to vector<16xi32>
          %parallel_loop3A_1634 = arith.addi %get3A_1590, %parallel_loop3A_1633 : vector<16xi32>
          %parallel_loop3A_1635 = tpu.vector_load_idx %arg8[%add3A_9, %parallel_loop3A_1634] : memref<128x128xf32, #tpu.memory_space<vmem>>[vector<16xi32>, vector<16xi32>], vector<16xf32>,
          %parallel_loop3A_1636 = vector.broadcast %parallel_loop3A_1626 : i32 to vector<16xi32>
          %parallel_loop3A_1637 = arith.addi %get3A_1594, %parallel_loop3A_1636 : vector<16xi32>
          %parallel_loop3A_1638 = tpu.vector_load_idx %arg8[%add3A_12, %parallel_loop3A_1637] : memref<128x128xf32, #tpu.memory_space<vmem>>[vector<16xi32>, vector<16xi32>], vector<16xf32>,
          %parallel_loop3A_1639 = vector.broadcast %parallel_loop3A_1626 : i32 to vector<16xi32>
          %parallel_loop3A_1640 = arith.addi %get3A_1598, %parallel_loop3A_1639 : vector<16xi32>
          %parallel_loop3A_1641 = tpu.vector_load_idx %arg8[%add3A_15, %parallel_loop3A_1640] : memref<128x128xf32, #tpu.memory_space<vmem>>[vector<16xi32>, vector<16xi32>], vector<16xf32>,
          %parallel_loop3A_1642 = vector.broadcast %parallel_loop3A_1626 : i32 to vector<16xi32>
          %parallel_loop3A_1643 = arith.addi %get3A_1602, %parallel_loop3A_1642 : vector<16xi32>
          %parallel_loop3A_1644 = tpu.vector_load_idx %arg8[%add3A_18, %parallel_loop3A_1643] : memref<128x128xf32, #tpu.memory_space<vmem>>[vector<16xi32>, vector<16xi32>], vector<16xf32>,
          %parallel_loop3A_1645 = vector.broadcast %parallel_loop3A_1626 : i32 to vector<16xi32>
          %parallel_loop3A_1646 = arith.addi %get3A_1606, %parallel_loop3A_1645 : vector<16xi32>
          %parallel_loop3A_1647 = tpu.vector_load_idx %arg8[%add3A_21, %parallel_loop3A_1646] : memref<128x128xf32, #tpu.memory_space<vmem>>[vector<16xi32>, vector<16xi32>], vector<16xf32>,
          %parallel_loop3A_1648 = vector.broadcast %parallel_loop3A_1626 : i32 to vector<16xi32>
          %parallel_loop3A_1649 = arith.addi %get3A_1610, %parallel_loop3A_1648 : vector<16xi32>
          %parallel_loop3A_1650 = tpu.vector_load_idx %arg8[%add3A_24, %parallel_loop3A_1649] : memref<128x128xf32, #tpu.memory_space<vmem>>[vector<16xi32>, vector<16xi32>], vector<16xf32>,
          %parallel_loop3A_1651 = arith.index_cast %parallel_loop3A_1626 : i32 to index
          %parallel_loop3A_1652 = arith.constant 0 : index
          %parallel_loop3A_1653 = tpu.vector_load %arg10[%parallel_loop3A_1651, %parallel_loop3A_1652] {strides = array<i32>} : memref<32x128xf32, #tpu.memory_space<vmem>>, vector<16xf32>,
          tpu.vector_store %arg10[%parallel_loop3A_1651, %parallel_loop3A_1652], %parallel_loop3A_1629 {strides = array<i32>} : memref<32x128xf32, #tpu.memory_space<vmem>>, vector<16xf32>,
          %parallel_loop3A_1654 = arith.index_cast %parallel_loop3A_1626 : i32 to index
          %parallel_loop3A_1655 = arith.constant 16 : index
          %parallel_loop3A_1656 = tpu.vector_load %arg10[%parallel_loop3A_1654, %parallel_loop3A_1655] {strides = array<i32>} : memref<32x128xf32, #tpu.memory_space<vmem>>, vector<16xf32>,
          tpu.vector_store %arg10[%parallel_loop3A_1654, %parallel_loop3A_1655], %parallel_loop3A_1632 {strides = array<i32>} : memref<32x128xf32, #tpu.memory_space<vmem>>, vector<16xf32>,
          %parallel_loop3A_1657 = arith.index_cast %parallel_loop3A_1626 : i32 to index
          %parallel_loop3A_1658 = arith.constant 32 : index
          %parallel_loop3A_1659 = tpu.vector_load %arg10[%parallel_loop3A_1657, %parallel_loop3A_1658] {strides = array<i32>} : memref<32x128xf32, #tpu.memory_space<vmem>>, vector<16xf32>,
          tpu.vector_store %arg10[%parallel_loop3A_1657, %parallel_loop3A_1658], %parallel_loop3A_1635 {strides = array<i32>} : memref<32x128xf32, #tpu.memory_space<vmem>>, vector<16xf32>,
          %parallel_loop3A_1660 = arith.index_cast %parallel_loop3A_1626 : i32 to index
          %parallel_loop3A_1661 = arith.constant 48 : index
          %parallel_loop3A_1662 = tpu.vector_load %arg10[%parallel_loop3A_1660, %parallel_loop3A_1661] {strides = array<i32>} : memref<32x128xf32, #tpu.memory_space<vmem>>, vector<16xf32>,
          tpu.vector_store %arg10[%parallel_loop3A_1660, %parallel_loop3A_1661], %parallel_loop3A_1638 {strides = array<i32>} : memref<32x128xf32, #tpu.memory_space<vmem>>, vector<16xf32>,
          %parallel_loop3A_1663 = arith.index_cast %parallel_loop3A_1626 : i32 to index
          %parallel_loop3A_1664 = arith.constant 64 : index
          %parallel_loop3A_1665 = tpu.vector_load %arg10[%parallel_loop3A_1663, %parallel_loop3A_1664] {strides = array<i32>} : memref<32x128xf32, #tpu.memory_space<vmem>>, vector<16xf32>,
          tpu.vector_store %arg10[%parallel_loop3A_1663, %parallel_loop3A_1664], %parallel_loop3A_1641 {strides = array<i32>} : memref<32x128xf32, #tpu.memory_space<vmem>>, vector<16xf32>,
          %parallel_loop3A_1666 = arith.index_cast %parallel_loop3A_1626 : i32 to index
          %parallel_loop3A_1667 = arith.constant 80 : index
          %parallel_loop3A_1668 = tpu.vector_load %arg10[%parallel_loop3A_1666, %parallel_loop3A_1667] {strides = array<i32>} : memref<32x128xf32, #tpu.memory_space<vmem>>, vector<16xf32>,
          tpu.vector_store %arg10[%parallel_loop3A_1666, %parallel_loop3A_1667], %parallel_loop3A_1644 {strides = array<i32>} : memref<32x128xf32, #tpu.memory_space<vmem>>, vector<16xf32>,
          %parallel_loop3A_1669 = arith.index_cast %parallel_loop3A_1626 : i32 to index
          %parallel_loop3A_1670 = arith.constant 96 : index
          %parallel_loop3A_1671 = tpu.vector_load %arg10[%parallel_loop3A_1669, %parallel_loop3A_1670] {strides = array<i32>} : memref<32x128xf32, #tpu.memory_space<vmem>>, vector<16xf32>,
          tpu.vector_store %arg10[%parallel_loop3A_1669, %parallel_loop3A_1670], %parallel_loop3A_1647 {strides = array<i32>} : memref<32x128xf32, #tpu.memory_space<vmem>>, vector<16xf32>,
          %parallel_loop3A_1672 = arith.index_cast %parallel_loop3A_1626 : i32 to index
          %parallel_loop3A_1673 = arith.constant 112 : index
          %parallel_loop3A_1674 = tpu.vector_load %arg10[%parallel_loop3A_1672, %parallel_loop3A_1673] {strides = array<i32>} : memref<32x128xf32, #tpu.memory_space<vmem>>, vector<16xf32>,
          tpu.vector_store %arg10[%parallel_loop3A_1672, %parallel_loop3A_1673], %parallel_loop3A_1650 {strides = array<i32>} : memref<32x128xf32, #tpu.memory_space<vmem>>, vector<16xf32>,
        } {sc.loop_unroll_factor = 4 : i64, sc.parallel_access}
        %mul3A_1613 = arith.constant 8 : i32
        %mul3A_1614 = arith.muli %select_n3A, %mul3A_1613 : i32
        %add3A_1615 = arith.constant 0 : i32
        %add3A_1616 = arith.addi %mul3A_1614, %add3A_1615 : i32
        %mul3A_1617 = arith.constant 128 : i32
        %mul3A_1618 = arith.muli %select_n3A_63, %mul3A_1617 : i32
        %multiple_of3A_1619 = tpu.assume_multiple %mul3A_1618, 128 : i32
        %dma_start3A_1620 = arith.constant 0 : i32
        %dma_start3A_1621 = tpu.memref_slice %arg4[%add3A_1616, %dma_start3A_1620, %multiple_of3A_1619] : memref<50x32x16384xf32, #tpu.memory_space<hbm>> -> memref<1x32x128xf32, #tpu.memory_space<hbm>>
        %dma_start3A_1622 = tpu.memref_squeeze %dma_start3A_1621 : memref<1x32x128xf32, #tpu.memory_space<hbm>> -> memref<32x128xf32, #tpu.memory_space<hbm>>
        %dma_start3A_1623 = arith.constant 0 : i32
        %dma_start3A_1624 = tpu.memref_slice %arg4[%add3A_1616, %dma_start3A_1623, %multiple_of3A_1619] : memref<50x32x16384xf32, #tpu.memory_space<hbm>> -> memref<1x32x128xf32, #tpu.memory_space<hbm>>
        %dma_start3A_1625 = tpu.memref_squeeze %dma_start3A_1624 : memref<1x32x128xf32, #tpu.memory_space<hbm>> -> memref<32x128xf32, #tpu.memory_space<hbm>>
        tpu.enqueue_dma source(%arg10 : memref<32x128xf32, #tpu.memory_space<vmem>>) target(%dma_start3A_1625 : memref<32x128xf32, #tpu.memory_space<hbm>>) target_semaphore(%arg15 : memref<!tpu.dma_semaphore, #tpu.memory_space<semaphore_mem>>)
      } else {
      }
      %mul3A_1437 = arith.constant 8 : i32
      %mul3A_1438 = arith.muli %select_n3A, %mul3A_1437 : i32
      %add3A_1439 = arith.constant 2 : i32
      %add3A_1440 = arith.addi %mul3A_1438, %add3A_1439 : i32
      %lt3A_1441 = arith.constant 50 : i32
      %lt3A_1442 = arith.cmpi slt, %add3A_1440, %lt3A_1441 : i32
      %convert_element_type3A_1443 = arith.extui %lt3A_1442 : i1 to i32
      %cond3A_1444 = arith.constant 0 : i32
      %cond3A_1445 = arith.cmpi ne, %convert_element_type3A_1443, %cond3A_1444 : i32
      scf.if %cond3A_1445 {
        %dma_start3A_1572 = arith.constant 2 : i32
        %dma_start3A_1573 = arith.constant 0 : i32
        %dma_start3A_1574 = tpu.memref_slice %arg6[%dma_start3A_1572, %dma_start3A_1573] : memref<8x128xi32, #tpu.memory_space<vmem>> -> memref<1x128xi32, #tpu.memory_space<vmem>>
        %dma_start3A_1575 = tpu.memref_squeeze %dma_start3A_1574 : memref<1x128xi32, #tpu.memory_space<vmem>> -> memref<128xi32, #tpu.memory_space<vmem>>
        %dma_start3A_1576 = arith.constant 0 : i32
        %dma_start3A_1577 = arith.constant 0 : i32
        %dma_start3A_1578 = tpu.memref_slice %arg2[%dma_start3A_1576, %dma_start3A_1577] : memref<250016x128xf32, #tpu.memory_space<hbm>> -> memref<250016x128xf32, #tpu.memory_space<hbm>>
        tpu.enqueue_indirect_dma source(%dma_start3A_1578 : memref<250016x128xf32, #tpu.memory_space<hbm>>) target(%arg8 : memref<128x128xf32, #tpu.memory_space<vmem>>) offsets(%dma_start3A_1575 : memref<128xi32, #tpu.memory_space<vmem>>) semaphore(%arg13 : memref<!tpu.dma_semaphore, #tpu.memory_space<semaphore_mem>>)
      } else {
      }
      %mul3A_1446 = arith.constant 8 : i32
      %mul3A_1447 = arith.muli %select_n3A, %mul3A_1446 : i32
      %add3A_1448 = arith.constant 1 : i32
      %add3A_1449 = arith.addi %mul3A_1447, %add3A_1448 : i32
      %lt3A_1450 = arith.constant 50 : i32
      %lt3A_1451 = arith.cmpi slt, %add3A_1449, %lt3A_1450 : i32
      %convert_element_type3A_1452 = arith.extui %lt3A_1451 : i1 to i32
      %cond3A_1453 = arith.constant 0 : i32
      %cond3A_1454 = arith.cmpi ne, %convert_element_type3A_1452, %cond3A_1453 : i32
      scf.if %cond3A_1454 {
        %dma_wait3A_1572 = arith.constant 0 : i32
        %dma_wait3A_1573 = arith.constant 0 : i32
        %dma_wait3A_1574 = tpu.memref_slice %arg6[%dma_wait3A_1572, %dma_wait3A_1573] : memref<8x128xi32, #tpu.memory_space<vmem>> -> memref<1x128xi32, #tpu.memory_space<vmem>>
        %dma_wait3A_1575 = tpu.memref_squeeze %dma_wait3A_1574 : memref<1x128xi32, #tpu.memory_space<vmem>> -> memref<128xi32, #tpu.memory_space<vmem>>
        %dma_wait3A_1576 = arith.constant 0 : i32
        %dma_wait3A_1577 = arith.constant 0 : i32
        %dma_wait3A_1578 = tpu.memref_slice %arg2[%dma_wait3A_1576, %dma_wait3A_1577] : memref<250016x128xf32, #tpu.memory_space<hbm>> -> memref<250016x128xf32, #tpu.memory_space<hbm>>
        tpu.wait_indirect_dma semaphore(%arg14 : memref<!tpu.dma_semaphore, #tpu.memory_space<semaphore_mem>>) src(%dma_wait3A_1578 : memref<250016x128xf32, #tpu.memory_space<hbm>>) dst(%arg9 : memref<128x128xf32, #tpu.memory_space<vmem>>)
        %get3A_1579 = arith.constant 1 : i32
        %get3A_1580 = arith.index_cast %get3A_1579 : i32 to index
        %get3A_1581 = arith.constant 0 : index
        %get3A_1582 = tpu.vector_load %arg7[%get3A_1580, %get3A_1581] {strides = array<i32>} : memref<8x128xi32, #tpu.memory_space<vmem>>, vector<16xi32>,
        %get3A_1583 = arith.constant 1 : i32
        %get3A_1584 = arith.index_cast %get3A_1583 : i32 to index
        %get3A_1585 = arith.constant 16 : index
        %get3A_1586 = tpu.vector_load %arg7[%get3A_1584, %get3A_1585] {strides = array<i32>} : memref<8x128xi32, #tpu.memory_space<vmem>>, vector<16xi32>,
        %get3A_1587 = arith.constant 1 : i32
        %get3A_1588 = arith.index_cast %get3A_1587 : i32 to index
        %get3A_1589 = arith.constant 32 : index
        %get3A_1590 = tpu.vector_load %arg7[%get3A_1588, %get3A_1589] {strides = array<i32>} : memref<8x128xi32, #tpu.memory_space<vmem>>, vector<16xi32>,
        %get3A_1591 = arith.constant 1 : i32
        %get3A_1592 = arith.index_cast %get3A_1591 : i32 to index
        %get3A_1593 = arith.constant 48 : index
        %get3A_1594 = tpu.vector_load %arg7[%get3A_1592, %get3A_1593] {strides = array<i32>} : memref<8x128xi32, #tpu.memory_space<vmem>>, vector<16xi32>,
        %get3A_1595 = arith.constant 1 : i32
        %get3A_1596 = arith.index_cast %get3A_1595 : i32 to index
        %get3A_1597 = arith.constant 64 : index
        %get3A_1598 = tpu.vector_load %arg7[%get3A_1596, %get3A_1597] {strides = array<i32>} : memref<8x128xi32, #tpu.memory_space<vmem>>, vector<16xi32>,
        %get3A_1599 = arith.constant 1 : i32
        %get3A_1600 = arith.index_cast %get3A_1599 : i32 to index
        %get3A_1601 = arith.constant 80 : index
        %get3A_1602 = tpu.vector_load %arg7[%get3A_1600, %get3A_1601] {strides = array<i32>} : memref<8x128xi32, #tpu.memory_space<vmem>>, vector<16xi32>,
        %get3A_1603 = arith.constant 1 : i32
        %get3A_1604 = arith.index_cast %get3A_1603 : i32 to index
        %get3A_1605 = arith.constant 96 : index
        %get3A_1606 = tpu.vector_load %arg7[%get3A_1604, %get3A_1605] {strides = array<i32>} : memref<8x128xi32, #tpu.memory_space<vmem>>, vector<16xi32>,
        %get3A_1607 = arith.constant 1 : i32
        %get3A_1608 = arith.index_cast %get3A_1607 : i32 to index
        %get3A_1609 = arith.constant 112 : index
        %get3A_1610 = tpu.vector_load %arg7[%get3A_1608, %get3A_1609] {strides = array<i32>} : memref<8x128xi32, #tpu.memory_space<vmem>>, vector<16xi32>,
        %parallel_loop3A = arith.constant 0 : i32
        %parallel_loop3A_1611 = arith.constant 32 : i32
        %parallel_loop3A_1612 = arith.constant 1 : i32
        scf.for %parallel_loop3A_1626 = %parallel_loop3A to %parallel_loop3A_1611 step %parallel_loop3A_1612  : i32 {
          %parallel_loop3A_1627 = vector.broadcast %parallel_loop3A_1626 : i32 to vector<16xi32>
          %parallel_loop3A_1628 = arith.addi %get3A_1582, %parallel_loop3A_1627 : vector<16xi32>
          %parallel_loop3A_1629 = tpu.vector_load_idx %arg9[%add3A_3, %parallel_loop3A_1628] : memref<128x128xf32, #tpu.memory_space<vmem>>[vector<16xi32>, vector<16xi32>], vector<16xf32>,
          %parallel_loop3A_1630 = vector.broadcast %parallel_loop3A_1626 : i32 to vector<16xi32>
          %parallel_loop3A_1631 = arith.addi %get3A_1586, %parallel_loop3A_1630 : vector<16xi32>
          %parallel_loop3A_1632 = tpu.vector_load_idx %arg9[%add3A_6, %parallel_loop3A_1631] : memref<128x128xf32, #tpu.memory_space<vmem>>[vector<16xi32>, vector<16xi32>], vector<16xf32>,
          %parallel_loop3A_1633 = vector.broadcast %parallel_loop3A_1626 : i32 to vector<16xi32>
          %parallel_loop3A_1634 = arith.addi %get3A_1590, %parallel_loop3A_1633 : vector<16xi32>
          %parallel_loop3A_1635 = tpu.vector_load_idx %arg9[%add3A_9, %parallel_loop3A_1634] : memref<128x128xf32, #tpu.memory_space<vmem>>[vector<16xi32>, vector<16xi32>], vector<16xf32>,
          %parallel_loop3A_1636 = vector.broadcast %parallel_loop3A_1626 : i32 to vector<16xi32>
          %parallel_loop3A_1637 = arith.addi %get3A_1594, %parallel_loop3A_1636 : vector<16xi32>
          %parallel_loop3A_1638 = tpu.vector_load_idx %arg9[%add3A_12, %parallel_loop3A_1637] : memref<128x128xf32, #tpu.memory_space<vmem>>[vector<16xi32>, vector<16xi32>], vector<16xf32>,
          %parallel_loop3A_1639 = vector.broadcast %parallel_loop3A_1626 : i32 to vector<16xi32>
          %parallel_loop3A_1640 = arith.addi %get3A_1598, %parallel_loop3A_1639 : vector<16xi32>
          %parallel_loop3A_1641 = tpu.vector_load_idx %arg9[%add3A_15, %parallel_loop3A_1640] : memref<128x128xf32, #tpu.memory_space<vmem>>[vector<16xi32>, vector<16xi32>], vector<16xf32>,
          %parallel_loop3A_1642 = vector.broadcast %parallel_loop3A_1626 : i32 to vector<16xi32>
          %parallel_loop3A_1643 = arith.addi %get3A_1602, %parallel_loop3A_1642 : vector<16xi32>
          %parallel_loop3A_1644 = tpu.vector_load_idx %arg9[%add3A_18, %parallel_loop3A_1643] : memref<128x128xf32, #tpu.memory_space<vmem>>[vector<16xi32>, vector<16xi32>], vector<16xf32>,
          %parallel_loop3A_1645 = vector.broadcast %parallel_loop3A_1626 : i32 to vector<16xi32>
          %parallel_loop3A_1646 = arith.addi %get3A_1606, %parallel_loop3A_1645 : vector<16xi32>
          %parallel_loop3A_1647 = tpu.vector_load_idx %arg9[%add3A_21, %parallel_loop3A_1646] : memref<128x128xf32, #tpu.memory_space<vmem>>[vector<16xi32>, vector<16xi32>], vector<16xf32>,
          %parallel_loop3A_1648 = vector.broadcast %parallel_loop3A_1626 : i32 to vector<16xi32>
          %parallel_loop3A_1649 = arith.addi %get3A_1610, %parallel_loop3A_1648 : vector<16xi32>
          %parallel_loop3A_1650 = tpu.vector_load_idx %arg9[%add3A_24, %parallel_loop3A_1649] : memref<128x128xf32, #tpu.memory_space<vmem>>[vector<16xi32>, vector<16xi32>], vector<16xf32>,
          %parallel_loop3A_1651 = arith.index_cast %parallel_loop3A_1626 : i32 to index
          %parallel_loop3A_1652 = arith.constant 0 : index
          %parallel_loop3A_1653 = tpu.vector_load %arg11[%parallel_loop3A_1651, %parallel_loop3A_1652] {strides = array<i32>} : memref<32x128xf32, #tpu.memory_space<vmem>>, vector<16xf32>,
          tpu.vector_store %arg11[%parallel_loop3A_1651, %parallel_loop3A_1652], %parallel_loop3A_1629 {strides = array<i32>} : memref<32x128xf32, #tpu.memory_space<vmem>>, vector<16xf32>,
          %parallel_loop3A_1654 = arith.index_cast %parallel_loop3A_1626 : i32 to index
          %parallel_loop3A_1655 = arith.constant 16 : index
          %parallel_loop3A_1656 = tpu.vector_load %arg11[%parallel_loop3A_1654, %parallel_loop3A_1655] {strides = array<i32>} : memref<32x128xf32, #tpu.memory_space<vmem>>, vector<16xf32>,
          tpu.vector_store %arg11[%parallel_loop3A_1654, %parallel_loop3A_1655], %parallel_loop3A_1632 {strides = array<i32>} : memref<32x128xf32, #tpu.memory_space<vmem>>, vector<16xf32>,
          %parallel_loop3A_1657 = arith.index_cast %parallel_loop3A_1626 : i32 to index
          %parallel_loop3A_1658 = arith.constant 32 : index
          %parallel_loop3A_1659 = tpu.vector_load %arg11[%parallel_loop3A_1657, %parallel_loop3A_1658] {strides = array<i32>} : memref<32x128xf32, #tpu.memory_space<vmem>>, vector<16xf32>,
          tpu.vector_store %arg11[%parallel_loop3A_1657, %parallel_loop3A_1658], %parallel_loop3A_1635 {strides = array<i32>} : memref<32x128xf32, #tpu.memory_space<vmem>>, vector<16xf32>,
          %parallel_loop3A_1660 = arith.index_cast %parallel_loop3A_1626 : i32 to index
          %parallel_loop3A_1661 = arith.constant 48 : index
          %parallel_loop3A_1662 = tpu.vector_load %arg11[%parallel_loop3A_1660, %parallel_loop3A_1661] {strides = array<i32>} : memref<32x128xf32, #tpu.memory_space<vmem>>, vector<16xf32>,
          tpu.vector_store %arg11[%parallel_loop3A_1660, %parallel_loop3A_1661], %parallel_loop3A_1638 {strides = array<i32>} : memref<32x128xf32, #tpu.memory_space<vmem>>, vector<16xf32>,
          %parallel_loop3A_1663 = arith.index_cast %parallel_loop3A_1626 : i32 to index
          %parallel_loop3A_1664 = arith.constant 64 : index
          %parallel_loop3A_1665 = tpu.vector_load %arg11[%parallel_loop3A_1663, %parallel_loop3A_1664] {strides = array<i32>} : memref<32x128xf32, #tpu.memory_space<vmem>>, vector<16xf32>,
          tpu.vector_store %arg11[%parallel_loop3A_1663, %parallel_loop3A_1664], %parallel_loop3A_1641 {strides = array<i32>} : memref<32x128xf32, #tpu.memory_space<vmem>>, vector<16xf32>,
          %parallel_loop3A_1666 = arith.index_cast %parallel_loop3A_1626 : i32 to index
          %parallel_loop3A_1667 = arith.constant 80 : index
          %parallel_loop3A_1668 = tpu.vector_load %arg11[%parallel_loop3A_1666, %parallel_loop3A_1667] {strides = array<i32>} : memref<32x128xf32, #tpu.memory_space<vmem>>, vector<16xf32>,
          tpu.vector_store %arg11[%parallel_loop3A_1666, %parallel_loop3A_1667], %parallel_loop3A_1644 {strides = array<i32>} : memref<32x128xf32, #tpu.memory_space<vmem>>, vector<16xf32>,
          %parallel_loop3A_1669 = arith.index_cast %parallel_loop3A_1626 : i32 to index
          %parallel_loop3A_1670 = arith.constant 96 : index
          %parallel_loop3A_1671 = tpu.vector_load %arg11[%parallel_loop3A_1669, %parallel_loop3A_1670] {strides = array<i32>} : memref<32x128xf32, #tpu.memory_space<vmem>>, vector<16xf32>,
          tpu.vector_store %arg11[%parallel_loop3A_1669, %parallel_loop3A_1670], %parallel_loop3A_1647 {strides = array<i32>} : memref<32x128xf32, #tpu.memory_space<vmem>>, vector<16xf32>,
          %parallel_loop3A_1672 = arith.index_cast %parallel_loop3A_1626 : i32 to index
          %parallel_loop3A_1673 = arith.constant 112 : index
          %parallel_loop3A_1674 = tpu.vector_load %arg11[%parallel_loop3A_1672, %parallel_loop3A_1673] {strides = array<i32>} : memref<32x128xf32, #tpu.memory_space<vmem>>, vector<16xf32>,
          tpu.vector_store %arg11[%parallel_loop3A_1672, %parallel_loop3A_1673], %parallel_loop3A_1650 {strides = array<i32>} : memref<32x128xf32, #tpu.memory_space<vmem>>, vector<16xf32>,
        } {sc.loop_unroll_factor = 4 : i64, sc.parallel_access}
        %mul3A_1613 = arith.constant 8 : i32
        %mul3A_1614 = arith.muli %select_n3A, %mul3A_1613 : i32
        %add3A_1615 = arith.constant 1 : i32
        %add3A_1616 = arith.addi %mul3A_1614, %add3A_1615 : i32
        %mul3A_1617 = arith.constant 128 : i32
        %mul3A_1618 = arith.muli %select_n3A_63, %mul3A_1617 : i32
        %multiple_of3A_1619 = tpu.assume_multiple %mul3A_1618, 128 : i32
        %dma_start3A_1620 = arith.constant 0 : i32
        %dma_start3A_1621 = tpu.memref_slice %arg4[%add3A_1616, %dma_start3A_1620, %multiple_of3A_1619] : memref<50x32x16384xf32, #tpu.memory_space<hbm>> -> memref<1x32x128xf32, #tpu.memory_space<hbm>>
        %dma_start3A_1622 = tpu.memref_squeeze %dma_start3A_1621 : memref<1x32x128xf32, #tpu.memory_space<hbm>> -> memref<32x128xf32, #tpu.memory_space<hbm>>
        %dma_start3A_1623 = arith.constant 0 : i32
        %dma_start3A_1624 = tpu.memref_slice %arg4[%add3A_1616, %dma_start3A_1623, %multiple_of3A_1619] : memref<50x32x16384xf32, #tpu.memory_space<hbm>> -> memref<1x32x128xf32, #tpu.memory_space<hbm>>
        %dma_start3A_1625 = tpu.memref_squeeze %dma_start3A_1624 : memref<1x32x128xf32, #tpu.memory_space<hbm>> -> memref<32x128xf32, #tpu.memory_space<hbm>>
        tpu.enqueue_dma source(%arg11 : memref<32x128xf32, #tpu.memory_space<vmem>>) target(%dma_start3A_1625 : memref<32x128xf32, #tpu.memory_space<hbm>>) target_semaphore(%arg16 : memref<!tpu.dma_semaphore, #tpu.memory_space<semaphore_mem>>)
      } else {
      }
      %mul3A_1455 = arith.constant 8 : i32
      %mul3A_1456 = arith.muli %select_n3A, %mul3A_1455 : i32
      %add3A_1457 = arith.constant 3 : i32
      %add3A_1458 = arith.addi %mul3A_1456, %add3A_1457 : i32
      %lt3A_1459 = arith.constant 50 : i32
      %lt3A_1460 = arith.cmpi slt, %add3A_1458, %lt3A_1459 : i32
      %convert_element_type3A_1461 = arith.extui %lt3A_1460 : i1 to i32
      %cond3A_1462 = arith.constant 0 : i32
      %cond3A_1463 = arith.cmpi ne, %convert_element_type3A_1461, %cond3A_1462 : i32
      scf.if %cond3A_1463 {
        %dma_start3A_1572 = arith.constant 3 : i32
        %dma_start3A_1573 = arith.constant 0 : i32
        %dma_start3A_1574 = tpu.memref_slice %arg6[%dma_start3A_1572, %dma_start3A_1573] : memref<8x128xi32, #tpu.memory_space<vmem>> -> memref<1x128xi32, #tpu.memory_space<vmem>>
        %dma_start3A_1575 = tpu.memref_squeeze %dma_start3A_1574 : memref<1x128xi32, #tpu.memory_space<vmem>> -> memref<128xi32, #tpu.memory_space<vmem>>
        %dma_start3A_1576 = arith.constant 0 : i32
        %dma_start3A_1577 = arith.constant 0 : i32
        %dma_start3A_1578 = tpu.memref_slice %arg2[%dma_start3A_1576, %dma_start3A_1577] : memref<250016x128xf32, #tpu.memory_space<hbm>> -> memref<250016x128xf32, #tpu.memory_space<hbm>>
        tpu.enqueue_indirect_dma source(%dma_start3A_1578 : memref<250016x128xf32, #tpu.memory_space<hbm>>) target(%arg9 : memref<128x128xf32, #tpu.memory_space<vmem>>) offsets(%dma_start3A_1575 : memref<128xi32, #tpu.memory_space<vmem>>) semaphore(%arg14 : memref<!tpu.dma_semaphore, #tpu.memory_space<semaphore_mem>>)
      } else {
      }
      %mul3A_1464 = arith.constant 8 : i32
      %mul3A_1465 = arith.muli %select_n3A, %mul3A_1464 : i32
      %add3A_1466 = arith.constant 2 : i32
      %add3A_1467 = arith.addi %mul3A_1465, %add3A_1466 : i32
      %lt3A_1468 = arith.constant 50 : i32
      %lt3A_1469 = arith.cmpi slt, %add3A_1467, %lt3A_1468 : i32
      %convert_element_type3A_1470 = arith.extui %lt3A_1469 : i1 to i32
      %cond3A_1471 = arith.constant 0 : i32
      %cond3A_1472 = arith.cmpi ne, %convert_element_type3A_1470, %cond3A_1471 : i32
      scf.if %cond3A_1472 {
        %dma_wait3A_1572 = arith.constant 0 : i32
        %dma_wait3A_1573 = arith.constant 0 : i32
        %dma_wait3A_1574 = tpu.memref_slice %arg6[%dma_wait3A_1572, %dma_wait3A_1573] : memref<8x128xi32, #tpu.memory_space<vmem>> -> memref<1x128xi32, #tpu.memory_space<vmem>>
        %dma_wait3A_1575 = tpu.memref_squeeze %dma_wait3A_1574 : memref<1x128xi32, #tpu.memory_space<vmem>> -> memref<128xi32, #tpu.memory_space<vmem>>
        %dma_wait3A_1576 = arith.constant 0 : i32
        %dma_wait3A_1577 = arith.constant 0 : i32
        %dma_wait3A_1578 = tpu.memref_slice %arg2[%dma_wait3A_1576, %dma_wait3A_1577] : memref<250016x128xf32, #tpu.memory_space<hbm>> -> memref<250016x128xf32, #tpu.memory_space<hbm>>
        tpu.wait_indirect_dma semaphore(%arg13 : memref<!tpu.dma_semaphore, #tpu.memory_space<semaphore_mem>>) src(%dma_wait3A_1578 : memref<250016x128xf32, #tpu.memory_space<hbm>>) dst(%arg8 : memref<128x128xf32, #tpu.memory_space<vmem>>)
        %dma_wait3A_1579 = arith.constant 0 : i32
        %dma_wait3A_1580 = arith.constant 0 : i32
        %dma_wait3A_1581 = arith.constant 0 : i32
        %dma_wait3A_1582 = tpu.memref_slice %arg4[%dma_wait3A_1579, %dma_wait3A_1580, %dma_wait3A_1581] : memref<50x32x16384xf32, #tpu.memory_space<hbm>> -> memref<1x32x128xf32, #tpu.memory_space<hbm>>
        %dma_wait3A_1583 = tpu.memref_squeeze %dma_wait3A_1582 : memref<1x32x128xf32, #tpu.memory_space<hbm>> -> memref<32x128xf32, #tpu.memory_space<hbm>>
        %dma_wait3A_1584 = arith.constant 0 : i32
        %dma_wait3A_1585 = arith.constant 0 : i32
        %dma_wait3A_1586 = tpu.memref_slice %arg4[%dma_wait3A_1579, %dma_wait3A_1584, %dma_wait3A_1585] : memref<50x32x16384xf32, #tpu.memory_space<hbm>> -> memref<1x32x128xf32, #tpu.memory_space<hbm>>
        %dma_wait3A_1587 = tpu.memref_squeeze %dma_wait3A_1586 : memref<1x32x128xf32, #tpu.memory_space<hbm>> -> memref<32x128xf32, #tpu.memory_space<hbm>>
        tpu.wait_dma2 semaphore(%arg15 : memref<!tpu.dma_semaphore, #tpu.memory_space<semaphore_mem>>) src(%arg10 : memref<32x128xf32, #tpu.memory_space<vmem>>) dst(%dma_wait3A_1587 : memref<32x128xf32, #tpu.memory_space<hbm>>)
        %get3A_1588 = arith.constant 2 : i32
        %get3A_1589 = arith.index_cast %get3A_1588 : i32 to index
        %get3A_1590 = arith.constant 0 : index
        %get3A_1591 = tpu.vector_load %arg7[%get3A_1589, %get3A_1590] {strides = array<i32>} : memref<8x128xi32, #tpu.memory_space<vmem>>, vector<16xi32>,
        %get3A_1592 = arith.constant 2 : i32
        %get3A_1593 = arith.index_cast %get3A_1592 : i32 to index
        %get3A_1594 = arith.constant 16 : index
        %get3A_1595 = tpu.vector_load %arg7[%get3A_1593, %get3A_1594] {strides = array<i32>} : memref<8x128xi32, #tpu.memory_space<vmem>>, vector<16xi32>,
        %get3A_1596 = arith.constant 2 : i32
        %get3A_1597 = arith.index_cast %get3A_1596 : i32 to index
        %get3A_1598 = arith.constant 32 : index
        %get3A_1599 = tpu.vector_load %arg7[%get3A_1597, %get3A_1598] {strides = array<i32>} : memref<8x128xi32, #tpu.memory_space<vmem>>, vector<16xi32>,
        %get3A_1600 = arith.constant 2 : i32
        %get3A_1601 = arith.index_cast %get3A_1600 : i32 to index
        %get3A_1602 = arith.constant 48 : index
        %get3A_1603 = tpu.vector_load %arg7[%get3A_1601, %get3A_1602] {strides = array<i32>} : memref<8x128xi32, #tpu.memory_space<vmem>>, vector<16xi32>,
        %get3A_1604 = arith.constant 2 : i32
        %get3A_1605 = arith.index_cast %get3A_1604 : i32 to index
        %get3A_1606 = arith.constant 64 : index
        %get3A_1607 = tpu.vector_load %arg7[%get3A_1605, %get3A_1606] {strides = array<i32>} : memref<8x128xi32, #tpu.memory_space<vmem>>, vector<16xi32>,
        %get3A_1608 = arith.constant 2 : i32
        %get3A_1609 = arith.index_cast %get3A_1608 : i32 to index
        %get3A_1610 = arith.constant 80 : index
        %get3A_1611 = tpu.vector_load %arg7[%get3A_1609, %get3A_1610] {strides = array<i32>} : memref<8x128xi32, #tpu.memory_space<vmem>>, vector<16xi32>,
        %get3A_1612 = arith.constant 2 : i32
        %get3A_1613 = arith.index_cast %get3A_1612 : i32 to index
        %get3A_1614 = arith.constant 96 : index
        %get3A_1615 = tpu.vector_load %arg7[%get3A_1613, %get3A_1614] {strides = array<i32>} : memref<8x128xi32, #tpu.memory_space<vmem>>, vector<16xi32>,
        %get3A_1616 = arith.constant 2 : i32
        %get3A_1617 = arith.index_cast %get3A_1616 : i32 to index
        %get3A_1618 = arith.constant 112 : index
        %get3A_1619 = tpu.vector_load %arg7[%get3A_1617, %get3A_1618] {strides = array<i32>} : memref<8x128xi32, #tpu.memory_space<vmem>>, vector<16xi32>,
        %parallel_loop3A = arith.constant 0 : i32
        %parallel_loop3A_1620 = arith.constant 32 : i32
        %parallel_loop3A_1621 = arith.constant 1 : i32
        scf.for %parallel_loop3A_1635 = %parallel_loop3A to %parallel_loop3A_1620 step %parallel_loop3A_1621  : i32 {
          %parallel_loop3A_1636 = vector.broadcast %parallel_loop3A_1635 : i32 to vector<16xi32>
          %parallel_loop3A_1637 = arith.addi %get3A_1591, %parallel_loop3A_1636 : vector<16xi32>
          %parallel_loop3A_1638 = tpu.vector_load_idx %arg8[%add3A_3, %parallel_loop3A_1637] : memref<128x128xf32, #tpu.memory_space<vmem>>[vector<16xi32>, vector<16xi32>], vector<16xf32>,
          %parallel_loop3A_1639 = vector.broadcast %parallel_loop3A_1635 : i32 to vector<16xi32>
          %parallel_loop3A_1640 = arith.addi %get3A_1595, %parallel_loop3A_1639 : vector<16xi32>
          %parallel_loop3A_1641 = tpu.vector_load_idx %arg8[%add3A_6, %parallel_loop3A_1640] : memref<128x128xf32, #tpu.memory_space<vmem>>[vector<16xi32>, vector<16xi32>], vector<16xf32>,
          %parallel_loop3A_1642 = vector.broadcast %parallel_loop3A_1635 : i32 to vector<16xi32>
          %parallel_loop3A_1643 = arith.addi %get3A_1599, %parallel_loop3A_1642 : vector<16xi32>
          %parallel_loop3A_1644 = tpu.vector_load_idx %arg8[%add3A_9, %parallel_loop3A_1643] : memref<128x128xf32, #tpu.memory_space<vmem>>[vector<16xi32>, vector<16xi32>], vector<16xf32>,
          %parallel_loop3A_1645 = vector.broadcast %parallel_loop3A_1635 : i32 to vector<16xi32>
          %parallel_loop3A_1646 = arith.addi %get3A_1603, %parallel_loop3A_1645 : vector<16xi32>
          %parallel_loop3A_1647 = tpu.vector_load_idx %arg8[%add3A_12, %parallel_loop3A_1646] : memref<128x128xf32, #tpu.memory_space<vmem>>[vector<16xi32>, vector<16xi32>], vector<16xf32>,
          %parallel_loop3A_1648 = vector.broadcast %parallel_loop3A_1635 : i32 to vector<16xi32>
          %parallel_loop3A_1649 = arith.addi %get3A_1607, %parallel_loop3A_1648 : vector<16xi32>
          %parallel_loop3A_1650 = tpu.vector_load_idx %arg8[%add3A_15, %parallel_loop3A_1649] : memref<128x128xf32, #tpu.memory_space<vmem>>[vector<16xi32>, vector<16xi32>], vector<16xf32>,
          %parallel_loop3A_1651 = vector.broadcast %parallel_loop3A_1635 : i32 to vector<16xi32>
          %parallel_loop3A_1652 = arith.addi %get3A_1611, %parallel_loop3A_1651 : vector<16xi32>
          %parallel_loop3A_1653 = tpu.vector_load_idx %arg8[%add3A_18, %parallel_loop3A_1652] : memref<128x128xf32, #tpu.memory_space<vmem>>[vector<16xi32>, vector<16xi32>], vector<16xf32>,
          %parallel_loop3A_1654 = vector.broadcast %parallel_loop3A_1635 : i32 to vector<16xi32>
          %parallel_loop3A_1655 = arith.addi %get3A_1615, %parallel_loop3A_1654 : vector<16xi32>
          %parallel_loop3A_1656 = tpu.vector_load_idx %arg8[%add3A_21, %parallel_loop3A_1655] : memref<128x128xf32, #tpu.memory_space<vmem>>[vector<16xi32>, vector<16xi32>], vector<16xf32>,
          %parallel_loop3A_1657 = vector.broadcast %parallel_loop3A_1635 : i32 to vector<16xi32>
          %parallel_loop3A_1658 = arith.addi %get3A_1619, %parallel_loop3A_1657 : vector<16xi32>
          %parallel_loop3A_1659 = tpu.vector_load_idx %arg8[%add3A_24, %parallel_loop3A_1658] : memref<128x128xf32, #tpu.memory_space<vmem>>[vector<16xi32>, vector<16xi32>], vector<16xf32>,
          %parallel_loop3A_1660 = arith.index_cast %parallel_loop3A_1635 : i32 to index
          %parallel_loop3A_1661 = arith.constant 0 : index
          %parallel_loop3A_1662 = tpu.vector_load %arg10[%parallel_loop3A_1660, %parallel_loop3A_1661] {strides = array<i32>} : memref<32x128xf32, #tpu.memory_space<vmem>>, vector<16xf32>,
          tpu.vector_store %arg10[%parallel_loop3A_1660, %parallel_loop3A_1661], %parallel_loop3A_1638 {strides = array<i32>} : memref<32x128xf32, #tpu.memory_space<vmem>>, vector<16xf32>,
          %parallel_loop3A_1663 = arith.index_cast %parallel_loop3A_1635 : i32 to index
          %parallel_loop3A_1664 = arith.constant 16 : index
          %parallel_loop3A_1665 = tpu.vector_load %arg10[%parallel_loop3A_1663, %parallel_loop3A_1664] {strides = array<i32>} : memref<32x128xf32, #tpu.memory_space<vmem>>, vector<16xf32>,
          tpu.vector_store %arg10[%parallel_loop3A_1663, %parallel_loop3A_1664], %parallel_loop3A_1641 {strides = array<i32>} : memref<32x128xf32, #tpu.memory_space<vmem>>, vector<16xf32>,
          %parallel_loop3A_1666 = arith.index_cast %parallel_loop3A_1635 : i32 to index
          %parallel_loop3A_1667 = arith.constant 32 : index
          %parallel_loop3A_1668 = tpu.vector_load %arg10[%parallel_loop3A_1666, %parallel_loop3A_1667] {strides = array<i32>} : memref<32x128xf32, #tpu.memory_space<vmem>>, vector<16xf32>,
          tpu.vector_store %arg10[%parallel_loop3A_1666, %parallel_loop3A_1667], %parallel_loop3A_1644 {strides = array<i32>} : memref<32x128xf32, #tpu.memory_space<vmem>>, vector<16xf32>,
          %parallel_loop3A_1669 = arith.index_cast %parallel_loop3A_1635 : i32 to index
          %parallel_loop3A_1670 = arith.constant 48 : index
          %parallel_loop3A_1671 = tpu.vector_load %arg10[%parallel_loop3A_1669, %parallel_loop3A_1670] {strides = array<i32>} : memref<32x128xf32, #tpu.memory_space<vmem>>, vector<16xf32>,
          tpu.vector_store %arg10[%parallel_loop3A_1669, %parallel_loop3A_1670], %parallel_loop3A_1647 {strides = array<i32>} : memref<32x128xf32, #tpu.memory_space<vmem>>, vector<16xf32>,
          %parallel_loop3A_1672 = arith.index_cast %parallel_loop3A_1635 : i32 to index
          %parallel_loop3A_1673 = arith.constant 64 : index
          %parallel_loop3A_1674 = tpu.vector_load %arg10[%parallel_loop3A_1672, %parallel_loop3A_1673] {strides = array<i32>} : memref<32x128xf32, #tpu.memory_space<vmem>>, vector<16xf32>,
          tpu.vector_store %arg10[%parallel_loop3A_1672, %parallel_loop3A_1673], %parallel_loop3A_1650 {strides = array<i32>} : memref<32x128xf32, #tpu.memory_space<vmem>>, vector<16xf32>,
          %parallel_loop3A_1675 = arith.index_cast %parallel_loop3A_1635 : i32 to index
          %parallel_loop3A_1676 = arith.constant 80 : index
          %parallel_loop3A_1677 = tpu.vector_load %arg10[%parallel_loop3A_1675, %parallel_loop3A_1676] {strides = array<i32>} : memref<32x128xf32, #tpu.memory_space<vmem>>, vector<16xf32>,
          tpu.vector_store %arg10[%parallel_loop3A_1675, %parallel_loop3A_1676], %parallel_loop3A_1653 {strides = array<i32>} : memref<32x128xf32, #tpu.memory_space<vmem>>, vector<16xf32>,
          %parallel_loop3A_1678 = arith.index_cast %parallel_loop3A_1635 : i32 to index
          %parallel_loop3A_1679 = arith.constant 96 : index
          %parallel_loop3A_1680 = tpu.vector_load %arg10[%parallel_loop3A_1678, %parallel_loop3A_1679] {strides = array<i32>} : memref<32x128xf32, #tpu.memory_space<vmem>>, vector<16xf32>,
          tpu.vector_store %arg10[%parallel_loop3A_1678, %parallel_loop3A_1679], %parallel_loop3A_1656 {strides = array<i32>} : memref<32x128xf32, #tpu.memory_space<vmem>>, vector<16xf32>,
          %parallel_loop3A_1681 = arith.index_cast %parallel_loop3A_1635 : i32 to index
          %parallel_loop3A_1682 = arith.constant 112 : index
          %parallel_loop3A_1683 = tpu.vector_load %arg10[%parallel_loop3A_1681, %parallel_loop3A_1682] {strides = array<i32>} : memref<32x128xf32, #tpu.memory_space<vmem>>, vector<16xf32>,
          tpu.vector_store %arg10[%parallel_loop3A_1681, %parallel_loop3A_1682], %parallel_loop3A_1659 {strides = array<i32>} : memref<32x128xf32, #tpu.memory_space<vmem>>, vector<16xf32>,
        } {sc.loop_unroll_factor = 4 : i64, sc.parallel_access}
        %mul3A_1622 = arith.constant 8 : i32
        %mul3A_1623 = arith.muli %select_n3A, %mul3A_1622 : i32
        %add3A_1624 = arith.constant 2 : i32
        %add3A_1625 = arith.addi %mul3A_1623, %add3A_1624 : i32
        %mul3A_1626 = arith.constant 128 : i32
        %mul3A_1627 = arith.muli %select_n3A_63, %mul3A_1626 : i32
        %multiple_of3A_1628 = tpu.assume_multiple %mul3A_1627, 128 : i32
        %dma_start3A_1629 = arith.constant 0 : i32
        %dma_start3A_1630 = tpu.memref_slice %arg4[%add3A_1625, %dma_start3A_1629, %multiple_of3A_1628] : memref<50x32x16384xf32, #tpu.memory_space<hbm>> -> memref<1x32x128xf32, #tpu.memory_space<hbm>>
        %dma_start3A_1631 = tpu.memref_squeeze %dma_start3A_1630 : memref<1x32x128xf32, #tpu.memory_space<hbm>> -> memref<32x128xf32, #tpu.memory_space<hbm>>
        %dma_start3A_1632 = arith.constant 0 : i32
        %dma_start3A_1633 = tpu.memref_slice %arg4[%add3A_1625, %dma_start3A_1632, %multiple_of3A_1628] : memref<50x32x16384xf32, #tpu.memory_space<hbm>> -> memref<1x32x128xf32, #tpu.memory_space<hbm>>
        %dma_start3A_1634 = tpu.memref_squeeze %dma_start3A_1633 : memref<1x32x128xf32, #tpu.memory_space<hbm>> -> memref<32x128xf32, #tpu.memory_space<hbm>>
        tpu.enqueue_dma source(%arg10 : memref<32x128xf32, #tpu.memory_space<vmem>>) target(%dma_start3A_1634 : memref<32x128xf32, #tpu.memory_space<hbm>>) target_semaphore(%arg15 : memref<!tpu.dma_semaphore, #tpu.memory_space<semaphore_mem>>)
      } else {
      }
      %mul3A_1473 = arith.constant 8 : i32
      %mul3A_1474 = arith.muli %select_n3A, %mul3A_1473 : i32
      %add3A_1475 = arith.constant 4 : i32
      %add3A_1476 = arith.addi %mul3A_1474, %add3A_1475 : i32
      %lt3A_1477 = arith.constant 50 : i32
      %lt3A_1478 = arith.cmpi slt, %add3A_1476, %lt3A_1477 : i32
      %convert_element_type3A_1479 = arith.extui %lt3A_1478 : i1 to i32
      %cond3A_1480 = arith.constant 0 : i32
      %cond3A_1481 = arith.cmpi ne, %convert_element_type3A_1479, %cond3A_1480 : i32
      scf.if %cond3A_1481 {
        %dma_start3A_1572 = arith.constant 4 : i32
        %dma_start3A_1573 = arith.constant 0 : i32
        %dma_start3A_1574 = tpu.memref_slice %arg6[%dma_start3A_1572, %dma_start3A_1573] : memref<8x128xi32, #tpu.memory_space<vmem>> -> memref<1x128xi32, #tpu.memory_space<vmem>>
        %dma_start3A_1575 = tpu.memref_squeeze %dma_start3A_1574 : memref<1x128xi32, #tpu.memory_space<vmem>> -> memref<128xi32, #tpu.memory_space<vmem>>
        %dma_start3A_1576 = arith.constant 0 : i32
        %dma_start3A_1577 = arith.constant 0 : i32
        %dma_start3A_1578 = tpu.memref_slice %arg2[%dma_start3A_1576, %dma_start3A_1577] : memref<250016x128xf32, #tpu.memory_space<hbm>> -> memref<250016x128xf32, #tpu.memory_space<hbm>>
        tpu.enqueue_indirect_dma source(%dma_start3A_1578 : memref<250016x128xf32, #tpu.memory_space<hbm>>) target(%arg8 : memref<128x128xf32, #tpu.memory_space<vmem>>) offsets(%dma_start3A_1575 : memref<128xi32, #tpu.memory_space<vmem>>) semaphore(%arg13 : memref<!tpu.dma_semaphore, #tpu.memory_space<semaphore_mem>>)
      } else {
      }
      %mul3A_1482 = arith.constant 8 : i32
      %mul3A_1483 = arith.muli %select_n3A, %mul3A_1482 : i32
      %add3A_1484 = arith.constant 3 : i32
      %add3A_1485 = arith.addi %mul3A_1483, %add3A_1484 : i32
      %lt3A_1486 = arith.constant 50 : i32
      %lt3A_1487 = arith.cmpi slt, %add3A_1485, %lt3A_1486 : i32
      %convert_element_type3A_1488 = arith.extui %lt3A_1487 : i1 to i32
      %cond3A_1489 = arith.constant 0 : i32
      %cond3A_1490 = arith.cmpi ne, %convert_element_type3A_1488, %cond3A_1489 : i32
      scf.if %cond3A_1490 {
        %dma_wait3A_1572 = arith.constant 0 : i32
        %dma_wait3A_1573 = arith.constant 0 : i32
        %dma_wait3A_1574 = tpu.memref_slice %arg6[%dma_wait3A_1572, %dma_wait3A_1573] : memref<8x128xi32, #tpu.memory_space<vmem>> -> memref<1x128xi32, #tpu.memory_space<vmem>>
        %dma_wait3A_1575 = tpu.memref_squeeze %dma_wait3A_1574 : memref<1x128xi32, #tpu.memory_space<vmem>> -> memref<128xi32, #tpu.memory_space<vmem>>
        %dma_wait3A_1576 = arith.constant 0 : i32
        %dma_wait3A_1577 = arith.constant 0 : i32
        %dma_wait3A_1578 = tpu.memref_slice %arg2[%dma_wait3A_1576, %dma_wait3A_1577] : memref<250016x128xf32, #tpu.memory_space<hbm>> -> memref<250016x128xf32, #tpu.memory_space<hbm>>
        tpu.wait_indirect_dma semaphore(%arg14 : memref<!tpu.dma_semaphore, #tpu.memory_space<semaphore_mem>>) src(%dma_wait3A_1578 : memref<250016x128xf32, #tpu.memory_space<hbm>>) dst(%arg9 : memref<128x128xf32, #tpu.memory_space<vmem>>)
        %dma_wait3A_1579 = arith.constant 0 : i32
        %dma_wait3A_1580 = arith.constant 0 : i32
        %dma_wait3A_1581 = arith.constant 0 : i32
        %dma_wait3A_1582 = tpu.memref_slice %arg4[%dma_wait3A_1579, %dma_wait3A_1580, %dma_wait3A_1581] : memref<50x32x16384xf32, #tpu.memory_space<hbm>> -> memref<1x32x128xf32, #tpu.memory_space<hbm>>
        %dma_wait3A_1583 = tpu.memref_squeeze %dma_wait3A_1582 : memref<1x32x128xf32, #tpu.memory_space<hbm>> -> memref<32x128xf32, #tpu.memory_space<hbm>>
        %dma_wait3A_1584 = arith.constant 0 : i32
        %dma_wait3A_1585 = arith.constant 0 : i32
        %dma_wait3A_1586 = tpu.memref_slice %arg4[%dma_wait3A_1579, %dma_wait3A_1584, %dma_wait3A_1585] : memref<50x32x16384xf32, #tpu.memory_space<hbm>> -> memref<1x32x128xf32, #tpu.memory_space<hbm>>
        %dma_wait3A_1587 = tpu.memref_squeeze %dma_wait3A_1586 : memref<1x32x128xf32, #tpu.memory_space<hbm>> -> memref<32x128xf32, #tpu.memory_space<hbm>>
        tpu.wait_dma2 semaphore(%arg16 : memref<!tpu.dma_semaphore, #tpu.memory_space<semaphore_mem>>) src(%arg11 : memref<32x128xf32, #tpu.memory_space<vmem>>) dst(%dma_wait3A_1587 : memref<32x128xf32, #tpu.memory_space<hbm>>)
        %get3A_1588 = arith.constant 3 : i32
        %get3A_1589 = arith.index_cast %get3A_1588 : i32 to index
        %get3A_1590 = arith.constant 0 : index
        %get3A_1591 = tpu.vector_load %arg7[%get3A_1589, %get3A_1590] {strides = array<i32>} : memref<8x128xi32, #tpu.memory_space<vmem>>, vector<16xi32>,
        %get3A_1592 = arith.constant 3 : i32
        %get3A_1593 = arith.index_cast %get3A_1592 : i32 to index
        %get3A_1594 = arith.constant 16 : index
        %get3A_1595 = tpu.vector_load %arg7[%get3A_1593, %get3A_1594] {strides = array<i32>} : memref<8x128xi32, #tpu.memory_space<vmem>>, vector<16xi32>,
        %get3A_1596 = arith.constant 3 : i32
        %get3A_1597 = arith.index_cast %get3A_1596 : i32 to index
        %get3A_1598 = arith.constant 32 : index
        %get3A_1599 = tpu.vector_load %arg7[%get3A_1597, %get3A_1598] {strides = array<i32>} : memref<8x128xi32, #tpu.memory_space<vmem>>, vector<16xi32>,
        %get3A_1600 = arith.constant 3 : i32
        %get3A_1601 = arith.index_cast %get3A_1600 : i32 to index
        %get3A_1602 = arith.constant 48 : index
        %get3A_1603 = tpu.vector_load %arg7[%get3A_1601, %get3A_1602] {strides = array<i32>} : memref<8x128xi32, #tpu.memory_space<vmem>>, vector<16xi32>,
        %get3A_1604 = arith.constant 3 : i32
        %get3A_1605 = arith.index_cast %get3A_1604 : i32 to index
        %get3A_1606 = arith.constant 64 : index
        %get3A_1607 = tpu.vector_load %arg7[%get3A_1605, %get3A_1606] {strides = array<i32>} : memref<8x128xi32, #tpu.memory_space<vmem>>, vector<16xi32>,
        %get3A_1608 = arith.constant 3 : i32
        %get3A_1609 = arith.index_cast %get3A_1608 : i32 to index
        %get3A_1610 = arith.constant 80 : index
        %get3A_1611 = tpu.vector_load %arg7[%get3A_1609, %get3A_1610] {strides = array<i32>} : memref<8x128xi32, #tpu.memory_space<vmem>>, vector<16xi32>,
        %get3A_1612 = arith.constant 3 : i32
        %get3A_1613 = arith.index_cast %get3A_1612 : i32 to index
        %get3A_1614 = arith.constant 96 : index
        %get3A_1615 = tpu.vector_load %arg7[%get3A_1613, %get3A_1614] {strides = array<i32>} : memref<8x128xi32, #tpu.memory_space<vmem>>, vector<16xi32>,
        %get3A_1616 = arith.constant 3 : i32
        %get3A_1617 = arith.index_cast %get3A_1616 : i32 to index
        %get3A_1618 = arith.constant 112 : index
        %get3A_1619 = tpu.vector_load %arg7[%get3A_1617, %get3A_1618] {strides = array<i32>} : memref<8x128xi32, #tpu.memory_space<vmem>>, vector<16xi32>,
        %parallel_loop3A = arith.constant 0 : i32
        %parallel_loop3A_1620 = arith.constant 32 : i32
        %parallel_loop3A_1621 = arith.constant 1 : i32
        scf.for %parallel_loop3A_1635 = %parallel_loop3A to %parallel_loop3A_1620 step %parallel_loop3A_1621  : i32 {
          %parallel_loop3A_1636 = vector.broadcast %parallel_loop3A_1635 : i32 to vector<16xi32>
          %parallel_loop3A_1637 = arith.addi %get3A_1591, %parallel_loop3A_1636 : vector<16xi32>
          %parallel_loop3A_1638 = tpu.vector_load_idx %arg9[%add3A_3, %parallel_loop3A_1637] : memref<128x128xf32, #tpu.memory_space<vmem>>[vector<16xi32>, vector<16xi32>], vector<16xf32>,
          %parallel_loop3A_1639 = vector.broadcast %parallel_loop3A_1635 : i32 to vector<16xi32>
          %parallel_loop3A_1640 = arith.addi %get3A_1595, %parallel_loop3A_1639 : vector<16xi32>
          %parallel_loop3A_1641 = tpu.vector_load_idx %arg9[%add3A_6, %parallel_loop3A_1640] : memref<128x128xf32, #tpu.memory_space<vmem>>[vector<16xi32>, vector<16xi32>], vector<16xf32>,
          %parallel_loop3A_1642 = vector.broadcast %parallel_loop3A_1635 : i32 to vector<16xi32>
          %parallel_loop3A_1643 = arith.addi %get3A_1599, %parallel_loop3A_1642 : vector<16xi32>
          %parallel_loop3A_1644 = tpu.vector_load_idx %arg9[%add3A_9, %parallel_loop3A_1643] : memref<128x128xf32, #tpu.memory_space<vmem>>[vector<16xi32>, vector<16xi32>], vector<16xf32>,
          %parallel_loop3A_1645 = vector.broadcast %parallel_loop3A_1635 : i32 to vector<16xi32>
          %parallel_loop3A_1646 = arith.addi %get3A_1603, %parallel_loop3A_1645 : vector<16xi32>
          %parallel_loop3A_1647 = tpu.vector_load_idx %arg9[%add3A_12, %parallel_loop3A_1646] : memref<128x128xf32, #tpu.memory_space<vmem>>[vector<16xi32>, vector<16xi32>], vector<16xf32>,
          %parallel_loop3A_1648 = vector.broadcast %parallel_loop3A_1635 : i32 to vector<16xi32>
          %parallel_loop3A_1649 = arith.addi %get3A_1607, %parallel_loop3A_1648 : vector<16xi32>
          %parallel_loop3A_1650 = tpu.vector_load_idx %arg9[%add3A_15, %parallel_loop3A_1649] : memref<128x128xf32, #tpu.memory_space<vmem>>[vector<16xi32>, vector<16xi32>], vector<16xf32>,
          %parallel_loop3A_1651 = vector.broadcast %parallel_loop3A_1635 : i32 to vector<16xi32>
          %parallel_loop3A_1652 = arith.addi %get3A_1611, %parallel_loop3A_1651 : vector<16xi32>
          %parallel_loop3A_1653 = tpu.vector_load_idx %arg9[%add3A_18, %parallel_loop3A_1652] : memref<128x128xf32, #tpu.memory_space<vmem>>[vector<16xi32>, vector<16xi32>], vector<16xf32>,
          %parallel_loop3A_1654 = vector.broadcast %parallel_loop3A_1635 : i32 to vector<16xi32>
          %parallel_loop3A_1655 = arith.addi %get3A_1615, %parallel_loop3A_1654 : vector<16xi32>
          %parallel_loop3A_1656 = tpu.vector_load_idx %arg9[%add3A_21, %parallel_loop3A_1655] : memref<128x128xf32, #tpu.memory_space<vmem>>[vector<16xi32>, vector<16xi32>], vector<16xf32>,
          %parallel_loop3A_1657 = vector.broadcast %parallel_loop3A_1635 : i32 to vector<16xi32>
          %parallel_loop3A_1658 = arith.addi %get3A_1619, %parallel_loop3A_1657 : vector<16xi32>
          %parallel_loop3A_1659 = tpu.vector_load_idx %arg9[%add3A_24, %parallel_loop3A_1658] : memref<128x128xf32, #tpu.memory_space<vmem>>[vector<16xi32>, vector<16xi32>], vector<16xf32>,
          %parallel_loop3A_1660 = arith.index_cast %parallel_loop3A_1635 : i32 to index
          %parallel_loop3A_1661 = arith.constant 0 : index
          %parallel_loop3A_1662 = tpu.vector_load %arg11[%parallel_loop3A_1660, %parallel_loop3A_1661] {strides = array<i32>} : memref<32x128xf32, #tpu.memory_space<vmem>>, vector<16xf32>,
          tpu.vector_store %arg11[%parallel_loop3A_1660, %parallel_loop3A_1661], %parallel_loop3A_1638 {strides = array<i32>} : memref<32x128xf32, #tpu.memory_space<vmem>>, vector<16xf32>,
          %parallel_loop3A_1663 = arith.index_cast %parallel_loop3A_1635 : i32 to index
          %parallel_loop3A_1664 = arith.constant 16 : index
          %parallel_loop3A_1665 = tpu.vector_load %arg11[%parallel_loop3A_1663, %parallel_loop3A_1664] {strides = array<i32>} : memref<32x128xf32, #tpu.memory_space<vmem>>, vector<16xf32>,
          tpu.vector_store %arg11[%parallel_loop3A_1663, %parallel_loop3A_1664], %parallel_loop3A_1641 {strides = array<i32>} : memref<32x128xf32, #tpu.memory_space<vmem>>, vector<16xf32>,
          %parallel_loop3A_1666 = arith.index_cast %parallel_loop3A_1635 : i32 to index
          %parallel_loop3A_1667 = arith.constant 32 : index
          %parallel_loop3A_1668 = tpu.vector_load %arg11[%parallel_loop3A_1666, %parallel_loop3A_1667] {strides = array<i32>} : memref<32x128xf32, #tpu.memory_space<vmem>>, vector<16xf32>,
          tpu.vector_store %arg11[%parallel_loop3A_1666, %parallel_loop3A_1667], %parallel_loop3A_1644 {strides = array<i32>} : memref<32x128xf32, #tpu.memory_space<vmem>>, vector<16xf32>,
          %parallel_loop3A_1669 = arith.index_cast %parallel_loop3A_1635 : i32 to index
          %parallel_loop3A_1670 = arith.constant 48 : index
          %parallel_loop3A_1671 = tpu.vector_load %arg11[%parallel_loop3A_1669, %parallel_loop3A_1670] {strides = array<i32>} : memref<32x128xf32, #tpu.memory_space<vmem>>, vector<16xf32>,
          tpu.vector_store %arg11[%parallel_loop3A_1669, %parallel_loop3A_1670], %parallel_loop3A_1647 {strides = array<i32>} : memref<32x128xf32, #tpu.memory_space<vmem>>, vector<16xf32>,
          %parallel_loop3A_1672 = arith.index_cast %parallel_loop3A_1635 : i32 to index
          %parallel_loop3A_1673 = arith.constant 64 : index
          %parallel_loop3A_1674 = tpu.vector_load %arg11[%parallel_loop3A_1672, %parallel_loop3A_1673] {strides = array<i32>} : memref<32x128xf32, #tpu.memory_space<vmem>>, vector<16xf32>,
          tpu.vector_store %arg11[%parallel_loop3A_1672, %parallel_loop3A_1673], %parallel_loop3A_1650 {strides = array<i32>} : memref<32x128xf32, #tpu.memory_space<vmem>>, vector<16xf32>,
          %parallel_loop3A_1675 = arith.index_cast %parallel_loop3A_1635 : i32 to index
          %parallel_loop3A_1676 = arith.constant 80 : index
          %parallel_loop3A_1677 = tpu.vector_load %arg11[%parallel_loop3A_1675, %parallel_loop3A_1676] {strides = array<i32>} : memref<32x128xf32, #tpu.memory_space<vmem>>, vector<16xf32>,
          tpu.vector_store %arg11[%parallel_loop3A_1675, %parallel_loop3A_1676], %parallel_loop3A_1653 {strides = array<i32>} : memref<32x128xf32, #tpu.memory_space<vmem>>, vector<16xf32>,
          %parallel_loop3A_1678 = arith.index_cast %parallel_loop3A_1635 : i32 to index
          %parallel_loop3A_1679 = arith.constant 96 : index
          %parallel_loop3A_1680 = tpu.vector_load %arg11[%parallel_loop3A_1678, %parallel_loop3A_1679] {strides = array<i32>} : memref<32x128xf32, #tpu.memory_space<vmem>>, vector<16xf32>,
          tpu.vector_store %arg11[%parallel_loop3A_1678, %parallel_loop3A_1679], %parallel_loop3A_1656 {strides = array<i32>} : memref<32x128xf32, #tpu.memory_space<vmem>>, vector<16xf32>,
          %parallel_loop3A_1681 = arith.index_cast %parallel_loop3A_1635 : i32 to index
          %parallel_loop3A_1682 = arith.constant 112 : index
          %parallel_loop3A_1683 = tpu.vector_load %arg11[%parallel_loop3A_1681, %parallel_loop3A_1682] {strides = array<i32>} : memref<32x128xf32, #tpu.memory_space<vmem>>, vector<16xf32>,
          tpu.vector_store %arg11[%parallel_loop3A_1681, %parallel_loop3A_1682], %parallel_loop3A_1659 {strides = array<i32>} : memref<32x128xf32, #tpu.memory_space<vmem>>, vector<16xf32>,
        } {sc.loop_unroll_factor = 4 : i64, sc.parallel_access}
        %mul3A_1622 = arith.constant 8 : i32
        %mul3A_1623 = arith.muli %select_n3A, %mul3A_1622 : i32
        %add3A_1624 = arith.constant 3 : i32
        %add3A_1625 = arith.addi %mul3A_1623, %add3A_1624 : i32
        %mul3A_1626 = arith.constant 128 : i32
        %mul3A_1627 = arith.muli %select_n3A_63, %mul3A_1626 : i32
        %multiple_of3A_1628 = tpu.assume_multiple %mul3A_1627, 128 : i32
        %dma_start3A_1629 = arith.constant 0 : i32
        %dma_start3A_1630 = tpu.memref_slice %arg4[%add3A_1625, %dma_start3A_1629, %multiple_of3A_1628] : memref<50x32x16384xf32, #tpu.memory_space<hbm>> -> memref<1x32x128xf32, #tpu.memory_space<hbm>>
        %dma_start3A_1631 = tpu.memref_squeeze %dma_start3A_1630 : memref<1x32x128xf32, #tpu.memory_space<hbm>> -> memref<32x128xf32, #tpu.memory_space<hbm>>
        %dma_start3A_1632 = arith.constant 0 : i32
        %dma_start3A_1633 = tpu.memref_slice %arg4[%add3A_1625, %dma_start3A_1632, %multiple_of3A_1628] : memref<50x32x16384xf32, #tpu.memory_space<hbm>> -> memref<1x32x128xf32, #tpu.memory_space<hbm>>
        %dma_start3A_1634 = tpu.memref_squeeze %dma_start3A_1633 : memref<1x32x128xf32, #tpu.memory_space<hbm>> -> memref<32x128xf32, #tpu.memory_space<hbm>>
        tpu.enqueue_dma source(%arg11 : memref<32x128xf32, #tpu.memory_space<vmem>>) target(%dma_start3A_1634 : memref<32x128xf32, #tpu.memory_space<hbm>>) target_semaphore(%arg16 : memref<!tpu.dma_semaphore, #tpu.memory_space<semaphore_mem>>)
      } else {
      }
      %mul3A_1491 = arith.constant 8 : i32
      %mul3A_1492 = arith.muli %select_n3A, %mul3A_1491 : i32
      %add3A_1493 = arith.constant 5 : i32
      %add3A_1494 = arith.addi %mul3A_1492, %add3A_1493 : i32
      %lt3A_1495 = arith.constant 50 : i32
      %lt3A_1496 = arith.cmpi slt, %add3A_1494, %lt3A_1495 : i32
      %convert_element_type3A_1497 = arith.extui %lt3A_1496 : i1 to i32
      %cond3A_1498 = arith.constant 0 : i32
      %cond3A_1499 = arith.cmpi ne, %convert_element_type3A_1497, %cond3A_1498 : i32
      scf.if %cond3A_1499 {
        %dma_start3A_1572 = arith.constant 5 : i32
        %dma_start3A_1573 = arith.constant 0 : i32
        %dma_start3A_1574 = tpu.memref_slice %arg6[%dma_start3A_1572, %dma_start3A_1573] : memref<8x128xi32, #tpu.memory_space<vmem>> -> memref<1x128xi32, #tpu.memory_space<vmem>>
        %dma_start3A_1575 = tpu.memref_squeeze %dma_start3A_1574 : memref<1x128xi32, #tpu.memory_space<vmem>> -> memref<128xi32, #tpu.memory_space<vmem>>
        %dma_start3A_1576 = arith.constant 0 : i32
        %dma_start3A_1577 = arith.constant 0 : i32
        %dma_start3A_1578 = tpu.memref_slice %arg2[%dma_start3A_1576, %dma_start3A_1577] : memref<250016x128xf32, #tpu.memory_space<hbm>> -> memref<250016x128xf32, #tpu.memory_space<hbm>>
        tpu.enqueue_indirect_dma source(%dma_start3A_1578 : memref<250016x128xf32, #tpu.memory_space<hbm>>) target(%arg9 : memref<128x128xf32, #tpu.memory_space<vmem>>) offsets(%dma_start3A_1575 : memref<128xi32, #tpu.memory_space<vmem>>) semaphore(%arg14 : memref<!tpu.dma_semaphore, #tpu.memory_space<semaphore_mem>>)
      } else {
      }
      %mul3A_1500 = arith.constant 8 : i32
      %mul3A_1501 = arith.muli %select_n3A, %mul3A_1500 : i32
      %add3A_1502 = arith.constant 4 : i32
      %add3A_1503 = arith.addi %mul3A_1501, %add3A_1502 : i32
      %lt3A_1504 = arith.constant 50 : i32
      %lt3A_1505 = arith.cmpi slt, %add3A_1503, %lt3A_1504 : i32
      %convert_element_type3A_1506 = arith.extui %lt3A_1505 : i1 to i32
      %cond3A_1507 = arith.constant 0 : i32
      %cond3A_1508 = arith.cmpi ne, %convert_element_type3A_1506, %cond3A_1507 : i32
      scf.if %cond3A_1508 {
        %dma_wait3A_1572 = arith.constant 0 : i32
        %dma_wait3A_1573 = arith.constant 0 : i32
        %dma_wait3A_1574 = tpu.memref_slice %arg6[%dma_wait3A_1572, %dma_wait3A_1573] : memref<8x128xi32, #tpu.memory_space<vmem>> -> memref<1x128xi32, #tpu.memory_space<vmem>>
        %dma_wait3A_1575 = tpu.memref_squeeze %dma_wait3A_1574 : memref<1x128xi32, #tpu.memory_space<vmem>> -> memref<128xi32, #tpu.memory_space<vmem>>
        %dma_wait3A_1576 = arith.constant 0 : i32
        %dma_wait3A_1577 = arith.constant 0 : i32
        %dma_wait3A_1578 = tpu.memref_slice %arg2[%dma_wait3A_1576, %dma_wait3A_1577] : memref<250016x128xf32, #tpu.memory_space<hbm>> -> memref<250016x128xf32, #tpu.memory_space<hbm>>
        tpu.wait_indirect_dma semaphore(%arg13 : memref<!tpu.dma_semaphore, #tpu.memory_space<semaphore_mem>>) src(%dma_wait3A_1578 : memref<250016x128xf32, #tpu.memory_space<hbm>>) dst(%arg8 : memref<128x128xf32, #tpu.memory_space<vmem>>)
        %dma_wait3A_1579 = arith.constant 0 : i32
        %dma_wait3A_1580 = arith.constant 0 : i32
        %dma_wait3A_1581 = arith.constant 0 : i32
        %dma_wait3A_1582 = tpu.memref_slice %arg4[%dma_wait3A_1579, %dma_wait3A_1580, %dma_wait3A_1581] : memref<50x32x16384xf32, #tpu.memory_space<hbm>> -> memref<1x32x128xf32, #tpu.memory_space<hbm>>
        %dma_wait3A_1583 = tpu.memref_squeeze %dma_wait3A_1582 : memref<1x32x128xf32, #tpu.memory_space<hbm>> -> memref<32x128xf32, #tpu.memory_space<hbm>>
        %dma_wait3A_1584 = arith.constant 0 : i32
        %dma_wait3A_1585 = arith.constant 0 : i32
        %dma_wait3A_1586 = tpu.memref_slice %arg4[%dma_wait3A_1579, %dma_wait3A_1584, %dma_wait3A_1585] : memref<50x32x16384xf32, #tpu.memory_space<hbm>> -> memref<1x32x128xf32, #tpu.memory_space<hbm>>
        %dma_wait3A_1587 = tpu.memref_squeeze %dma_wait3A_1586 : memref<1x32x128xf32, #tpu.memory_space<hbm>> -> memref<32x128xf32, #tpu.memory_space<hbm>>
        tpu.wait_dma2 semaphore(%arg15 : memref<!tpu.dma_semaphore, #tpu.memory_space<semaphore_mem>>) src(%arg10 : memref<32x128xf32, #tpu.memory_space<vmem>>) dst(%dma_wait3A_1587 : memref<32x128xf32, #tpu.memory_space<hbm>>)
        %get3A_1588 = arith.constant 4 : i32
        %get3A_1589 = arith.index_cast %get3A_1588 : i32 to index
        %get3A_1590 = arith.constant 0 : index
        %get3A_1591 = tpu.vector_load %arg7[%get3A_1589, %get3A_1590] {strides = array<i32>} : memref<8x128xi32, #tpu.memory_space<vmem>>, vector<16xi32>,
        %get3A_1592 = arith.constant 4 : i32
        %get3A_1593 = arith.index_cast %get3A_1592 : i32 to index
        %get3A_1594 = arith.constant 16 : index
        %get3A_1595 = tpu.vector_load %arg7[%get3A_1593, %get3A_1594] {strides = array<i32>} : memref<8x128xi32, #tpu.memory_space<vmem>>, vector<16xi32>,
        %get3A_1596 = arith.constant 4 : i32
        %get3A_1597 = arith.index_cast %get3A_1596 : i32 to index
        %get3A_1598 = arith.constant 32 : index
        %get3A_1599 = tpu.vector_load %arg7[%get3A_1597, %get3A_1598] {strides = array<i32>} : memref<8x128xi32, #tpu.memory_space<vmem>>, vector<16xi32>,
        %get3A_1600 = arith.constant 4 : i32
        %get3A_1601 = arith.index_cast %get3A_1600 : i32 to index
        %get3A_1602 = arith.constant 48 : index
        %get3A_1603 = tpu.vector_load %arg7[%get3A_1601, %get3A_1602] {strides = array<i32>} : memref<8x128xi32, #tpu.memory_space<vmem>>, vector<16xi32>,
        %get3A_1604 = arith.constant 4 : i32
        %get3A_1605 = arith.index_cast %get3A_1604 : i32 to index
        %get3A_1606 = arith.constant 64 : index
        %get3A_1607 = tpu.vector_load %arg7[%get3A_1605, %get3A_1606] {strides = array<i32>} : memref<8x128xi32, #tpu.memory_space<vmem>>, vector<16xi32>,
        %get3A_1608 = arith.constant 4 : i32
        %get3A_1609 = arith.index_cast %get3A_1608 : i32 to index
        %get3A_1610 = arith.constant 80 : index
        %get3A_1611 = tpu.vector_load %arg7[%get3A_1609, %get3A_1610] {strides = array<i32>} : memref<8x128xi32, #tpu.memory_space<vmem>>, vector<16xi32>,
        %get3A_1612 = arith.constant 4 : i32
        %get3A_1613 = arith.index_cast %get3A_1612 : i32 to index
        %get3A_1614 = arith.constant 96 : index
        %get3A_1615 = tpu.vector_load %arg7[%get3A_1613, %get3A_1614] {strides = array<i32>} : memref<8x128xi32, #tpu.memory_space<vmem>>, vector<16xi32>,
        %get3A_1616 = arith.constant 4 : i32
        %get3A_1617 = arith.index_cast %get3A_1616 : i32 to index
        %get3A_1618 = arith.constant 112 : index
        %get3A_1619 = tpu.vector_load %arg7[%get3A_1617, %get3A_1618] {strides = array<i32>} : memref<8x128xi32, #tpu.memory_space<vmem>>, vector<16xi32>,
        %parallel_loop3A = arith.constant 0 : i32
        %parallel_loop3A_1620 = arith.constant 32 : i32
        %parallel_loop3A_1621 = arith.constant 1 : i32
        scf.for %parallel_loop3A_1635 = %parallel_loop3A to %parallel_loop3A_1620 step %parallel_loop3A_1621  : i32 {
          %parallel_loop3A_1636 = vector.broadcast %parallel_loop3A_1635 : i32 to vector<16xi32>
          %parallel_loop3A_1637 = arith.addi %get3A_1591, %parallel_loop3A_1636 : vector<16xi32>
          %parallel_loop3A_1638 = tpu.vector_load_idx %arg8[%add3A_3, %parallel_loop3A_1637] : memref<128x128xf32, #tpu.memory_space<vmem>>[vector<16xi32>, vector<16xi32>], vector<16xf32>,
          %parallel_loop3A_1639 = vector.broadcast %parallel_loop3A_1635 : i32 to vector<16xi32>
          %parallel_loop3A_1640 = arith.addi %get3A_1595, %parallel_loop3A_1639 : vector<16xi32>
          %parallel_loop3A_1641 = tpu.vector_load_idx %arg8[%add3A_6, %parallel_loop3A_1640] : memref<128x128xf32, #tpu.memory_space<vmem>>[vector<16xi32>, vector<16xi32>], vector<16xf32>,
          %parallel_loop3A_1642 = vector.broadcast %parallel_loop3A_1635 : i32 to vector<16xi32>
          %parallel_loop3A_1643 = arith.addi %get3A_1599, %parallel_loop3A_1642 : vector<16xi32>
          %parallel_loop3A_1644 = tpu.vector_load_idx %arg8[%add3A_9, %parallel_loop3A_1643] : memref<128x128xf32, #tpu.memory_space<vmem>>[vector<16xi32>, vector<16xi32>], vector<16xf32>,
          %parallel_loop3A_1645 = vector.broadcast %parallel_loop3A_1635 : i32 to vector<16xi32>
          %parallel_loop3A_1646 = arith.addi %get3A_1603, %parallel_loop3A_1645 : vector<16xi32>
          %parallel_loop3A_1647 = tpu.vector_load_idx %arg8[%add3A_12, %parallel_loop3A_1646] : memref<128x128xf32, #tpu.memory_space<vmem>>[vector<16xi32>, vector<16xi32>], vector<16xf32>,
          %parallel_loop3A_1648 = vector.broadcast %parallel_loop3A_1635 : i32 to vector<16xi32>
          %parallel_loop3A_1649 = arith.addi %get3A_1607, %parallel_loop3A_1648 : vector<16xi32>
          %parallel_loop3A_1650 = tpu.vector_load_idx %arg8[%add3A_15, %parallel_loop3A_1649] : memref<128x128xf32, #tpu.memory_space<vmem>>[vector<16xi32>, vector<16xi32>], vector<16xf32>,
          %parallel_loop3A_1651 = vector.broadcast %parallel_loop3A_1635 : i32 to vector<16xi32>
          %parallel_loop3A_1652 = arith.addi %get3A_1611, %parallel_loop3A_1651 : vector<16xi32>
          %parallel_loop3A_1653 = tpu.vector_load_idx %arg8[%add3A_18, %parallel_loop3A_1652] : memref<128x128xf32, #tpu.memory_space<vmem>>[vector<16xi32>, vector<16xi32>], vector<16xf32>,
          %parallel_loop3A_1654 = vector.broadcast %parallel_loop3A_1635 : i32 to vector<16xi32>
          %parallel_loop3A_1655 = arith.addi %get3A_1615, %parallel_loop3A_1654 : vector<16xi32>
          %parallel_loop3A_1656 = tpu.vector_load_idx %arg8[%add3A_21, %parallel_loop3A_1655] : memref<128x128xf32, #tpu.memory_space<vmem>>[vector<16xi32>, vector<16xi32>], vector<16xf32>,
          %parallel_loop3A_1657 = vector.broadcast %parallel_loop3A_1635 : i32 to vector<16xi32>
          %parallel_loop3A_1658 = arith.addi %get3A_1619, %parallel_loop3A_1657 : vector<16xi32>
          %parallel_loop3A_1659 = tpu.vector_load_idx %arg8[%add3A_24, %parallel_loop3A_1658] : memref<128x128xf32, #tpu.memory_space<vmem>>[vector<16xi32>, vector<16xi32>], vector<16xf32>,
          %parallel_loop3A_1660 = arith.index_cast %parallel_loop3A_1635 : i32 to index
          %parallel_loop3A_1661 = arith.constant 0 : index
          %parallel_loop3A_1662 = tpu.vector_load %arg10[%parallel_loop3A_1660, %parallel_loop3A_1661] {strides = array<i32>} : memref<32x128xf32, #tpu.memory_space<vmem>>, vector<16xf32>,
          tpu.vector_store %arg10[%parallel_loop3A_1660, %parallel_loop3A_1661], %parallel_loop3A_1638 {strides = array<i32>} : memref<32x128xf32, #tpu.memory_space<vmem>>, vector<16xf32>,
          %parallel_loop3A_1663 = arith.index_cast %parallel_loop3A_1635 : i32 to index
          %parallel_loop3A_1664 = arith.constant 16 : index
          %parallel_loop3A_1665 = tpu.vector_load %arg10[%parallel_loop3A_1663, %parallel_loop3A_1664] {strides = array<i32>} : memref<32x128xf32, #tpu.memory_space<vmem>>, vector<16xf32>,
          tpu.vector_store %arg10[%parallel_loop3A_1663, %parallel_loop3A_1664], %parallel_loop3A_1641 {strides = array<i32>} : memref<32x128xf32, #tpu.memory_space<vmem>>, vector<16xf32>,
          %parallel_loop3A_1666 = arith.index_cast %parallel_loop3A_1635 : i32 to index
          %parallel_loop3A_1667 = arith.constant 32 : index
          %parallel_loop3A_1668 = tpu.vector_load %arg10[%parallel_loop3A_1666, %parallel_loop3A_1667] {strides = array<i32>} : memref<32x128xf32, #tpu.memory_space<vmem>>, vector<16xf32>,
          tpu.vector_store %arg10[%parallel_loop3A_1666, %parallel_loop3A_1667], %parallel_loop3A_1644 {strides = array<i32>} : memref<32x128xf32, #tpu.memory_space<vmem>>, vector<16xf32>,
          %parallel_loop3A_1669 = arith.index_cast %parallel_loop3A_1635 : i32 to index
          %parallel_loop3A_1670 = arith.constant 48 : index
          %parallel_loop3A_1671 = tpu.vector_load %arg10[%parallel_loop3A_1669, %parallel_loop3A_1670] {strides = array<i32>} : memref<32x128xf32, #tpu.memory_space<vmem>>, vector<16xf32>,
          tpu.vector_store %arg10[%parallel_loop3A_1669, %parallel_loop3A_1670], %parallel_loop3A_1647 {strides = array<i32>} : memref<32x128xf32, #tpu.memory_space<vmem>>, vector<16xf32>,
          %parallel_loop3A_1672 = arith.index_cast %parallel_loop3A_1635 : i32 to index
          %parallel_loop3A_1673 = arith.constant 64 : index
          %parallel_loop3A_1674 = tpu.vector_load %arg10[%parallel_loop3A_1672, %parallel_loop3A_1673] {strides = array<i32>} : memref<32x128xf32, #tpu.memory_space<vmem>>, vector<16xf32>,
          tpu.vector_store %arg10[%parallel_loop3A_1672, %parallel_loop3A_1673], %parallel_loop3A_1650 {strides = array<i32>} : memref<32x128xf32, #tpu.memory_space<vmem>>, vector<16xf32>,
          %parallel_loop3A_1675 = arith.index_cast %parallel_loop3A_1635 : i32 to index
          %parallel_loop3A_1676 = arith.constant 80 : index
          %parallel_loop3A_1677 = tpu.vector_load %arg10[%parallel_loop3A_1675, %parallel_loop3A_1676] {strides = array<i32>} : memref<32x128xf32, #tpu.memory_space<vmem>>, vector<16xf32>,
          tpu.vector_store %arg10[%parallel_loop3A_1675, %parallel_loop3A_1676], %parallel_loop3A_1653 {strides = array<i32>} : memref<32x128xf32, #tpu.memory_space<vmem>>, vector<16xf32>,
          %parallel_loop3A_1678 = arith.index_cast %parallel_loop3A_1635 : i32 to index
          %parallel_loop3A_1679 = arith.constant 96 : index
          %parallel_loop3A_1680 = tpu.vector_load %arg10[%parallel_loop3A_1678, %parallel_loop3A_1679] {strides = array<i32>} : memref<32x128xf32, #tpu.memory_space<vmem>>, vector<16xf32>,
          tpu.vector_store %arg10[%parallel_loop3A_1678, %parallel_loop3A_1679], %parallel_loop3A_1656 {strides = array<i32>} : memref<32x128xf32, #tpu.memory_space<vmem>>, vector<16xf32>,
          %parallel_loop3A_1681 = arith.index_cast %parallel_loop3A_1635 : i32 to index
          %parallel_loop3A_1682 = arith.constant 112 : index
          %parallel_loop3A_1683 = tpu.vector_load %arg10[%parallel_loop3A_1681, %parallel_loop3A_1682] {strides = array<i32>} : memref<32x128xf32, #tpu.memory_space<vmem>>, vector<16xf32>,
          tpu.vector_store %arg10[%parallel_loop3A_1681, %parallel_loop3A_1682], %parallel_loop3A_1659 {strides = array<i32>} : memref<32x128xf32, #tpu.memory_space<vmem>>, vector<16xf32>,
        } {sc.loop_unroll_factor = 4 : i64, sc.parallel_access}
        %mul3A_1622 = arith.constant 8 : i32
        %mul3A_1623 = arith.muli %select_n3A, %mul3A_1622 : i32
        %add3A_1624 = arith.constant 4 : i32
        %add3A_1625 = arith.addi %mul3A_1623, %add3A_1624 : i32
        %mul3A_1626 = arith.constant 128 : i32
        %mul3A_1627 = arith.muli %select_n3A_63, %mul3A_1626 : i32
        %multiple_of3A_1628 = tpu.assume_multiple %mul3A_1627, 128 : i32
        %dma_start3A_1629 = arith.constant 0 : i32
        %dma_start3A_1630 = tpu.memref_slice %arg4[%add3A_1625, %dma_start3A_1629, %multiple_of3A_1628] : memref<50x32x16384xf32, #tpu.memory_space<hbm>> -> memref<1x32x128xf32, #tpu.memory_space<hbm>>
        %dma_start3A_1631 = tpu.memref_squeeze %dma_start3A_1630 : memref<1x32x128xf32, #tpu.memory_space<hbm>> -> memref<32x128xf32, #tpu.memory_space<hbm>>
        %dma_start3A_1632 = arith.constant 0 : i32
        %dma_start3A_1633 = tpu.memref_slice %arg4[%add3A_1625, %dma_start3A_1632, %multiple_of3A_1628] : memref<50x32x16384xf32, #tpu.memory_space<hbm>> -> memref<1x32x128xf32, #tpu.memory_space<hbm>>
        %dma_start3A_1634 = tpu.memref_squeeze %dma_start3A_1633 : memref<1x32x128xf32, #tpu.memory_space<hbm>> -> memref<32x128xf32, #tpu.memory_space<hbm>>
        tpu.enqueue_dma source(%arg10 : memref<32x128xf32, #tpu.memory_space<vmem>>) target(%dma_start3A_1634 : memref<32x128xf32, #tpu.memory_space<hbm>>) target_semaphore(%arg15 : memref<!tpu.dma_semaphore, #tpu.memory_space<semaphore_mem>>)
      } else {
      }
      %mul3A_1509 = arith.constant 8 : i32
      %mul3A_1510 = arith.muli %select_n3A, %mul3A_1509 : i32
      %add3A_1511 = arith.constant 6 : i32
      %add3A_1512 = arith.addi %mul3A_1510, %add3A_1511 : i32
      %lt3A_1513 = arith.constant 50 : i32
      %lt3A_1514 = arith.cmpi slt, %add3A_1512, %lt3A_1513 : i32
      %convert_element_type3A_1515 = arith.extui %lt3A_1514 : i1 to i32
      %cond3A_1516 = arith.constant 0 : i32
      %cond3A_1517 = arith.cmpi ne, %convert_element_type3A_1515, %cond3A_1516 : i32
      scf.if %cond3A_1517 {
        %dma_start3A_1572 = arith.constant 6 : i32
        %dma_start3A_1573 = arith.constant 0 : i32
        %dma_start3A_1574 = tpu.memref_slice %arg6[%dma_start3A_1572, %dma_start3A_1573] : memref<8x128xi32, #tpu.memory_space<vmem>> -> memref<1x128xi32, #tpu.memory_space<vmem>>
        %dma_start3A_1575 = tpu.memref_squeeze %dma_start3A_1574 : memref<1x128xi32, #tpu.memory_space<vmem>> -> memref<128xi32, #tpu.memory_space<vmem>>
        %dma_start3A_1576 = arith.constant 0 : i32
        %dma_start3A_1577 = arith.constant 0 : i32
        %dma_start3A_1578 = tpu.memref_slice %arg2[%dma_start3A_1576, %dma_start3A_1577] : memref<250016x128xf32, #tpu.memory_space<hbm>> -> memref<250016x128xf32, #tpu.memory_space<hbm>>
        tpu.enqueue_indirect_dma source(%dma_start3A_1578 : memref<250016x128xf32, #tpu.memory_space<hbm>>) target(%arg8 : memref<128x128xf32, #tpu.memory_space<vmem>>) offsets(%dma_start3A_1575 : memref<128xi32, #tpu.memory_space<vmem>>) semaphore(%arg13 : memref<!tpu.dma_semaphore, #tpu.memory_space<semaphore_mem>>)
      } else {
      }
      %mul3A_1518 = arith.constant 8 : i32
      %mul3A_1519 = arith.muli %select_n3A, %mul3A_1518 : i32
      %add3A_1520 = arith.constant 5 : i32
      %add3A_1521 = arith.addi %mul3A_1519, %add3A_1520 : i32
      %lt3A_1522 = arith.constant 50 : i32
      %lt3A_1523 = arith.cmpi slt, %add3A_1521, %lt3A_1522 : i32
      %convert_element_type3A_1524 = arith.extui %lt3A_1523 : i1 to i32
      %cond3A_1525 = arith.constant 0 : i32
      %cond3A_1526 = arith.cmpi ne, %convert_element_type3A_1524, %cond3A_1525 : i32
      scf.if %cond3A_1526 {
        %dma_wait3A_1572 = arith.constant 0 : i32
        %dma_wait3A_1573 = arith.constant 0 : i32
        %dma_wait3A_1574 = tpu.memref_slice %arg6[%dma_wait3A_1572, %dma_wait3A_1573] : memref<8x128xi32, #tpu.memory_space<vmem>> -> memref<1x128xi32, #tpu.memory_space<vmem>>
        %dma_wait3A_1575 = tpu.memref_squeeze %dma_wait3A_1574 : memref<1x128xi32, #tpu.memory_space<vmem>> -> memref<128xi32, #tpu.memory_space<vmem>>
        %dma_wait3A_1576 = arith.constant 0 : i32
        %dma_wait3A_1577 = arith.constant 0 : i32
        %dma_wait3A_1578 = tpu.memref_slice %arg2[%dma_wait3A_1576, %dma_wait3A_1577] : memref<250016x128xf32, #tpu.memory_space<hbm>> -> memref<250016x128xf32, #tpu.memory_space<hbm>>
        tpu.wait_indirect_dma semaphore(%arg14 : memref<!tpu.dma_semaphore, #tpu.memory_space<semaphore_mem>>) src(%dma_wait3A_1578 : memref<250016x128xf32, #tpu.memory_space<hbm>>) dst(%arg9 : memref<128x128xf32, #tpu.memory_space<vmem>>)
        %dma_wait3A_1579 = arith.constant 0 : i32
        %dma_wait3A_1580 = arith.constant 0 : i32
        %dma_wait3A_1581 = arith.constant 0 : i32
        %dma_wait3A_1582 = tpu.memref_slice %arg4[%dma_wait3A_1579, %dma_wait3A_1580, %dma_wait3A_1581] : memref<50x32x16384xf32, #tpu.memory_space<hbm>> -> memref<1x32x128xf32, #tpu.memory_space<hbm>>
        %dma_wait3A_1583 = tpu.memref_squeeze %dma_wait3A_1582 : memref<1x32x128xf32, #tpu.memory_space<hbm>> -> memref<32x128xf32, #tpu.memory_space<hbm>>
        %dma_wait3A_1584 = arith.constant 0 : i32
        %dma_wait3A_1585 = arith.constant 0 : i32
        %dma_wait3A_1586 = tpu.memref_slice %arg4[%dma_wait3A_1579, %dma_wait3A_1584, %dma_wait3A_1585] : memref<50x32x16384xf32, #tpu.memory_space<hbm>> -> memref<1x32x128xf32, #tpu.memory_space<hbm>>
        %dma_wait3A_1587 = tpu.memref_squeeze %dma_wait3A_1586 : memref<1x32x128xf32, #tpu.memory_space<hbm>> -> memref<32x128xf32, #tpu.memory_space<hbm>>
        tpu.wait_dma2 semaphore(%arg16 : memref<!tpu.dma_semaphore, #tpu.memory_space<semaphore_mem>>) src(%arg11 : memref<32x128xf32, #tpu.memory_space<vmem>>) dst(%dma_wait3A_1587 : memref<32x128xf32, #tpu.memory_space<hbm>>)
        %get3A_1588 = arith.constant 5 : i32
        %get3A_1589 = arith.index_cast %get3A_1588 : i32 to index
        %get3A_1590 = arith.constant 0 : index
        %get3A_1591 = tpu.vector_load %arg7[%get3A_1589, %get3A_1590] {strides = array<i32>} : memref<8x128xi32, #tpu.memory_space<vmem>>, vector<16xi32>,
        %get3A_1592 = arith.constant 5 : i32
        %get3A_1593 = arith.index_cast %get3A_1592 : i32 to index
        %get3A_1594 = arith.constant 16 : index
        %get3A_1595 = tpu.vector_load %arg7[%get3A_1593, %get3A_1594] {strides = array<i32>} : memref<8x128xi32, #tpu.memory_space<vmem>>, vector<16xi32>,
        %get3A_1596 = arith.constant 5 : i32
        %get3A_1597 = arith.index_cast %get3A_1596 : i32 to index
        %get3A_1598 = arith.constant 32 : index
        %get3A_1599 = tpu.vector_load %arg7[%get3A_1597, %get3A_1598] {strides = array<i32>} : memref<8x128xi32, #tpu.memory_space<vmem>>, vector<16xi32>,
        %get3A_1600 = arith.constant 5 : i32
        %get3A_1601 = arith.index_cast %get3A_1600 : i32 to index
        %get3A_1602 = arith.constant 48 : index
        %get3A_1603 = tpu.vector_load %arg7[%get3A_1601, %get3A_1602] {strides = array<i32>} : memref<8x128xi32, #tpu.memory_space<vmem>>, vector<16xi32>,
        %get3A_1604 = arith.constant 5 : i32
        %get3A_1605 = arith.index_cast %get3A_1604 : i32 to index
        %get3A_1606 = arith.constant 64 : index
        %get3A_1607 = tpu.vector_load %arg7[%get3A_1605, %get3A_1606] {strides = array<i32>} : memref<8x128xi32, #tpu.memory_space<vmem>>, vector<16xi32>,
        %get3A_1608 = arith.constant 5 : i32
        %get3A_1609 = arith.index_cast %get3A_1608 : i32 to index
        %get3A_1610 = arith.constant 80 : index
        %get3A_1611 = tpu.vector_load %arg7[%get3A_1609, %get3A_1610] {strides = array<i32>} : memref<8x128xi32, #tpu.memory_space<vmem>>, vector<16xi32>,
        %get3A_1612 = arith.constant 5 : i32
        %get3A_1613 = arith.index_cast %get3A_1612 : i32 to index
        %get3A_1614 = arith.constant 96 : index
        %get3A_1615 = tpu.vector_load %arg7[%get3A_1613, %get3A_1614] {strides = array<i32>} : memref<8x128xi32, #tpu.memory_space<vmem>>, vector<16xi32>,
        %get3A_1616 = arith.constant 5 : i32
        %get3A_1617 = arith.index_cast %get3A_1616 : i32 to index
        %get3A_1618 = arith.constant 112 : index
        %get3A_1619 = tpu.vector_load %arg7[%get3A_1617, %get3A_1618] {strides = array<i32>} : memref<8x128xi32, #tpu.memory_space<vmem>>, vector<16xi32>,
        %parallel_loop3A = arith.constant 0 : i32
        %parallel_loop3A_1620 = arith.constant 32 : i32
        %parallel_loop3A_1621 = arith.constant 1 : i32
        scf.for %parallel_loop3A_1635 = %parallel_loop3A to %parallel_loop3A_1620 step %parallel_loop3A_1621  : i32 {
          %parallel_loop3A_1636 = vector.broadcast %parallel_loop3A_1635 : i32 to vector<16xi32>
          %parallel_loop3A_1637 = arith.addi %get3A_1591, %parallel_loop3A_1636 : vector<16xi32>
          %parallel_loop3A_1638 = tpu.vector_load_idx %arg9[%add3A_3, %parallel_loop3A_1637] : memref<128x128xf32, #tpu.memory_space<vmem>>[vector<16xi32>, vector<16xi32>], vector<16xf32>,
          %parallel_loop3A_1639 = vector.broadcast %parallel_loop3A_1635 : i32 to vector<16xi32>
          %parallel_loop3A_1640 = arith.addi %get3A_1595, %parallel_loop3A_1639 : vector<16xi32>
          %parallel_loop3A_1641 = tpu.vector_load_idx %arg9[%add3A_6, %parallel_loop3A_1640] : memref<128x128xf32, #tpu.memory_space<vmem>>[vector<16xi32>, vector<16xi32>], vector<16xf32>,
          %parallel_loop3A_1642 = vector.broadcast %parallel_loop3A_1635 : i32 to vector<16xi32>
          %parallel_loop3A_1643 = arith.addi %get3A_1599, %parallel_loop3A_1642 : vector<16xi32>
          %parallel_loop3A_1644 = tpu.vector_load_idx %arg9[%add3A_9, %parallel_loop3A_1643] : memref<128x128xf32, #tpu.memory_space<vmem>>[vector<16xi32>, vector<16xi32>], vector<16xf32>,
          %parallel_loop3A_1645 = vector.broadcast %parallel_loop3A_1635 : i32 to vector<16xi32>
          %parallel_loop3A_1646 = arith.addi %get3A_1603, %parallel_loop3A_1645 : vector<16xi32>
          %parallel_loop3A_1647 = tpu.vector_load_idx %arg9[%add3A_12, %parallel_loop3A_1646] : memref<128x128xf32, #tpu.memory_space<vmem>>[vector<16xi32>, vector<16xi32>], vector<16xf32>,
          %parallel_loop3A_1648 = vector.broadcast %parallel_loop3A_1635 : i32 to vector<16xi32>
          %parallel_loop3A_1649 = arith.addi %get3A_1607, %parallel_loop3A_1648 : vector<16xi32>
          %parallel_loop3A_1650 = tpu.vector_load_idx %arg9[%add3A_15, %parallel_loop3A_1649] : memref<128x128xf32, #tpu.memory_space<vmem>>[vector<16xi32>, vector<16xi32>], vector<16xf32>,
          %parallel_loop3A_1651 = vector.broadcast %parallel_loop3A_1635 : i32 to vector<16xi32>
          %parallel_loop3A_1652 = arith.addi %get3A_1611, %parallel_loop3A_1651 : vector<16xi32>
          %parallel_loop3A_1653 = tpu.vector_load_idx %arg9[%add3A_18, %parallel_loop3A_1652] : memref<128x128xf32, #tpu.memory_space<vmem>>[vector<16xi32>, vector<16xi32>], vector<16xf32>,
          %parallel_loop3A_1654 = vector.broadcast %parallel_loop3A_1635 : i32 to vector<16xi32>
          %parallel_loop3A_1655 = arith.addi %get3A_1615, %parallel_loop3A_1654 : vector<16xi32>
          %parallel_loop3A_1656 = tpu.vector_load_idx %arg9[%add3A_21, %parallel_loop3A_1655] : memref<128x128xf32, #tpu.memory_space<vmem>>[vector<16xi32>, vector<16xi32>], vector<16xf32>,
          %parallel_loop3A_1657 = vector.broadcast %parallel_loop3A_1635 : i32 to vector<16xi32>
          %parallel_loop3A_1658 = arith.addi %get3A_1619, %parallel_loop3A_1657 : vector<16xi32>
          %parallel_loop3A_1659 = tpu.vector_load_idx %arg9[%add3A_24, %parallel_loop3A_1658] : memref<128x128xf32, #tpu.memory_space<vmem>>[vector<16xi32>, vector<16xi32>], vector<16xf32>,
          %parallel_loop3A_1660 = arith.index_cast %parallel_loop3A_1635 : i32 to index
          %parallel_loop3A_1661 = arith.constant 0 : index
          %parallel_loop3A_1662 = tpu.vector_load %arg11[%parallel_loop3A_1660, %parallel_loop3A_1661] {strides = array<i32>} : memref<32x128xf32, #tpu.memory_space<vmem>>, vector<16xf32>,
          tpu.vector_store %arg11[%parallel_loop3A_1660, %parallel_loop3A_1661], %parallel_loop3A_1638 {strides = array<i32>} : memref<32x128xf32, #tpu.memory_space<vmem>>, vector<16xf32>,
          %parallel_loop3A_1663 = arith.index_cast %parallel_loop3A_1635 : i32 to index
          %parallel_loop3A_1664 = arith.constant 16 : index
          %parallel_loop3A_1665 = tpu.vector_load %arg11[%parallel_loop3A_1663, %parallel_loop3A_1664] {strides = array<i32>} : memref<32x128xf32, #tpu.memory_space<vmem>>, vector<16xf32>,
          tpu.vector_store %arg11[%parallel_loop3A_1663, %parallel_loop3A_1664], %parallel_loop3A_1641 {strides = array<i32>} : memref<32x128xf32, #tpu.memory_space<vmem>>, vector<16xf32>,
          %parallel_loop3A_1666 = arith.index_cast %parallel_loop3A_1635 : i32 to index
          %parallel_loop3A_1667 = arith.constant 32 : index
          %parallel_loop3A_1668 = tpu.vector_load %arg11[%parallel_loop3A_1666, %parallel_loop3A_1667] {strides = array<i32>} : memref<32x128xf32, #tpu.memory_space<vmem>>, vector<16xf32>,
          tpu.vector_store %arg11[%parallel_loop3A_1666, %parallel_loop3A_1667], %parallel_loop3A_1644 {strides = array<i32>} : memref<32x128xf32, #tpu.memory_space<vmem>>, vector<16xf32>,
          %parallel_loop3A_1669 = arith.index_cast %parallel_loop3A_1635 : i32 to index
          %parallel_loop3A_1670 = arith.constant 48 : index
          %parallel_loop3A_1671 = tpu.vector_load %arg11[%parallel_loop3A_1669, %parallel_loop3A_1670] {strides = array<i32>} : memref<32x128xf32, #tpu.memory_space<vmem>>, vector<16xf32>,
          tpu.vector_store %arg11[%parallel_loop3A_1669, %parallel_loop3A_1670], %parallel_loop3A_1647 {strides = array<i32>} : memref<32x128xf32, #tpu.memory_space<vmem>>, vector<16xf32>,
          %parallel_loop3A_1672 = arith.index_cast %parallel_loop3A_1635 : i32 to index
          %parallel_loop3A_1673 = arith.constant 64 : index
          %parallel_loop3A_1674 = tpu.vector_load %arg11[%parallel_loop3A_1672, %parallel_loop3A_1673] {strides = array<i32>} : memref<32x128xf32, #tpu.memory_space<vmem>>, vector<16xf32>,
          tpu.vector_store %arg11[%parallel_loop3A_1672, %parallel_loop3A_1673], %parallel_loop3A_1650 {strides = array<i32>} : memref<32x128xf32, #tpu.memory_space<vmem>>, vector<16xf32>,
          %parallel_loop3A_1675 = arith.index_cast %parallel_loop3A_1635 : i32 to index
          %parallel_loop3A_1676 = arith.constant 80 : index
          %parallel_loop3A_1677 = tpu.vector_load %arg11[%parallel_loop3A_1675, %parallel_loop3A_1676] {strides = array<i32>} : memref<32x128xf32, #tpu.memory_space<vmem>>, vector<16xf32>,
          tpu.vector_store %arg11[%parallel_loop3A_1675, %parallel_loop3A_1676], %parallel_loop3A_1653 {strides = array<i32>} : memref<32x128xf32, #tpu.memory_space<vmem>>, vector<16xf32>,
          %parallel_loop3A_1678 = arith.index_cast %parallel_loop3A_1635 : i32 to index
          %parallel_loop3A_1679 = arith.constant 96 : index
          %parallel_loop3A_1680 = tpu.vector_load %arg11[%parallel_loop3A_1678, %parallel_loop3A_1679] {strides = array<i32>} : memref<32x128xf32, #tpu.memory_space<vmem>>, vector<16xf32>,
          tpu.vector_store %arg11[%parallel_loop3A_1678, %parallel_loop3A_1679], %parallel_loop3A_1656 {strides = array<i32>} : memref<32x128xf32, #tpu.memory_space<vmem>>, vector<16xf32>,
          %parallel_loop3A_1681 = arith.index_cast %parallel_loop3A_1635 : i32 to index
          %parallel_loop3A_1682 = arith.constant 112 : index
          %parallel_loop3A_1683 = tpu.vector_load %arg11[%parallel_loop3A_1681, %parallel_loop3A_1682] {strides = array<i32>} : memref<32x128xf32, #tpu.memory_space<vmem>>, vector<16xf32>,
          tpu.vector_store %arg11[%parallel_loop3A_1681, %parallel_loop3A_1682], %parallel_loop3A_1659 {strides = array<i32>} : memref<32x128xf32, #tpu.memory_space<vmem>>, vector<16xf32>,
        } {sc.loop_unroll_factor = 4 : i64, sc.parallel_access}
        %mul3A_1622 = arith.constant 8 : i32
        %mul3A_1623 = arith.muli %select_n3A, %mul3A_1622 : i32
        %add3A_1624 = arith.constant 5 : i32
        %add3A_1625 = arith.addi %mul3A_1623, %add3A_1624 : i32
        %mul3A_1626 = arith.constant 128 : i32
        %mul3A_1627 = arith.muli %select_n3A_63, %mul3A_1626 : i32
        %multiple_of3A_1628 = tpu.assume_multiple %mul3A_1627, 128 : i32
        %dma_start3A_1629 = arith.constant 0 : i32
        %dma_start3A_1630 = tpu.memref_slice %arg4[%add3A_1625, %dma_start3A_1629, %multiple_of3A_1628] : memref<50x32x16384xf32, #tpu.memory_space<hbm>> -> memref<1x32x128xf32, #tpu.memory_space<hbm>>
        %dma_start3A_1631 = tpu.memref_squeeze %dma_start3A_1630 : memref<1x32x128xf32, #tpu.memory_space<hbm>> -> memref<32x128xf32, #tpu.memory_space<hbm>>
        %dma_start3A_1632 = arith.constant 0 : i32
        %dma_start3A_1633 = tpu.memref_slice %arg4[%add3A_1625, %dma_start3A_1632, %multiple_of3A_1628] : memref<50x32x16384xf32, #tpu.memory_space<hbm>> -> memref<1x32x128xf32, #tpu.memory_space<hbm>>
        %dma_start3A_1634 = tpu.memref_squeeze %dma_start3A_1633 : memref<1x32x128xf32, #tpu.memory_space<hbm>> -> memref<32x128xf32, #tpu.memory_space<hbm>>
        tpu.enqueue_dma source(%arg11 : memref<32x128xf32, #tpu.memory_space<vmem>>) target(%dma_start3A_1634 : memref<32x128xf32, #tpu.memory_space<hbm>>) target_semaphore(%arg16 : memref<!tpu.dma_semaphore, #tpu.memory_space<semaphore_mem>>)
      } else {
      }
      %mul3A_1527 = arith.constant 8 : i32
      %mul3A_1528 = arith.muli %select_n3A, %mul3A_1527 : i32
      %add3A_1529 = arith.constant 7 : i32
      %add3A_1530 = arith.addi %mul3A_1528, %add3A_1529 : i32
      %lt3A_1531 = arith.constant 50 : i32
      %lt3A_1532 = arith.cmpi slt, %add3A_1530, %lt3A_1531 : i32
      %convert_element_type3A_1533 = arith.extui %lt3A_1532 : i1 to i32
      %cond3A_1534 = arith.constant 0 : i32
      %cond3A_1535 = arith.cmpi ne, %convert_element_type3A_1533, %cond3A_1534 : i32
      scf.if %cond3A_1535 {
        %dma_start3A_1572 = arith.constant 7 : i32
        %dma_start3A_1573 = arith.constant 0 : i32
        %dma_start3A_1574 = tpu.memref_slice %arg6[%dma_start3A_1572, %dma_start3A_1573] : memref<8x128xi32, #tpu.memory_space<vmem>> -> memref<1x128xi32, #tpu.memory_space<vmem>>
        %dma_start3A_1575 = tpu.memref_squeeze %dma_start3A_1574 : memref<1x128xi32, #tpu.memory_space<vmem>> -> memref<128xi32, #tpu.memory_space<vmem>>
        %dma_start3A_1576 = arith.constant 0 : i32
        %dma_start3A_1577 = arith.constant 0 : i32
        %dma_start3A_1578 = tpu.memref_slice %arg2[%dma_start3A_1576, %dma_start3A_1577] : memref<250016x128xf32, #tpu.memory_space<hbm>> -> memref<250016x128xf32, #tpu.memory_space<hbm>>
        tpu.enqueue_indirect_dma source(%dma_start3A_1578 : memref<250016x128xf32, #tpu.memory_space<hbm>>) target(%arg9 : memref<128x128xf32, #tpu.memory_space<vmem>>) offsets(%dma_start3A_1575 : memref<128xi32, #tpu.memory_space<vmem>>) semaphore(%arg14 : memref<!tpu.dma_semaphore, #tpu.memory_space<semaphore_mem>>)
      } else {
      }
      %mul3A_1536 = arith.constant 8 : i32
      %mul3A_1537 = arith.muli %select_n3A, %mul3A_1536 : i32
      %add3A_1538 = arith.constant 6 : i32
      %add3A_1539 = arith.addi %mul3A_1537, %add3A_1538 : i32
      %lt3A_1540 = arith.constant 50 : i32
      %lt3A_1541 = arith.cmpi slt, %add3A_1539, %lt3A_1540 : i32
      %convert_element_type3A_1542 = arith.extui %lt3A_1541 : i1 to i32
      %cond3A_1543 = arith.constant 0 : i32
      %cond3A_1544 = arith.cmpi ne, %convert_element_type3A_1542, %cond3A_1543 : i32
      scf.if %cond3A_1544 {
        %dma_wait3A_1572 = arith.constant 0 : i32
        %dma_wait3A_1573 = arith.constant 0 : i32
        %dma_wait3A_1574 = tpu.memref_slice %arg6[%dma_wait3A_1572, %dma_wait3A_1573] : memref<8x128xi32, #tpu.memory_space<vmem>> -> memref<1x128xi32, #tpu.memory_space<vmem>>
        %dma_wait3A_1575 = tpu.memref_squeeze %dma_wait3A_1574 : memref<1x128xi32, #tpu.memory_space<vmem>> -> memref<128xi32, #tpu.memory_space<vmem>>
        %dma_wait3A_1576 = arith.constant 0 : i32
        %dma_wait3A_1577 = arith.constant 0 : i32
        %dma_wait3A_1578 = tpu.memref_slice %arg2[%dma_wait3A_1576, %dma_wait3A_1577] : memref<250016x128xf32, #tpu.memory_space<hbm>> -> memref<250016x128xf32, #tpu.memory_space<hbm>>
        tpu.wait_indirect_dma semaphore(%arg13 : memref<!tpu.dma_semaphore, #tpu.memory_space<semaphore_mem>>) src(%dma_wait3A_1578 : memref<250016x128xf32, #tpu.memory_space<hbm>>) dst(%arg8 : memref<128x128xf32, #tpu.memory_space<vmem>>)
        %dma_wait3A_1579 = arith.constant 0 : i32
        %dma_wait3A_1580 = arith.constant 0 : i32
        %dma_wait3A_1581 = arith.constant 0 : i32
        %dma_wait3A_1582 = tpu.memref_slice %arg4[%dma_wait3A_1579, %dma_wait3A_1580, %dma_wait3A_1581] : memref<50x32x16384xf32, #tpu.memory_space<hbm>> -> memref<1x32x128xf32, #tpu.memory_space<hbm>>
        %dma_wait3A_1583 = tpu.memref_squeeze %dma_wait3A_1582 : memref<1x32x128xf32, #tpu.memory_space<hbm>> -> memref<32x128xf32, #tpu.memory_space<hbm>>
        %dma_wait3A_1584 = arith.constant 0 : i32
        %dma_wait3A_1585 = arith.constant 0 : i32
        %dma_wait3A_1586 = tpu.memref_slice %arg4[%dma_wait3A_1579, %dma_wait3A_1584, %dma_wait3A_1585] : memref<50x32x16384xf32, #tpu.memory_space<hbm>> -> memref<1x32x128xf32, #tpu.memory_space<hbm>>
        %dma_wait3A_1587 = tpu.memref_squeeze %dma_wait3A_1586 : memref<1x32x128xf32, #tpu.memory_space<hbm>> -> memref<32x128xf32, #tpu.memory_space<hbm>>
        tpu.wait_dma2 semaphore(%arg15 : memref<!tpu.dma_semaphore, #tpu.memory_space<semaphore_mem>>) src(%arg10 : memref<32x128xf32, #tpu.memory_space<vmem>>) dst(%dma_wait3A_1587 : memref<32x128xf32, #tpu.memory_space<hbm>>)
        %get3A_1588 = arith.constant 6 : i32
        %get3A_1589 = arith.index_cast %get3A_1588 : i32 to index
        %get3A_1590 = arith.constant 0 : index
        %get3A_1591 = tpu.vector_load %arg7[%get3A_1589, %get3A_1590] {strides = array<i32>} : memref<8x128xi32, #tpu.memory_space<vmem>>, vector<16xi32>,
        %get3A_1592 = arith.constant 6 : i32
        %get3A_1593 = arith.index_cast %get3A_1592 : i32 to index
        %get3A_1594 = arith.constant 16 : index
        %get3A_1595 = tpu.vector_load %arg7[%get3A_1593, %get3A_1594] {strides = array<i32>} : memref<8x128xi32, #tpu.memory_space<vmem>>, vector<16xi32>,
        %get3A_1596 = arith.constant 6 : i32
        %get3A_1597 = arith.index_cast %get3A_1596 : i32 to index
        %get3A_1598 = arith.constant 32 : index
        %get3A_1599 = tpu.vector_load %arg7[%get3A_1597, %get3A_1598] {strides = array<i32>} : memref<8x128xi32, #tpu.memory_space<vmem>>, vector<16xi32>,
        %get3A_1600 = arith.constant 6 : i32
        %get3A_1601 = arith.index_cast %get3A_1600 : i32 to index
        %get3A_1602 = arith.constant 48 : index
        %get3A_1603 = tpu.vector_load %arg7[%get3A_1601, %get3A_1602] {strides = array<i32>} : memref<8x128xi32, #tpu.memory_space<vmem>>, vector<16xi32>,
        %get3A_1604 = arith.constant 6 : i32
        %get3A_1605 = arith.index_cast %get3A_1604 : i32 to index
        %get3A_1606 = arith.constant 64 : index
        %get3A_1607 = tpu.vector_load %arg7[%get3A_1605, %get3A_1606] {strides = array<i32>} : memref<8x128xi32, #tpu.memory_space<vmem>>, vector<16xi32>,
        %get3A_1608 = arith.constant 6 : i32
        %get3A_1609 = arith.index_cast %get3A_1608 : i32 to index
        %get3A_1610 = arith.constant 80 : index
        %get3A_1611 = tpu.vector_load %arg7[%get3A_1609, %get3A_1610] {strides = array<i32>} : memref<8x128xi32, #tpu.memory_space<vmem>>, vector<16xi32>,
        %get3A_1612 = arith.constant 6 : i32
        %get3A_1613 = arith.index_cast %get3A_1612 : i32 to index
        %get3A_1614 = arith.constant 96 : index
        %get3A_1615 = tpu.vector_load %arg7[%get3A_1613, %get3A_1614] {strides = array<i32>} : memref<8x128xi32, #tpu.memory_space<vmem>>, vector<16xi32>,
        %get3A_1616 = arith.constant 6 : i32
        %get3A_1617 = arith.index_cast %get3A_1616 : i32 to index
        %get3A_1618 = arith.constant 112 : index
        %get3A_1619 = tpu.vector_load %arg7[%get3A_1617, %get3A_1618] {strides = array<i32>} : memref<8x128xi32, #tpu.memory_space<vmem>>, vector<16xi32>,
        %parallel_loop3A = arith.constant 0 : i32
        %parallel_loop3A_1620 = arith.constant 32 : i32
        %parallel_loop3A_1621 = arith.constant 1 : i32
        scf.for %parallel_loop3A_1635 = %parallel_loop3A to %parallel_loop3A_1620 step %parallel_loop3A_1621  : i32 {
          %parallel_loop3A_1636 = vector.broadcast %parallel_loop3A_1635 : i32 to vector<16xi32>
          %parallel_loop3A_1637 = arith.addi %get3A_1591, %parallel_loop3A_1636 : vector<16xi32>
          %parallel_loop3A_1638 = tpu.vector_load_idx %arg8[%add3A_3, %parallel_loop3A_1637] : memref<128x128xf32, #tpu.memory_space<vmem>>[vector<16xi32>, vector<16xi32>], vector<16xf32>,
          %parallel_loop3A_1639 = vector.broadcast %parallel_loop3A_1635 : i32 to vector<16xi32>
          %parallel_loop3A_1640 = arith.addi %get3A_1595, %parallel_loop3A_1639 : vector<16xi32>
          %parallel_loop3A_1641 = tpu.vector_load_idx %arg8[%add3A_6, %parallel_loop3A_1640] : memref<128x128xf32, #tpu.memory_space<vmem>>[vector<16xi32>, vector<16xi32>], vector<16xf32>,
          %parallel_loop3A_1642 = vector.broadcast %parallel_loop3A_1635 : i32 to vector<16xi32>
          %parallel_loop3A_1643 = arith.addi %get3A_1599, %parallel_loop3A_1642 : vector<16xi32>
          %parallel_loop3A_1644 = tpu.vector_load_idx %arg8[%add3A_9, %parallel_loop3A_1643] : memref<128x128xf32, #tpu.memory_space<vmem>>[vector<16xi32>, vector<16xi32>], vector<16xf32>,
          %parallel_loop3A_1645 = vector.broadcast %parallel_loop3A_1635 : i32 to vector<16xi32>
          %parallel_loop3A_1646 = arith.addi %get3A_1603, %parallel_loop3A_1645 : vector<16xi32>
          %parallel_loop3A_1647 = tpu.vector_load_idx %arg8[%add3A_12, %parallel_loop3A_1646] : memref<128x128xf32, #tpu.memory_space<vmem>>[vector<16xi32>, vector<16xi32>], vector<16xf32>,
          %parallel_loop3A_1648 = vector.broadcast %parallel_loop3A_1635 : i32 to vector<16xi32>
          %parallel_loop3A_1649 = arith.addi %get3A_1607, %parallel_loop3A_1648 : vector<16xi32>
          %parallel_loop3A_1650 = tpu.vector_load_idx %arg8[%add3A_15, %parallel_loop3A_1649] : memref<128x128xf32, #tpu.memory_space<vmem>>[vector<16xi32>, vector<16xi32>], vector<16xf32>,
          %parallel_loop3A_1651 = vector.broadcast %parallel_loop3A_1635 : i32 to vector<16xi32>
          %parallel_loop3A_1652 = arith.addi %get3A_1611, %parallel_loop3A_1651 : vector<16xi32>
          %parallel_loop3A_1653 = tpu.vector_load_idx %arg8[%add3A_18, %parallel_loop3A_1652] : memref<128x128xf32, #tpu.memory_space<vmem>>[vector<16xi32>, vector<16xi32>], vector<16xf32>,
          %parallel_loop3A_1654 = vector.broadcast %parallel_loop3A_1635 : i32 to vector<16xi32>
          %parallel_loop3A_1655 = arith.addi %get3A_1615, %parallel_loop3A_1654 : vector<16xi32>
          %parallel_loop3A_1656 = tpu.vector_load_idx %arg8[%add3A_21, %parallel_loop3A_1655] : memref<128x128xf32, #tpu.memory_space<vmem>>[vector<16xi32>, vector<16xi32>], vector<16xf32>,
          %parallel_loop3A_1657 = vector.broadcast %parallel_loop3A_1635 : i32 to vector<16xi32>
          %parallel_loop3A_1658 = arith.addi %get3A_1619, %parallel_loop3A_1657 : vector<16xi32>
          %parallel_loop3A_1659 = tpu.vector_load_idx %arg8[%add3A_24, %parallel_loop3A_1658] : memref<128x128xf32, #tpu.memory_space<vmem>>[vector<16xi32>, vector<16xi32>], vector<16xf32>,
          %parallel_loop3A_1660 = arith.index_cast %parallel_loop3A_1635 : i32 to index
          %parallel_loop3A_1661 = arith.constant 0 : index
          %parallel_loop3A_1662 = tpu.vector_load %arg10[%parallel_loop3A_1660, %parallel_loop3A_1661] {strides = array<i32>} : memref<32x128xf32, #tpu.memory_space<vmem>>, vector<16xf32>,
          tpu.vector_store %arg10[%parallel_loop3A_1660, %parallel_loop3A_1661], %parallel_loop3A_1638 {strides = array<i32>} : memref<32x128xf32, #tpu.memory_space<vmem>>, vector<16xf32>,
          %parallel_loop3A_1663 = arith.index_cast %parallel_loop3A_1635 : i32 to index
          %parallel_loop3A_1664 = arith.constant 16 : index
          %parallel_loop3A_1665 = tpu.vector_load %arg10[%parallel_loop3A_1663, %parallel_loop3A_1664] {strides = array<i32>} : memref<32x128xf32, #tpu.memory_space<vmem>>, vector<16xf32>,
          tpu.vector_store %arg10[%parallel_loop3A_1663, %parallel_loop3A_1664], %parallel_loop3A_1641 {strides = array<i32>} : memref<32x128xf32, #tpu.memory_space<vmem>>, vector<16xf32>,
          %parallel_loop3A_1666 = arith.index_cast %parallel_loop3A_1635 : i32 to index
          %parallel_loop3A_1667 = arith.constant 32 : index
          %parallel_loop3A_1668 = tpu.vector_load %arg10[%parallel_loop3A_1666, %parallel_loop3A_1667] {strides = array<i32>} : memref<32x128xf32, #tpu.memory_space<vmem>>, vector<16xf32>,
          tpu.vector_store %arg10[%parallel_loop3A_1666, %parallel_loop3A_1667], %parallel_loop3A_1644 {strides = array<i32>} : memref<32x128xf32, #tpu.memory_space<vmem>>, vector<16xf32>,
          %parallel_loop3A_1669 = arith.index_cast %parallel_loop3A_1635 : i32 to index
          %parallel_loop3A_1670 = arith.constant 48 : index
          %parallel_loop3A_1671 = tpu.vector_load %arg10[%parallel_loop3A_1669, %parallel_loop3A_1670] {strides = array<i32>} : memref<32x128xf32, #tpu.memory_space<vmem>>, vector<16xf32>,
          tpu.vector_store %arg10[%parallel_loop3A_1669, %parallel_loop3A_1670], %parallel_loop3A_1647 {strides = array<i32>} : memref<32x128xf32, #tpu.memory_space<vmem>>, vector<16xf32>,
          %parallel_loop3A_1672 = arith.index_cast %parallel_loop3A_1635 : i32 to index
          %parallel_loop3A_1673 = arith.constant 64 : index
          %parallel_loop3A_1674 = tpu.vector_load %arg10[%parallel_loop3A_1672, %parallel_loop3A_1673] {strides = array<i32>} : memref<32x128xf32, #tpu.memory_space<vmem>>, vector<16xf32>,
          tpu.vector_store %arg10[%parallel_loop3A_1672, %parallel_loop3A_1673], %parallel_loop3A_1650 {strides = array<i32>} : memref<32x128xf32, #tpu.memory_space<vmem>>, vector<16xf32>,
          %parallel_loop3A_1675 = arith.index_cast %parallel_loop3A_1635 : i32 to index
          %parallel_loop3A_1676 = arith.constant 80 : index
          %parallel_loop3A_1677 = tpu.vector_load %arg10[%parallel_loop3A_1675, %parallel_loop3A_1676] {strides = array<i32>} : memref<32x128xf32, #tpu.memory_space<vmem>>, vector<16xf32>,
          tpu.vector_store %arg10[%parallel_loop3A_1675, %parallel_loop3A_1676], %parallel_loop3A_1653 {strides = array<i32>} : memref<32x128xf32, #tpu.memory_space<vmem>>, vector<16xf32>,
          %parallel_loop3A_1678 = arith.index_cast %parallel_loop3A_1635 : i32 to index
          %parallel_loop3A_1679 = arith.constant 96 : index
          %parallel_loop3A_1680 = tpu.vector_load %arg10[%parallel_loop3A_1678, %parallel_loop3A_1679] {strides = array<i32>} : memref<32x128xf32, #tpu.memory_space<vmem>>, vector<16xf32>,
          tpu.vector_store %arg10[%parallel_loop3A_1678, %parallel_loop3A_1679], %parallel_loop3A_1656 {strides = array<i32>} : memref<32x128xf32, #tpu.memory_space<vmem>>, vector<16xf32>,
          %parallel_loop3A_1681 = arith.index_cast %parallel_loop3A_1635 : i32 to index
          %parallel_loop3A_1682 = arith.constant 112 : index
          %parallel_loop3A_1683 = tpu.vector_load %arg10[%parallel_loop3A_1681, %parallel_loop3A_1682] {strides = array<i32>} : memref<32x128xf32, #tpu.memory_space<vmem>>, vector<16xf32>,
          tpu.vector_store %arg10[%parallel_loop3A_1681, %parallel_loop3A_1682], %parallel_loop3A_1659 {strides = array<i32>} : memref<32x128xf32, #tpu.memory_space<vmem>>, vector<16xf32>,
        } {sc.loop_unroll_factor = 4 : i64, sc.parallel_access}
        %mul3A_1622 = arith.constant 8 : i32
        %mul3A_1623 = arith.muli %select_n3A, %mul3A_1622 : i32
        %add3A_1624 = arith.constant 6 : i32
        %add3A_1625 = arith.addi %mul3A_1623, %add3A_1624 : i32
        %mul3A_1626 = arith.constant 128 : i32
        %mul3A_1627 = arith.muli %select_n3A_63, %mul3A_1626 : i32
        %multiple_of3A_1628 = tpu.assume_multiple %mul3A_1627, 128 : i32
        %dma_start3A_1629 = arith.constant 0 : i32
        %dma_start3A_1630 = tpu.memref_slice %arg4[%add3A_1625, %dma_start3A_1629, %multiple_of3A_1628] : memref<50x32x16384xf32, #tpu.memory_space<hbm>> -> memref<1x32x128xf32, #tpu.memory_space<hbm>>
        %dma_start3A_1631 = tpu.memref_squeeze %dma_start3A_1630 : memref<1x32x128xf32, #tpu.memory_space<hbm>> -> memref<32x128xf32, #tpu.memory_space<hbm>>
        %dma_start3A_1632 = arith.constant 0 : i32
        %dma_start3A_1633 = tpu.memref_slice %arg4[%add3A_1625, %dma_start3A_1632, %multiple_of3A_1628] : memref<50x32x16384xf32, #tpu.memory_space<hbm>> -> memref<1x32x128xf32, #tpu.memory_space<hbm>>
        %dma_start3A_1634 = tpu.memref_squeeze %dma_start3A_1633 : memref<1x32x128xf32, #tpu.memory_space<hbm>> -> memref<32x128xf32, #tpu.memory_space<hbm>>
        tpu.enqueue_dma source(%arg10 : memref<32x128xf32, #tpu.memory_space<vmem>>) target(%dma_start3A_1634 : memref<32x128xf32, #tpu.memory_space<hbm>>) target_semaphore(%arg15 : memref<!tpu.dma_semaphore, #tpu.memory_space<semaphore_mem>>)
      } else {
      }
      %mul3A_1545 = arith.constant 8 : i32
      %mul3A_1546 = arith.muli %select_n3A, %mul3A_1545 : i32
      %add3A_1547 = arith.constant 7 : i32
      %add3A_1548 = arith.addi %mul3A_1546, %add3A_1547 : i32
      %lt3A_1549 = arith.constant 50 : i32
      %lt3A_1550 = arith.cmpi slt, %add3A_1548, %lt3A_1549 : i32
      %convert_element_type3A_1551 = arith.extui %lt3A_1550 : i1 to i32
      %cond3A_1552 = arith.constant 0 : i32
      %cond3A_1553 = arith.cmpi ne, %convert_element_type3A_1551, %cond3A_1552 : i32
      scf.if %cond3A_1553 {
        %dma_wait3A_1572 = arith.constant 0 : i32
        %dma_wait3A_1573 = arith.constant 0 : i32
        %dma_wait3A_1574 = tpu.memref_slice %arg6[%dma_wait3A_1572, %dma_wait3A_1573] : memref<8x128xi32, #tpu.memory_space<vmem>> -> memref<1x128xi32, #tpu.memory_space<vmem>>
        %dma_wait3A_1575 = tpu.memref_squeeze %dma_wait3A_1574 : memref<1x128xi32, #tpu.memory_space<vmem>> -> memref<128xi32, #tpu.memory_space<vmem>>
        %dma_wait3A_1576 = arith.constant 0 : i32
        %dma_wait3A_1577 = arith.constant 0 : i32
        %dma_wait3A_1578 = tpu.memref_slice %arg2[%dma_wait3A_1576, %dma_wait3A_1577] : memref<250016x128xf32, #tpu.memory_space<hbm>> -> memref<250016x128xf32, #tpu.memory_space<hbm>>
        tpu.wait_indirect_dma semaphore(%arg14 : memref<!tpu.dma_semaphore, #tpu.memory_space<semaphore_mem>>) src(%dma_wait3A_1578 : memref<250016x128xf32, #tpu.memory_space<hbm>>) dst(%arg9 : memref<128x128xf32, #tpu.memory_space<vmem>>)
        %dma_wait3A_1579 = arith.constant 0 : i32
        %dma_wait3A_1580 = arith.constant 0 : i32
        %dma_wait3A_1581 = arith.constant 0 : i32
        %dma_wait3A_1582 = tpu.memref_slice %arg4[%dma_wait3A_1579, %dma_wait3A_1580, %dma_wait3A_1581] : memref<50x32x16384xf32, #tpu.memory_space<hbm>> -> memref<1x32x128xf32, #tpu.memory_space<hbm>>
        %dma_wait3A_1583 = tpu.memref_squeeze %dma_wait3A_1582 : memref<1x32x128xf32, #tpu.memory_space<hbm>> -> memref<32x128xf32, #tpu.memory_space<hbm>>
        %dma_wait3A_1584 = arith.constant 0 : i32
        %dma_wait3A_1585 = arith.constant 0 : i32
        %dma_wait3A_1586 = tpu.memref_slice %arg4[%dma_wait3A_1579, %dma_wait3A_1584, %dma_wait3A_1585] : memref<50x32x16384xf32, #tpu.memory_space<hbm>> -> memref<1x32x128xf32, #tpu.memory_space<hbm>>
        %dma_wait3A_1587 = tpu.memref_squeeze %dma_wait3A_1586 : memref<1x32x128xf32, #tpu.memory_space<hbm>> -> memref<32x128xf32, #tpu.memory_space<hbm>>
        tpu.wait_dma2 semaphore(%arg16 : memref<!tpu.dma_semaphore, #tpu.memory_space<semaphore_mem>>) src(%arg11 : memref<32x128xf32, #tpu.memory_space<vmem>>) dst(%dma_wait3A_1587 : memref<32x128xf32, #tpu.memory_space<hbm>>)
        %get3A_1588 = arith.constant 7 : i32
        %get3A_1589 = arith.index_cast %get3A_1588 : i32 to index
        %get3A_1590 = arith.constant 0 : index
        %get3A_1591 = tpu.vector_load %arg7[%get3A_1589, %get3A_1590] {strides = array<i32>} : memref<8x128xi32, #tpu.memory_space<vmem>>, vector<16xi32>,
        %get3A_1592 = arith.constant 7 : i32
        %get3A_1593 = arith.index_cast %get3A_1592 : i32 to index
        %get3A_1594 = arith.constant 16 : index
        %get3A_1595 = tpu.vector_load %arg7[%get3A_1593, %get3A_1594] {strides = array<i32>} : memref<8x128xi32, #tpu.memory_space<vmem>>, vector<16xi32>,
        %get3A_1596 = arith.constant 7 : i32
        %get3A_1597 = arith.index_cast %get3A_1596 : i32 to index
        %get3A_1598 = arith.constant 32 : index
        %get3A_1599 = tpu.vector_load %arg7[%get3A_1597, %get3A_1598] {strides = array<i32>} : memref<8x128xi32, #tpu.memory_space<vmem>>, vector<16xi32>,
        %get3A_1600 = arith.constant 7 : i32
        %get3A_1601 = arith.index_cast %get3A_1600 : i32 to index
        %get3A_1602 = arith.constant 48 : index
        %get3A_1603 = tpu.vector_load %arg7[%get3A_1601, %get3A_1602] {strides = array<i32>} : memref<8x128xi32, #tpu.memory_space<vmem>>, vector<16xi32>,
        %get3A_1604 = arith.constant 7 : i32
        %get3A_1605 = arith.index_cast %get3A_1604 : i32 to index
        %get3A_1606 = arith.constant 64 : index
        %get3A_1607 = tpu.vector_load %arg7[%get3A_1605, %get3A_1606] {strides = array<i32>} : memref<8x128xi32, #tpu.memory_space<vmem>>, vector<16xi32>,
        %get3A_1608 = arith.constant 7 : i32
        %get3A_1609 = arith.index_cast %get3A_1608 : i32 to index
        %get3A_1610 = arith.constant 80 : index
        %get3A_1611 = tpu.vector_load %arg7[%get3A_1609, %get3A_1610] {strides = array<i32>} : memref<8x128xi32, #tpu.memory_space<vmem>>, vector<16xi32>,
        %get3A_1612 = arith.constant 7 : i32
        %get3A_1613 = arith.index_cast %get3A_1612 : i32 to index
        %get3A_1614 = arith.constant 96 : index
        %get3A_1615 = tpu.vector_load %arg7[%get3A_1613, %get3A_1614] {strides = array<i32>} : memref<8x128xi32, #tpu.memory_space<vmem>>, vector<16xi32>,
        %get3A_1616 = arith.constant 7 : i32
        %get3A_1617 = arith.index_cast %get3A_1616 : i32 to index
        %get3A_1618 = arith.constant 112 : index
        %get3A_1619 = tpu.vector_load %arg7[%get3A_1617, %get3A_1618] {strides = array<i32>} : memref<8x128xi32, #tpu.memory_space<vmem>>, vector<16xi32>,
        %parallel_loop3A = arith.constant 0 : i32
        %parallel_loop3A_1620 = arith.constant 32 : i32
        %parallel_loop3A_1621 = arith.constant 1 : i32
        scf.for %parallel_loop3A_1635 = %parallel_loop3A to %parallel_loop3A_1620 step %parallel_loop3A_1621  : i32 {
          %parallel_loop3A_1636 = vector.broadcast %parallel_loop3A_1635 : i32 to vector<16xi32>
          %parallel_loop3A_1637 = arith.addi %get3A_1591, %parallel_loop3A_1636 : vector<16xi32>
          %parallel_loop3A_1638 = tpu.vector_load_idx %arg9[%add3A_3, %parallel_loop3A_1637] : memref<128x128xf32, #tpu.memory_space<vmem>>[vector<16xi32>, vector<16xi32>], vector<16xf32>,
          %parallel_loop3A_1639 = vector.broadcast %parallel_loop3A_1635 : i32 to vector<16xi32>
          %parallel_loop3A_1640 = arith.addi %get3A_1595, %parallel_loop3A_1639 : vector<16xi32>
          %parallel_loop3A_1641 = tpu.vector_load_idx %arg9[%add3A_6, %parallel_loop3A_1640] : memref<128x128xf32, #tpu.memory_space<vmem>>[vector<16xi32>, vector<16xi32>], vector<16xf32>,
          %parallel_loop3A_1642 = vector.broadcast %parallel_loop3A_1635 : i32 to vector<16xi32>
          %parallel_loop3A_1643 = arith.addi %get3A_1599, %parallel_loop3A_1642 : vector<16xi32>
          %parallel_loop3A_1644 = tpu.vector_load_idx %arg9[%add3A_9, %parallel_loop3A_1643] : memref<128x128xf32, #tpu.memory_space<vmem>>[vector<16xi32>, vector<16xi32>], vector<16xf32>,
          %parallel_loop3A_1645 = vector.broadcast %parallel_loop3A_1635 : i32 to vector<16xi32>
          %parallel_loop3A_1646 = arith.addi %get3A_1603, %parallel_loop3A_1645 : vector<16xi32>
          %parallel_loop3A_1647 = tpu.vector_load_idx %arg9[%add3A_12, %parallel_loop3A_1646] : memref<128x128xf32, #tpu.memory_space<vmem>>[vector<16xi32>, vector<16xi32>], vector<16xf32>,
          %parallel_loop3A_1648 = vector.broadcast %parallel_loop3A_1635 : i32 to vector<16xi32>
          %parallel_loop3A_1649 = arith.addi %get3A_1607, %parallel_loop3A_1648 : vector<16xi32>
          %parallel_loop3A_1650 = tpu.vector_load_idx %arg9[%add3A_15, %parallel_loop3A_1649] : memref<128x128xf32, #tpu.memory_space<vmem>>[vector<16xi32>, vector<16xi32>], vector<16xf32>,
          %parallel_loop3A_1651 = vector.broadcast %parallel_loop3A_1635 : i32 to vector<16xi32>
          %parallel_loop3A_1652 = arith.addi %get3A_1611, %parallel_loop3A_1651 : vector<16xi32>
          %parallel_loop3A_1653 = tpu.vector_load_idx %arg9[%add3A_18, %parallel_loop3A_1652] : memref<128x128xf32, #tpu.memory_space<vmem>>[vector<16xi32>, vector<16xi32>], vector<16xf32>,
          %parallel_loop3A_1654 = vector.broadcast %parallel_loop3A_1635 : i32 to vector<16xi32>
          %parallel_loop3A_1655 = arith.addi %get3A_1615, %parallel_loop3A_1654 : vector<16xi32>
          %parallel_loop3A_1656 = tpu.vector_load_idx %arg9[%add3A_21, %parallel_loop3A_1655] : memref<128x128xf32, #tpu.memory_space<vmem>>[vector<16xi32>, vector<16xi32>], vector<16xf32>,
          %parallel_loop3A_1657 = vector.broadcast %parallel_loop3A_1635 : i32 to vector<16xi32>
          %parallel_loop3A_1658 = arith.addi %get3A_1619, %parallel_loop3A_1657 : vector<16xi32>
          %parallel_loop3A_1659 = tpu.vector_load_idx %arg9[%add3A_24, %parallel_loop3A_1658] : memref<128x128xf32, #tpu.memory_space<vmem>>[vector<16xi32>, vector<16xi32>], vector<16xf32>,
          %parallel_loop3A_1660 = arith.index_cast %parallel_loop3A_1635 : i32 to index
          %parallel_loop3A_1661 = arith.constant 0 : index
          %parallel_loop3A_1662 = tpu.vector_load %arg11[%parallel_loop3A_1660, %parallel_loop3A_1661] {strides = array<i32>} : memref<32x128xf32, #tpu.memory_space<vmem>>, vector<16xf32>,
          tpu.vector_store %arg11[%parallel_loop3A_1660, %parallel_loop3A_1661], %parallel_loop3A_1638 {strides = array<i32>} : memref<32x128xf32, #tpu.memory_space<vmem>>, vector<16xf32>,
          %parallel_loop3A_1663 = arith.index_cast %parallel_loop3A_1635 : i32 to index
          %parallel_loop3A_1664 = arith.constant 16 : index
          %parallel_loop3A_1665 = tpu.vector_load %arg11[%parallel_loop3A_1663, %parallel_loop3A_1664] {strides = array<i32>} : memref<32x128xf32, #tpu.memory_space<vmem>>, vector<16xf32>,
          tpu.vector_store %arg11[%parallel_loop3A_1663, %parallel_loop3A_1664], %parallel_loop3A_1641 {strides = array<i32>} : memref<32x128xf32, #tpu.memory_space<vmem>>, vector<16xf32>,
          %parallel_loop3A_1666 = arith.index_cast %parallel_loop3A_1635 : i32 to index
          %parallel_loop3A_1667 = arith.constant 32 : index
          %parallel_loop3A_1668 = tpu.vector_load %arg11[%parallel_loop3A_1666, %parallel_loop3A_1667] {strides = array<i32>} : memref<32x128xf32, #tpu.memory_space<vmem>>, vector<16xf32>,
          tpu.vector_store %arg11[%parallel_loop3A_1666, %parallel_loop3A_1667], %parallel_loop3A_1644 {strides = array<i32>} : memref<32x128xf32, #tpu.memory_space<vmem>>, vector<16xf32>,
          %parallel_loop3A_1669 = arith.index_cast %parallel_loop3A_1635 : i32 to index
          %parallel_loop3A_1670 = arith.constant 48 : index
          %parallel_loop3A_1671 = tpu.vector_load %arg11[%parallel_loop3A_1669, %parallel_loop3A_1670] {strides = array<i32>} : memref<32x128xf32, #tpu.memory_space<vmem>>, vector<16xf32>,
          tpu.vector_store %arg11[%parallel_loop3A_1669, %parallel_loop3A_1670], %parallel_loop3A_1647 {strides = array<i32>} : memref<32x128xf32, #tpu.memory_space<vmem>>, vector<16xf32>,
          %parallel_loop3A_1672 = arith.index_cast %parallel_loop3A_1635 : i32 to index
          %parallel_loop3A_1673 = arith.constant 64 : index
          %parallel_loop3A_1674 = tpu.vector_load %arg11[%parallel_loop3A_1672, %parallel_loop3A_1673] {strides = array<i32>} : memref<32x128xf32, #tpu.memory_space<vmem>>, vector<16xf32>,
          tpu.vector_store %arg11[%parallel_loop3A_1672, %parallel_loop3A_1673], %parallel_loop3A_1650 {strides = array<i32>} : memref<32x128xf32, #tpu.memory_space<vmem>>, vector<16xf32>,
          %parallel_loop3A_1675 = arith.index_cast %parallel_loop3A_1635 : i32 to index
          %parallel_loop3A_1676 = arith.constant 80 : index
          %parallel_loop3A_1677 = tpu.vector_load %arg11[%parallel_loop3A_1675, %parallel_loop3A_1676] {strides = array<i32>} : memref<32x128xf32, #tpu.memory_space<vmem>>, vector<16xf32>,
          tpu.vector_store %arg11[%parallel_loop3A_1675, %parallel_loop3A_1676], %parallel_loop3A_1653 {strides = array<i32>} : memref<32x128xf32, #tpu.memory_space<vmem>>, vector<16xf32>,
          %parallel_loop3A_1678 = arith.index_cast %parallel_loop3A_1635 : i32 to index
          %parallel_loop3A_1679 = arith.constant 96 : index
          %parallel_loop3A_1680 = tpu.vector_load %arg11[%parallel_loop3A_1678, %parallel_loop3A_1679] {strides = array<i32>} : memref<32x128xf32, #tpu.memory_space<vmem>>, vector<16xf32>,
          tpu.vector_store %arg11[%parallel_loop3A_1678, %parallel_loop3A_1679], %parallel_loop3A_1656 {strides = array<i32>} : memref<32x128xf32, #tpu.memory_space<vmem>>, vector<16xf32>,
          %parallel_loop3A_1681 = arith.index_cast %parallel_loop3A_1635 : i32 to index
          %parallel_loop3A_1682 = arith.constant 112 : index
          %parallel_loop3A_1683 = tpu.vector_load %arg11[%parallel_loop3A_1681, %parallel_loop3A_1682] {strides = array<i32>} : memref<32x128xf32, #tpu.memory_space<vmem>>, vector<16xf32>,
          tpu.vector_store %arg11[%parallel_loop3A_1681, %parallel_loop3A_1682], %parallel_loop3A_1659 {strides = array<i32>} : memref<32x128xf32, #tpu.memory_space<vmem>>, vector<16xf32>,
        } {sc.loop_unroll_factor = 4 : i64, sc.parallel_access}
        %mul3A_1622 = arith.constant 8 : i32
        %mul3A_1623 = arith.muli %select_n3A, %mul3A_1622 : i32
        %add3A_1624 = arith.constant 7 : i32
        %add3A_1625 = arith.addi %mul3A_1623, %add3A_1624 : i32
        %mul3A_1626 = arith.constant 128 : i32
        %mul3A_1627 = arith.muli %select_n3A_63, %mul3A_1626 : i32
        %multiple_of3A_1628 = tpu.assume_multiple %mul3A_1627, 128 : i32
        %dma_start3A_1629 = arith.constant 0 : i32
        %dma_start3A_1630 = tpu.memref_slice %arg4[%add3A_1625, %dma_start3A_1629, %multiple_of3A_1628] : memref<50x32x16384xf32, #tpu.memory_space<hbm>> -> memref<1x32x128xf32, #tpu.memory_space<hbm>>
        %dma_start3A_1631 = tpu.memref_squeeze %dma_start3A_1630 : memref<1x32x128xf32, #tpu.memory_space<hbm>> -> memref<32x128xf32, #tpu.memory_space<hbm>>
        %dma_start3A_1632 = arith.constant 0 : i32
        %dma_start3A_1633 = tpu.memref_slice %arg4[%add3A_1625, %dma_start3A_1632, %multiple_of3A_1628] : memref<50x32x16384xf32, #tpu.memory_space<hbm>> -> memref<1x32x128xf32, #tpu.memory_space<hbm>>
        %dma_start3A_1634 = tpu.memref_squeeze %dma_start3A_1633 : memref<1x32x128xf32, #tpu.memory_space<hbm>> -> memref<32x128xf32, #tpu.memory_space<hbm>>
        tpu.enqueue_dma source(%arg11 : memref<32x128xf32, #tpu.memory_space<vmem>>) target(%dma_start3A_1634 : memref<32x128xf32, #tpu.memory_space<hbm>>) target_semaphore(%arg16 : memref<!tpu.dma_semaphore, #tpu.memory_space<semaphore_mem>>)
      } else {
      }
      %dma_wait3A_1554 = arith.constant 0 : i32
      %dma_wait3A_1555 = arith.constant 0 : i32
      %dma_wait3A_1556 = arith.constant 0 : i32
      %dma_wait3A_1557 = tpu.memref_slice %arg4[%dma_wait3A_1554, %dma_wait3A_1555, %dma_wait3A_1556] : memref<50x32x16384xf32, #tpu.memory_space<hbm>> -> memref<1x32x128xf32, #tpu.memory_space<hbm>>
      %dma_wait3A_1558 = tpu.memref_squeeze %dma_wait3A_1557 : memref<1x32x128xf32, #tpu.memory_space<hbm>> -> memref<32x128xf32, #tpu.memory_space<hbm>>
      %dma_wait3A_1559 = arith.constant 0 : i32
      %dma_wait3A_1560 = arith.constant 0 : i32
      %dma_wait3A_1561 = tpu.memref_slice %arg4[%dma_wait3A_1554, %dma_wait3A_1559, %dma_wait3A_1560] : memref<50x32x16384xf32, #tpu.memory_space<hbm>> -> memref<1x32x128xf32, #tpu.memory_space<hbm>>
      %dma_wait3A_1562 = tpu.memref_squeeze %dma_wait3A_1561 : memref<1x32x128xf32, #tpu.memory_space<hbm>> -> memref<32x128xf32, #tpu.memory_space<hbm>>
      tpu.wait_dma2 semaphore(%arg15 : memref<!tpu.dma_semaphore, #tpu.memory_space<semaphore_mem>>) src(%arg10 : memref<32x128xf32, #tpu.memory_space<vmem>>) dst(%dma_wait3A_1562 : memref<32x128xf32, #tpu.memory_space<hbm>>)
      %dma_wait3A_1563 = arith.constant 0 : i32
      %dma_wait3A_1564 = arith.constant 0 : i32
      %dma_wait3A_1565 = arith.constant 0 : i32
      %dma_wait3A_1566 = tpu.memref_slice %arg4[%dma_wait3A_1563, %dma_wait3A_1564, %dma_wait3A_1565] : memref<50x32x16384xf32, #tpu.memory_space<hbm>> -> memref<1x32x128xf32, #tpu.memory_space<hbm>>
      %dma_wait3A_1567 = tpu.memref_squeeze %dma_wait3A_1566 : memref<1x32x128xf32, #tpu.memory_space<hbm>> -> memref<32x128xf32, #tpu.memory_space<hbm>>
      %dma_wait3A_1568 = arith.constant 0 : i32
      %dma_wait3A_1569 = arith.constant 0 : i32
      %dma_wait3A_1570 = tpu.memref_slice %arg4[%dma_wait3A_1563, %dma_wait3A_1568, %dma_wait3A_1569] : memref<50x32x16384xf32, #tpu.memory_space<hbm>> -> memref<1x32x128xf32, #tpu.memory_space<hbm>>
      %dma_wait3A_1571 = tpu.memref_squeeze %dma_wait3A_1570 : memref<1x32x128xf32, #tpu.memory_space<hbm>> -> memref<32x128xf32, #tpu.memory_space<hbm>>
      tpu.wait_dma2 semaphore(%arg16 : memref<!tpu.dma_semaphore, #tpu.memory_space<semaphore_mem>>) src(%arg11 : memref<32x128xf32, #tpu.memory_space<vmem>>) dst(%dma_wait3A_1571 : memref<32x128xf32, #tpu.memory_space<hbm>>)
    }
    %scan3A_29 = arith.constant 28 : i32
    return
  }
}

</mosaic_0001>

<sc_bundles>
// kernel: kernel.4.cloned.1.call-start
scs
__scs_entry_jumppad:
0x0: {  	(pc) =	sbr.rel $0x88, $3  }
0x1: {  	(tag) =	ssettag $0x0;
	lr =	simm.s32 $0x1  }
0x2: {  	[smem:$0x3F9F] =	sst lr;
	_ =	strace $0xD0000000  }
0x3: {  	_ = 	snop  }
0x4: {  	_ = 	snop  }
0x5: {  	_ = 	snop  }
0x6: {  	_ = 	snop  }
0x7: {  	_ = 	snop  }
__scs_overlays_trampoline_lowered:
0x8: {  	[smem:$0x3FAE] =	sst s0  }
0x9: {  	[smem:$0x3FAF] =	sst s1  }
0xa: {  	[smem:$0x3FB0] =	sst s2  }
0xb: {  	[smem:$0x3FB1] =	sst s3  }
0xc: {  	[smem:$0x3FB2] =	sst s4  }
0xd: {  	[smem:$0x3FB3] =	sst s5  }
0xe: {  	[smem:$0x3FB4] =	sst s6  }
0xf: {  	[smem:$0x3FB5] =	sst s7  }
0x10: {  	[smem:$0x3FB6] =	sst s8  }
0x11: {  	[smem:$0x3FB7] =	sst s9;
	s0 =	simm.s32 @!p0 $0x0  }
0x12: {  	s1 =	sld [smem:$0x3F9D];
	s0 =	simm.s32 @p0 $0x1  }
0x13: {  	[smem:$0x3FB8] =	sst s0;
	s0 =	simm.s32 @!p1 $0x0  }
0x14: {  	s2 =	sld [smem:$0x3F9C];
	s0 =	simm.s32 @p1 $0x1  }
0x15: {  	[smem:$0x3FB9] =	sst s0;
	s0 =	simm.s32 @!p2 $0x0  }
0x16: {  	s3 =	sld [smem:$0x3FDB];
	s0 =	simm.s32 @p2 $0x1  }
0x17: {  	s4 =	simm.s32 $0x1BF5;
	[smem:$0x3FBB] =	sst s0  }
0x18: {  	s0 =	sld [smem:$0x3F9E];
	_ =	swait.ge [sflag:s4], $0x0  }
0x19: {  	s7 =	sld [smem:$0x3F9F]  }
0x1a: {  	s8 =	sadd.s32 $0xFFFFE003, lr  }
0x1b: {  	s9 =	sadd.s32 $0xFFFFFEF7, lr;
	s5 =	simm.s32 $0xFFFFFFFF;
	p2 =	slt.u32 s8, $0xFFFFF086  }
0x1c: {  	p1 =	slt.u32 s9, $0xF7A;
	s5 =	simm.s32 @!p2 $0x0  }
0x1d: {  	s5 =	simm.s32 @p1 $0x1;
	p0 =	seq.s32 s7, s2  }
0x1e: {  	s7 =	smul.u32 @!p0 $0xF7A, s2;
	p2 =	seq.s32 @!p0 s5, $0x0  }
0x1f: {  	s9 =	smul.u32 $0xF7A, s1;
	s8 =	simm.s32 @!p0 $0x1BF5;
	p2 =	por !p2, p0  }
0x20: {  	[sflag:s8] =	ssyncset.s32 @!p0 $0xFFFFF086;
	s6 =	sadd.s32 @!p0 s3, s7;
	s7 =	simm.s32 @!p0 $0x108  }
0x21: {  	s3 =	sadd.s32 s3, s9;
	s6 =	sadd.s32 @!p0 $0x88, s6;
	s7 =	simm.s32 @p2 $0x1082  }
0x22: {  	[simem:s7], [sflag:s8] =	dma.local @!p0 [hbm:s6], $0xF7A  }
0x23: {  	s9 =	sor.u32 $0xD0000000, s2;
	s6 =	simm.s32 $0x108;
	_ =	swait.ge @!p0 [sflag:s8], $0x0  }
0x24: {  	s3 =	sadd.s32 $0x88, s3;
	s6 =	simm.s32 @!p1 $0x1082;
	[sflag:s4] =	ssyncset.s32 $0xFFFFF086  }
0x25: {  	[simem:s6], [sflag:s4] =	dma.local [hbm:s3], $0xF7A  }
0x26: {  	[smem:$0x3F9F] =	sst s1;
	(tag) =	ssettag s2;
	_ =	strace s9  }
0x27: {  	s1 =	sld [smem:$0x3FAF]  }
0x28: {  	s2 =	sld [smem:$0x3FB0]  }
0x29: {  	s4 =	sld [smem:$0x3FB2]  }
0x2a: {  	p0 =	seq.s32 s5, $0x0;
	s5 =	sld [smem:$0x3FB3]  }
0x2b: {  	s6 =	sld [smem:$0x3FB4]  }
0x2c: {  	s7 =	sld [smem:$0x3FB5]  }
0x2d: {  	s3 =	simm.s32 $0x108;
	s8 =	sld [smem:$0x3FB6]  }
0x2e: {  	s3 =	simm.s32 @!p0 $0x1082;
	s9 =	sld [smem:$0x3FB7]  }
0x2f: {  	lr =	sadd.s32 s0, s3;
	s0 =	sld [smem:$0x3FAE]  }
0x30: {  	s3 =	sld [smem:$0x3FB1]  }
0x31: {  	[smem:$0x3FBA] =	sst s10  }
0x32: {  	s10 =	sld [smem:$0x3FB8];
	_ =	sdelay $0x3  }
0x33: {  	p0 =	seq.s32 s10, $0x1;
	s10 =	sld [smem:$0x3FBA];
	_ =	sdelay $0x3  }
0x34: {  	[smem:$0x3FBA] =	sst s10  }
0x35: {  	s10 =	sld [smem:$0x3FB9];
	_ =	sdelay $0x3  }
0x36: {  	p1 =	seq.s32 s10, $0x1;
	s10 =	sld [smem:$0x3FBA];
	_ =	sdelay $0x3  }
0x37: {  	[smem:$0x3FBA] =	sst s10  }
0x38: {  	s10 =	sld [smem:$0x3FBB]  }
0x39: {  	_ = 	snop;
	(pc) =	sbr.ind lr, $3  }
0x3a: {  	_ = 	snop  }
0x3b: {  	_ = 	snop  }
0x3c: {  	p2 =	seq.s32 s10, $0x1;
	s10 =	sld [smem:$0x3FBA]  }
0x3d: {  	_ =	shalt  }
0x3e: {  	_ =	shalt  }
0x3f: {  	_ =	shalt  }
0x40: {  	_ =	shalt  }
0x41: {  	_ =	shalt  }
0x42: {  	_ =	shalt  }
0x43: {  	_ =	shalt  }
0x44: {  	_ =	shalt  }
0x45: {  	_ =	shalt  }
0x46: {  	_ =	shalt  }
0x47: {  	_ =	shalt  }
0x48: {  	_ =	shalt  }
0x49: {  	_ =	shalt  }
0x4a: {  	_ =	shalt  }
0x4b: {  	_ =	shalt  }
0x4c: {  	_ =	shalt  }
0x4d: {  	_ =	shalt  }
0x4e: {  	_ =	shalt  }
0x4f: {  	_ =	shalt  }
0x50: {  	_ =	shalt  }
0x51: {  	_ =	shalt  }
0x52: {  	_ =	shalt  }
0x53: {  	_ =	shalt  }
0x54: {  	_ =	shalt  }
0x55: {  	_ =	shalt  }
0x56: {  	_ =	shalt  }
0x57: {  	_ =	shalt  }
0x58: {  	_ =	shalt  }
0x59: {  	_ =	shalt  }
0x5a: {  	_ =	shalt  }
0x5b: {  	_ =	shalt  }
0x5c: {  	_ =	shalt  }
0x5d: {  	_ =	shalt  }
0x5e: {  	_ =	shalt  }
0x5f: {  	_ =	shalt  }
0x60: {  	_ =	shalt  }
0x61: {  	_ =	shalt  }
0x62: {  	_ =	shalt  }
0x63: {  	_ =	shalt  }
0x64: {  	_ =	shalt  }
0x65: {  	_ =	shalt  }
0x66: {  	_ =	shalt  }
0x67: {  	_ =	shalt  }
0x68: {  	_ =	shalt  }
0x69: {  	_ =	shalt  }
0x6a: {  	_ =	shalt  }
0x6b: {  	_ =	shalt  }
0x6c: {  	_ =	shalt  }
0x6d: {  	_ =	shalt  }
0x6e: {  	_ =	shalt  }
0x6f: {  	_ =	shalt  }
0x70: {  	_ =	shalt  }
0x71: {  	_ =	shalt  }
0x72: {  	_ =	shalt  }
0x73: {  	_ =	shalt  }
0x74: {  	_ =	shalt  }
0x75: {  	_ =	shalt  }
0x76: {  	_ =	shalt  }
0x77: {  	_ =	shalt  }
0x78: {  	_ =	shalt  }
0x79: {  	_ =	shalt  }
0x7a: {  	_ =	shalt  }
0x7b: {  	_ =	shalt  }
0x7c: {  	_ =	shalt  }
0x7d: {  	_ =	shalt  }
0x7e: {  	_ =	shalt  }
0x7f: {  	_ =	shalt  }
0x80: {  	_ =	shalt  }
0x81: {  	_ =	shalt  }
0x82: {  	_ =	shalt  }
0x83: {  	_ =	shalt  }
0x84: {  	_ =	shalt  }
0x85: {  	_ =	shalt  }
0x86: {  	_ =	shalt  }
0x87: {  	_ =	shalt  }
.Lfunc_end0:
.L_simem_size_0:
called_computation_lowered:
.L_overlay_start_0:
0x88: {  	s2 =	sld [smem:$0x3FD9]  }
0x89: {  	s3 =	sld [smem:$0x3FFE];
	_ =	sdelay $0x1  }
0x8a: {  	s1 =	srdreg.scid  }
0x8b: {  	s0 =	sand.u32 $0x1, s1  }
0x8c: {  	s17 =	sshll.u32 s0, $0xA;
	s2 =	sadd.s32 s3, s2  }
0x8d: {  	s2 =	sadd.s32 s2, s17  }
0x8e: {  	[smem:$0x3FC6] =	sst s2  }
0x8f: {  	_ = 	snop  }
0x90: {  	s2 =	sld [smem:$0x3FC8];
	(tm) =	ssettm $0x1  }
0x91: {  	s18 =	sld [smem:$0x3FFB];
	_ =	sdelay $0x3  }
0x92: {  	_ =	strace s18  }
0x93: {  	s3 =	sld [smem:$0x3FFC];
	_ =	sdelay $0x3  }
0x94: {  	_ =	strace s3  }
0x95: {  	s3 =	sld [smem:$0x3FFD];
	_ =	sdelay $0x3  }
0x96: {  	_ =	strace s3  }
0x97: {  	_ =	strace $0x8FFFFFFF  }
0x98: {  	s19 =	sld [smem:$0x3FDB];
	_ =	sdelay $0x1  }
0x99: {  	s4 =	simm.s32 $_scs_section_size  }
0x9a: {  	s5 =	simm.s32 $_size__tile_overlayer_lowered;
	s6 =	simm.s32 $_tile_overlayer_lowered  }
0x9b: {  	s22 =	simm.s32 $0x1BFF;
	s21 =	sshll.u32 s6, $0x1;
	s3 =	sadd.s32 s4, s19  }
0x9c: {  	s7 =	simm.s32 $0x0;
	s20 =	sshll.u32 s5, $0x1;
	s5 =	sadd.s32 s21, s3  }
0x9d: {  	[timem:s7], [sflag:s22] =	dma.local [hbm:s5], s20  }
0x9e: {  	_ =	swait.ge [sflag:s22], s20  }
0x9f: {  	s4 =	ssub.s32 $0x0, s20;
	[sflag:s22] =	ssyncset.done $0x0  }
0xa0: {  	[sflag:s22] =	ssyncadd.s32 s4;
	_ =	sdelay $0x1  }
0xa1: {  	s23 =	simm.s32 $0x1B8B  }
0xa2: {  	_ =	swait.ge [sflag:s23], $0x1  }
0xa3: {  	[sflag:s23] =	ssyncset.done $0x0  }
0xa4: {  	s25 =	simm.s32 $0x1B8E;
	s24 =	sld [smem:$0x3FFE];
	[sflag:s23] =	ssyncadd.s32 $0xFFFFFFFF  }
0xa5: {  	s26 =	simm.s32 $execute0_lowered;
	[smem:$0x3FD2] =	sst s25  }
0xa6: {  	s5 =	sshll.u32 s26, $0x1;
	_ =	strace $0x80000046;
	[dreg:$0x1] =	wrdreg $0xFFFFFFFF  }
0xa7: {  	s28 =	simm.s32 $_size_execute0_lowered;
	s3 =	sadd.s32 s3, s5;
	[dreg:$0x0] =	wrdreg $0x0  }
0xa8: {  	s5 =	sshll.u32 s28, $0x1;
	[dreg:$0x2] =	wrdreg s3  }
0xa9: {  	[dreg:$0x3] =	wrdreg s5  }
0xaa: {  	[dreg:$0x4] =	wrdreg $0xC0  }
0xab: {  	_ =	task [dreg:s7], $0x5FFFF  }
0xac: {  	[dreg:$0x1] =	wrdreg $0xFFFFFFFF  }
0xad: {  	[dreg:$0x0] =	wrdreg $0x60  }
0xae: {  	[dreg:$0x2] =	wrdreg s2  }
0xaf: {  	[dreg:$0x3] =	wrdreg s24  }
0xb0: {  	[dreg:$0x4] =	wrdreg $0x9  }
0xb1: {  	_ =	task.clear_ibuf [dreg:s7], $0x5FFFF;
	_ =	strace $0x90000046  }
0xb2: {  	s29 =	simm.s32 $0x9;
	_ =	strace $0x80000048  }
0xb3: {  	_ =	swait.ge [sflag:s29], $0x1  }
0xb4: {  	[sflag:s29] =	ssyncadd.s32 $0xFFFFFFFF  }
0xb5: {  	_ =	strace $0x90000048  }
0xb6: {  	_ =	sfence  }
0xb7: {  	s30 =	sld [smem:$0x0];
	_ =	sdelay $0x2  }
0xb8: {  	s31 =	sshll.u32 s1, $0xD;
	s1 =	sshrl.u32 s1, $0x2  }
0xb9: {  	s3 =	sand.u32 $0x4000, s31;
	s1 =	sadd.s32 s1, s30  }
0xba: {  	s0 =	sor.u32 s3, s0;
	s1 =	sshll.u32 s1, $0x11  }
0xbb: {  	s0 =	sor.u32 s1, s0  }
0xbc: {  	s0 =	sadd.s32 $0x8F2B, s0  }
0xbd: {  	[sflag:s0] =	ssyncadd.remote.s32 $0x1  }
0xbe: {  	_ =	sfence.sel $0xFFFF  }
0xbf: {  	[dreg:$0x0] =	wrdreg $0xFFFFFFFF;
	(pc) =	sbr.abs _section_cstart, $3  }
0xc0: {  	[dreg:$0x1] =	wrdreg $0xFFFFFFFF  }
0xc1: {  	_ =	task.clear_ibuf [dreg:s7], $0x2FFFF;
	_ =	strace $0x9FFFFFFF  }
0xc2: {  	(tm) =	ssettm $0x7FFFFFFF  }
0xc3: {  	_ =	shalt  }
tec
execute0_lowered:
.L_overlay_start_1:
0x0: {  	(tag) =	ssettag $0x1  }
0x1: {  	s7 =	rddreg [dreg:$0x0]  }
0x2: {  	s1 =	srdreg.scid;
	s0 =	stileid.u32  }
0x3: {  	s4 =	rddreg [dreg:$0x1];
	s2 =	simm.s32 $0x0;
	s10 =	simm.s32 $0x7A1400  }
0x4: {  	s11 =	simm.s32 $0x1;
	s12 =	simm.s32 $0x2000;
	s13 =	simm.s32 $0x2  }
0x5: {  	s14 =	simm.s32 $0x1000;
	s5 =	sand.u32 $0x1, s1;
	s3 =	sshll.u32 s0, $0x1  }
0x6: {  	s15 =	simm.s32 $0x3000;
	s16 =	simm.s32 $0x3;
	s6 =	sor.u32 s5, s3  }
0x7: {  	v0 =	vlaneseq.u32;
	s17 =	simm.s32 $0x4;
	s18 =	simm.s32 $0x0;
	s3 =	smul.u32 $0xF5, s6  }
.Ltmp0:
0x8: {  	s1 =	rddreg [dreg:$0x2];
	v0 =	vmul.u32 $0x80, v0;
	s5 =	ssub.s32 $0x2, s5;
	(pc) =	sbr.rel .LBB2_1-.Ltmp0, $4  }
0x9: {  	[smem:$0x7FF] =	sst s2;
	s6 =	smul.u32 $0x7A80, s6;
	s8 =	sshrl.u32 s5, $0x1  }
0xa: {  	s4 =	sadd.s32 $0x800, s4;
	_ =	strace $0x80000047;
	v1 =	vor.u32 $0x800, v0;
	s8 =	ssub.s32 s5, s8  }
0xb: {  	v2 =	vor.u32 $0x1, v0;
	v3 =	vor.u32 $0x801, v0;
	v4 =	vor.u32 $0x2, v0;
	s9 =	ssub.s32 $0x1E85, s3;
	s6 =	sadd.s32 s7, s6;
	s7 =	sadd.s32 $0x80, s7  }
0xc: {  	v5 =	vor.u32 $0x802, v0;
	v6 =	vor.u32 $0x3, v0;
	v7 =	vor.u32 $0x803, v0;
	s8 =	smax.u32 s8, $0x1;
	s5 =	smin.u32 s9, $0xF5;
	s9 =	simm.s32 $0x400  }
.LBB2_11:
0xd: {  	s18 =	sadd.s32 $0x1, s18  }
0xe: {  	_ =	swait.ge [sflag:s16], $0x1000;
	p0 =	sne.s32 s18, s8  }
.Ltmp1:
0xf: {  	[sflag:s16] =	ssyncset.done $0x0;
	(pc) =	sbr.rel @!p0 .LBB2_12-.Ltmp1, $4  }
0x10: {  	[sflag:s16] =	ssyncadd.s32 $0xFFFFF000  }
0x11: {  	_ =	swait.ge [sflag:s17], $0x1000  }
0x12: {  	[sflag:s17] =	ssyncset.done $0x0  }
0x13: {  	[sflag:s17] =	ssyncadd.s32 $0xFFFFF000  }
.LBB2_1:
.Ltmp2:
0x14: {  	(pc) =	sbr.rel .LBB2_2-.Ltmp2, $3  }
0x15: {  	_ =	sdelay $0x1  }
0x16: {  	[tilespmem:s2], [sflag:$0x1] =	stream.strided.gather [hbm4b:s6+s9], $0x1000, s10, s9, $0x38;
	[tilespmem:$0x4000] =	vst v63  }
0x17: {  	s19 =	simm.s32 $0x0  }
.LBB2_10:
0x18: {  	s19 =	sadd.s32 $0x1, s19  }
0x19: {  	p0 =	sne.s32 s19, $0x7B  }
.Ltmp3:
0x1a: {  	_ = 	snop;
	(pc) =	sbr.rel @!p0 .LBB2_11-.Ltmp3, $1  }
0x1b: {  	_ =	sdelay $0x3  }
.LBB2_2:
0x1c: {  	s20 =	sshll.u32 s19, $0x1  }
0x1d: {  	p2 =	sge.u32 s20, s5  }
.Ltmp4:
0x1e: {  	s21 =	sshllo.u32 s19, $0x1;
	(pc) =	sbr.rel @p2 .LBB2_6-.Ltmp4, $4  }
0x1f: {  	s22 =	sadd.s32 s3, s20;
	p1 =	sge.u32 s21, s5  }
0x20: {  	p0 =	seq.s32 s19, $0x0;
	s23 =	sshll.u32 @!p1 s22, $0x7;
	s24 =	simm.s32 @!p1 $0x400  }
0x21: {  	s25 =	simm.s32 @!p1 $0x7A1400;
	s26 =	simm.s32 @!p1 $0x1000;
	s23 =	sadd.s32 @!p1 s23, s7  }
0x22: {  	[tilespmem:s26], [sflag:$0x2] =	stream.strided.gather @!p1 [hbm4b:s23+s24], $0x1000, s25, s24, $0x38;
	[tilespmem:$0x4000] =	vst v63  }
0x23: {  	_ =	swait.ge [sflag:s11], $0x1000;
	s23 =	simm.s32 $0xC  }
0x24: {  	[sflag:s11] =	ssyncset.done $0x0;
	v8 =	vor.u32 s23, v0  }
0x25: {  	s24 =	simm.s32 @!p0 $0x3;
	v9 =	vor.u32 s23, v7;
	[sflag:s11] =	ssyncadd.s32 $0xFFFFF000  }
0x26: {  	v10 =	vor.u32 s23, v1;
	_ =	swait.ge @!p0 [sflag:s24], $0x1000  }
0x27: {  	v11 =	vor.u32 s23, v2;
	[sflag:s24] =	ssyncset.done @!p0 $0x0  }
0x28: {  	v12 =	vor.u32 s23, v3;
	[sflag:s24] =	ssyncadd.s32 @!p0 $0xFFFFF000  }
0x29: {  	v13 =	vor.u32 s23, v4;
	v8 =	vld.idx.msk [tilespmem:v8+s2+$0x0], $0xffff  }
0x2a: {  	v14 =	vor.u32 s23, v5;
	v9 =	vld.idx.msk [tilespmem:v9+s2+$0x0], $0xffff  }
0x2b: {  	s31 =	simm.s32 $0x4;
	v15 =	vor.u32 s23, v6;
	v10 =	vld.idx.msk [tilespmem:v10+s2+$0x0], $0xffff  }
0x2c: {  	v16 =	vor.u32 s31, v0;
	v11 =	vld.idx.msk [tilespmem:v11+s2+$0x0], $0xffff  }
0x2d: {  	v17 =	vor.u32 s31, v1;
	v12 =	vld.idx.msk [tilespmem:v12+s2+$0x0], $0xffff  }
0x2e: {  	v18 =	vor.u32 s31, v2;
	v13 =	vld.idx.msk [tilespmem:v13+s2+$0x0], $0xffff  }
0x2f: {  	v19 =	vor.u32 s31, v3;
	v14 =	vld.idx.msk [tilespmem:v14+s2+$0x0], $0xffff  }
0x30: {  	s23 =	simm.s32 $0x2100;
	v20 =	vor.u32 s31, v4;
	v15 =	vld.idx.msk [tilespmem:v15+s2+$0x0], $0xffff  }
0x31: {  	v21 =	vor.u32 s31, v5;
	[tilespmem:s23+$0xF0] =	vst v9;
	v9 =	vld.idx.msk [tilespmem:v16+s2+$0x0], $0xffff  }
0x32: {  	v16 =	vor.u32 s31, v6;
	[tilespmem:s23+$0x80] =	vst v8;
	v8 =	vld.idx.msk [tilespmem:v17+s2+$0x0], $0xffff  }
0x33: {  	s25 =	simm.s32 $0x8;
	v17 =	vor.u32 s31, v7;
	[tilespmem:s23+$0x90] =	vst v10;
	v10 =	vld.idx.msk [tilespmem:v18+s2+$0x0], $0xffff  }
0x34: {  	v18 =	vor.u32 s25, v0;
	[tilespmem:s23+$0xA0] =	vst v11;
	v11 =	vld.idx.msk [tilespmem:v19+s2+$0x0], $0xffff  }
0x35: {  	v19 =	vor.u32 s25, v1;
	[tilespmem:s23+$0xB0] =	vst v12;
	v12 =	vld.idx.msk [tilespmem:v20+s2+$0x0], $0xffff  }
0x36: {  	v20 =	vor.u32 s25, v2;
	[tilespmem:s23+$0xC0] =	vst v13;
	v13 =	vld.idx.msk [tilespmem:v21+s2+$0x0], $0xffff  }
0x37: {  	v21 =	vor.u32 s25, v3;
	[tilespmem:s23+$0xD0] =	vst v14;
	v14 =	vld.idx.msk [tilespmem:v16+s2+$0x0], $0xffff  }
0x38: {  	[tilespmem:s23+$0xE0] =	vst v15;
	v16 =	vor.u32 s25, v4;
	v15 =	vld.idx.msk [tilespmem:v17+s2+$0x0], $0xffff  }
0x39: {  	v17 =	vor.u32 s25, v5;
	[tilespmem:s23+$0xFFFFFF80] =	vst v9;
	v22 =	vld.idx.msk [tilespmem:v18+s2+$0x0], $0xffff  }
0x3a: {  	[tilespmem:s23+$0xFFFFFF90] =	vst v8;
	v23 =	vld.idx.msk [tilespmem:v19+s2+$0x0], $0xffff;
	v8 =	vor.u32 s25, v7  }
0x3b: {  	s26 =	simm.s32 $0x0;
	v9 =	vor.u32 s25, v6;
	[tilespmem:s23+$0xFFFFFFA0] =	vst v10;
	v10 =	vld.idx.msk [tilespmem:v20+s2+$0x0], $0xffff  }
0x3c: {  	v24 =	vor.u32 s26, v1;
	[tilespmem:s23+$0xFFFFFFB0] =	vst v11;
	v21 =	vld.idx.msk [tilespmem:v21+s2+$0x0], $0xffff  }
0x3d: {  	v11 =	vor.u32 s26, v0;
	[tilespmem:s23+$0xFFFFFFC0] =	vst v12;
	v20 =	vld.idx.msk [tilespmem:v16+s2+$0x0], $0xffff  }
0x3e: {  	v25 =	vor.u32 s26, v2;
	[tilespmem:s23+$0xFFFFFFD0] =	vst v13;
	v19 =	vld.idx.msk [tilespmem:v17+s2+$0x0], $0xffff  }
0x3f: {  	[tilespmem:s23+$0xFFFFFFE0] =	vst v14;
	v16 =	vld.idx.msk [tilespmem:v8+s2+$0x0], $0xffff;
	v8 =	vor.u32 s26, v3  }
0x40: {  	v18 =	vld.idx.msk [tilespmem:v9+s2+$0x0], $0xffff;
	[tilespmem:s23+$0xFFFFFFF0] =	vst v15;
	v14 =	vor.u32 s26, v4  }
0x41: {  	v13 =	vor.u32 s26, v5;
	v9 =	vld.idx.msk [tilespmem:v24+s2+$0x0], $0xffff;
	[tilespmem:s23+$0x0] =	vst v22  }
0x42: {  	v12 =	vor.u32 s26, v6;
	v17 =	vld.idx.msk [tilespmem:v11+s2+$0x0], $0xffff;
	[tilespmem:s23+$0x10] =	vst v23  }
0x43: {  	s24 =	simm.s32 $0x0;
	s25 =	simm.s32 $0x10;
	v11 =	vor.u32 s26, v7;
	v15 =	vld.idx.msk [tilespmem:v25+s2+$0x0], $0xffff;
	[tilespmem:s23+$0x20] =	vst v10  }
.LBB2_4:
0x44: {  	v22 =	vor.u32 s25, v1;
	v10 =	vor.u32 s25, v2;
	s26 =	sadd.s32 $0x4, s25;
	s28 =	sadd.s32 $0x8, s25;
	s29 =	sadd.s32 $0xC, s25;
	v23 =	vld.idx.msk [tilespmem:v8+s2+$0x0], $0xffff;
	v8 =	vor.u32 s25, v3;
	[tilespmem:s23+$0x30] =	vst v21  }
0x45: {  	s24 =	sadd.s32 $0x4, s24;
	v21 =	vor.u32 s26, v0;
	v24 =	vor.u32 s26, v1;
	v25 =	vor.u32 s29, v0;
	v26 =	vld.idx.msk [tilespmem:v14+s2+$0x0], $0xffff;
	[tilespmem:s23+$0x40] =	vst v20  }
0x46: {  	v20 =	vor.u32 s26, v2;
	v27 =	vor.u32 s26, v3;
	v14 =	vor.u32 s29, v7;
	p2 =	slt.u32 s24, $0x1C;
	v28 =	vld.idx.msk [tilespmem:v13+s2+$0x0], $0xffff;
	[tilespmem:s23+$0x50] =	vst v19  }
0x47: {  	v29 =	vor.u32 s26, v5;
	v19 =	vor.u32 s26, v4;
	v13 =	vor.u32 s29, v1;
	v30 =	vld.idx.msk [tilespmem:v12+s2+$0x0], $0xffff;
	[tilespmem:s23+$0x60] =	vst v18  }
0x48: {  	v31 =	vor.u32 s26, v7;
	v32 =	vor.u32 s29, v2;
	v18 =	vor.u32 s26, v6;
	v33 =	vld.idx.msk [tilespmem:v11+s2+$0x0], $0xffff;
	[tilespmem:s23+$0x70] =	vst v16  }
0x49: {  	v34 =	vor.u32 s28, v1;
	v35 =	vor.u32 s29, v3;
	v16 =	vld.idx.msk [tilespmem:v22+s2+$0x0], $0xffff;
	v22 =	vor.u32 s28, v0;
	[tilespmem:s23+$0xFFFFFF00] =	vst v17  }
0x4a: {  	v36 =	vor.u32 s28, v3;
	v37 =	vor.u32 s29, v4;
	v17 =	vor.u32 s28, v2;
	v25 =	vld.idx.msk [tilespmem:v25+s2+$0x0], $0xffff;
	[tilespmem:s23+$0xFFFFFF10] =	vst v9  }
0x4b: {  	v38 =	vor.u32 s28, v4;
	v39 =	vor.u32 s28, v5;
	v40 =	vor.u32 s29, v5;
	v41 =	vld.idx.msk [tilespmem:v14+s2+$0x0], $0xffff;
	[tilespmem:s23+$0xFFFFFF20] =	vst v15  }
0x4c: {  	v42 =	vor.u32 s28, v7;
	v44 =	vor.u32 s29, v6;
	v15 =	vor.u32 s28, v6;
	v43 =	vld.idx.msk [tilespmem:v13+s2+$0x0], $0xffff;
	[tilespmem:s23+$0xFFFFFF30] =	vst v23  }
0x4d: {  	v12 =	vor.u32 s25, v6;
	v14 =	vor.u32 s25, v4;
	v13 =	vor.u32 s25, v5;
	v23 =	vld.idx.msk [tilespmem:v32+s2+$0x0], $0xffff;
	[tilespmem:s23+$0xFFFFFF40] =	vst v26  }
0x4e: {  	v11 =	vor.u32 s25, v7;
	v26 =	vor.u32 s25, v0;
	v32 =	vld.idx.msk [tilespmem:v35+s2+$0x0], $0xffff;
	[tilespmem:s23+$0xFFFFFF50] =	vst v28  }
0x4f: {  	v9 =	vmov v16;
	v28 =	vld.idx.msk [tilespmem:v37+s2+$0x0], $0xffff;
	[tilespmem:s23+$0xFFFFFF60] =	vst v30  }
0x50: {  	v16 =	vld.idx.msk [tilespmem:v40+s2+$0x0], $0xffff;
	[tilespmem:s23+$0xFFFFFF70] =	vst v33;
	s23 =	sadd.s32 $0x200, s23  }
0x51: {  	v30 =	vld.idx.msk [tilespmem:v44+s2+$0x0], $0xffff;
	[tilespmem:s23+$0xF0] =	vst v41  }
0x52: {  	v21 =	vld.idx.msk [tilespmem:v21+s2+$0x0], $0xffff;
	[tilespmem:s23+$0x80] =	vst v25  }
0x53: {  	v24 =	vld.idx.msk [tilespmem:v24+s2+$0x0], $0xffff;
	[tilespmem:s23+$0x90] =	vst v43  }
0x54: {  	v20 =	vld.idx.msk [tilespmem:v20+s2+$0x0], $0xffff;
	[tilespmem:s23+$0xA0] =	vst v23  }
0x55: {  	v23 =	vld.idx.msk [tilespmem:v27+s2+$0x0], $0xffff;
	[tilespmem:s23+$0xB0] =	vst v32  }
0x56: {  	v19 =	vld.idx.msk [tilespmem:v19+s2+$0x0], $0xffff;
	[tilespmem:s23+$0xC0] =	vst v28  }
0x57: {  	v25 =	vld.idx.msk [tilespmem:v29+s2+$0x0], $0xffff;
	[tilespmem:s23+$0xD0] =	vst v16  }
0x58: {  	v16 =	vld.idx.msk [tilespmem:v18+s2+$0x0], $0xffff;
	[tilespmem:s23+$0xE0] =	vst v30  }
0x59: {  	v18 =	vld.idx.msk [tilespmem:v31+s2+$0x0], $0xffff;
	[tilespmem:s23+$0xFFFFFF80] =	vst v21  }
0x5a: {  	[tilespmem:s23+$0xFFFFFF90] =	vst v24;
	v22 =	vld.idx.msk [tilespmem:v22+s2+$0x0], $0xffff  }
0x5b: {  	[tilespmem:s23+$0xFFFFFFA0] =	vst v20;
	v24 =	vld.idx.msk [tilespmem:v34+s2+$0x0], $0xffff  }
0x5c: {  	[tilespmem:s23+$0xFFFFFFB0] =	vst v23;
	v23 =	vld.idx.msk [tilespmem:v17+s2+$0x0], $0xffff  }
0x5d: {  	[tilespmem:s23+$0xFFFFFFC0] =	vst v19;
	v21 =	vld.idx.msk [tilespmem:v36+s2+$0x0], $0xffff  }
0x5e: {  	[tilespmem:s23+$0xFFFFFFD0] =	vst v25;
	v20 =	vld.idx.msk [tilespmem:v38+s2+$0x0], $0xffff  }
.Ltmp5:
0x5f: {  	[tilespmem:s23+$0xFFFFFFE0] =	vst v16;
	v19 =	vld.idx.msk [tilespmem:v39+s2+$0x0], $0xffff;
	(pc) =	sbr.rel @p2 .LBB2_4-.Ltmp5, $4  }
0x60: {  	[tilespmem:s23+$0xFFFFFFF0] =	vst v18;
	v18 =	vld.idx.msk [tilespmem:v15+s2+$0x0], $0xffff  }
0x61: {  	v16 =	vld.idx.msk [tilespmem:v42+s2+$0x0], $0xffff;
	[tilespmem:s23+$0x0] =	vst v22  }
0x62: {  	v17 =	vld.idx.msk [tilespmem:v26+s2+$0x0], $0xffff;
	[tilespmem:s23+$0x10] =	vst v24  }
0x63: {  	s25 =	sadd.s32 $0x10, s25;
	v15 =	vld.idx.msk [tilespmem:v10+s2+$0x0], $0xffff;
	[tilespmem:s23+$0x20] =	vst v23  }
0x64: {  	_ =	sdelay $0x3  }
0x65: {  	v8 =	vld.idx.msk [tilespmem:v8+s2+$0x0], $0xffff  }
0x66: {  	[tilespmem:s23+$0x30] =	vst v21;
	v10 =	vld.idx.msk [tilespmem:v14+s2+$0x0], $0xffff  }
0x67: {  	[tilespmem:s23+$0x40] =	vst v20;
	v13 =	vld.idx.msk [tilespmem:v13+s2+$0x0], $0xffff  }
0x68: {  	[tilespmem:s23+$0x50] =	vst v19;
	v12 =	vld.idx.msk [tilespmem:v12+s2+$0x0], $0xffff  }
0x69: {  	v11 =	vld.idx.msk [tilespmem:v11+s2+$0x0], $0xffff;
	[tilespmem:s23+$0xFFFFFF10] =	vst v9  }
0x6a: {  	[tilespmem:s23+$0x60] =	vst v18  }
0x6b: {  	[tilespmem:s23+$0x70] =	vst v16  }
0x6c: {  	[tilespmem:s23+$0xFFFFFF00] =	vst v17  }
0x6d: {  	[tilespmem:s23+$0xFFFFFF20] =	vst v15  }
0x6e: {  	[tilespmem:s23+$0xFFFFFF30] =	vst v8  }
0x6f: {  	[tilespmem:s23+$0xFFFFFF40] =	vst v10  }
0x70: {  	[tilespmem:s23+$0xFFFFFF50] =	vst v13  }
0x71: {  	s22 =	sshll.u32 s22, $0x9;
	[tilespmem:s23+$0xFFFFFF60] =	vst v12  }
0x72: {  	s22 =	sadd.s32 s4, s22;
	[tilespmem:s23+$0xFFFFFF70] =	vst v11  }
0x73: {  	[hbm4b:s22+s2] =	stream.linear.scatter [tilespmem:s12], [sflag:$0x3], $0x1000, $0x38;
	[tilespmem:$0x4000] =	vst v63  }
.LBB2_6:
.Ltmp6:
0x74: {  	s22 =	sadd.s32 $0x2, s20;
	(pc) =	sbr.rel @p1 .LBB2_10-.Ltmp6, $4  }
0x75: {  	s20 =	sadd.s32 s3, s21;
	p2 =	sge.u32 s22, s5  }
0x76: {  	s21 =	sshll.u32 @!p2 s20, $0x7;
	s22 =	simm.s32 @!p2 $0x400  }
0x77: {  	s23 =	simm.s32 @!p2 $0x7A1400;
	s24 =	simm.s32 @!p2 $0x0;
	s21 =	sadd.s32 @!p2 s21, s7  }
0x78: {  	[tilespmem:s24], [sflag:$0x1] =	stream.strided.gather @!p2 [hbm4b:s21+s22], $0x1000, s23, s22, $0x38;
	[tilespmem:$0x4000] =	vst v63  }
0x79: {  	_ =	swait.ge [sflag:s13], $0x1000;
	s21 =	simm.s32 $0xC  }
0x7a: {  	[sflag:s13] =	ssyncset.done $0x0;
	v8 =	vor.u32 s21, v0  }
0x7b: {  	s22 =	simm.s32 @!p0 $0x4;
	v9 =	vor.u32 s21, v7;
	[sflag:s13] =	ssyncadd.s32 $0xFFFFF000  }
0x7c: {  	v10 =	vor.u32 s21, v1;
	_ =	swait.ge @!p0 [sflag:s22], $0x1000  }
0x7d: {  	v11 =	vor.u32 s21, v2;
	[sflag:s22] =	ssyncset.done @!p0 $0x0  }
0x7e: {  	v12 =	vor.u32 s21, v3;
	[sflag:s22] =	ssyncadd.s32 @!p0 $0xFFFFF000  }
0x7f: {  	v13 =	vor.u32 s21, v4;
	v8 =	vld.idx.msk [tilespmem:v8+s14+$0x0], $0xffff  }
0x80: {  	v14 =	vor.u32 s21, v5;
	v9 =	vld.idx.msk [tilespmem:v9+s14+$0x0], $0xffff  }
0x81: {  	s31 =	simm.s32 $0x4;
	v15 =	vor.u32 s21, v6;
	v10 =	vld.idx.msk [tilespmem:v10+s14+$0x0], $0xffff  }
0x82: {  	v16 =	vor.u32 s31, v0;
	v11 =	vld.idx.msk [tilespmem:v11+s14+$0x0], $0xffff  }
0x83: {  	v17 =	vor.u32 s31, v1;
	v12 =	vld.idx.msk [tilespmem:v12+s14+$0x0], $0xffff  }
0x84: {  	v18 =	vor.u32 s31, v2;
	v13 =	vld.idx.msk [tilespmem:v13+s14+$0x0], $0xffff  }
0x85: {  	v19 =	vor.u32 s31, v3;
	v14 =	vld.idx.msk [tilespmem:v14+s14+$0x0], $0xffff  }
0x86: {  	s21 =	simm.s32 $0x3100;
	v20 =	vor.u32 s31, v4;
	v15 =	vld.idx.msk [tilespmem:v15+s14+$0x0], $0xffff  }
0x87: {  	v21 =	vor.u32 s31, v5;
	[tilespmem:s21+$0xF0] =	vst v9;
	v9 =	vld.idx.msk [tilespmem:v16+s14+$0x0], $0xffff  }
0x88: {  	v16 =	vor.u32 s31, v6;
	[tilespmem:s21+$0x80] =	vst v8;
	v8 =	vld.idx.msk [tilespmem:v17+s14+$0x0], $0xffff  }
0x89: {  	s23 =	simm.s32 $0x8;
	v17 =	vor.u32 s31, v7;
	[tilespmem:s21+$0x90] =	vst v10;
	v10 =	vld.idx.msk [tilespmem:v18+s14+$0x0], $0xffff  }
0x8a: {  	v18 =	vor.u32 s23, v0;
	[tilespmem:s21+$0xA0] =	vst v11;
	v11 =	vld.idx.msk [tilespmem:v19+s14+$0x0], $0xffff  }
0x8b: {  	v19 =	vor.u32 s23, v1;
	[tilespmem:s21+$0xB0] =	vst v12;
	v12 =	vld.idx.msk [tilespmem:v20+s14+$0x0], $0xffff  }
0x8c: {  	v20 =	vor.u32 s23, v2;
	[tilespmem:s21+$0xC0] =	vst v13;
	v13 =	vld.idx.msk [tilespmem:v21+s14+$0x0], $0xffff  }
0x8d: {  	v21 =	vor.u32 s23, v3;
	[tilespmem:s21+$0xD0] =	vst v14;
	v14 =	vld.idx.msk [tilespmem:v16+s14+$0x0], $0xffff  }
0x8e: {  	[tilespmem:s21+$0xE0] =	vst v15;
	v16 =	vor.u32 s23, v4;
	v15 =	vld.idx.msk [tilespmem:v17+s14+$0x0], $0xffff  }
0x8f: {  	v17 =	vor.u32 s23, v5;
	[tilespmem:s21+$0xFFFFFF80] =	vst v9;
	v22 =	vld.idx.msk [tilespmem:v18+s14+$0x0], $0xffff  }
0x90: {  	[tilespmem:s21+$0xFFFFFF90] =	vst v8;
	v23 =	vld.idx.msk [tilespmem:v19+s14+$0x0], $0xffff;
	v8 =	vor.u32 s23, v7  }
0x91: {  	s24 =	simm.s32 $0x0;
	v9 =	vor.u32 s23, v6;
	[tilespmem:s21+$0xFFFFFFA0] =	vst v10;
	v10 =	vld.idx.msk [tilespmem:v20+s14+$0x0], $0xffff  }
0x92: {  	v24 =	vor.u32 s24, v1;
	[tilespmem:s21+$0xFFFFFFB0] =	vst v11;
	v21 =	vld.idx.msk [tilespmem:v21+s14+$0x0], $0xffff  }
0x93: {  	v11 =	vor.u32 s24, v0;
	[tilespmem:s21+$0xFFFFFFC0] =	vst v12;
	v20 =	vld.idx.msk [tilespmem:v16+s14+$0x0], $0xffff  }
0x94: {  	v25 =	vor.u32 s24, v2;
	[tilespmem:s21+$0xFFFFFFD0] =	vst v13;
	v19 =	vld.idx.msk [tilespmem:v17+s14+$0x0], $0xffff  }
0x95: {  	[tilespmem:s21+$0xFFFFFFE0] =	vst v14;
	v16 =	vld.idx.msk [tilespmem:v8+s14+$0x0], $0xffff;
	v8 =	vor.u32 s24, v3  }
0x96: {  	v18 =	vld.idx.msk [tilespmem:v9+s14+$0x0], $0xffff;
	[tilespmem:s21+$0xFFFFFFF0] =	vst v15;
	v14 =	vor.u32 s24, v4  }
0x97: {  	v13 =	vor.u32 s24, v5;
	v9 =	vld.idx.msk [tilespmem:v24+s14+$0x0], $0xffff;
	[tilespmem:s21+$0x0] =	vst v22  }
0x98: {  	v12 =	vor.u32 s24, v6;
	v17 =	vld.idx.msk [tilespmem:v11+s14+$0x0], $0xffff;
	[tilespmem:s21+$0x10] =	vst v23  }
0x99: {  	s22 =	simm.s32 $0x0;
	s23 =	simm.s32 $0x10;
	v11 =	vor.u32 s24, v7;
	v15 =	vld.idx.msk [tilespmem:v25+s14+$0x0], $0xffff;
	[tilespmem:s21+$0x20] =	vst v10  }
.LBB2_8:
0x9a: {  	v22 =	vor.u32 s23, v1;
	v10 =	vor.u32 s23, v2;
	s24 =	sadd.s32 $0x4, s23;
	s25 =	sadd.s32 $0x8, s23;
	s26 =	sadd.s32 $0xC, s23;
	v23 =	vld.idx.msk [tilespmem:v8+s14+$0x0], $0xffff;
	v8 =	vor.u32 s23, v3;
	[tilespmem:s21+$0x30] =	vst v21  }
0x9b: {  	s22 =	sadd.s32 $0x4, s22;
	v21 =	vor.u32 s24, v0;
	v24 =	vor.u32 s24, v1;
	v25 =	vor.u32 s26, v0;
	v26 =	vld.idx.msk [tilespmem:v14+s14+$0x0], $0xffff;
	[tilespmem:s21+$0x40] =	vst v20  }
0x9c: {  	v20 =	vor.u32 s24, v2;
	v27 =	vor.u32 s24, v3;
	v14 =	vor.u32 s26, v7;
	p0 =	slt.u32 s22, $0x1C;
	v28 =	vld.idx.msk [tilespmem:v13+s14+$0x0], $0xffff;
	[tilespmem:s21+$0x50] =	vst v19  }
0x9d: {  	v29 =	vor.u32 s24, v5;
	v19 =	vor.u32 s24, v4;
	v13 =	vor.u32 s26, v1;
	v30 =	vld.idx.msk [tilespmem:v12+s14+$0x0], $0xffff;
	[tilespmem:s21+$0x60] =	vst v18  }
0x9e: {  	v31 =	vor.u32 s24, v7;
	v32 =	vor.u32 s26, v2;
	v18 =	vor.u32 s24, v6;
	v33 =	vld.idx.msk [tilespmem:v11+s14+$0x0], $0xffff;
	[tilespmem:s21+$0x70] =	vst v16  }
0x9f: {  	v34 =	vor.u32 s25, v1;
	v35 =	vor.u32 s26, v3;
	v16 =	vld.idx.msk [tilespmem:v22+s14+$0x0], $0xffff;
	v22 =	vor.u32 s25, v0;
	[tilespmem:s21+$0xFFFFFF00] =	vst v17  }
0xa0: {  	v36 =	vor.u32 s25, v3;
	v37 =	vor.u32 s26, v4;
	v17 =	vor.u32 s25, v2;
	v25 =	vld.idx.msk [tilespmem:v25+s14+$0x0], $0xffff;
	[tilespmem:s21+$0xFFFFFF10] =	vst v9  }
0xa1: {  	v38 =	vor.u32 s25, v4;
	v39 =	vor.u32 s25, v5;
	v40 =	vor.u32 s26, v5;
	v41 =	vld.idx.msk [tilespmem:v14+s14+$0x0], $0xffff;
	[tilespmem:s21+$0xFFFFFF20] =	vst v15  }
0xa2: {  	v42 =	vor.u32 s25, v7;
	v44 =	vor.u32 s26, v6;
	v15 =	vor.u32 s25, v6;
	v43 =	vld.idx.msk [tilespmem:v13+s14+$0x0], $0xffff;
	[tilespmem:s21+$0xFFFFFF30] =	vst v23  }
0xa3: {  	v12 =	vor.u32 s23, v6;
	v14 =	vor.u32 s23, v4;
	v13 =	vor.u32 s23, v5;
	v23 =	vld.idx.msk [tilespmem:v32+s14+$0x0], $0xffff;
	[tilespmem:s21+$0xFFFFFF40] =	vst v26  }
0xa4: {  	v11 =	vor.u32 s23, v7;
	v26 =	vor.u32 s23, v0;
	v32 =	vld.idx.msk [tilespmem:v35+s14+$0x0], $0xffff;
	[tilespmem:s21+$0xFFFFFF50] =	vst v28  }
0xa5: {  	v9 =	vmov v16;
	v28 =	vld.idx.msk [tilespmem:v37+s14+$0x0], $0xffff;
	[tilespmem:s21+$0xFFFFFF60] =	vst v30  }
0xa6: {  	v16 =	vld.idx.msk [tilespmem:v40+s14+$0x0], $0xffff;
	[tilespmem:s21+$0xFFFFFF70] =	vst v33;
	s21 =	sadd.s32 $0x200, s21  }
0xa7: {  	v30 =	vld.idx.msk [tilespmem:v44+s14+$0x0], $0xffff;
	[tilespmem:s21+$0xF0] =	vst v41  }
0xa8: {  	v21 =	vld.idx.msk [tilespmem:v21+s14+$0x0], $0xffff;
	[tilespmem:s21+$0x80] =	vst v25  }
0xa9: {  	v24 =	vld.idx.msk [tilespmem:v24+s14+$0x0], $0xffff;
	[tilespmem:s21+$0x90] =	vst v43  }
0xaa: {  	v20 =	vld.idx.msk [tilespmem:v20+s14+$0x0], $0xffff;
	[tilespmem:s21+$0xA0] =	vst v23  }
0xab: {  	v23 =	vld.idx.msk [tilespmem:v27+s14+$0x0], $0xffff;
	[tilespmem:s21+$0xB0] =	vst v32  }
0xac: {  	v19 =	vld.idx.msk [tilespmem:v19+s14+$0x0], $0xffff;
	[tilespmem:s21+$0xC0] =	vst v28  }
0xad: {  	v25 =	vld.idx.msk [tilespmem:v29+s14+$0x0], $0xffff;
	[tilespmem:s21+$0xD0] =	vst v16  }
0xae: {  	v16 =	vld.idx.msk [tilespmem:v18+s14+$0x0], $0xffff;
	[tilespmem:s21+$0xE0] =	vst v30  }
0xaf: {  	v18 =	vld.idx.msk [tilespmem:v31+s14+$0x0], $0xffff;
	[tilespmem:s21+$0xFFFFFF80] =	vst v21  }
0xb0: {  	[tilespmem:s21+$0xFFFFFF90] =	vst v24;
	v22 =	vld.idx.msk [tilespmem:v22+s14+$0x0], $0xffff  }
0xb1: {  	[tilespmem:s21+$0xFFFFFFA0] =	vst v20;
	v24 =	vld.idx.msk [tilespmem:v34+s14+$0x0], $0xffff  }
0xb2: {  	[tilespmem:s21+$0xFFFFFFB0] =	vst v23;
	v23 =	vld.idx.msk [tilespmem:v17+s14+$0x0], $0xffff  }
0xb3: {  	[tilespmem:s21+$0xFFFFFFC0] =	vst v19;
	v21 =	vld.idx.msk [tilespmem:v36+s14+$0x0], $0xffff  }
0xb4: {  	[tilespmem:s21+$0xFFFFFFD0] =	vst v25;
	v20 =	vld.idx.msk [tilespmem:v38+s14+$0x0], $0xffff  }
.Ltmp7:
0xb5: {  	[tilespmem:s21+$0xFFFFFFE0] =	vst v16;
	v19 =	vld.idx.msk [tilespmem:v39+s14+$0x0], $0xffff;
	(pc) =	sbr.rel @p0 .LBB2_8-.Ltmp7, $4  }
0xb6: {  	[tilespmem:s21+$0xFFFFFFF0] =	vst v18;
	v18 =	vld.idx.msk [tilespmem:v15+s14+$0x0], $0xffff  }
0xb7: {  	v16 =	vld.idx.msk [tilespmem:v42+s14+$0x0], $0xffff;
	[tilespmem:s21+$0x0] =	vst v22  }
0xb8: {  	v17 =	vld.idx.msk [tilespmem:v26+s14+$0x0], $0xffff;
	[tilespmem:s21+$0x10] =	vst v24  }
0xb9: {  	s23 =	sadd.s32 $0x10, s23;
	v15 =	vld.idx.msk [tilespmem:v10+s14+$0x0], $0xffff;
	[tilespmem:s21+$0x20] =	vst v23  }
0xba: {  	_ =	sdelay $0x3  }
0xbb: {  	v8 =	vld.idx.msk [tilespmem:v8+s14+$0x0], $0xffff  }
0xbc: {  	[tilespmem:s21+$0x30] =	vst v21;
	v10 =	vld.idx.msk [tilespmem:v14+s14+$0x0], $0xffff  }
0xbd: {  	[tilespmem:s21+$0x40] =	vst v20;
	v13 =	vld.idx.msk [tilespmem:v13+s14+$0x0], $0xffff  }
0xbe: {  	[tilespmem:s21+$0x50] =	vst v19;
	v12 =	vld.idx.msk [tilespmem:v12+s14+$0x0], $0xffff  }
0xbf: {  	v11 =	vld.idx.msk [tilespmem:v11+s14+$0x0], $0xffff;
	[tilespmem:s21+$0xFFFFFF10] =	vst v9  }
0xc0: {  	[tilespmem:s21+$0x60] =	vst v18  }
0xc1: {  	[tilespmem:s21+$0x70] =	vst v16  }
0xc2: {  	[tilespmem:s21+$0xFFFFFF00] =	vst v17  }
0xc3: {  	[tilespmem:s21+$0xFFFFFF20] =	vst v15  }
0xc4: {  	[tilespmem:s21+$0xFFFFFF30] =	vst v8  }
.Ltmp8:
0xc5: {  	[tilespmem:s21+$0xFFFFFF40] =	vst v10;
	(pc) =	sbr.rel .LBB2_10-.Ltmp8, $4  }
0xc6: {  	s20 =	sshll.u32 s20, $0x9;
	[tilespmem:s21+$0xFFFFFF50] =	vst v13  }
0xc7: {  	s20 =	sand.u32 $0x1FFFFE00, s20;
	[tilespmem:s21+$0xFFFFFF60] =	vst v12  }
0xc8: {  	s20 =	sadd.s32 s4, s20;
	[tilespmem:s21+$0xFFFFFF70] =	vst v11  }
0xc9: {  	[hbm4b:s20+s2] =	stream.linear.scatter [tilespmem:s15], [sflag:$0x4], $0x1000, $0x38;
	[tilespmem:$0x4000] =	vst v63  }
.LBB2_12:
0xca: {  	_ =	sfence.sel $0x180000  }
0xcb: {  	[bflag:$0x0] =	sbarrier.arrive $0xFFFF  }
0xcc: {  	p0 =	sne.s32 s0, $0x0;
	_ =	strace $0x90000047  }
0xcd: {  	s0 =	sadd.s32 @!p0 $0x100000, s1;
	[bflag:$0x2] =	sbarrier.arrive $0xFFFF  }
0xce: {  	[sflag:s0] =	ssyncadd.tile.s32 @!p0 $0x1;
	_ =	shalt  }
.Lfunc_end2:
_tile_overlayer_lowered:
.L_overlay_start_2:
0xcf: {  	(tag) =	ssettag $0x2  }
0xd0: {  	s0 =	rddreg [dreg:$0x0];
	s2 =	stileid.u32  }
0xd1: {  	s1 =	rddreg [dreg:$0x1];
	p0 =	sne.s32 s2, $0x0  }
0xd2: {  	s3 =	rddreg [dreg:$0x2];
	[bflag:$0x3] =	sbarrier.arrive $0xFFFF;
	s2 =	simm.s32 @!p0 $0x1C05  }
0xd3: {  	[timem:s3], [sflag:s2] =	dma.local @!p0 [hbm:s0], s1  }
0xd4: {  	s0 =	simm.s32 @!p0 $0x5  }
0xd5: {  	_ =	swait.ge @!p0 [sflag:s0], s1  }
0xd6: {  	s1 =	ssub.s32 @!p0 $0x0, s1;
	[sflag:s0] =	ssyncset.done @!p0 $0x0  }
0xd7: {  	[sflag:s0] =	ssyncadd.s32 @!p0 s1  }
0xd8: {  	[bflag:$0x3] =	sbarrier.arrive $0xFFFF  }
0xd9: {  	_ =	shalt  }

// kernel: kernel.7.cloned.1.call-start
scs
__scs_entry_jumppad:
0x0: {  	(pc) =	sbr.rel $0x88, $3  }
0x1: {  	(tag) =	ssettag $0x0;
	lr =	simm.s32 $0x1  }
0x2: {  	[smem:$0x3F9F] =	sst lr;
	_ =	strace $0xD0000000  }
0x3: {  	_ = 	snop  }
0x4: {  	_ = 	snop  }
0x5: {  	_ = 	snop  }
0x6: {  	_ = 	snop  }
0x7: {  	_ = 	snop  }
__scs_overlays_trampoline_lowered:
0x8: {  	[smem:$0x3FAE] =	sst s0  }
0x9: {  	[smem:$0x3FAF] =	sst s1  }
0xa: {  	[smem:$0x3FB0] =	sst s2  }
0xb: {  	[smem:$0x3FB1] =	sst s3  }
0xc: {  	[smem:$0x3FB2] =	sst s4  }
0xd: {  	[smem:$0x3FB3] =	sst s5  }
0xe: {  	[smem:$0x3FB4] =	sst s6  }
0xf: {  	[smem:$0x3FB5] =	sst s7  }
0x10: {  	[smem:$0x3FB6] =	sst s8  }
0x11: {  	[smem:$0x3FB7] =	sst s9;
	s0 =	simm.s32 @!p0 $0x0  }
0x12: {  	s1 =	sld [smem:$0x3F9D];
	s0 =	simm.s32 @p0 $0x1  }
0x13: {  	[smem:$0x3FB8] =	sst s0;
	s0 =	simm.s32 @!p1 $0x0  }
0x14: {  	s2 =	sld [smem:$0x3F9C];
	s0 =	simm.s32 @p1 $0x1  }
0x15: {  	[smem:$0x3FB9] =	sst s0;
	s0 =	simm.s32 @!p2 $0x0  }
0x16: {  	s3 =	sld [smem:$0x3FDB];
	s0 =	simm.s32 @p2 $0x1  }
0x17: {  	s4 =	simm.s32 $0x1BF5;
	[smem:$0x3FBB] =	sst s0  }
0x18: {  	s0 =	sld [smem:$0x3F9E];
	_ =	swait.ge [sflag:s4], $0x0  }
0x19: {  	s7 =	sld [smem:$0x3F9F]  }
0x1a: {  	s8 =	sadd.s32 $0xFFFFE003, lr  }
0x1b: {  	s9 =	sadd.s32 $0xFFFFFEF7, lr;
	s5 =	simm.s32 $0xFFFFFFFF;
	p2 =	slt.u32 s8, $0xFFFFF086  }
0x1c: {  	p1 =	slt.u32 s9, $0xF7A;
	s5 =	simm.s32 @!p2 $0x0  }
0x1d: {  	s5 =	simm.s32 @p1 $0x1;
	p0 =	seq.s32 s7, s2  }
0x1e: {  	s7 =	smul.u32 @!p0 $0xF7A, s2;
	p2 =	seq.s32 @!p0 s5, $0x0  }
0x1f: {  	s9 =	smul.u32 $0xF7A, s1;
	s8 =	simm.s32 @!p0 $0x1BF5;
	p2 =	por !p2, p0  }
0x20: {  	[sflag:s8] =	ssyncset.s32 @!p0 $0xFFFFF086;
	s6 =	sadd.s32 @!p0 s3, s7;
	s7 =	simm.s32 @!p0 $0x108  }
0x21: {  	s3 =	sadd.s32 s3, s9;
	s6 =	sadd.s32 @!p0 $0x88, s6;
	s7 =	simm.s32 @p2 $0x1082  }
0x22: {  	[simem:s7], [sflag:s8] =	dma.local @!p0 [hbm:s6], $0xF7A  }
0x23: {  	s9 =	sor.u32 $0xD0000000, s2;
	s6 =	simm.s32 $0x108;
	_ =	swait.ge @!p0 [sflag:s8], $0x0  }
0x24: {  	s3 =	sadd.s32 $0x88, s3;
	s6 =	simm.s32 @!p1 $0x1082;
	[sflag:s4] =	ssyncset.s32 $0xFFFFF086  }
0x25: {  	[simem:s6], [sflag:s4] =	dma.local [hbm:s3], $0xF7A  }
0x26: {  	[smem:$0x3F9F] =	sst s1;
	(tag) =	ssettag s2;
	_ =	strace s9  }
0x27: {  	s1 =	sld [smem:$0x3FAF]  }
0x28: {  	s2 =	sld [smem:$0x3FB0]  }
0x29: {  	s4 =	sld [smem:$0x3FB2]  }
0x2a: {  	p0 =	seq.s32 s5, $0x0;
	s5 =	sld [smem:$0x3FB3]  }
0x2b: {  	s6 =	sld [smem:$0x3FB4]  }
0x2c: {  	s7 =	sld [smem:$0x3FB5]  }
0x2d: {  	s3 =	simm.s32 $0x108;
	s8 =	sld [smem:$0x3FB6]  }
0x2e: {  	s3 =	simm.s32 @!p0 $0x1082;
	s9 =	sld [smem:$0x3FB7]  }
0x2f: {  	lr =	sadd.s32 s0, s3;
	s0 =	sld [smem:$0x3FAE]  }
0x30: {  	s3 =	sld [smem:$0x3FB1]  }
0x31: {  	[smem:$0x3FBA] =	sst s10  }
0x32: {  	s10 =	sld [smem:$0x3FB8];
	_ =	sdelay $0x3  }
0x33: {  	p0 =	seq.s32 s10, $0x1;
	s10 =	sld [smem:$0x3FBA];
	_ =	sdelay $0x3  }
0x34: {  	[smem:$0x3FBA] =	sst s10  }
0x35: {  	s10 =	sld [smem:$0x3FB9];
	_ =	sdelay $0x3  }
0x36: {  	p1 =	seq.s32 s10, $0x1;
	s10 =	sld [smem:$0x3FBA];
	_ =	sdelay $0x3  }
0x37: {  	[smem:$0x3FBA] =	sst s10  }
0x38: {  	s10 =	sld [smem:$0x3FBB]  }
0x39: {  	_ = 	snop;
	(pc) =	sbr.ind lr, $3  }
0x3a: {  	_ = 	snop  }
0x3b: {  	_ = 	snop  }
0x3c: {  	p2 =	seq.s32 s10, $0x1;
	s10 =	sld [smem:$0x3FBA]  }
0x3d: {  	_ =	shalt  }
0x3e: {  	_ =	shalt  }
0x3f: {  	_ =	shalt  }
0x40: {  	_ =	shalt  }
0x41: {  	_ =	shalt  }
0x42: {  	_ =	shalt  }
0x43: {  	_ =	shalt  }
0x44: {  	_ =	shalt  }
0x45: {  	_ =	shalt  }
0x46: {  	_ =	shalt  }
0x47: {  	_ =	shalt  }
0x48: {  	_ =	shalt  }
0x49: {  	_ =	shalt  }
0x4a: {  	_ =	shalt  }
0x4b: {  	_ =	shalt  }
0x4c: {  	_ =	shalt  }
0x4d: {  	_ =	shalt  }
0x4e: {  	_ =	shalt  }
0x4f: {  	_ =	shalt  }
0x50: {  	_ =	shalt  }
0x51: {  	_ =	shalt  }
0x52: {  	_ =	shalt  }
0x53: {  	_ =	shalt  }
0x54: {  	_ =	shalt  }
0x55: {  	_ =	shalt  }
0x56: {  	_ =	shalt  }
0x57: {  	_ =	shalt  }
0x58: {  	_ =	shalt  }
0x59: {  	_ =	shalt  }
0x5a: {  	_ =	shalt  }
0x5b: {  	_ =	shalt  }
0x5c: {  	_ =	shalt  }
0x5d: {  	_ =	shalt  }
0x5e: {  	_ =	shalt  }
0x5f: {  	_ =	shalt  }
0x60: {  	_ =	shalt  }
0x61: {  	_ =	shalt  }
0x62: {  	_ =	shalt  }
0x63: {  	_ =	shalt  }
0x64: {  	_ =	shalt  }
0x65: {  	_ =	shalt  }
0x66: {  	_ =	shalt  }
0x67: {  	_ =	shalt  }
0x68: {  	_ =	shalt  }
0x69: {  	_ =	shalt  }
0x6a: {  	_ =	shalt  }
0x6b: {  	_ =	shalt  }
0x6c: {  	_ =	shalt  }
0x6d: {  	_ =	shalt  }
0x6e: {  	_ =	shalt  }
0x6f: {  	_ =	shalt  }
0x70: {  	_ =	shalt  }
0x71: {  	_ =	shalt  }
0x72: {  	_ =	shalt  }
0x73: {  	_ =	shalt  }
0x74: {  	_ =	shalt  }
0x75: {  	_ =	shalt  }
0x76: {  	_ =	shalt  }
0x77: {  	_ =	shalt  }
0x78: {  	_ =	shalt  }
0x79: {  	_ =	shalt  }
0x7a: {  	_ =	shalt  }
0x7b: {  	_ =	shalt  }
0x7c: {  	_ =	shalt  }
0x7d: {  	_ =	shalt  }
0x7e: {  	_ =	shalt  }
0x7f: {  	_ =	shalt  }
0x80: {  	_ =	shalt  }
0x81: {  	_ =	shalt  }
0x82: {  	_ =	shalt  }
0x83: {  	_ =	shalt  }
0x84: {  	_ =	shalt  }
0x85: {  	_ =	shalt  }
0x86: {  	_ =	shalt  }
0x87: {  	_ =	shalt  }
.Lfunc_end0:
.L_simem_size_0:
called_computation.1_lowered:
.L_overlay_start_0:
0x88: {  	s2 =	sld [smem:$0x3FD9]  }
0x89: {  	s3 =	sld [smem:$0x3FFE];
	_ =	sdelay $0x1  }
0x8a: {  	s1 =	srdreg.scid  }
0x8b: {  	s0 =	sand.u32 $0x1, s1  }
0x8c: {  	s17 =	sshll.u32 s0, $0xA;
	s2 =	sadd.s32 s3, s2  }
0x8d: {  	s2 =	sadd.s32 s2, s17  }
0x8e: {  	[smem:$0x3FC6] =	sst s2  }
0x8f: {  	_ = 	snop  }
0x90: {  	s2 =	sld [smem:$0x3FC9]  }
0x91: {  	s18 =	sld [smem:$0x3FD0];
	(tm) =	ssettm $0x1  }
0x92: {  	s4 =	sld [smem:$0x3FFB];
	_ =	sdelay $0x3  }
0x93: {  	_ =	strace s4  }
0x94: {  	s4 =	sld [smem:$0x3FFC];
	_ =	sdelay $0x3  }
0x95: {  	_ =	strace s4  }
0x96: {  	s4 =	sld [smem:$0x3FFD];
	_ =	sdelay $0x3  }
0x97: {  	_ =	strace s4  }
0x98: {  	_ =	strace $0x8FFFFFFF  }
0x99: {  	s19 =	sld [smem:$0x3FDB];
	_ =	sdelay $0x1  }
0x9a: {  	s5 =	simm.s32 $_scs_section_size  }
0x9b: {  	s6 =	simm.s32 $_size__tile_overlayer_lowered;
	s7 =	simm.s32 $_tile_overlayer_lowered  }
0x9c: {  	s22 =	simm.s32 $0x1BFF;
	s21 =	sshll.u32 s7, $0x1;
	s4 =	sadd.s32 s5, s19  }
0x9d: {  	s8 =	simm.s32 $0x0;
	s20 =	sshll.u32 s6, $0x1;
	s6 =	sadd.s32 s21, s4  }
0x9e: {  	[timem:s8], [sflag:s22] =	dma.local [hbm:s6], s20  }
0x9f: {  	_ =	swait.ge [sflag:s22], s20  }
0xa0: {  	s5 =	ssub.s32 $0x0, s20;
	[sflag:s22] =	ssyncset.done $0x0  }
0xa1: {  	[sflag:s22] =	ssyncadd.s32 s5;
	_ =	sdelay $0x1  }
0xa2: {  	s23 =	simm.s32 $0x1B8B  }
0xa3: {  	_ =	swait.ge [sflag:s23], $0x1  }
0xa4: {  	[sflag:s23] =	ssyncset.done $0x0  }
0xa5: {  	s25 =	simm.s32 $0x1B8E;
	s24 =	sld [smem:$0x3FFE];
	[sflag:s23] =	ssyncadd.s32 $0xFFFFFFFF  }
0xa6: {  	s26 =	simm.s32 $execute0_lowered;
	[smem:$0x3FD2] =	sst s25  }
0xa7: {  	s6 =	sshll.u32 s26, $0x1;
	_ =	strace $0x80000049;
	[dreg:$0x1] =	wrdreg $0xFFFFFFFF  }
0xa8: {  	s28 =	simm.s32 $_size_execute0_lowered;
	s4 =	sadd.s32 s4, s6;
	[dreg:$0x0] =	wrdreg $0x0  }
0xa9: {  	s6 =	sshll.u32 s28, $0x1;
	[dreg:$0x2] =	wrdreg s4  }
0xaa: {  	[dreg:$0x3] =	wrdreg s6  }
0xab: {  	[dreg:$0x4] =	wrdreg $0xC0  }
0xac: {  	_ =	task [dreg:s8], $0x5FFFF  }
0xad: {  	[dreg:$0x1] =	wrdreg $0xFFFFFFFF  }
0xae: {  	[dreg:$0x0] =	wrdreg $0x60  }
0xaf: {  	[dreg:$0x2] =	wrdreg s24  }
0xb0: {  	[dreg:$0x3] =	wrdreg s2  }
0xb1: {  	[dreg:$0x4] =	wrdreg s18  }
0xb2: {  	[dreg:$0x5] =	wrdreg $0x9  }
0xb3: {  	_ =	task.clear_ibuf [dreg:s8], $0x6FFFF;
	_ =	strace $0x90000049  }
0xb4: {  	s29 =	simm.s32 $0x9;
	_ =	strace $0x8000004B  }
0xb5: {  	_ =	swait.ge [sflag:s29], $0x1  }
0xb6: {  	[sflag:s29] =	ssyncadd.s32 $0xFFFFFFFF  }
0xb7: {  	_ =	strace $0x9000004B  }
0xb8: {  	_ =	sfence  }
0xb9: {  	s30 =	sld [smem:$0x0];
	_ =	sdelay $0x2  }
0xba: {  	s31 =	sshll.u32 s1, $0xD;
	s1 =	sshrl.u32 s1, $0x2  }
0xbb: {  	s3 =	sand.u32 $0x4000, s31;
	s1 =	sadd.s32 s1, s30  }
0xbc: {  	s0 =	sor.u32 s3, s0;
	s1 =	sshll.u32 s1, $0x11  }
0xbd: {  	s0 =	sor.u32 s1, s0  }
0xbe: {  	s0 =	sadd.s32 $0x8F2B, s0  }
0xbf: {  	[sflag:s0] =	ssyncadd.remote.s32 $0x1  }
0xc0: {  	_ =	sfence.sel $0xFFFF  }
0xc1: {  	[dreg:$0x0] =	wrdreg $0xFFFFFFFF;
	(pc) =	sbr.abs _section_cstart, $3  }
0xc2: {  	[dreg:$0x1] =	wrdreg $0xFFFFFFFF  }
0xc3: {  	_ =	task.clear_ibuf [dreg:s8], $0x2FFFF;
	_ =	strace $0x9FFFFFFF  }
0xc4: {  	(tm) =	ssettm $0x7FFFFFFF  }
0xc5: {  	_ =	shalt  }
tec
execute0_lowered:
.L_overlay_start_1:
0x0: {  	(tag) =	ssettag $0x1  }
0x1: {  	s0 =	rddreg [dreg:$0x0]  }
0x2: {  	s1 =	rddreg [dreg:$0x1]  }
0x3: {  	s2 =	rddreg [dreg:$0x2];
	s4 =	srdreg.scid;
	s3 =	simm.s32 $0x0  }
0x4: {  	s5 =	stileid.u32;
	s9 =	simm.s32 $0x1;
	s10 =	simm.s32 $0x80  }
0x5: {  	s11 =	simm.s32 $0x400;
	s12 =	simm.s32 $0xC00;
	s13 =	simm.s32 $0x480  }
0x6: {  	s14 =	simm.s32 $0x4C00;
	s15 =	simm.s32 $0x2;
	s16 =	simm.s32 $0x20000  }
.Ltmp0:
0x7: {  	s17 =	simm.s32 $0x8C00;
	s4 =	sand.u32 $0x1, s4;
	(pc) =	sbr.rel .LBB2_1-.Ltmp0, $4  }
0x8: {  	s18 =	simm.s32 $0x3;
	s19 =	simm.s32 $0x9C00;
	s7 =	ssub.s32 $0x2, s4  }
0x9: {  	v0 =	vlaneseq.u32;
	s20 =	simm.s32 $0x4;
	s21 =	simm.s32 $0x5;
	s8 =	sshrl.u32 s7, $0x1  }
0xa: {  	[smem:$0x7FF] =	sst s3;
	s6 =	sadd.s32 $0x800, s0;
	v0 =	vmul.u32 $0x80, v0;
	s31 =	ssub.s32 s7, s8  }
0xb: {  	_ =	strace $0x8000004A;
	s7 =	sshll.u32 s5, $0x1;
	s8 =	smax.u32 s31, $0x1  }
.LBB2_31:
0xc: {  	s3 =	sadd.s32 $0x1, s3  }
0xd: {  	p0 =	sne.s32 s3, s8  }
.Ltmp1:
0xe: {  	_ = 	snop;
	(pc) =	sbr.rel @!p0 .LBB2_32-.Ltmp1, $1  }
0xf: {  	_ =	sdelay $0x3  }
.LBB2_1:
.Ltmp2:
0x10: {  	(pc) =	sbr.rel .LBB2_2-.Ltmp2, $2  }
0x11: {  	_ =	sdelay $0x2  }
0x12: {  	s22 =	simm.s32 $0x0  }
.LBB2_30:
0x13: {  	s22 =	sadd.s32 $0x1, s22  }
0x14: {  	_ =	swait.ge [sflag:s20], $0x1000;
	p0 =	sne.s32 s22, $0x1C  }
.Ltmp3:
0x15: {  	[sflag:s20] =	ssyncset.done $0x0;
	(pc) =	sbr.rel @!p0 .LBB2_31-.Ltmp3, $4  }
0x16: {  	[sflag:s20] =	ssyncadd.s32 $0xFFFFF000  }
0x17: {  	_ =	swait.ge [sflag:s21], $0x1000  }
0x18: {  	[sflag:s21] =	ssyncset.done $0x0  }
0x19: {  	[sflag:s21] =	ssyncadd.s32 $0xFFFFF000  }
.LBB2_2:
0x1a: {  	s0 =	sshll.u32 s22, $0x5  }
0x1b: {  	s0 =	sand.u32 $0x60, s0  }
0x1c: {  	s0 =	sor.u32 s0, s7  }
0x1d: {  	s24 =	sshrl.u32 s22, $0x2;
	s0 =	sor.u32 s4, s0  }
0x1e: {  	s30 =	sshll.u32 s24, $0x11;
	s23 =	sshll.u32 s0, $0xA  }
0x1f: {  	s0 =	sor.u32 s30, s23  }
0x20: {  	s0 =	sshrl.u32 s0, $0x3  }
0x21: {  	s25 =	simm.s32 $0x0;
	s0 =	sadd.s32 s1, s0  }
0x22: {  	[tilespmem:s25], [sflag:$0x1] =	stream.linear.gather [hbm4b:s0+s25], $0x400, $0x38;
	[tilespmem:$0xAC00] =	vst v63  }
0x23: {  	_ =	swait.ge [sflag:s9], $0x400  }
0x24: {  	[sflag:s9] =	ssyncset.done $0x0  }
0x25: {  	[sflag:s9] =	ssyncadd.s32 $0xFFFFFC00  }
0x26: {  	v1 =	vld [tilespmem:$0x0];
	_ =	sdelay $0x1  }
0x27: {  	v2 =	vld [tilespmem:$0x10];
	_ =	sdelay $0x1  }
0x28: {  	v3 =	vld [tilespmem:$0x20]  }
0x29: {  	v4 =	vshra.s32 v1, $0x2;
	v1 =	vshll.u32 v1, $0x5  }
0x2a: {  	[tilespmem:$0x400] =	vst v4;
	v1 =	vand.u32 $0x60, v1;
	v4 =	vld [tilespmem:$0x30]  }
0x2b: {  	[tilespmem:$0x800] =	vst v1;
	v1 =	vshra.s32 v2, $0x2;
	v2 =	vshll.u32 v2, $0x5  }
0x2c: {  	[tilespmem:$0x410] =	vst v1;
	v1 =	vand.u32 $0x60, v2;
	v2 =	vld [tilespmem:$0x40]  }
0x2d: {  	[tilespmem:$0x810] =	vst v1;
	v1 =	vshra.s32 v3, $0x2;
	v3 =	vshll.u32 v3, $0x5  }
0x2e: {  	[tilespmem:$0x420] =	vst v1;
	v1 =	vand.u32 $0x60, v3;
	v3 =	vld [tilespmem:$0x50]  }
0x2f: {  	[tilespmem:$0x820] =	vst v1;
	v1 =	vshra.s32 v4, $0x2;
	v4 =	vshll.u32 v4, $0x5  }
0x30: {  	[tilespmem:$0x430] =	vst v1;
	v1 =	vand.u32 $0x60, v4;
	v4 =	vld [tilespmem:$0x60]  }
0x31: {  	[tilespmem:$0x830] =	vst v1;
	v1 =	vshra.s32 v2, $0x2;
	v2 =	vshll.u32 v2, $0x5  }
0x32: {  	[tilespmem:$0x440] =	vst v1;
	v1 =	vand.u32 $0x60, v2;
	v2 =	vld [tilespmem:$0x70]  }
0x33: {  	[tilespmem:$0x840] =	vst v1;
	v1 =	vshra.s32 v3, $0x2;
	v3 =	vshll.u32 v3, $0x5  }
0x34: {  	[tilespmem:$0x450] =	vst v1;
	v1 =	vand.u32 $0x60, v3;
	v3 =	vld [tilespmem:$0x80]  }
0x35: {  	[tilespmem:$0x850] =	vst v1;
	v1 =	vshra.s32 v4, $0x2;
	v4 =	vshll.u32 v4, $0x5  }
0x36: {  	[tilespmem:$0x460] =	vst v1;
	v1 =	vand.u32 $0x60, v4;
	v4 =	vld [tilespmem:$0x90]  }
0x37: {  	[tilespmem:$0x860] =	vst v1;
	v1 =	vshra.s32 v2, $0x2;
	v2 =	vshll.u32 v2, $0x5  }
0x38: {  	[tilespmem:$0x470] =	vst v1;
	v1 =	vand.u32 $0x60, v2;
	v2 =	vld [tilespmem:$0xA0]  }
0x39: {  	[tilespmem:$0x870] =	vst v1;
	v1 =	vshra.s32 v3, $0x2;
	v3 =	vshll.u32 v3, $0x5  }
0x3a: {  	[tilespmem:$0x480] =	vst v1;
	v1 =	vand.u32 $0x60, v3;
	v3 =	vld [tilespmem:$0xB0]  }
0x3b: {  	[tilespmem:$0x880] =	vst v1;
	v1 =	vshra.s32 v4, $0x2;
	v4 =	vshll.u32 v4, $0x5  }
0x3c: {  	[tilespmem:$0x490] =	vst v1;
	v1 =	vand.u32 $0x60, v4;
	v4 =	vld [tilespmem:$0xC0]  }
0x3d: {  	[tilespmem:$0x890] =	vst v1;
	v1 =	vshra.s32 v2, $0x2;
	v2 =	vshll.u32 v2, $0x5  }
0x3e: {  	[tilespmem:$0x4A0] =	vst v1;
	v1 =	vand.u32 $0x60, v2;
	v2 =	vld [tilespmem:$0xD0]  }
0x3f: {  	[tilespmem:$0x8A0] =	vst v1;
	v1 =	vshra.s32 v3, $0x2;
	v3 =	vshll.u32 v3, $0x5  }
0x40: {  	[tilespmem:$0x4B0] =	vst v1;
	v1 =	vand.u32 $0x60, v3;
	v3 =	vld [tilespmem:$0xE0]  }
0x41: {  	[tilespmem:$0x8B0] =	vst v1;
	v1 =	vshra.s32 v4, $0x2;
	v4 =	vshll.u32 v4, $0x5  }
0x42: {  	[tilespmem:$0x4C0] =	vst v1;
	v1 =	vand.u32 $0x60, v4;
	v4 =	vld [tilespmem:$0xF0]  }
0x43: {  	[tilespmem:$0x8C0] =	vst v1;
	v1 =	vshra.s32 v2, $0x2;
	v2 =	vshll.u32 v2, $0x5  }
0x44: {  	[tilespmem:$0x4D0] =	vst v1;
	v1 =	vand.u32 $0x60, v2;
	v2 =	vld [tilespmem:$0x100]  }
0x45: {  	[tilespmem:$0x8D0] =	vst v1;
	v1 =	vshra.s32 v3, $0x2;
	v3 =	vshll.u32 v3, $0x5  }
0x46: {  	[tilespmem:$0x4E0] =	vst v1;
	v1 =	vand.u32 $0x60, v3;
	v3 =	vld [tilespmem:$0x110]  }
0x47: {  	[tilespmem:$0x8E0] =	vst v1;
	v1 =	vshra.s32 v4, $0x2;
	v4 =	vshll.u32 v4, $0x5  }
0x48: {  	[tilespmem:$0x4F0] =	vst v1;
	v1 =	vand.u32 $0x60, v4;
	v4 =	vld [tilespmem:$0x120]  }
0x49: {  	[tilespmem:$0x8F0] =	vst v1;
	v1 =	vshra.s32 v2, $0x2;
	v2 =	vshll.u32 v2, $0x5  }
0x4a: {  	[tilespmem:$0x500] =	vst v1;
	v1 =	vand.u32 $0x60, v2;
	v2 =	vld [tilespmem:$0x130]  }
0x4b: {  	[tilespmem:$0x900] =	vst v1;
	v1 =	vshra.s32 v3, $0x2;
	v3 =	vshll.u32 v3, $0x5  }
0x4c: {  	[tilespmem:$0x510] =	vst v1;
	v1 =	vand.u32 $0x60, v3;
	v3 =	vld [tilespmem:$0x140]  }
0x4d: {  	[tilespmem:$0x910] =	vst v1;
	v1 =	vshra.s32 v4, $0x2;
	v4 =	vshll.u32 v4, $0x5  }
0x4e: {  	[tilespmem:$0x520] =	vst v1;
	v1 =	vand.u32 $0x60, v4;
	v4 =	vld [tilespmem:$0x150]  }
0x4f: {  	[tilespmem:$0x920] =	vst v1;
	v1 =	vshra.s32 v2, $0x2;
	v2 =	vshll.u32 v2, $0x5  }
0x50: {  	[tilespmem:$0x530] =	vst v1;
	v1 =	vand.u32 $0x60, v2;
	v2 =	vld [tilespmem:$0x160]  }
0x51: {  	[tilespmem:$0x930] =	vst v1;
	v1 =	vshra.s32 v3, $0x2;
	v3 =	vshll.u32 v3, $0x5  }
0x52: {  	[tilespmem:$0x540] =	vst v1;
	v1 =	vand.u32 $0x60, v3;
	v3 =	vld [tilespmem:$0x170]  }
0x53: {  	[tilespmem:$0x940] =	vst v1;
	v1 =	vshra.s32 v4, $0x2;
	v4 =	vshll.u32 v4, $0x5  }
0x54: {  	[tilespmem:$0x550] =	vst v1;
	v1 =	vand.u32 $0x60, v4;
	v4 =	vld [tilespmem:$0x180]  }
0x55: {  	[tilespmem:$0x950] =	vst v1;
	v1 =	vshra.s32 v2, $0x2;
	v2 =	vshll.u32 v2, $0x5  }
0x56: {  	[tilespmem:$0x560] =	vst v1;
	v1 =	vand.u32 $0x60, v2;
	v2 =	vld [tilespmem:$0x190]  }
0x57: {  	[tilespmem:$0x960] =	vst v1;
	v1 =	vshra.s32 v3, $0x2;
	v3 =	vshll.u32 v3, $0x5  }
0x58: {  	[tilespmem:$0x570] =	vst v1;
	v1 =	vand.u32 $0x60, v3;
	v3 =	vld [tilespmem:$0x1A0]  }
0x59: {  	[tilespmem:$0x970] =	vst v1;
	v1 =	vshra.s32 v4, $0x2;
	v4 =	vshll.u32 v4, $0x5  }
0x5a: {  	[tilespmem:$0x580] =	vst v1;
	v1 =	vand.u32 $0x60, v4;
	v4 =	vld [tilespmem:$0x1B0]  }
0x5b: {  	[tilespmem:$0x980] =	vst v1;
	v1 =	vshra.s32 v2, $0x2;
	v2 =	vshll.u32 v2, $0x5  }
0x5c: {  	[tilespmem:$0x590] =	vst v1;
	v1 =	vand.u32 $0x60, v2;
	v2 =	vld [tilespmem:$0x1C0]  }
0x5d: {  	[tilespmem:$0x990] =	vst v1;
	v1 =	vshra.s32 v3, $0x2;
	v3 =	vshll.u32 v3, $0x5  }
0x5e: {  	[tilespmem:$0x5A0] =	vst v1;
	v1 =	vand.u32 $0x60, v3;
	v3 =	vld [tilespmem:$0x1D0]  }
0x5f: {  	[tilespmem:$0x9A0] =	vst v1;
	v1 =	vshra.s32 v4, $0x2;
	v4 =	vshll.u32 v4, $0x5  }
0x60: {  	[tilespmem:$0x5B0] =	vst v1;
	v1 =	vand.u32 $0x60, v4;
	v4 =	vld [tilespmem:$0x1E0]  }
0x61: {  	[tilespmem:$0x9B0] =	vst v1;
	v1 =	vshra.s32 v2, $0x2;
	v2 =	vshll.u32 v2, $0x5  }
0x62: {  	[tilespmem:$0x5C0] =	vst v1;
	v1 =	vand.u32 $0x60, v2;
	v2 =	vld [tilespmem:$0x1F0]  }
0x63: {  	[tilespmem:$0x9C0] =	vst v1;
	v1 =	vshra.s32 v3, $0x2;
	v3 =	vshll.u32 v3, $0x5  }
0x64: {  	[tilespmem:$0x5D0] =	vst v1;
	v1 =	vand.u32 $0x60, v3;
	v3 =	vld [tilespmem:$0x200]  }
0x65: {  	[tilespmem:$0x9D0] =	vst v1;
	v1 =	vshra.s32 v4, $0x2;
	v4 =	vshll.u32 v4, $0x5  }
0x66: {  	[tilespmem:$0x5E0] =	vst v1;
	v1 =	vand.u32 $0x60, v4;
	v4 =	vld [tilespmem:$0x210]  }
0x67: {  	[tilespmem:$0x9E0] =	vst v1;
	v1 =	vshra.s32 v2, $0x2;
	v2 =	vshll.u32 v2, $0x5  }
0x68: {  	[tilespmem:$0x5F0] =	vst v1;
	v1 =	vand.u32 $0x60, v2;
	v2 =	vld [tilespmem:$0x220]  }
0x69: {  	[tilespmem:$0x9F0] =	vst v1;
	v1 =	vshra.s32 v3, $0x2;
	v3 =	vshll.u32 v3, $0x5  }
0x6a: {  	[tilespmem:$0x600] =	vst v1;
	v1 =	vand.u32 $0x60, v3;
	v3 =	vld [tilespmem:$0x230]  }
0x6b: {  	[tilespmem:$0xA00] =	vst v1;
	v1 =	vshra.s32 v4, $0x2;
	v4 =	vshll.u32 v4, $0x5  }
0x6c: {  	[tilespmem:$0x610] =	vst v1;
	v1 =	vand.u32 $0x60, v4;
	v4 =	vld [tilespmem:$0x240]  }
0x6d: {  	[tilespmem:$0xA10] =	vst v1;
	v1 =	vshra.s32 v2, $0x2;
	v2 =	vshll.u32 v2, $0x5  }
0x6e: {  	[tilespmem:$0x620] =	vst v1;
	v1 =	vand.u32 $0x60, v2;
	v2 =	vld [tilespmem:$0x250]  }
0x6f: {  	[tilespmem:$0xA20] =	vst v1;
	v1 =	vshra.s32 v3, $0x2;
	v3 =	vshll.u32 v3, $0x5  }
0x70: {  	[tilespmem:$0x630] =	vst v1;
	v1 =	vand.u32 $0x60, v3;
	v3 =	vld [tilespmem:$0x260]  }
0x71: {  	[tilespmem:$0xA30] =	vst v1;
	v1 =	vshra.s32 v4, $0x2;
	v4 =	vshll.u32 v4, $0x5  }
0x72: {  	[tilespmem:$0x640] =	vst v1;
	v1 =	vand.u32 $0x60, v4;
	v4 =	vld [tilespmem:$0x270]  }
0x73: {  	[tilespmem:$0xA40] =	vst v1;
	v1 =	vshra.s32 v2, $0x2;
	v2 =	vshll.u32 v2, $0x5  }
0x74: {  	[tilespmem:$0x650] =	vst v1;
	v1 =	vand.u32 $0x60, v2;
	v2 =	vld [tilespmem:$0x280]  }
0x75: {  	[tilespmem:$0xA50] =	vst v1;
	v1 =	vshra.s32 v3, $0x2;
	v3 =	vshll.u32 v3, $0x5  }
0x76: {  	[tilespmem:$0x660] =	vst v1;
	v1 =	vand.u32 $0x60, v3;
	v3 =	vld [tilespmem:$0x290]  }
0x77: {  	[tilespmem:$0xA60] =	vst v1;
	v1 =	vshra.s32 v4, $0x2;
	v4 =	vshll.u32 v4, $0x5  }
0x78: {  	[tilespmem:$0x670] =	vst v1;
	v1 =	vand.u32 $0x60, v4;
	v4 =	vld [tilespmem:$0x2A0]  }
0x79: {  	[tilespmem:$0xA70] =	vst v1;
	v1 =	vshra.s32 v2, $0x2;
	v2 =	vshll.u32 v2, $0x5  }
0x7a: {  	[tilespmem:$0x680] =	vst v1;
	v1 =	vand.u32 $0x60, v2;
	v2 =	vld [tilespmem:$0x2B0]  }
0x7b: {  	[tilespmem:$0xA80] =	vst v1;
	v1 =	vshra.s32 v3, $0x2;
	v3 =	vshll.u32 v3, $0x5  }
0x7c: {  	[tilespmem:$0x690] =	vst v1;
	v1 =	vand.u32 $0x60, v3;
	v3 =	vld [tilespmem:$0x2C0]  }
0x7d: {  	[tilespmem:$0xA90] =	vst v1;
	v1 =	vshra.s32 v4, $0x2;
	v4 =	vshll.u32 v4, $0x5  }
0x7e: {  	[tilespmem:$0x6A0] =	vst v1;
	v1 =	vand.u32 $0x60, v4;
	v4 =	vld [tilespmem:$0x2D0]  }
0x7f: {  	[tilespmem:$0xAA0] =	vst v1;
	v1 =	vshra.s32 v2, $0x2;
	v2 =	vshll.u32 v2, $0x5  }
0x80: {  	[tilespmem:$0x6B0] =	vst v1;
	v1 =	vand.u32 $0x60, v2;
	v2 =	vld [tilespmem:$0x2E0]  }
0x81: {  	[tilespmem:$0xAB0] =	vst v1;
	v1 =	vshra.s32 v3, $0x2;
	v3 =	vshll.u32 v3, $0x5  }
0x82: {  	[tilespmem:$0x6C0] =	vst v1;
	v1 =	vand.u32 $0x60, v3;
	v3 =	vld [tilespmem:$0x2F0]  }
0x83: {  	[tilespmem:$0xAC0] =	vst v1;
	v1 =	vshra.s32 v4, $0x2;
	v4 =	vshll.u32 v4, $0x5  }
0x84: {  	[tilespmem:$0x6D0] =	vst v1;
	v1 =	vand.u32 $0x60, v4;
	v4 =	vld [tilespmem:$0x300]  }
0x85: {  	[tilespmem:$0xAD0] =	vst v1;
	v1 =	vshra.s32 v2, $0x2;
	v2 =	vshll.u32 v2, $0x5  }
0x86: {  	[tilespmem:$0x6E0] =	vst v1;
	v1 =	vand.u32 $0x60, v2;
	v2 =	vld [tilespmem:$0x310]  }
0x87: {  	[tilespmem:$0xAE0] =	vst v1;
	v1 =	vshra.s32 v3, $0x2;
	v3 =	vshll.u32 v3, $0x5  }
0x88: {  	[tilespmem:$0x6F0] =	vst v1;
	v1 =	vand.u32 $0x60, v3;
	v3 =	vld [tilespmem:$0x320]  }
0x89: {  	[tilespmem:$0xAF0] =	vst v1;
	v1 =	vshra.s32 v4, $0x2;
	v4 =	vshll.u32 v4, $0x5  }
0x8a: {  	[tilespmem:$0x700] =	vst v1;
	v1 =	vand.u32 $0x60, v4;
	v4 =	vld [tilespmem:$0x330]  }
0x8b: {  	[tilespmem:$0xB00] =	vst v1;
	v1 =	vshra.s32 v2, $0x2;
	v2 =	vshll.u32 v2, $0x5  }
0x8c: {  	[tilespmem:$0x710] =	vst v1;
	v1 =	vand.u32 $0x60, v2;
	v2 =	vld [tilespmem:$0x340]  }
0x8d: {  	[tilespmem:$0xB10] =	vst v1;
	v1 =	vshra.s32 v3, $0x2;
	v3 =	vshll.u32 v3, $0x5  }
0x8e: {  	[tilespmem:$0x720] =	vst v1;
	v1 =	vand.u32 $0x60, v3;
	v3 =	vld [tilespmem:$0x350]  }
0x8f: {  	[tilespmem:$0xB20] =	vst v1;
	v1 =	vshra.s32 v4, $0x2;
	v4 =	vshll.u32 v4, $0x5  }
0x90: {  	[tilespmem:$0x730] =	vst v1;
	v1 =	vand.u32 $0x60, v4;
	v4 =	vld [tilespmem:$0x360]  }
0x91: {  	[tilespmem:$0xB30] =	vst v1;
	v1 =	vshra.s32 v2, $0x2;
	v2 =	vshll.u32 v2, $0x5  }
0x92: {  	[tilespmem:$0x740] =	vst v1;
	v1 =	vand.u32 $0x60, v2;
	v2 =	vld [tilespmem:$0x370]  }
0x93: {  	[tilespmem:$0xB40] =	vst v1;
	v1 =	vshra.s32 v3, $0x2;
	v3 =	vshll.u32 v3, $0x5  }
0x94: {  	[tilespmem:$0x750] =	vst v1;
	v1 =	vand.u32 $0x60, v3;
	v3 =	vld [tilespmem:$0x380]  }
0x95: {  	[tilespmem:$0xB50] =	vst v1;
	v1 =	vshra.s32 v4, $0x2;
	v4 =	vshll.u32 v4, $0x5  }
0x96: {  	[tilespmem:$0x760] =	vst v1;
	v1 =	vand.u32 $0x60, v4;
	v4 =	vld [tilespmem:$0x390]  }
0x97: {  	[tilespmem:$0xB60] =	vst v1;
	v1 =	vshra.s32 v2, $0x2;
	v2 =	vshll.u32 v2, $0x5  }
0x98: {  	[tilespmem:$0x770] =	vst v1;
	v1 =	vand.u32 $0x60, v2;
	v2 =	vld [tilespmem:$0x3A0]  }
0x99: {  	[tilespmem:$0xB70] =	vst v1;
	v1 =	vshra.s32 v3, $0x2;
	v3 =	vshll.u32 v3, $0x5  }
0x9a: {  	[tilespmem:$0x780] =	vst v1;
	v1 =	vand.u32 $0x60, v3;
	v3 =	vld [tilespmem:$0x3B0]  }
0x9b: {  	[tilespmem:$0xB80] =	vst v1;
	v1 =	vshra.s32 v4, $0x2;
	v4 =	vshll.u32 v4, $0x5  }
0x9c: {  	[tilespmem:$0x790] =	vst v1;
	v1 =	vand.u32 $0x60, v4;
	v4 =	vld [tilespmem:$0x3C0]  }
0x9d: {  	[tilespmem:$0xB90] =	vst v1;
	v1 =	vshra.s32 v2, $0x2;
	v2 =	vshll.u32 v2, $0x5  }
0x9e: {  	[tilespmem:$0x7A0] =	vst v1;
	v1 =	vand.u32 $0x60, v2;
	v2 =	vld [tilespmem:$0x3D0]  }
0x9f: {  	[tilespmem:$0xBA0] =	vst v1;
	v1 =	vshra.s32 v3, $0x2;
	v3 =	vshll.u32 v3, $0x5  }
0xa0: {  	[tilespmem:$0x7B0] =	vst v1;
	v1 =	vand.u32 $0x60, v3;
	v3 =	vld [tilespmem:$0x3E0]  }
0xa1: {  	[tilespmem:$0xBB0] =	vst v1;
	v1 =	vshra.s32 v4, $0x2;
	v4 =	vshll.u32 v4, $0x5  }
0xa2: {  	[tilespmem:$0x7C0] =	vst v1;
	v1 =	vand.u32 $0x60, v4;
	v4 =	vld [tilespmem:$0x3F0]  }
0xa3: {  	[tilespmem:$0xBC0] =	vst v1;
	v1 =	vshra.s32 v2, $0x2;
	v2 =	vshll.u32 v2, $0x5  }
0xa4: {  	[tilespmem:$0x7D0] =	vst v1;
	v1 =	vand.u32 $0x60, v2  }
0xa5: {  	[tilespmem:$0xBD0] =	vst v1;
	v1 =	vshra.s32 v3, $0x2;
	v2 =	vshll.u32 v3, $0x5  }
0xa6: {  	[tilespmem:$0x7E0] =	vst v1;
	v1 =	vand.u32 $0x60, v2  }
0xa7: {  	[tilespmem:$0xBE0] =	vst v1;
	v1 =	vshra.s32 v4, $0x2;
	v2 =	vshll.u32 v4, $0x5  }
0xa8: {  	[tilespmem:$0x7F0] =	vst v1;
	v1 =	vand.u32 $0x60, v2  }
0xa9: {  	[tilespmem:$0xBF0] =	vst v1  }
0xaa: {  	[tilespmem:s12], [sflag:$0x2] =	stream.indirect.gather [hbm4b:s6+s10], $0x80, s11, s10, $0xb8;
	[tilespmem:$0xAC00] =	vst v63  }
0xab: {  	_ = 	snop  }
0xac: {  	[tilespmem:s14], [sflag:$0x3] =	stream.indirect.gather [hbm4b:s6+s10], $0x80, s13, s10, $0xb8;
	[tilespmem:$0xAC00] =	vst v63  }
0xad: {  	_ =	swait.ge [sflag:s15], $0x4000  }
0xae: {  	[sflag:s15] =	ssyncset.done $0x0  }
0xaf: {  	[sflag:s15] =	ssyncadd.s32 $0xFFFFC000  }
0xb0: {  	v8 =	vld [tilespmem:$0x800]  }
0xb1: {  	v9 =	vld [tilespmem:$0x820];
	_ =	sdelay $0x1  }
0xb2: {  	v10 =	vld [tilespmem:$0x840]  }
0xb3: {  	v12 =	vld [tilespmem:$0x830]  }
0xb4: {  	s26 =	simm.s32 $0x3;
	v11 =	vld [tilespmem:$0x860];
	v1 =	vadd.s32 s25, v8  }
0xb5: {  	v2 =	vor.u32 $0x1000, v0;
	v3 =	vadd.s32 s26, v9;
	v4 =	vadd.s32 v0, v1  }
0xb6: {  	v1 =	vadd.s32 s25, v9;
	v7 =	vadd.s32 v2, v3  }
0xb7: {  	v13 =	vld [tilespmem:$0x810];
	v3 =	vor.u32 $0x2000, v0;
	v6 =	vadd.s32 v2, v1;
	v1 =	vadd.s32 s25, v10  }
0xb8: {  	v5 =	vor.u32 $0x1800, v0;
	v14 =	vld [tilespmem:$0x870];
	v18 =	vadd.s32 s25, v12;
	v17 =	vadd.s32 v3, v1  }
0xb9: {  	v15 =	vld [tilespmem:$0x850];
	v16 =	vadd.s32 s26, v11;
	v18 =	vadd.s32 v5, v18;
	v1 =	vor.u32 $0x3000, v0  }
0xba: {  	s28 =	simm.s32 $0x1;
	v19 =	vadd.s32 v1, v16;
	v16 =	vadd.s32 s25, v11;
	v21 =	vld.idx.msk [tilespmem:v4+s12+$0x0], $0xffff  }
0xbb: {  	v23 =	vadd.s32 v1, v16;
	v4 =	vadd.s32 s28, v8;
	v16 =	vld.idx.msk [tilespmem:v7+s12+$0x0], $0xffff  }
0xbc: {  	v22 =	vld.idx.msk [tilespmem:v6+s12+$0x0], $0xffff;
	v20 =	vadd.s32 v0, v4;
	v6 =	vadd.s32 s28, v9  }
0xbd: {  	v7 =	vadd.s32 s25, v14;
	v4 =	vor.u32 $0x3800, v0;
	v26 =	vld.idx.msk [tilespmem:v17+s12+$0x0], $0xffff;
	v17 =	vadd.s32 v2, v6  }
0xbe: {  	v27 =	vadd.s32 s26, v14;
	v31 =	vld.idx.msk [tilespmem:v18+s12+$0x0], $0xffff;
	v25 =	vadd.s32 v4, v7  }
0xbf: {  	v24 =	vadd.s32 s25, v15;
	v6 =	vor.u32 $0x2800, v0;
	v27 =	vadd.s32 v4, v27;
	v19 =	vld.idx.msk [tilespmem:v19+s12+$0x0], $0xffff  }
0xc0: {  	v7 =	vor.u32 $0x800, v0;
	v18 =	vadd.s32 v6, v24;
	v24 =	vadd.s32 s25, v13;
	v34 =	vld.idx.msk [tilespmem:v23+s12+$0x0], $0xffff  }
0xc1: {  	v28 =	vadd.s32 s28, v12;
	v23 =	vadd.s32 v7, v24;
	v20 =	vld.idx.msk [tilespmem:v20+s12+$0x0], $0xffff  }
0xc2: {  	s31 =	simm.s32 $0x2;
	v29 =	vadd.s32 v5, v28;
	v24 =	vadd.s32 s28, v14;
	v28 =	vld.idx.msk [tilespmem:v17+s12+$0x0], $0xffff  }
0xc3: {  	v24 =	vadd.s32 v4, v24;
	v17 =	vadd.s32 s31, v9;
	v36 =	vld.idx.msk [tilespmem:v25+s12+$0x0], $0xffff  }
0xc4: {  	v25 =	vadd.s32 s31, v8;
	v30 =	vld.idx.msk [tilespmem:v27+s12+$0x0], $0xffff;
	v32 =	vadd.s32 v2, v17  }
0xc5: {  	v35 =	vld.idx.msk [tilespmem:v18+s12+$0x0], $0xffff;
	v17 =	vadd.s32 s31, v10;
	v18 =	vadd.s32 v0, v25  }
0xc6: {  	v25 =	vadd.s32 s28, v10;
	v27 =	vadd.s32 v3, v17;
	v37 =	vld.idx.msk [tilespmem:v23+s12+$0x0], $0xffff  }
0xc7: {  	s25 =	simm.s32 $0x8D00;
	v23 =	vadd.s32 v3, v25;
	v25 =	vadd.s32 s28, v15;
	v17 =	vld.idx.msk [tilespmem:v29+s12+$0x0], $0xffff  }
0xc8: {  	[tilespmem:s25+$0xFFFFFF00] =	vst v21;
	v21 =	vadd.s32 s26, v15;
	v38 =	vadd.s32 v6, v25;
	v33 =	vld.idx.msk [tilespmem:v24+s12+$0x0], $0xffff  }
0xc9: {  	v25 =	vadd.s32 s31, v12;
	v42 =	vadd.s32 v6, v21;
	v29 =	vld.idx.msk [tilespmem:v32+s12+$0x0], $0xffff  }
0xca: {  	v24 =	vadd.s32 s31, v13;
	v39 =	vadd.s32 v5, v25;
	v32 =	vld.idx.msk [tilespmem:v18+s12+$0x0], $0xffff  }
0xcb: {  	v24 =	vadd.s32 v7, v24;
	v25 =	vadd.s32 s31, v15;
	v18 =	vld.idx.msk [tilespmem:v27+s12+$0x0], $0xffff  }
0xcc: {  	v40 =	vadd.s32 s28, v11;
	v41 =	vadd.s32 v6, v25;
	v25 =	vld.idx.msk [tilespmem:v23+s12+$0x0], $0xffff  }
0xcd: {  	v58 =	vadd.s32 s26, v10;
	[tilespmem:s25+$0xFFFFFF20] =	vst v22;
	v27 =	vadd.s32 v1, v40;
	v23 =	vld.idx.msk [tilespmem:v38+s12+$0x0], $0xffff  }
0xce: {  	[tilespmem:s25+$0xFFFFFF40] =	vst v26;
	v40 =	vadd.s32 v3, v58;
	v26 =	vld.idx.msk [tilespmem:v42+s12+$0x0], $0xffff  }
0xcf: {  	v59 =	vadd.s32 s26, v13;
	[tilespmem:s25+$0xFFFFFF30] =	vst v31;
	v21 =	vld.idx.msk [tilespmem:v39+s12+$0x0], $0xffff  }
0xd0: {  	v60 =	vadd.s32 s31, v14;
	v61 =	vadd.s32 s28, v13;
	[tilespmem:s25+$0xFFFFFF60] =	vst v34;
	v38 =	vadd.s32 v7, v59;
	v31 =	vld.idx.msk [tilespmem:v24+s12+$0x0], $0xffff  }
0xd1: {  	v62 =	vadd.s32 s31, v11;
	v63 =	vadd.s32 s26, v12;
	[tilespmem:s25+$0xFFFFFF50] =	vst v35;
	v35 =	vadd.s32 v4, v60;
	v24 =	vld.idx.msk [tilespmem:v41+s12+$0x0], $0xffff  }
0xd2: {  	v22 =	vadd.s32 s26, v8;
	v34 =	vadd.s32 v1, v62;
	[tilespmem:s25+$0xFFFFFF10] =	vst v37;
	v37 =	vadd.s32 v7, v61;
	v27 =	vld.idx.msk [tilespmem:v27+s12+$0x0], $0xffff  }
0xd3: {  	s0 =	simm.s32 $0x4;
	s26 =	simm.s32 $0x8D00;
	v22 =	vadd.s32 v0, v22;
	[tilespmem:s25+$0xFFFFFF70] =	vst v36;
	v39 =	vadd.s32 v5, v63;
	v36 =	vld.idx.msk [tilespmem:v40+s12+$0x0], $0xffff  }
.LBB2_3:
0xd4: {  	s29 =	sadd.s32 $0x3, s0  }
0xd5: {  	v40 =	vadd.s32 s0, v8;
	v41 =	vadd.s32 s0, v10;
	v38 =	vld.idx.msk [tilespmem:v38+s12+$0x0], $0xffff;
	s25 =	sadd.s32 $0x200, s25;
	s31 =	smov.u32 s0;
	s28 =	sadd.s32 $0x4, s0  }
0xd6: {  	p0 =	slt.u32 s0, $0x1C;
	v40 =	vadd.s32 v0, v40;
	v42 =	vadd.s32 s29, v8;
	v43 =	vadd.s32 s29, v9;
	v35 =	vld.idx.msk [tilespmem:v35+s12+$0x0], $0xffff  }
0xd7: {  	v44 =	vadd.s32 s31, v13;
	v45 =	vadd.s32 s31, v9;
	v42 =	vadd.s32 v0, v42;
	v46 =	vld.idx.msk [tilespmem:v37+s12+$0x0], $0xffff  }
0xd8: {  	v37 =	vadd.s32 v2, v45;
	v45 =	vadd.s32 s31, v12;
	v43 =	vadd.s32 v2, v43;
	[tilespmem:s26+$0xFFFFFFA0] =	vst v28;
	v28 =	vld.idx.msk [tilespmem:v22+s12+$0x0], $0xffff  }
0xd9: {  	v47 =	vadd.s32 s29, v14;
	v22 =	vmov v42;
	[tilespmem:s26+$0xFFFFFFF0] =	vst v33;
	v33 =	vld.idx.msk [tilespmem:v39+s12+$0x0], $0xffff  }
0xda: {  	s30 =	sadd.s32 $0x2, s31;
	v42 =	vadd.s32 s29, v11;
	v39 =	vadd.s32 v3, v41;
	v41 =	vadd.s32 s29, v10;
	[tilespmem:s26+$0xE0] =	vst v19  }
0xdb: {  	v19 =	vadd.s32 s31, v11;
	v40 =	vld.idx.msk [tilespmem:v40+s12+$0x0], $0xffff;
	[tilespmem:s26+$0xF0] =	vst v30  }
0xdc: {  	s0 =	sadd.s32 $0x1, s31;
	v48 =	vadd.s32 s30, v8;
	v42 =	vadd.s32 v1, v42;
	v30 =	vadd.s32 s31, v14;
	[tilespmem:s26+$0xFFFFFF80] =	vst v20;
	v34 =	vld.idx.msk [tilespmem:v34+s12+$0x0], $0xffff  }
0xdd: {  	v20 =	vadd.s32 v5, v45;
	v45 =	vadd.s32 s29, v13;
	v49 =	vld.idx.msk [tilespmem:v37+s12+$0x0], $0xffff;
	v37 =	vadd.s32 s0, v8;
	[tilespmem:s26+$0x0] =	vst v32  }
0xde: {  	v50 =	vadd.s32 s0, v14;
	v32 =	vadd.s32 v1, v19;
	v37 =	vadd.s32 v0, v37;
	[tilespmem:s26+$0xA0] =	vst v16  }
0xdf: {  	v51 =	vadd.s32 s0, v13;
	v19 =	vadd.s32 s0, v9;
	v16 =	vld.idx.msk [tilespmem:v43+s12+$0x0], $0xffff;
	[tilespmem:s26+$0x90] =	vst v38  }
0xe0: {  	v52 =	vadd.s32 s30, v10;
	v38 =	vadd.s32 s31, v15;
	v43 =	vadd.s32 v2, v19;
	v39 =	vld.idx.msk [tilespmem:v39+s12+$0x0], $0xffff;
	[tilespmem:s26+$0x20] =	vst v29  }
0xe1: {  	v53 =	vadd.s32 s30, v13;
	v29 =	vadd.s32 s0, v10;
	v19 =	vld.idx.msk [tilespmem:v42+s12+$0x0], $0xffff;
	[tilespmem:s26+$0xC0] =	vst v36  }
0xe2: {  	v30 =	vadd.s32 v4, v30;
	v42 =	vadd.s32 v3, v29;
	v29 =	vadd.s32 s0, v11;
	v36 =	vld.idx.msk [tilespmem:v20+s12+$0x0], $0xffff;
	[tilespmem:s26+$0x80] =	vst v28  }
0xe3: {  	v38 =	vadd.s32 v6, v38;
	v28 =	vadd.s32 s0, v12;
	v20 =	vld.idx.msk [tilespmem:v37+s12+$0x0], $0xffff;
	v37 =	vadd.s32 s0, v15;
	[tilespmem:s26+$0x60] =	vst v34  }
0xe4: {  	v52 =	vadd.s32 v3, v52;
	v34 =	vadd.s32 v4, v47;
	v54 =	vld.idx.msk [tilespmem:v32+s12+$0x0], $0xffff;
	v32 =	vadd.s32 s30, v14;
	[tilespmem:s26+$0x10] =	vst v31  }
0xe5: {  	v47 =	vadd.s32 v0, v48;
	v31 =	vadd.s32 v7, v44;
	v44 =	vadd.s32 v5, v28;
	[tilespmem:s26+$0xB0] =	vst v33  }
0xe6: {  	v33 =	vadd.s32 v4, v50;
	v28 =	vld.idx.msk [tilespmem:v43+s12+$0x0], $0xffff;
	v43 =	vadd.s32 v6, v37;
	v37 =	vadd.s32 s30, v9;
	[tilespmem:s26+$0xFFFFFFC0] =	vst v25  }
0xe7: {  	v50 =	vadd.s32 v7, v53;
	v48 =	vld.idx.msk [tilespmem:v30+s12+$0x0], $0xffff;
	v25 =	vadd.s32 v2, v37;
	v30 =	vadd.s32 s30, v12;
	[tilespmem:s26+$0x70] =	vst v35  }
0xe8: {  	v55 =	vadd.s32 v1, v29;
	v29 =	vadd.s32 s30, v15;
	v35 =	vadd.s32 v4, v32;
	v53 =	vld.idx.msk [tilespmem:v38+s12+$0x0], $0xffff;
	[tilespmem:s26+$0xFFFFFFD0] =	vst v23  }
0xe9: {  	v56 =	vadd.s32 v5, v30;
	v23 =	vadd.s32 s30, v11;
	v38 =	vadd.s32 v7, v45;
	v30 =	vld.idx.msk [tilespmem:v34+s12+$0x0], $0xffff;
	[tilespmem:s26+$0xFFFFFFE0] =	vst v27  }
0xea: {  	v37 =	vadd.s32 v7, v51;
	v45 =	vadd.s32 v6, v29;
	v27 =	vld.idx.msk [tilespmem:v31+s12+$0x0], $0xffff;
	[tilespmem:s26+$0xFFFFFFB0] =	vst v17  }
0xeb: {  	v41 =	vadd.s32 v3, v41;
	v34 =	vadd.s32 v1, v23;
	v17 =	vld.idx.msk [tilespmem:v44+s12+$0x0], $0xffff;
	[tilespmem:s26+$0x50] =	vst v24  }
0xec: {  	v33 =	vld.idx.msk [tilespmem:v33+s12+$0x0], $0xffff;
	[tilespmem:s26+$0x30] =	vst v21  }
0xed: {  	v29 =	vld.idx.msk [tilespmem:v25+s12+$0x0], $0xffff;
	[tilespmem:s26+$0x40] =	vst v18  }
0xee: {  	v32 =	vld.idx.msk [tilespmem:v47+s12+$0x0], $0xffff;
	[tilespmem:s26+$0xD0] =	vst v26  }
0xef: {  	v18 =	vld.idx.msk [tilespmem:v52+s12+$0x0], $0xffff;
	[tilespmem:s26+$0xFFFFFF90] =	vst v46;
	s26 =	smov.u32 s25  }
0xf0: {  	v21 =	vadd.s32 s29, v15;
	[tilespmem:s25+$0xFFFFFF00] =	vst v40;
	v25 =	vld.idx.msk [tilespmem:v42+s12+$0x0], $0xffff  }
0xf1: {  	v26 =	vadd.s32 v6, v21;
	[tilespmem:s25+$0xFFFFFF20] =	vst v49;
	v23 =	vld.idx.msk [tilespmem:v43+s12+$0x0], $0xffff  }
0xf2: {  	[tilespmem:s25+$0xFFFFFF30] =	vst v36;
	v21 =	vld.idx.msk [tilespmem:v56+s12+$0x0], $0xffff  }
.Ltmp4:
0xf3: {  	[tilespmem:s25+$0xFFFFFF50] =	vst v53;
	v31 =	vld.idx.msk [tilespmem:v50+s12+$0x0], $0xffff;
	(pc) =	sbr.rel @p0 .LBB2_3-.Ltmp4, $4  }
0xf4: {  	[tilespmem:s25+$0xFFFFFF10] =	vst v27;
	v24 =	vld.idx.msk [tilespmem:v45+s12+$0x0], $0xffff  }
0xf5: {  	[tilespmem:s25+$0xFFFFFF40] =	vst v39;
	v27 =	vld.idx.msk [tilespmem:v55+s12+$0x0], $0xffff  }
0xf6: {  	v36 =	vadd.s32 s29, v12;
	[tilespmem:s25+$0xFFFFFF60] =	vst v54;
	v26 =	vld.idx.msk [tilespmem:v26+s12+$0x0], $0xffff  }
0xf7: {  	s0 =	smov.u32 s28;
	v39 =	vadd.s32 v5, v36;
	[tilespmem:s25+$0xFFFFFF70] =	vst v48;
	v36 =	vld.idx.msk [tilespmem:v41+s12+$0x0], $0xffff  }
0xf8: {  	_ =	sdelay $0x3  }
0xf9: {  	v8 =	vld.idx.msk [tilespmem:v38+s12+$0x0], $0xffff  }
0xfa: {  	v9 =	vld.idx.msk [tilespmem:v37+s12+$0x0], $0xffff;
	[tilespmem:s26+$0xFFFFFFA0] =	vst v28  }
0xfb: {  	v10 =	vld.idx.msk [tilespmem:v22+s12+$0x0], $0xffff;
	[tilespmem:s26+$0xFFFFFFF0] =	vst v33  }
0xfc: {  	v11 =	vld.idx.msk [tilespmem:v39+s12+$0x0], $0xffff;
	[tilespmem:s26+$0xE0] =	vst v19  }
0xfd: {  	[tilespmem:s26+$0xF0] =	vst v30  }
0xfe: {  	v12 =	vld.idx.msk [tilespmem:v35+s12+$0x0], $0xffff;
	[tilespmem:s26+$0xFFFFFF80] =	vst v20  }
0xff: {  	v13 =	vld.idx.msk [tilespmem:v34+s12+$0x0], $0xffff;
	[tilespmem:s26+$0x0] =	vst v32  }
0x100: {  	[tilespmem:s26+$0xA0] =	vst v16  }
0x101: {  	[tilespmem:s26+$0x20] =	vst v29  }
0x102: {  	[tilespmem:s26+$0x10] =	vst v31  }
0x103: {  	[tilespmem:s26+$0xFFFFFFC0] =	vst v25  }
0x104: {  	[tilespmem:s26+$0xFFFFFFD0] =	vst v23  }
0x105: {  	[tilespmem:s26+$0xFFFFFFB0] =	vst v17  }
0x106: {  	[tilespmem:s26+$0x30] =	vst v21  }
0x107: {  	[tilespmem:s26+$0x40] =	vst v18  }
0x108: {  	[tilespmem:s26+$0x50] =	vst v24  }
0x109: {  	[tilespmem:s26+$0xFFFFFFE0] =	vst v27  }
0x10a: {  	[tilespmem:s26+$0xD0] =	vst v26  }
0x10b: {  	[tilespmem:s26+$0xC0] =	vst v36  }
0x10c: {  	[tilespmem:s26+$0x90] =	vst v8  }
0x10d: {  	[tilespmem:s26+$0x80] =	vst v10  }
0x10e: {  	s0 =	sshll.u32 s24, $0x16;
	[tilespmem:s26+$0x60] =	vst v13  }
0x10f: {  	s0 =	sor.u32 s0, s23;
	[tilespmem:s26+$0xB0] =	vst v11  }
0x110: {  	s24 =	sshll.u32 s24, $0x3;
	s25 =	sshrl.u32 s0, $0x3;
	[tilespmem:s26+$0x70] =	vst v12  }
0x111: {  	s0 =	sadd.s32 s2, s25;
	[tilespmem:s26+$0xFFFFFF90] =	vst v9;
	s26 =	sor.u32 $0x2, s24  }
0x112: {  	[hbm4b:s0+s11] =	stream.strided.scatter [tilespmem:s17], [sflag:$0x4], $0x1000, s16, s11, $0x38;
	[tilespmem:$0xAC00] =	vst v63  }
0x113: {  	p1 =	sgt.u32 s26, $0x31  }
0x114: {  	s0 =	simm.s32 @!p1 $0x80;
	s28 =	simm.s32 @!p1 $0x500;
	s29 =	simm.s32 @!p1 $0xC00  }
0x115: {  	[tilespmem:s29], [sflag:$0x2] =	stream.indirect.gather @!p1 [hbm4b:s6+s0], $0x80, s28, s0, $0xb8;
	[tilespmem:$0xAC00] =	vst v63  }
0x116: {  	_ =	swait.ge [sflag:s18], $0x4000  }
0x117: {  	[sflag:s18] =	ssyncset.done $0x0  }
0x118: {  	[sflag:s18] =	ssyncadd.s32 $0xFFFFC000  }
0x119: {  	v15 =	vld [tilespmem:$0x880]  }
0x11a: {  	v13 =	vld [tilespmem:$0x8A0]  }
0x11b: {  	v14 =	vld [tilespmem:$0x890]  }
0x11c: {  	v12 =	vld [tilespmem:$0x8B0]  }
0x11d: {  	s0 =	simm.s32 $0x1  }
0x11e: {  	v11 =	vld [tilespmem:$0x8C0];
	v9 =	vadd.s32 s0, v15  }
0x11f: {  	v10 =	vld [tilespmem:$0x8D0];
	v18 =	vadd.s32 s0, v13;
	v16 =	vadd.s32 v0, v9  }
0x120: {  	v8 =	vld [tilespmem:$0x8E0];
	v9 =	vadd.s32 s0, v14;
	v18 =	vadd.s32 v2, v18  }
0x121: {  	v19 =	vadd.s32 s0, v12;
	v17 =	vadd.s32 v7, v9  }
0x122: {  	v19 =	vadd.s32 v5, v19  }
0x123: {  	v20 =	vadd.s32 s0, v11;
	v9 =	vld [tilespmem:$0x8F0]  }
0x124: {  	v21 =	vadd.s32 s0, v10;
	v20 =	vadd.s32 v3, v20;
	v22 =	vld.idx.msk [tilespmem:v16+s14+$0x0], $0xffff  }
0x125: {  	s28 =	simm.s32 $0x3;
	v16 =	vadd.s32 v6, v21;
	v21 =	vadd.s32 s0, v8;
	v24 =	vld.idx.msk [tilespmem:v18+s14+$0x0], $0xffff  }
0x126: {  	v23 =	vld.idx.msk [tilespmem:v17+s14+$0x0], $0xffff;
	v17 =	vadd.s32 v1, v21;
	v21 =	vadd.s32 s28, v15  }
0x127: {  	v25 =	vld.idx.msk [tilespmem:v19+s14+$0x0], $0xffff;
	v19 =	vadd.s32 s28, v14;
	v18 =	vadd.s32 v0, v21  }
0x128: {  	v19 =	vadd.s32 v7, v19;
	v21 =	vadd.s32 s28, v9  }
0x129: {  	v26 =	vadd.s32 s28, v13;
	v20 =	vld.idx.msk [tilespmem:v20+s14+$0x0], $0xffff;
	v21 =	vadd.s32 v4, v21  }
0x12a: {  	v27 =	vld.idx.msk [tilespmem:v16+s14+$0x0], $0xffff;
	v16 =	vadd.s32 v2, v26;
	v26 =	vadd.s32 s28, v12  }
0x12b: {  	v28 =	vld.idx.msk [tilespmem:v17+s14+$0x0], $0xffff;
	v17 =	vadd.s32 v5, v26;
	v26 =	vadd.s32 s28, v11  }
0x12c: {  	v31 =	vld.idx.msk [tilespmem:v18+s14+$0x0], $0xffff;
	v18 =	vadd.s32 v3, v26;
	v26 =	vadd.s32 s28, v10  }
0x12d: {  	v29 =	vadd.s32 s28, v8;
	v46 =	vld.idx.msk [tilespmem:v19+s14+$0x0], $0xffff;
	v26 =	vadd.s32 v6, v26  }
0x12e: {  	v29 =	vadd.s32 v1, v29;
	v30 =	vadd.s32 s0, v9;
	s0 =	simm.s32 $0x2;
	v21 =	vld.idx.msk [tilespmem:v21+s14+$0x0], $0xffff  }
0x12f: {  	v30 =	vadd.s32 v4, v30;
	v19 =	vadd.s32 s0, v15;
	v47 =	vld.idx.msk [tilespmem:v16+s14+$0x0], $0xffff  }
0x130: {  	v48 =	vadd.s32 v0, v19;
	v16 =	vadd.s32 s0, v14;
	v19 =	vld.idx.msk [tilespmem:v17+s14+$0x0], $0xffff  }
0x131: {  	v49 =	vadd.s32 v7, v16;
	v16 =	vadd.s32 s0, v13;
	v17 =	vld.idx.msk [tilespmem:v18+s14+$0x0], $0xffff  }
0x132: {  	s28 =	simm.s32 $0x9D00;
	v50 =	vadd.s32 v2, v16;
	v18 =	vadd.s32 s0, v12;
	v16 =	vld.idx.msk [tilespmem:v26+s14+$0x0], $0xffff  }
0x133: {  	v51 =	vadd.s32 s0, v11;
	v26 =	vadd.s32 v5, v18;
	v18 =	vld.idx.msk [tilespmem:v29+s14+$0x0], $0xffff;
	[tilespmem:s28+$0xF0] =	vst v21  }
0x134: {  	v52 =	vadd.s32 s0, v8;
	v21 =	vld.idx.msk [tilespmem:v30+s14+$0x0], $0xffff;
	v29 =	vadd.s32 v3, v51;
	[tilespmem:s28+$0xFFFFFF80] =	vst v22  }
0x135: {  	v53 =	vadd.s32 s0, v9;
	v32 =	vadd.s32 v1, v52;
	v22 =	vld.idx.msk [tilespmem:v48+s14+$0x0], $0xffff;
	[tilespmem:s28+$0xFFFFFF90] =	vst v23  }
0x136: {  	v34 =	vadd.s32 v4, v53;
	v30 =	vadd.s32 s0, v10;
	s0 =	simm.s32 $0x0;
	[tilespmem:s28+$0xFFFFFFA0] =	vst v24;
	v23 =	vld.idx.msk [tilespmem:v49+s14+$0x0], $0xffff  }
0x137: {  	[tilespmem:s28+$0xFFFFFFB0] =	vst v25;
	v30 =	vadd.s32 v6, v30;
	v54 =	vadd.s32 s0, v15;
	v24 =	vld.idx.msk [tilespmem:v50+s14+$0x0], $0xffff  }
0x138: {  	[tilespmem:s28+$0xFFFFFFC0] =	vst v20;
	v55 =	vadd.s32 s0, v14;
	v25 =	vld.idx.msk [tilespmem:v26+s14+$0x0], $0xffff;
	v26 =	vadd.s32 v0, v54  }
0x139: {  	[tilespmem:s28+$0xFFFFFFD0] =	vst v27;
	v56 =	vadd.s32 s0, v13;
	v20 =	vld.idx.msk [tilespmem:v29+s14+$0x0], $0xffff;
	v29 =	vadd.s32 v7, v55  }
0x13a: {  	v32 =	vld.idx.msk [tilespmem:v32+s14+$0x0], $0xffff;
	[tilespmem:s28+$0xFFFFFFE0] =	vst v28;
	v57 =	vadd.s32 s0, v12;
	v27 =	vadd.s32 v2, v56  }
0x13b: {  	v28 =	vadd.s32 s0, v11;
	v35 =	vadd.s32 v5, v57;
	[tilespmem:s28+$0xFFFFFFF0] =	vst v21;
	v21 =	vld.idx.msk [tilespmem:v34+s14+$0x0], $0xffff  }
0x13c: {  	s31 =	simm.s32 $0x5;
	v58 =	vadd.s32 v3, v28;
	v28 =	vadd.s32 s0, v10;
	v30 =	vld.idx.msk [tilespmem:v30+s14+$0x0], $0xffff;
	[tilespmem:s28+$0x0] =	vst v22  }
0x13d: {  	[tilespmem:s28+$0x20] =	vst v24;
	v24 =	vadd.s32 s31, v15;
	v22 =	vld.idx.msk [tilespmem:v26+s14+$0x0], $0xffff;
	v26 =	vadd.s32 v6, v28  }
0x13e: {  	[tilespmem:s28+$0x10] =	vst v23;
	v28 =	vadd.s32 s0, v8;
	v23 =	vld.idx.msk [tilespmem:v29+s14+$0x0], $0xffff;
	v61 =	vadd.s32 v0, v24  }
0x13f: {  	[tilespmem:s28+$0x80] =	vst v31;
	v29 =	vadd.s32 s0, v9;
	v59 =	vadd.s32 v1, v28;
	v28 =	vld.idx.msk [tilespmem:v27+s14+$0x0], $0xffff  }
0x140: {  	[tilespmem:s28+$0x60] =	vst v32;
	v24 =	vadd.s32 s31, v14;
	v60 =	vadd.s32 v4, v29;
	v29 =	vld.idx.msk [tilespmem:v35+s14+$0x0], $0xffff  }
0x141: {  	[tilespmem:s28+$0x40] =	vst v20;
	v20 =	vadd.s32 s31, v13;
	v62 =	vadd.s32 v7, v24;
	v27 =	vld.idx.msk [tilespmem:v58+s14+$0x0], $0xffff  }
0x142: {  	[tilespmem:s28+$0x30] =	vst v25;
	v32 =	vadd.s32 v2, v20;
	v20 =	vadd.s32 s31, v11;
	v24 =	vld.idx.msk [tilespmem:v26+s14+$0x0], $0xffff;
	v26 =	vadd.s32 s31, v12  }
0x143: {  	[tilespmem:s28+$0x50] =	vst v30;
	v31 =	vadd.s32 v3, v20;
	v20 =	vld.idx.msk [tilespmem:v61+s14+$0x0], $0xffff;
	v30 =	vadd.s32 v5, v26  }
0x144: {  	[tilespmem:s28+$0x70] =	vst v21;
	v21 =	vadd.s32 s31, v10;
	v25 =	vld.idx.msk [tilespmem:v59+s14+$0x0], $0xffff  }
0x145: {  	v63 =	vadd.s32 s31, v8;
	[tilespmem:s28+$0x90] =	vst v46;
	s0 =	simm.s32 $0x7;
	v34 =	vadd.s32 v6, v21;
	v26 =	vld.idx.msk [tilespmem:v60+s14+$0x0], $0xffff  }
0x146: {  	s30 =	simm.s32 $0x8;
	s29 =	simm.s32 $0x4;
	v33 =	vadd.s32 v1, v63;
	[tilespmem:s28+$0xA0] =	vst v47;
	v35 =	vadd.s32 s0, v15;
	v21 =	vld.idx.msk [tilespmem:v62+s14+$0x0], $0xffff  }
.LBB2_5:
0x147: {  	p0 =	slt.u32 s30, $0x1C;
	v32 =	vld.idx.msk [tilespmem:v32+s14+$0x0], $0xffff;
	v35 =	vadd.s32 v0, v35;
	v36 =	vadd.s32 s0, v9;
	[tilespmem:s28+$0xB0] =	vst v19  }
0x148: {  	v19 =	vadd.s32 s0, v14;
	v30 =	vld.idx.msk [tilespmem:v30+s14+$0x0], $0xffff;
	v36 =	vadd.s32 v4, v36;
	[tilespmem:s28+$0xC0] =	vst v17  }
0x149: {  	v17 =	vadd.s32 v7, v19;
	v19 =	vadd.s32 s0, v13;
	v31 =	vld.idx.msk [tilespmem:v31+s14+$0x0], $0xffff;
	[tilespmem:s28+$0xD0] =	vst v16  }
0x14a: {  	v16 =	vadd.s32 v2, v19;
	v19 =	vadd.s32 s0, v12;
	v34 =	vld.idx.msk [tilespmem:v34+s14+$0x0], $0xffff;
	[tilespmem:s28+$0xE0] =	vst v18  }
0x14b: {  	v18 =	vadd.s32 v5, v19;
	v19 =	vadd.s32 s0, v11;
	v33 =	vld.idx.msk [tilespmem:v33+s14+$0x0], $0xffff;
	[tilespmem:s28+$0xFFFFFF00] =	vst v22  }
0x14c: {  	v22 =	vadd.s32 v3, v19;
	v19 =	vadd.s32 s0, v10;
	v35 =	vld.idx.msk [tilespmem:v35+s14+$0x0], $0xffff;
	[tilespmem:s28+$0xFFFFFF10] =	vst v23  }
0x14d: {  	v23 =	vadd.s32 v6, v19;
	v19 =	vadd.s32 s0, v8;
	v36 =	vld.idx.msk [tilespmem:v36+s14+$0x0], $0xffff;
	[tilespmem:s28+$0xFFFFFF20] =	vst v28  }
0x14e: {  	s0 =	sadd.s32 $0x2, s29;
	v28 =	vadd.s32 s31, v9;
	v38 =	vadd.s32 v1, v19;
	v37 =	vld.idx.msk [tilespmem:v17+s14+$0x0], $0xffff;
	[tilespmem:s28+$0xFFFFFF30] =	vst v29  }
0x14f: {  	v28 =	vadd.s32 v4, v28;
	v17 =	vadd.s32 s0, v15;
	v39 =	vld.idx.msk [tilespmem:v16+s14+$0x0], $0xffff;
	[tilespmem:s28+$0xFFFFFF40] =	vst v27  }
0x150: {  	v27 =	vadd.s32 v0, v17;
	v16 =	vadd.s32 s0, v14;
	v19 =	vld.idx.msk [tilespmem:v18+s14+$0x0], $0xffff;
	[tilespmem:s28+$0xFFFFFF50] =	vst v24  }
0x151: {  	v24 =	vadd.s32 v7, v16;
	v16 =	vadd.s32 s0, v13;
	v17 =	vld.idx.msk [tilespmem:v22+s14+$0x0], $0xffff;
	[tilespmem:s28+$0xFFFFFF60] =	vst v25  }
0x152: {  	v18 =	vadd.s32 s0, v12;
	v22 =	vadd.s32 v2, v16;
	v16 =	vld.idx.msk [tilespmem:v23+s14+$0x0], $0xffff;
	[tilespmem:s28+$0xFFFFFF70] =	vst v26;
	s28 =	sadd.s32 $0x200, s28  }
0x153: {  	v25 =	vadd.s32 s0, v11;
	v23 =	vadd.s32 v5, v18;
	v18 =	vld.idx.msk [tilespmem:v38+s14+$0x0], $0xffff;
	[tilespmem:s28+$0xF0] =	vst v36  }
0x154: {  	v26 =	vld.idx.msk [tilespmem:v28+s14+$0x0], $0xffff;
	[tilespmem:s28+$0xFFFFFF80] =	vst v20;
	v20 =	vadd.s32 v3, v25;
	v25 =	vadd.s32 s0, v10  }
0x155: {  	[tilespmem:s28+$0xFFFFFF90] =	vst v21;
	v21 =	vld.idx.msk [tilespmem:v27+s14+$0x0], $0xffff;
	v25 =	vadd.s32 v6, v25;
	v27 =	vadd.s32 s0, v8  }
0x156: {  	v28 =	vadd.s32 s0, v9;
	[tilespmem:s28+$0xFFFFFFA0] =	vst v32;
	v24 =	vld.idx.msk [tilespmem:v24+s14+$0x0], $0xffff;
	v27 =	vadd.s32 v1, v27  }
0x157: {  	v29 =	vadd.s32 s29, v15;
	[tilespmem:s28+$0xFFFFFFB0] =	vst v30;
	v30 =	vld.idx.msk [tilespmem:v22+s14+$0x0], $0xffff;
	v22 =	vadd.s32 v4, v28  }
0x158: {  	v28 =	vadd.s32 v0, v29;
	v29 =	vadd.s32 s29, v14;
	[tilespmem:s28+$0xFFFFFFC0] =	vst v31;
	v31 =	vld.idx.msk [tilespmem:v23+s14+$0x0], $0xffff  }
0x159: {  	v23 =	vadd.s32 v7, v29;
	v29 =	vadd.s32 s29, v13;
	[tilespmem:s28+$0xFFFFFFD0] =	vst v34;
	v20 =	vld.idx.msk [tilespmem:v20+s14+$0x0], $0xffff  }
0x15a: {  	v32 =	vadd.s32 s29, v12;
	v29 =	vadd.s32 v2, v29;
	[tilespmem:s28+$0xFFFFFFE0] =	vst v33;
	v25 =	vld.idx.msk [tilespmem:v25+s14+$0x0], $0xffff  }
0x15b: {  	v32 =	vadd.s32 v5, v32;
	v33 =	vadd.s32 s29, v11;
	[tilespmem:s28+$0xFFFFFFF0] =	vst v26;
	v26 =	vld.idx.msk [tilespmem:v27+s14+$0x0], $0xffff  }
0x15c: {  	v27 =	vadd.s32 v3, v33;
	v33 =	vadd.s32 s29, v10;
	v34 =	vld.idx.msk [tilespmem:v22+s14+$0x0], $0xffff;
	[tilespmem:s28+$0x0] =	vst v21  }
0x15d: {  	v21 =	vadd.s32 v6, v33;
	v22 =	vld.idx.msk [tilespmem:v28+s14+$0x0], $0xffff;
	v28 =	vadd.s32 s29, v8;
	[tilespmem:s28+$0x10] =	vst v24  }
0x15e: {  	s31 =	sadd.s32 $0x1, s30;
	v24 =	vadd.s32 s29, v9;
	s29 =	smov.u32 s30;
	v23 =	vld.idx.msk [tilespmem:v23+s14+$0x0], $0xffff;
	v33 =	vadd.s32 v1, v28;
	[tilespmem:s28+$0x20] =	vst v30  }
0x15f: {  	v30 =	vadd.s32 s31, v15;
	v36 =	vadd.s32 v4, v24;
	v28 =	vld.idx.msk [tilespmem:v29+s14+$0x0], $0xffff;
	[tilespmem:s28+$0x30] =	vst v31  }
0x160: {  	v24 =	vadd.s32 s31, v14;
	v38 =	vadd.s32 v0, v30;
	v29 =	vld.idx.msk [tilespmem:v32+s14+$0x0], $0xffff;
	[tilespmem:s28+$0x40] =	vst v20  }
0x161: {  	v40 =	vadd.s32 v7, v24;
	v20 =	vadd.s32 s31, v13;
	v27 =	vld.idx.msk [tilespmem:v27+s14+$0x0], $0xffff;
	[tilespmem:s28+$0x50] =	vst v25  }
.Ltmp5:
0x162: {  	v32 =	vadd.s32 v2, v20;
	v20 =	vadd.s32 s31, v12;
	v24 =	vld.idx.msk [tilespmem:v21+s14+$0x0], $0xffff;
	[tilespmem:s28+$0x60] =	vst v26;
	(pc) =	sbr.rel @p0 .LBB2_5-.Ltmp5, $4  }
0x163: {  	v30 =	vadd.s32 v5, v20;
	v20 =	vadd.s32 s31, v11;
	v25 =	vld.idx.msk [tilespmem:v33+s14+$0x0], $0xffff;
	[tilespmem:s28+$0x70] =	vst v34  }
0x164: {  	v21 =	vadd.s32 s31, v10;
	v31 =	vadd.s32 v3, v20;
	v26 =	vld.idx.msk [tilespmem:v36+s14+$0x0], $0xffff;
	[tilespmem:s28+$0x80] =	vst v35  }
0x165: {  	s0 =	sadd.s32 $0x3, s30;
	v34 =	vadd.s32 v6, v21;
	v33 =	vadd.s32 s31, v8;
	v20 =	vld.idx.msk [tilespmem:v38+s14+$0x0], $0xffff;
	[tilespmem:s28+$0x90] =	vst v37  }
0x166: {  	s30 =	sadd.s32 $0x4, s30;
	v33 =	vadd.s32 v1, v33;
	v35 =	vadd.s32 s0, v15;
	v21 =	vld.idx.msk [tilespmem:v40+s14+$0x0], $0xffff;
	[tilespmem:s28+$0xA0] =	vst v39  }
0x167: {  	[tilespmem:s28+$0xB0] =	vst v19  }
0x168: {  	[tilespmem:s28+$0xC0] =	vst v17  }
0x169: {  	[tilespmem:s28+$0xD0] =	vst v16  }
0x16a: {  	[tilespmem:s28+$0xE0] =	vst v18  }
0x16b: {  	[tilespmem:s28+$0xFFFFFF00] =	vst v22  }
0x16c: {  	[tilespmem:s28+$0xFFFFFF10] =	vst v23  }
0x16d: {  	v32 =	vld.idx.msk [tilespmem:v32+s14+$0x0], $0xffff;
	v35 =	vadd.s32 v0, v35;
	[tilespmem:s28+$0xFFFFFF20] =	vst v28;
	v59 =	vadd.s32 s31, v9  }
0x16e: {  	v36 =	vadd.s32 s0, v9;
	v19 =	vld.idx.msk [tilespmem:v30+s14+$0x0], $0xffff;
	[tilespmem:s28+$0xFFFFFF30] =	vst v29;
	v28 =	vadd.s32 v4, v59  }
0x16f: {  	v51 =	vadd.s32 s0, v14;
	v17 =	vld.idx.msk [tilespmem:v31+s14+$0x0], $0xffff;
	[tilespmem:s28+$0xFFFFFF40] =	vst v27;
	v36 =	vadd.s32 v4, v36  }
0x170: {  	v52 =	vadd.s32 s0, v13;
	v16 =	vld.idx.msk [tilespmem:v34+s14+$0x0], $0xffff;
	[tilespmem:s28+$0xFFFFFF50] =	vst v24;
	v30 =	vadd.s32 v7, v51  }
0x171: {  	v53 =	vadd.s32 s0, v12;
	v18 =	vld.idx.msk [tilespmem:v33+s14+$0x0], $0xffff;
	v31 =	vadd.s32 v2, v52;
	[tilespmem:s28+$0xFFFFFF60] =	vst v25  }
0x172: {  	v55 =	vadd.s32 s0, v11;
	v54 =	vadd.s32 v5, v53;
	[tilespmem:s28+$0xFFFFFF70] =	vst v26;
	s28 =	sadd.s32 $0x200, s28;
	v22 =	vld.idx.msk [tilespmem:v35+s14+$0x0], $0xffff  }
0x173: {  	v56 =	vadd.s32 s0, v10;
	v34 =	vadd.s32 v3, v55;
	v28 =	vld.idx.msk [tilespmem:v28+s14+$0x0], $0xffff;
	[tilespmem:s28+$0xFFFFFF80] =	vst v20  }
0x174: {  	v58 =	vadd.s32 s0, v8;
	s30 =	sadd.s32 $0x2, s29;
	v57 =	vadd.s32 v6, v56;
	v36 =	vld.idx.msk [tilespmem:v36+s14+$0x0], $0xffff;
	[tilespmem:s28+$0xFFFFFF90] =	vst v21  }
0x175: {  	v60 =	vadd.s32 s30, v15;
	v35 =	vadd.s32 v1, v58;
	v30 =	vld.idx.msk [tilespmem:v30+s14+$0x0], $0xffff;
	[tilespmem:s28+$0xFFFFFFA0] =	vst v32  }
0x176: {  	v62 =	vadd.s32 s30, v14;
	v61 =	vadd.s32 v0, v60;
	v31 =	vld.idx.msk [tilespmem:v31+s14+$0x0], $0xffff;
	[tilespmem:s28+$0xFFFFFFB0] =	vst v19  }
0x177: {  	v39 =	vadd.s32 s30, v13;
	v63 =	vadd.s32 v7, v62;
	v33 =	vld.idx.msk [tilespmem:v54+s14+$0x0], $0xffff;
	[tilespmem:s28+$0xFFFFFFC0] =	vst v17  }
0x178: {  	v41 =	vadd.s32 s30, v12;
	v40 =	vadd.s32 v2, v39;
	v34 =	vld.idx.msk [tilespmem:v34+s14+$0x0], $0xffff;
	[tilespmem:s28+$0xFFFFFFD0] =	vst v16  }
0x179: {  	v43 =	vadd.s32 s30, v11;
	v42 =	vadd.s32 v5, v41;
	v23 =	vld.idx.msk [tilespmem:v57+s14+$0x0], $0xffff;
	[tilespmem:s28+$0xFFFFFFE0] =	vst v18  }
0x17a: {  	v44 =	vadd.s32 s30, v10;
	v29 =	vadd.s32 v3, v43;
	v35 =	vld.idx.msk [tilespmem:v35+s14+$0x0], $0xffff;
	[tilespmem:s28+$0x80] =	vst v22  }
0x17b: {  	v47 =	vadd.s32 s30, v8;
	v46 =	vadd.s32 v6, v44;
	v45 =	vld.idx.msk [tilespmem:v61+s14+$0x0], $0xffff;
	[tilespmem:s28+$0xF0] =	vst v36  }
0x17c: {  	v50 =	vadd.s32 s30, v9;
	v49 =	vadd.s32 v1, v47;
	v48 =	vld.idx.msk [tilespmem:v63+s14+$0x0], $0xffff;
	[tilespmem:s28+$0xFFFFFFF0] =	vst v28  }
0x17d: {  	v59 =	vadd.s32 s29, v13;
	v51 =	vadd.s32 v4, v50;
	v25 =	vld.idx.msk [tilespmem:v40+s14+$0x0], $0xffff;
	[tilespmem:s28+$0x90] =	vst v30  }
0x17e: {  	v8 =	vadd.s32 s29, v8;
	v13 =	vadd.s32 v2, v59;
	v52 =	vld.idx.msk [tilespmem:v42+s14+$0x0], $0xffff;
	[tilespmem:s28+$0xA0] =	vst v31  }
0x17f: {  	v60 =	vadd.s32 s29, v12;
	v8 =	vadd.s32 v1, v8;
	v53 =	vld.idx.msk [tilespmem:v29+s14+$0x0], $0xffff;
	[tilespmem:s28+$0xB0] =	vst v33  }
0x180: {  	v62 =	vadd.s32 s29, v10;
	v12 =	vadd.s32 v5, v60;
	v54 =	vld.idx.msk [tilespmem:v46+s14+$0x0], $0xffff;
	[tilespmem:s28+$0xC0] =	vst v34  }
0x181: {  	v10 =	vadd.s32 v6, v62;
	v58 =	vadd.s32 s29, v14;
	v55 =	vld.idx.msk [tilespmem:v49+s14+$0x0], $0xffff;
	[tilespmem:s28+$0xD0] =	vst v23  }
0x182: {  	v57 =	vadd.s32 s29, v15;
	v14 =	vadd.s32 v7, v58;
	v56 =	vld.idx.msk [tilespmem:v51+s14+$0x0], $0xffff;
	[tilespmem:s28+$0x0] =	vst v45  }
0x183: {  	v15 =	vadd.s32 v0, v57;
	v61 =	vadd.s32 s29, v11;
	v13 =	vld.idx.msk [tilespmem:v13+s14+$0x0], $0xffff;
	[tilespmem:s28+$0x10] =	vst v48  }
0x184: {  	v63 =	vadd.s32 s29, v9;
	v8 =	vld.idx.msk [tilespmem:v8+s14+$0x0], $0xffff;
	v11 =	vadd.s32 v3, v61;
	[tilespmem:s28+$0x20] =	vst v25  }
0x185: {  	v9 =	vadd.s32 v4, v63;
	v12 =	vld.idx.msk [tilespmem:v12+s14+$0x0], $0xffff;
	[tilespmem:s28+$0x30] =	vst v52  }
0x186: {  	v10 =	vld.idx.msk [tilespmem:v10+s14+$0x0], $0xffff;
	[tilespmem:s28+$0x40] =	vst v53  }
0x187: {  	v14 =	vld.idx.msk [tilespmem:v14+s14+$0x0], $0xffff;
	[tilespmem:s28+$0x50] =	vst v54  }
0x188: {  	[tilespmem:s28+$0x60] =	vst v55;
	v15 =	vld.idx.msk [tilespmem:v15+s14+$0x0], $0xffff  }
0x189: {  	[tilespmem:s28+$0x70] =	vst v56;
	v11 =	vld.idx.msk [tilespmem:v11+s14+$0x0], $0xffff  }
0x18a: {  	v9 =	vld.idx.msk [tilespmem:v9+s14+$0x0], $0xffff;
	[tilespmem:s28+$0xFFFFFF20] =	vst v13  }
0x18b: {  	[tilespmem:s28+$0xFFFFFF30] =	vst v12  }
0x18c: {  	[tilespmem:s28+$0xFFFFFF50] =	vst v10  }
0x18d: {  	[tilespmem:s28+$0xFFFFFF60] =	vst v8  }
0x18e: {  	[tilespmem:s28+$0xE0] =	vst v35  }
0x18f: {  	[tilespmem:s28+$0xFFFFFF10] =	vst v14  }
0x190: {  	s25 =	sor.u32 $0x10000, s25;
	[tilespmem:s28+$0xFFFFFF00] =	vst v15  }
.Ltmp6:
0x191: {  	s31 =	sadd.s32 s2, s25;
	s25 =	sor.u32 $0x3, s24;
	[tilespmem:s28+$0xFFFFFF40] =	vst v11;
	(pc) =	sbr.rel @p1 .LBB2_10-.Ltmp6, $4  }
0x192: {  	p0 =	sgt.u32 s25, $0x31;
	[tilespmem:s28+$0xFFFFFF70] =	vst v9  }
0x193: {  	[hbm4b:s31+s11] =	stream.strided.scatter [tilespmem:s19], [sflag:$0x5], $0x1000, s16, s11, $0x38;
	[tilespmem:$0xAC00] =	vst v63  }
0x194: {  	s0 =	simm.s32 @!p0 $0x80;
	s29 =	simm.s32 @!p0 $0x4C00;
	s28 =	simm.s32 @!p0 $0x580  }
0x195: {  	[tilespmem:s29], [sflag:$0x3] =	stream.indirect.gather @!p0 [hbm4b:s6+s0], $0x80, s28, s0, $0xb8;
	[tilespmem:$0xAC00] =	vst v63  }
0x196: {  	_ =	swait.ge [sflag:s15], $0x4000  }
0x197: {  	[sflag:s15] =	ssyncset.done $0x0  }
0x198: {  	[sflag:s15] =	ssyncadd.s32 $0xFFFFC000  }
0x199: {  	_ =	swait.ge [sflag:s20], $0x1000  }
0x19a: {  	[sflag:s20] =	ssyncset.done $0x0  }
0x19b: {  	[sflag:s20] =	ssyncadd.s32 $0xFFFFF000  }
0x19c: {  	v15 =	vld [tilespmem:$0x900]  }
0x19d: {  	v13 =	vld [tilespmem:$0x920]  }
0x19e: {  	v14 =	vld [tilespmem:$0x910]  }
0x19f: {  	v12 =	vld [tilespmem:$0x930]  }
0x1a0: {  	s0 =	simm.s32 $0x1  }
0x1a1: {  	v11 =	vld [tilespmem:$0x940];
	v9 =	vadd.s32 s0, v15  }
0x1a2: {  	v10 =	vld [tilespmem:$0x950];
	v18 =	vadd.s32 s0, v13;
	v16 =	vadd.s32 v0, v9  }
0x1a3: {  	v8 =	vld [tilespmem:$0x960];
	v9 =	vadd.s32 s0, v14;
	v18 =	vadd.s32 v2, v18  }
0x1a4: {  	v19 =	vadd.s32 s0, v12;
	v17 =	vadd.s32 v7, v9  }
0x1a5: {  	v19 =	vadd.s32 v5, v19  }
0x1a6: {  	v20 =	vadd.s32 s0, v11;
	v9 =	vld [tilespmem:$0x970]  }
0x1a7: {  	v21 =	vadd.s32 s0, v10;
	v20 =	vadd.s32 v3, v20;
	v22 =	vld.idx.msk [tilespmem:v16+s12+$0x0], $0xffff  }
0x1a8: {  	s28 =	simm.s32 $0x3;
	v16 =	vadd.s32 v6, v21;
	v21 =	vadd.s32 s0, v8;
	v24 =	vld.idx.msk [tilespmem:v18+s12+$0x0], $0xffff  }
0x1a9: {  	v23 =	vld.idx.msk [tilespmem:v17+s12+$0x0], $0xffff;
	v17 =	vadd.s32 v1, v21;
	v21 =	vadd.s32 s28, v15  }
0x1aa: {  	v25 =	vld.idx.msk [tilespmem:v19+s12+$0x0], $0xffff;
	v19 =	vadd.s32 s28, v14;
	v18 =	vadd.s32 v0, v21  }
0x1ab: {  	v19 =	vadd.s32 v7, v19;
	v21 =	vadd.s32 s28, v9  }
0x1ac: {  	v26 =	vadd.s32 s28, v13;
	v20 =	vld.idx.msk [tilespmem:v20+s12+$0x0], $0xffff;
	v21 =	vadd.s32 v4, v21  }
0x1ad: {  	v27 =	vld.idx.msk [tilespmem:v16+s12+$0x0], $0xffff;
	v16 =	vadd.s32 v2, v26;
	v26 =	vadd.s32 s28, v12  }
0x1ae: {  	v28 =	vld.idx.msk [tilespmem:v17+s12+$0x0], $0xffff;
	v17 =	vadd.s32 v5, v26;
	v26 =	vadd.s32 s28, v11  }
0x1af: {  	v31 =	vld.idx.msk [tilespmem:v18+s12+$0x0], $0xffff;
	v18 =	vadd.s32 v3, v26;
	v26 =	vadd.s32 s28, v10  }
0x1b0: {  	v29 =	vadd.s32 s28, v8;
	v33 =	vld.idx.msk [tilespmem:v19+s12+$0x0], $0xffff;
	v26 =	vadd.s32 v6, v26  }
0x1b1: {  	v29 =	vadd.s32 v1, v29;
	v30 =	vadd.s32 s0, v9;
	s0 =	simm.s32 $0x2;
	v21 =	vld.idx.msk [tilespmem:v21+s12+$0x0], $0xffff  }
0x1b2: {  	v30 =	vadd.s32 v4, v30;
	v19 =	vadd.s32 s0, v15;
	v36 =	vld.idx.msk [tilespmem:v16+s12+$0x0], $0xffff  }
0x1b3: {  	v32 =	vadd.s32 v0, v19;
	v16 =	vadd.s32 s0, v14;
	v19 =	vld.idx.msk [tilespmem:v17+s12+$0x0], $0xffff  }
0x1b4: {  	v34 =	vadd.s32 v7, v16;
	v16 =	vadd.s32 s0, v13;
	v17 =	vld.idx.msk [tilespmem:v18+s12+$0x0], $0xffff  }
0x1b5: {  	s28 =	simm.s32 $0x8D00;
	v35 =	vadd.s32 v2, v16;
	v18 =	vadd.s32 s0, v12;
	v16 =	vld.idx.msk [tilespmem:v26+s12+$0x0], $0xffff  }
0x1b6: {  	v37 =	vadd.s32 s0, v11;
	v26 =	vadd.s32 v5, v18;
	v18 =	vld.idx.msk [tilespmem:v29+s12+$0x0], $0xffff;
	[tilespmem:s28+$0xF0] =	vst v21  }
0x1b7: {  	v54 =	vadd.s32 s0, v8;
	v21 =	vld.idx.msk [tilespmem:v30+s12+$0x0], $0xffff;
	v29 =	vadd.s32 v3, v37;
	[tilespmem:s28+$0xFFFFFF80] =	vst v22  }
0x1b8: {  	v30 =	vadd.s32 s0, v10;
	v22 =	vld.idx.msk [tilespmem:v32+s12+$0x0], $0xffff;
	[tilespmem:s28+$0xFFFFFF90] =	vst v23;
	v32 =	vadd.s32 v1, v54  }
0x1b9: {  	v55 =	vadd.s32 s0, v9;
	s0 =	simm.s32 $0x0;
	[tilespmem:s28+$0xFFFFFFA0] =	vst v24;
	v30 =	vadd.s32 v6, v30;
	v23 =	vld.idx.msk [tilespmem:v34+s12+$0x0], $0xffff  }
0x1ba: {  	[tilespmem:s28+$0xFFFFFFB0] =	vst v25;
	v56 =	vadd.s32 s0, v15;
	v34 =	vadd.s32 v4, v55;
	v24 =	vld.idx.msk [tilespmem:v35+s12+$0x0], $0xffff  }
0x1bb: {  	[tilespmem:s28+$0xFFFFFFC0] =	vst v20;
	v57 =	vadd.s32 s0, v14;
	v25 =	vld.idx.msk [tilespmem:v26+s12+$0x0], $0xffff;
	v26 =	vadd.s32 v0, v56  }
0x1bc: {  	[tilespmem:s28+$0xFFFFFFD0] =	vst v27;
	v58 =	vadd.s32 s0, v13;
	v20 =	vld.idx.msk [tilespmem:v29+s12+$0x0], $0xffff;
	v29 =	vadd.s32 v7, v57  }
0x1bd: {  	[tilespmem:s28+$0xFFFFFFE0] =	vst v28;
	v59 =	vadd.s32 s0, v12;
	v27 =	vadd.s32 v2, v58;
	v32 =	vld.idx.msk [tilespmem:v32+s12+$0x0], $0xffff  }
0x1be: {  	v28 =	vadd.s32 s0, v11;
	v35 =	vadd.s32 v5, v59;
	[tilespmem:s28+$0xFFFFFFF0] =	vst v21;
	v30 =	vld.idx.msk [tilespmem:v30+s12+$0x0], $0xffff  }
0x1bf: {  	s31 =	simm.s32 $0x5;
	v60 =	vadd.s32 v3, v28;
	v28 =	vadd.s32 s0, v10;
	v21 =	vld.idx.msk [tilespmem:v34+s12+$0x0], $0xffff;
	[tilespmem:s28+$0x0] =	vst v22  }
0x1c0: {  	[tilespmem:s28+$0x20] =	vst v24;
	v24 =	vadd.s32 s31, v15;
	v22 =	vld.idx.msk [tilespmem:v26+s12+$0x0], $0xffff;
	v26 =	vadd.s32 v6, v28  }
0x1c1: {  	[tilespmem:s28+$0x10] =	vst v23;
	v28 =	vadd.s32 s0, v8;
	v23 =	vld.idx.msk [tilespmem:v29+s12+$0x0], $0xffff;
	v39 =	vadd.s32 v0, v24  }
0x1c2: {  	[tilespmem:s28+$0x80] =	vst v31;
	v29 =	vadd.s32 s0, v9;
	v61 =	vadd.s32 v1, v28;
	v28 =	vld.idx.msk [tilespmem:v27+s12+$0x0], $0xffff  }
0x1c3: {  	[tilespmem:s28+$0x30] =	vst v25;
	v24 =	vadd.s32 s31, v14;
	v38 =	vadd.s32 v4, v29;
	v29 =	vld.idx.msk [tilespmem:v35+s12+$0x0], $0xffff  }
0x1c4: {  	[tilespmem:s28+$0x40] =	vst v20;
	v20 =	vadd.s32 s31, v13;
	v62 =	vadd.s32 v7, v24;
	v27 =	vld.idx.msk [tilespmem:v60+s12+$0x0], $0xffff  }
0x1c5: {  	[tilespmem:s28+$0x60] =	vst v32;
	v32 =	vadd.s32 v2, v20;
	v20 =	vadd.s32 s31, v11;
	v24 =	vld.idx.msk [tilespmem:v26+s12+$0x0], $0xffff;
	v26 =	vadd.s32 s31, v12  }
0x1c6: {  	[tilespmem:s28+$0x50] =	vst v30;
	v31 =	vadd.s32 v3, v20;
	v20 =	vld.idx.msk [tilespmem:v39+s12+$0x0], $0xffff;
	v30 =	vadd.s32 v5, v26  }
0x1c7: {  	[tilespmem:s28+$0x70] =	vst v21;
	v21 =	vadd.s32 s31, v10;
	v25 =	vld.idx.msk [tilespmem:v61+s12+$0x0], $0xffff  }
0x1c8: {  	v63 =	vadd.s32 s31, v8;
	[tilespmem:s28+$0x90] =	vst v33;
	s0 =	simm.s32 $0x7;
	v34 =	vadd.s32 v6, v21;
	v26 =	vld.idx.msk [tilespmem:v38+s12+$0x0], $0xffff  }
0x1c9: {  	s29 =	simm.s32 $0x4;
	s30 =	simm.s32 $0x8;
	v33 =	vadd.s32 v1, v63;
	[tilespmem:s28+$0xA0] =	vst v36;
	v35 =	vadd.s32 s0, v15;
	v21 =	vld.idx.msk [tilespmem:v62+s12+$0x0], $0xffff  }
.LBB2_8:
0x1ca: {  	p1 =	slt.u32 s30, $0x1C;
	v32 =	vld.idx.msk [tilespmem:v32+s12+$0x0], $0xffff;
	v35 =	vadd.s32 v0, v35;
	v36 =	vadd.s32 s0, v9;
	[tilespmem:s28+$0xB0] =	vst v19  }
0x1cb: {  	v19 =	vadd.s32 s0, v14;
	v30 =	vld.idx.msk [tilespmem:v30+s12+$0x0], $0xffff;
	v36 =	vadd.s32 v4, v36;
	[tilespmem:s28+$0xC0] =	vst v17  }
0x1cc: {  	v17 =	vadd.s32 v7, v19;
	v19 =	vadd.s32 s0, v13;
	v31 =	vld.idx.msk [tilespmem:v31+s12+$0x0], $0xffff;
	[tilespmem:s28+$0xD0] =	vst v16  }
0x1cd: {  	v16 =	vadd.s32 v2, v19;
	v19 =	vadd.s32 s0, v12;
	v34 =	vld.idx.msk [tilespmem:v34+s12+$0x0], $0xffff;
	[tilespmem:s28+$0xE0] =	vst v18  }
0x1ce: {  	v18 =	vadd.s32 v5, v19;
	v19 =	vadd.s32 s0, v11;
	v33 =	vld.idx.msk [tilespmem:v33+s12+$0x0], $0xffff;
	[tilespmem:s28+$0xFFFFFF00] =	vst v22  }
0x1cf: {  	v22 =	vadd.s32 v3, v19;
	v19 =	vadd.s32 s0, v10;
	v35 =	vld.idx.msk [tilespmem:v35+s12+$0x0], $0xffff;
	[tilespmem:s28+$0xFFFFFF10] =	vst v23  }
0x1d0: {  	v23 =	vadd.s32 v6, v19;
	v19 =	vadd.s32 s0, v8;
	v36 =	vld.idx.msk [tilespmem:v36+s12+$0x0], $0xffff;
	[tilespmem:s28+$0xFFFFFF20] =	vst v28  }
0x1d1: {  	s0 =	sadd.s32 $0x2, s29;
	v28 =	vadd.s32 s31, v9;
	v38 =	vadd.s32 v1, v19;
	v37 =	vld.idx.msk [tilespmem:v17+s12+$0x0], $0xffff;
	[tilespmem:s28+$0xFFFFFF30] =	vst v29  }
0x1d2: {  	v28 =	vadd.s32 v4, v28;
	v17 =	vadd.s32 s0, v15;
	v39 =	vld.idx.msk [tilespmem:v16+s12+$0x0], $0xffff;
	[tilespmem:s28+$0xFFFFFF40] =	vst v27  }
0x1d3: {  	v27 =	vadd.s32 v0, v17;
	v16 =	vadd.s32 s0, v14;
	v19 =	vld.idx.msk [tilespmem:v18+s12+$0x0], $0xffff;
	[tilespmem:s28+$0xFFFFFF50] =	vst v24  }
0x1d4: {  	v24 =	vadd.s32 v7, v16;
	v16 =	vadd.s32 s0, v13;
	v17 =	vld.idx.msk [tilespmem:v22+s12+$0x0], $0xffff;
	[tilespmem:s28+$0xFFFFFF60] =	vst v25  }
0x1d5: {  	v18 =	vadd.s32 s0, v12;
	v22 =	vadd.s32 v2, v16;
	v16 =	vld.idx.msk [tilespmem:v23+s12+$0x0], $0xffff;
	[tilespmem:s28+$0xFFFFFF70] =	vst v26;
	s28 =	sadd.s32 $0x200, s28  }
0x1d6: {  	v25 =	vadd.s32 s0, v11;
	v23 =	vadd.s32 v5, v18;
	v18 =	vld.idx.msk [tilespmem:v38+s12+$0x0], $0xffff;
	[tilespmem:s28+$0xF0] =	vst v36  }
0x1d7: {  	v26 =	vld.idx.msk [tilespmem:v28+s12+$0x0], $0xffff;
	[tilespmem:s28+$0xFFFFFF80] =	vst v20;
	v20 =	vadd.s32 v3, v25;
	v25 =	vadd.s32 s0, v10  }
0x1d8: {  	[tilespmem:s28+$0xFFFFFF90] =	vst v21;
	v21 =	vld.idx.msk [tilespmem:v27+s12+$0x0], $0xffff;
	v25 =	vadd.s32 v6, v25;
	v27 =	vadd.s32 s0, v8  }
0x1d9: {  	v28 =	vadd.s32 s0, v9;
	[tilespmem:s28+$0xFFFFFFA0] =	vst v32;
	v24 =	vld.idx.msk [tilespmem:v24+s12+$0x0], $0xffff;
	v27 =	vadd.s32 v1, v27  }
0x1da: {  	v29 =	vadd.s32 s29, v15;
	[tilespmem:s28+$0xFFFFFFB0] =	vst v30;
	v30 =	vld.idx.msk [tilespmem:v22+s12+$0x0], $0xffff;
	v22 =	vadd.s32 v4, v28  }
0x1db: {  	v28 =	vadd.s32 v0, v29;
	v29 =	vadd.s32 s29, v14;
	[tilespmem:s28+$0xFFFFFFC0] =	vst v31;
	v31 =	vld.idx.msk [tilespmem:v23+s12+$0x0], $0xffff  }
0x1dc: {  	v23 =	vadd.s32 v7, v29;
	v29 =	vadd.s32 s29, v13;
	[tilespmem:s28+$0xFFFFFFD0] =	vst v34;
	v20 =	vld.idx.msk [tilespmem:v20+s12+$0x0], $0xffff  }
0x1dd: {  	v32 =	vadd.s32 s29, v12;
	v29 =	vadd.s32 v2, v29;
	[tilespmem:s28+$0xFFFFFFE0] =	vst v33;
	v25 =	vld.idx.msk [tilespmem:v25+s12+$0x0], $0xffff  }
0x1de: {  	v32 =	vadd.s32 v5, v32;
	v33 =	vadd.s32 s29, v11;
	[tilespmem:s28+$0xFFFFFFF0] =	vst v26;
	v26 =	vld.idx.msk [tilespmem:v27+s12+$0x0], $0xffff  }
0x1df: {  	v27 =	vadd.s32 v3, v33;
	v33 =	vadd.s32 s29, v10;
	v34 =	vld.idx.msk [tilespmem:v22+s12+$0x0], $0xffff;
	[tilespmem:s28+$0x0] =	vst v21  }
0x1e0: {  	v21 =	vadd.s32 v6, v33;
	v22 =	vld.idx.msk [tilespmem:v28+s12+$0x0], $0xffff;
	v28 =	vadd.s32 s29, v8;
	[tilespmem:s28+$0x10] =	vst v24  }
0x1e1: {  	s31 =	sadd.s32 $0x1, s30;
	v24 =	vadd.s32 s29, v9;
	s29 =	smov.u32 s30;
	v23 =	vld.idx.msk [tilespmem:v23+s12+$0x0], $0xffff;
	v33 =	vadd.s32 v1, v28;
	[tilespmem:s28+$0x20] =	vst v30  }
0x1e2: {  	v30 =	vadd.s32 s31, v15;
	v36 =	vadd.s32 v4, v24;
	v28 =	vld.idx.msk [tilespmem:v29+s12+$0x0], $0xffff;
	[tilespmem:s28+$0x30] =	vst v31  }
0x1e3: {  	v24 =	vadd.s32 s31, v14;
	v38 =	vadd.s32 v0, v30;
	v29 =	vld.idx.msk [tilespmem:v32+s12+$0x0], $0xffff;
	[tilespmem:s28+$0x40] =	vst v20  }
0x1e4: {  	v40 =	vadd.s32 v7, v24;
	v20 =	vadd.s32 s31, v13;
	v27 =	vld.idx.msk [tilespmem:v27+s12+$0x0], $0xffff;
	[tilespmem:s28+$0x50] =	vst v25  }
.Ltmp7:
0x1e5: {  	v32 =	vadd.s32 v2, v20;
	v20 =	vadd.s32 s31, v12;
	v24 =	vld.idx.msk [tilespmem:v21+s12+$0x0], $0xffff;
	[tilespmem:s28+$0x60] =	vst v26;
	(pc) =	sbr.rel @p1 .LBB2_8-.Ltmp7, $4  }
0x1e6: {  	v30 =	vadd.s32 v5, v20;
	v20 =	vadd.s32 s31, v11;
	v25 =	vld.idx.msk [tilespmem:v33+s12+$0x0], $0xffff;
	[tilespmem:s28+$0x70] =	vst v34  }
0x1e7: {  	v21 =	vadd.s32 s31, v10;
	v31 =	vadd.s32 v3, v20;
	v26 =	vld.idx.msk [tilespmem:v36+s12+$0x0], $0xffff;
	[tilespmem:s28+$0x80] =	vst v35  }
0x1e8: {  	s0 =	sadd.s32 $0x3, s30;
	v34 =	vadd.s32 v6, v21;
	v33 =	vadd.s32 s31, v8;
	v20 =	vld.idx.msk [tilespmem:v38+s12+$0x0], $0xffff;
	[tilespmem:s28+$0x90] =	vst v37  }
0x1e9: {  	s30 =	sadd.s32 $0x4, s30;
	v33 =	vadd.s32 v1, v33;
	v35 =	vadd.s32 s0, v15;
	v21 =	vld.idx.msk [tilespmem:v40+s12+$0x0], $0xffff;
	[tilespmem:s28+$0xA0] =	vst v39  }
0x1ea: {  	[tilespmem:s28+$0xB0] =	vst v19  }
0x1eb: {  	[tilespmem:s28+$0xC0] =	vst v17  }
0x1ec: {  	[tilespmem:s28+$0xD0] =	vst v16  }
0x1ed: {  	[tilespmem:s28+$0xE0] =	vst v18  }
0x1ee: {  	[tilespmem:s28+$0xFFFFFF00] =	vst v22  }
0x1ef: {  	[tilespmem:s28+$0xFFFFFF10] =	vst v23  }
0x1f0: {  	v32 =	vld.idx.msk [tilespmem:v32+s12+$0x0], $0xffff;
	v35 =	vadd.s32 v0, v35;
	[tilespmem:s28+$0xFFFFFF20] =	vst v28;
	v59 =	vadd.s32 s31, v9  }
0x1f1: {  	v36 =	vadd.s32 s0, v9;
	v19 =	vld.idx.msk [tilespmem:v30+s12+$0x0], $0xffff;
	[tilespmem:s28+$0xFFFFFF30] =	vst v29;
	v28 =	vadd.s32 v4, v59  }
0x1f2: {  	v51 =	vadd.s32 s0, v14;
	v17 =	vld.idx.msk [tilespmem:v31+s12+$0x0], $0xffff;
	[tilespmem:s28+$0xFFFFFF40] =	vst v27;
	v36 =	vadd.s32 v4, v36  }
0x1f3: {  	v52 =	vadd.s32 s0, v13;
	v16 =	vld.idx.msk [tilespmem:v34+s12+$0x0], $0xffff;
	[tilespmem:s28+$0xFFFFFF50] =	vst v24;
	v30 =	vadd.s32 v7, v51  }
0x1f4: {  	v53 =	vadd.s32 s0, v12;
	v18 =	vld.idx.msk [tilespmem:v33+s12+$0x0], $0xffff;
	v31 =	vadd.s32 v2, v52;
	[tilespmem:s28+$0xFFFFFF60] =	vst v25  }
0x1f5: {  	v55 =	vadd.s32 s0, v11;
	v54 =	vadd.s32 v5, v53;
	[tilespmem:s28+$0xFFFFFF70] =	vst v26;
	s28 =	sadd.s32 $0x200, s28;
	v22 =	vld.idx.msk [tilespmem:v35+s12+$0x0], $0xffff  }
0x1f6: {  	v56 =	vadd.s32 s0, v10;
	v34 =	vadd.s32 v3, v55;
	v28 =	vld.idx.msk [tilespmem:v28+s12+$0x0], $0xffff;
	[tilespmem:s28+$0xFFFFFF80] =	vst v20  }
0x1f7: {  	v58 =	vadd.s32 s0, v8;
	s30 =	sadd.s32 $0x2, s29;
	v57 =	vadd.s32 v6, v56;
	v36 =	vld.idx.msk [tilespmem:v36+s12+$0x0], $0xffff;
	[tilespmem:s28+$0xFFFFFF90] =	vst v21  }
0x1f8: {  	v60 =	vadd.s32 s30, v15;
	v35 =	vadd.s32 v1, v58;
	v30 =	vld.idx.msk [tilespmem:v30+s12+$0x0], $0xffff;
	[tilespmem:s28+$0xFFFFFFA0] =	vst v32  }
0x1f9: {  	v62 =	vadd.s32 s30, v14;
	v61 =	vadd.s32 v0, v60;
	v31 =	vld.idx.msk [tilespmem:v31+s12+$0x0], $0xffff;
	[tilespmem:s28+$0xFFFFFFB0] =	vst v19  }
0x1fa: {  	v39 =	vadd.s32 s30, v13;
	v63 =	vadd.s32 v7, v62;
	v33 =	vld.idx.msk [tilespmem:v54+s12+$0x0], $0xffff;
	[tilespmem:s28+$0xFFFFFFC0] =	vst v17  }
0x1fb: {  	v41 =	vadd.s32 s30, v12;
	v40 =	vadd.s32 v2, v39;
	v34 =	vld.idx.msk [tilespmem:v34+s12+$0x0], $0xffff;
	[tilespmem:s28+$0xFFFFFFD0] =	vst v16  }
0x1fc: {  	v43 =	vadd.s32 s30, v11;
	v42 =	vadd.s32 v5, v41;
	v23 =	vld.idx.msk [tilespmem:v57+s12+$0x0], $0xffff;
	[tilespmem:s28+$0xFFFFFFE0] =	vst v18  }
0x1fd: {  	v44 =	vadd.s32 s30, v10;
	v29 =	vadd.s32 v3, v43;
	v35 =	vld.idx.msk [tilespmem:v35+s12+$0x0], $0xffff;
	[tilespmem:s28+$0x80] =	vst v22  }
0x1fe: {  	v47 =	vadd.s32 s30, v8;
	v46 =	vadd.s32 v6, v44;
	v45 =	vld.idx.msk [tilespmem:v61+s12+$0x0], $0xffff;
	[tilespmem:s28+$0xF0] =	vst v36  }
0x1ff: {  	v50 =	vadd.s32 s30, v9;
	v49 =	vadd.s32 v1, v47;
	v48 =	vld.idx.msk [tilespmem:v63+s12+$0x0], $0xffff;
	[tilespmem:s28+$0xFFFFFFF0] =	vst v28  }
0x200: {  	v59 =	vadd.s32 s29, v13;
	v51 =	vadd.s32 v4, v50;
	v25 =	vld.idx.msk [tilespmem:v40+s12+$0x0], $0xffff;
	[tilespmem:s28+$0x90] =	vst v30  }
0x201: {  	v8 =	vadd.s32 s29, v8;
	v13 =	vadd.s32 v2, v59;
	v52 =	vld.idx.msk [tilespmem:v42+s12+$0x0], $0xffff;
	[tilespmem:s28+$0xA0] =	vst v31  }
0x202: {  	v60 =	vadd.s32 s29, v12;
	v8 =	vadd.s32 v1, v8;
	v53 =	vld.idx.msk [tilespmem:v29+s12+$0x0], $0xffff;
	[tilespmem:s28+$0xB0] =	vst v33  }
0x203: {  	v62 =	vadd.s32 s29, v10;
	v12 =	vadd.s32 v5, v60;
	v54 =	vld.idx.msk [tilespmem:v46+s12+$0x0], $0xffff;
	[tilespmem:s28+$0xC0] =	vst v34  }
0x204: {  	v10 =	vadd.s32 v6, v62;
	v58 =	vadd.s32 s29, v14;
	v55 =	vld.idx.msk [tilespmem:v49+s12+$0x0], $0xffff;
	[tilespmem:s28+$0xD0] =	vst v23  }
0x205: {  	v57 =	vadd.s32 s29, v15;
	v14 =	vadd.s32 v7, v58;
	v56 =	vld.idx.msk [tilespmem:v51+s12+$0x0], $0xffff;
	[tilespmem:s28+$0x0] =	vst v45  }
0x206: {  	v15 =	vadd.s32 v0, v57;
	v61 =	vadd.s32 s29, v11;
	v13 =	vld.idx.msk [tilespmem:v13+s12+$0x0], $0xffff;
	[tilespmem:s28+$0x10] =	vst v48  }
0x207: {  	v63 =	vadd.s32 s29, v9;
	v8 =	vld.idx.msk [tilespmem:v8+s12+$0x0], $0xffff;
	v11 =	vadd.s32 v3, v61;
	[tilespmem:s28+$0x20] =	vst v25  }
0x208: {  	v9 =	vadd.s32 v4, v63;
	v12 =	vld.idx.msk [tilespmem:v12+s12+$0x0], $0xffff;
	[tilespmem:s28+$0x30] =	vst v52  }
0x209: {  	v10 =	vld.idx.msk [tilespmem:v10+s12+$0x0], $0xffff;
	[tilespmem:s28+$0x40] =	vst v53  }
0x20a: {  	v14 =	vld.idx.msk [tilespmem:v14+s12+$0x0], $0xffff;
	[tilespmem:s28+$0x50] =	vst v54  }
0x20b: {  	[tilespmem:s28+$0x60] =	vst v55;
	v15 =	vld.idx.msk [tilespmem:v15+s12+$0x0], $0xffff  }
0x20c: {  	[tilespmem:s28+$0x70] =	vst v56;
	v11 =	vld.idx.msk [tilespmem:v11+s12+$0x0], $0xffff  }
0x20d: {  	v9 =	vld.idx.msk [tilespmem:v9+s12+$0x0], $0xffff;
	[tilespmem:s28+$0xFFFFFF20] =	vst v13  }
0x20e: {  	[tilespmem:s28+$0xFFFFFF30] =	vst v12  }
0x20f: {  	[tilespmem:s28+$0xFFFFFF50] =	vst v10  }
0x210: {  	[tilespmem:s28+$0xFFFFFF60] =	vst v8  }
0x211: {  	[tilespmem:s28+$0xE0] =	vst v35  }
0x212: {  	s26 =	sshll.u32 s26, $0x13;
	[tilespmem:s28+$0xFFFFFF10] =	vst v14  }
0x213: {  	s26 =	sor.u32 s26, s23;
	[tilespmem:s28+$0xFFFFFF00] =	vst v15  }
0x214: {  	s26 =	sshrl.u32 s26, $0x3;
	[tilespmem:s28+$0xFFFFFF40] =	vst v11  }
0x215: {  	s31 =	sadd.s32 s2, s26;
	[tilespmem:s28+$0xFFFFFF70] =	vst v9  }
0x216: {  	[hbm4b:s31+s11] =	stream.strided.scatter [tilespmem:s17], [sflag:$0x4], $0x1000, s16, s11, $0x38;
	[tilespmem:$0xAC00] =	vst v63  }
.LBB2_10:
.Ltmp8:
0x217: {  	(pc) =	sbr.rel @p0 .LBB2_14-.Ltmp8, $4  }
0x218: {  	s26 =	sor.u32 $0x4, s24  }
0x219: {  	p1 =	sgt.u32 s26, $0x31  }
0x21a: {  	s0 =	simm.s32 @!p1 $0x80;
	s28 =	simm.s32 @!p1 $0x600;
	s29 =	simm.s32 @!p1 $0xC00  }
0x21b: {  	[tilespmem:s29], [sflag:$0x2] =	stream.indirect.gather @!p1 [hbm4b:s6+s0], $0x80, s28, s0, $0xb8;
	[tilespmem:$0xAC00] =	vst v63  }
0x21c: {  	_ =	swait.ge [sflag:s18], $0x4000  }
0x21d: {  	[sflag:s18] =	ssyncset.done $0x0  }
0x21e: {  	[sflag:s18] =	ssyncadd.s32 $0xFFFFC000  }
0x21f: {  	_ =	swait.ge [sflag:s21], $0x1000  }
0x220: {  	[sflag:s21] =	ssyncset.done $0x0  }
0x221: {  	[sflag:s21] =	ssyncadd.s32 $0xFFFFF000  }
0x222: {  	v15 =	vld [tilespmem:$0x980]  }
0x223: {  	v13 =	vld [tilespmem:$0x9A0]  }
0x224: {  	v14 =	vld [tilespmem:$0x990]  }
0x225: {  	v12 =	vld [tilespmem:$0x9B0]  }
0x226: {  	s0 =	simm.s32 $0x1  }
0x227: {  	v11 =	vld [tilespmem:$0x9C0];
	v9 =	vadd.s32 s0, v15  }
0x228: {  	v10 =	vld [tilespmem:$0x9D0];
	v18 =	vadd.s32 s0, v13;
	v16 =	vadd.s32 v0, v9  }
0x229: {  	v8 =	vld [tilespmem:$0x9E0];
	v9 =	vadd.s32 s0, v14;
	v18 =	vadd.s32 v2, v18  }
0x22a: {  	v19 =	vadd.s32 s0, v12;
	v17 =	vadd.s32 v7, v9  }
0x22b: {  	v19 =	vadd.s32 v5, v19  }
0x22c: {  	v20 =	vadd.s32 s0, v11;
	v9 =	vld [tilespmem:$0x9F0]  }
0x22d: {  	v21 =	vadd.s32 s0, v10;
	v20 =	vadd.s32 v3, v20;
	v22 =	vld.idx.msk [tilespmem:v16+s14+$0x0], $0xffff  }
0x22e: {  	s28 =	simm.s32 $0x3;
	v16 =	vadd.s32 v6, v21;
	v21 =	vadd.s32 s0, v8;
	v24 =	vld.idx.msk [tilespmem:v18+s14+$0x0], $0xffff  }
0x22f: {  	v23 =	vld.idx.msk [tilespmem:v17+s14+$0x0], $0xffff;
	v17 =	vadd.s32 v1, v21;
	v21 =	vadd.s32 s28, v15  }
0x230: {  	v25 =	vld.idx.msk [tilespmem:v19+s14+$0x0], $0xffff;
	v19 =	vadd.s32 s28, v14;
	v18 =	vadd.s32 v0, v21  }
0x231: {  	v19 =	vadd.s32 v7, v19;
	v21 =	vadd.s32 s28, v9  }
0x232: {  	v26 =	vadd.s32 s28, v13;
	v20 =	vld.idx.msk [tilespmem:v20+s14+$0x0], $0xffff;
	v21 =	vadd.s32 v4, v21  }
0x233: {  	v27 =	vld.idx.msk [tilespmem:v16+s14+$0x0], $0xffff;
	v16 =	vadd.s32 v2, v26;
	v26 =	vadd.s32 s28, v12  }
0x234: {  	v28 =	vld.idx.msk [tilespmem:v17+s14+$0x0], $0xffff;
	v17 =	vadd.s32 v5, v26;
	v26 =	vadd.s32 s28, v11  }
0x235: {  	v31 =	vld.idx.msk [tilespmem:v18+s14+$0x0], $0xffff;
	v18 =	vadd.s32 v3, v26;
	v26 =	vadd.s32 s28, v10  }
0x236: {  	v29 =	vadd.s32 s28, v8;
	v33 =	vld.idx.msk [tilespmem:v19+s14+$0x0], $0xffff;
	v26 =	vadd.s32 v6, v26  }
0x237: {  	v29 =	vadd.s32 v1, v29;
	v30 =	vadd.s32 s0, v9;
	s0 =	simm.s32 $0x2;
	v21 =	vld.idx.msk [tilespmem:v21+s14+$0x0], $0xffff  }
0x238: {  	v30 =	vadd.s32 v4, v30;
	v19 =	vadd.s32 s0, v15;
	v36 =	vld.idx.msk [tilespmem:v16+s14+$0x0], $0xffff  }
0x239: {  	v32 =	vadd.s32 v0, v19;
	v16 =	vadd.s32 s0, v14;
	v19 =	vld.idx.msk [tilespmem:v17+s14+$0x0], $0xffff  }
0x23a: {  	v34 =	vadd.s32 v7, v16;
	v16 =	vadd.s32 s0, v13;
	v17 =	vld.idx.msk [tilespmem:v18+s14+$0x0], $0xffff  }
0x23b: {  	s28 =	simm.s32 $0x9D00;
	v35 =	vadd.s32 v2, v16;
	v18 =	vadd.s32 s0, v12;
	v16 =	vld.idx.msk [tilespmem:v26+s14+$0x0], $0xffff  }
0x23c: {  	v37 =	vadd.s32 s0, v11;
	v26 =	vadd.s32 v5, v18;
	v18 =	vld.idx.msk [tilespmem:v29+s14+$0x0], $0xffff;
	[tilespmem:s28+$0xF0] =	vst v21  }
0x23d: {  	v54 =	vadd.s32 s0, v8;
	v21 =	vld.idx.msk [tilespmem:v30+s14+$0x0], $0xffff;
	v29 =	vadd.s32 v3, v37;
	[tilespmem:s28+$0xFFFFFF80] =	vst v22  }
0x23e: {  	v30 =	vadd.s32 s0, v10;
	v22 =	vld.idx.msk [tilespmem:v32+s14+$0x0], $0xffff;
	[tilespmem:s28+$0xFFFFFF90] =	vst v23;
	v32 =	vadd.s32 v1, v54  }
0x23f: {  	v55 =	vadd.s32 s0, v9;
	s0 =	simm.s32 $0x0;
	[tilespmem:s28+$0xFFFFFFA0] =	vst v24;
	v30 =	vadd.s32 v6, v30;
	v23 =	vld.idx.msk [tilespmem:v34+s14+$0x0], $0xffff  }
0x240: {  	[tilespmem:s28+$0xFFFFFFB0] =	vst v25;
	v56 =	vadd.s32 s0, v15;
	v34 =	vadd.s32 v4, v55;
	v24 =	vld.idx.msk [tilespmem:v35+s14+$0x0], $0xffff  }
0x241: {  	[tilespmem:s28+$0xFFFFFFC0] =	vst v20;
	v57 =	vadd.s32 s0, v14;
	v25 =	vld.idx.msk [tilespmem:v26+s14+$0x0], $0xffff;
	v26 =	vadd.s32 v0, v56  }
0x242: {  	[tilespmem:s28+$0xFFFFFFD0] =	vst v27;
	v58 =	vadd.s32 s0, v13;
	v20 =	vld.idx.msk [tilespmem:v29+s14+$0x0], $0xffff;
	v29 =	vadd.s32 v7, v57  }
0x243: {  	[tilespmem:s28+$0xFFFFFFE0] =	vst v28;
	v59 =	vadd.s32 s0, v12;
	v27 =	vadd.s32 v2, v58;
	v32 =	vld.idx.msk [tilespmem:v32+s14+$0x0], $0xffff  }
0x244: {  	v28 =	vadd.s32 s0, v11;
	v35 =	vadd.s32 v5, v59;
	[tilespmem:s28+$0xFFFFFFF0] =	vst v21;
	v30 =	vld.idx.msk [tilespmem:v30+s14+$0x0], $0xffff  }
0x245: {  	s31 =	simm.s32 $0x5;
	v60 =	vadd.s32 v3, v28;
	v28 =	vadd.s32 s0, v10;
	v21 =	vld.idx.msk [tilespmem:v34+s14+$0x0], $0xffff;
	[tilespmem:s28+$0x0] =	vst v22  }
0x246: {  	[tilespmem:s28+$0x20] =	vst v24;
	v24 =	vadd.s32 s31, v15;
	v22 =	vld.idx.msk [tilespmem:v26+s14+$0x0], $0xffff;
	v26 =	vadd.s32 v6, v28  }
0x247: {  	[tilespmem:s28+$0x10] =	vst v23;
	v28 =	vadd.s32 s0, v8;
	v23 =	vld.idx.msk [tilespmem:v29+s14+$0x0], $0xffff;
	v39 =	vadd.s32 v0, v24  }
0x248: {  	[tilespmem:s28+$0x80] =	vst v31;
	v29 =	vadd.s32 s0, v9;
	v61 =	vadd.s32 v1, v28;
	v28 =	vld.idx.msk [tilespmem:v27+s14+$0x0], $0xffff  }
0x249: {  	[tilespmem:s28+$0x30] =	vst v25;
	v24 =	vadd.s32 s31, v14;
	v38 =	vadd.s32 v4, v29;
	v29 =	vld.idx.msk [tilespmem:v35+s14+$0x0], $0xffff  }
0x24a: {  	[tilespmem:s28+$0x40] =	vst v20;
	v20 =	vadd.s32 s31, v13;
	v62 =	vadd.s32 v7, v24;
	v27 =	vld.idx.msk [tilespmem:v60+s14+$0x0], $0xffff  }
0x24b: {  	[tilespmem:s28+$0x60] =	vst v32;
	v32 =	vadd.s32 v2, v20;
	v20 =	vadd.s32 s31, v11;
	v24 =	vld.idx.msk [tilespmem:v26+s14+$0x0], $0xffff;
	v26 =	vadd.s32 s31, v12  }
0x24c: {  	[tilespmem:s28+$0x50] =	vst v30;
	v31 =	vadd.s32 v3, v20;
	v20 =	vld.idx.msk [tilespmem:v39+s14+$0x0], $0xffff;
	v30 =	vadd.s32 v5, v26  }
0x24d: {  	[tilespmem:s28+$0x70] =	vst v21;
	v21 =	vadd.s32 s31, v10;
	v25 =	vld.idx.msk [tilespmem:v61+s14+$0x0], $0xffff  }
0x24e: {  	v63 =	vadd.s32 s31, v8;
	[tilespmem:s28+$0x90] =	vst v33;
	s0 =	simm.s32 $0x7;
	v34 =	vadd.s32 v6, v21;
	v26 =	vld.idx.msk [tilespmem:v38+s14+$0x0], $0xffff  }
0x24f: {  	s29 =	simm.s32 $0x4;
	s30 =	simm.s32 $0x8;
	v33 =	vadd.s32 v1, v63;
	[tilespmem:s28+$0xA0] =	vst v36;
	v35 =	vadd.s32 s0, v15;
	v21 =	vld.idx.msk [tilespmem:v62+s14+$0x0], $0xffff  }
.LBB2_12:
0x250: {  	p0 =	slt.u32 s30, $0x1C;
	v32 =	vld.idx.msk [tilespmem:v32+s14+$0x0], $0xffff;
	v35 =	vadd.s32 v0, v35;
	v36 =	vadd.s32 s0, v9;
	[tilespmem:s28+$0xB0] =	vst v19  }
0x251: {  	v19 =	vadd.s32 s0, v14;
	v30 =	vld.idx.msk [tilespmem:v30+s14+$0x0], $0xffff;
	v36 =	vadd.s32 v4, v36;
	[tilespmem:s28+$0xC0] =	vst v17  }
0x252: {  	v17 =	vadd.s32 v7, v19;
	v19 =	vadd.s32 s0, v13;
	v31 =	vld.idx.msk [tilespmem:v31+s14+$0x0], $0xffff;
	[tilespmem:s28+$0xD0] =	vst v16  }
0x253: {  	v16 =	vadd.s32 v2, v19;
	v19 =	vadd.s32 s0, v12;
	v34 =	vld.idx.msk [tilespmem:v34+s14+$0x0], $0xffff;
	[tilespmem:s28+$0xE0] =	vst v18  }
0x254: {  	v18 =	vadd.s32 v5, v19;
	v19 =	vadd.s32 s0, v11;
	v33 =	vld.idx.msk [tilespmem:v33+s14+$0x0], $0xffff;
	[tilespmem:s28+$0xFFFFFF00] =	vst v22  }
0x255: {  	v22 =	vadd.s32 v3, v19;
	v19 =	vadd.s32 s0, v10;
	v35 =	vld.idx.msk [tilespmem:v35+s14+$0x0], $0xffff;
	[tilespmem:s28+$0xFFFFFF10] =	vst v23  }
0x256: {  	v23 =	vadd.s32 v6, v19;
	v19 =	vadd.s32 s0, v8;
	v36 =	vld.idx.msk [tilespmem:v36+s14+$0x0], $0xffff;
	[tilespmem:s28+$0xFFFFFF20] =	vst v28  }
0x257: {  	s0 =	sadd.s32 $0x2, s29;
	v28 =	vadd.s32 s31, v9;
	v38 =	vadd.s32 v1, v19;
	v37 =	vld.idx.msk [tilespmem:v17+s14+$0x0], $0xffff;
	[tilespmem:s28+$0xFFFFFF30] =	vst v29  }
0x258: {  	v28 =	vadd.s32 v4, v28;
	v17 =	vadd.s32 s0, v15;
	v39 =	vld.idx.msk [tilespmem:v16+s14+$0x0], $0xffff;
	[tilespmem:s28+$0xFFFFFF40] =	vst v27  }
0x259: {  	v27 =	vadd.s32 v0, v17;
	v16 =	vadd.s32 s0, v14;
	v19 =	vld.idx.msk [tilespmem:v18+s14+$0x0], $0xffff;
	[tilespmem:s28+$0xFFFFFF50] =	vst v24  }
0x25a: {  	v24 =	vadd.s32 v7, v16;
	v16 =	vadd.s32 s0, v13;
	v17 =	vld.idx.msk [tilespmem:v22+s14+$0x0], $0xffff;
	[tilespmem:s28+$0xFFFFFF60] =	vst v25  }
0x25b: {  	v18 =	vadd.s32 s0, v12;
	v22 =	vadd.s32 v2, v16;
	v16 =	vld.idx.msk [tilespmem:v23+s14+$0x0], $0xffff;
	[tilespmem:s28+$0xFFFFFF70] =	vst v26;
	s28 =	sadd.s32 $0x200, s28  }
0x25c: {  	v25 =	vadd.s32 s0, v11;
	v23 =	vadd.s32 v5, v18;
	v18 =	vld.idx.msk [tilespmem:v38+s14+$0x0], $0xffff;
	[tilespmem:s28+$0xF0] =	vst v36  }
0x25d: {  	v26 =	vld.idx.msk [tilespmem:v28+s14+$0x0], $0xffff;
	[tilespmem:s28+$0xFFFFFF80] =	vst v20;
	v20 =	vadd.s32 v3, v25;
	v25 =	vadd.s32 s0, v10  }
0x25e: {  	[tilespmem:s28+$0xFFFFFF90] =	vst v21;
	v21 =	vld.idx.msk [tilespmem:v27+s14+$0x0], $0xffff;
	v25 =	vadd.s32 v6, v25;
	v27 =	vadd.s32 s0, v8  }
0x25f: {  	v28 =	vadd.s32 s0, v9;
	[tilespmem:s28+$0xFFFFFFA0] =	vst v32;
	v24 =	vld.idx.msk [tilespmem:v24+s14+$0x0], $0xffff;
	v27 =	vadd.s32 v1, v27  }
0x260: {  	v29 =	vadd.s32 s29, v15;
	[tilespmem:s28+$0xFFFFFFB0] =	vst v30;
	v30 =	vld.idx.msk [tilespmem:v22+s14+$0x0], $0xffff;
	v22 =	vadd.s32 v4, v28  }
0x261: {  	v28 =	vadd.s32 v0, v29;
	v29 =	vadd.s32 s29, v14;
	[tilespmem:s28+$0xFFFFFFC0] =	vst v31;
	v31 =	vld.idx.msk [tilespmem:v23+s14+$0x0], $0xffff  }
0x262: {  	v23 =	vadd.s32 v7, v29;
	v29 =	vadd.s32 s29, v13;
	[tilespmem:s28+$0xFFFFFFD0] =	vst v34;
	v20 =	vld.idx.msk [tilespmem:v20+s14+$0x0], $0xffff  }
0x263: {  	v32 =	vadd.s32 s29, v12;
	v29 =	vadd.s32 v2, v29;
	[tilespmem:s28+$0xFFFFFFE0] =	vst v33;
	v25 =	vld.idx.msk [tilespmem:v25+s14+$0x0], $0xffff  }
0x264: {  	v32 =	vadd.s32 v5, v32;
	v33 =	vadd.s32 s29, v11;
	[tilespmem:s28+$0xFFFFFFF0] =	vst v26;
	v26 =	vld.idx.msk [tilespmem:v27+s14+$0x0], $0xffff  }
0x265: {  	v27 =	vadd.s32 v3, v33;
	v33 =	vadd.s32 s29, v10;
	v34 =	vld.idx.msk [tilespmem:v22+s14+$0x0], $0xffff;
	[tilespmem:s28+$0x0] =	vst v21  }
0x266: {  	v21 =	vadd.s32 v6, v33;
	v22 =	vld.idx.msk [tilespmem:v28+s14+$0x0], $0xffff;
	v28 =	vadd.s32 s29, v8;
	[tilespmem:s28+$0x10] =	vst v24  }
0x267: {  	s31 =	sadd.s32 $0x1, s30;
	v24 =	vadd.s32 s29, v9;
	s29 =	smov.u32 s30;
	v23 =	vld.idx.msk [tilespmem:v23+s14+$0x0], $0xffff;
	v33 =	vadd.s32 v1, v28;
	[tilespmem:s28+$0x20] =	vst v30  }
0x268: {  	v30 =	vadd.s32 s31, v15;
	v36 =	vadd.s32 v4, v24;
	v28 =	vld.idx.msk [tilespmem:v29+s14+$0x0], $0xffff;
	[tilespmem:s28+$0x30] =	vst v31  }
0x269: {  	v24 =	vadd.s32 s31, v14;
	v38 =	vadd.s32 v0, v30;
	v29 =	vld.idx.msk [tilespmem:v32+s14+$0x0], $0xffff;
	[tilespmem:s28+$0x40] =	vst v20  }
0x26a: {  	v40 =	vadd.s32 v7, v24;
	v20 =	vadd.s32 s31, v13;
	v27 =	vld.idx.msk [tilespmem:v27+s14+$0x0], $0xffff;
	[tilespmem:s28+$0x50] =	vst v25  }
.Ltmp9:
0x26b: {  	v32 =	vadd.s32 v2, v20;
	v20 =	vadd.s32 s31, v12;
	v24 =	vld.idx.msk [tilespmem:v21+s14+$0x0], $0xffff;
	[tilespmem:s28+$0x60] =	vst v26;
	(pc) =	sbr.rel @p0 .LBB2_12-.Ltmp9, $4  }
0x26c: {  	v30 =	vadd.s32 v5, v20;
	v20 =	vadd.s32 s31, v11;
	v25 =	vld.idx.msk [tilespmem:v33+s14+$0x0], $0xffff;
	[tilespmem:s28+$0x70] =	vst v34  }
0x26d: {  	v21 =	vadd.s32 s31, v10;
	v31 =	vadd.s32 v3, v20;
	v26 =	vld.idx.msk [tilespmem:v36+s14+$0x0], $0xffff;
	[tilespmem:s28+$0x80] =	vst v35  }
0x26e: {  	s0 =	sadd.s32 $0x3, s30;
	v34 =	vadd.s32 v6, v21;
	v33 =	vadd.s32 s31, v8;
	v20 =	vld.idx.msk [tilespmem:v38+s14+$0x0], $0xffff;
	[tilespmem:s28+$0x90] =	vst v37  }
0x26f: {  	s30 =	sadd.s32 $0x4, s30;
	v33 =	vadd.s32 v1, v33;
	v35 =	vadd.s32 s0, v15;
	v21 =	vld.idx.msk [tilespmem:v40+s14+$0x0], $0xffff;
	[tilespmem:s28+$0xA0] =	vst v39  }
0x270: {  	[tilespmem:s28+$0xB0] =	vst v19  }
0x271: {  	[tilespmem:s28+$0xC0] =	vst v17  }
0x272: {  	[tilespmem:s28+$0xD0] =	vst v16  }
0x273: {  	[tilespmem:s28+$0xE0] =	vst v18  }
0x274: {  	[tilespmem:s28+$0xFFFFFF00] =	vst v22  }
0x275: {  	[tilespmem:s28+$0xFFFFFF10] =	vst v23  }
0x276: {  	v32 =	vld.idx.msk [tilespmem:v32+s14+$0x0], $0xffff;
	v35 =	vadd.s32 v0, v35;
	[tilespmem:s28+$0xFFFFFF20] =	vst v28;
	v59 =	vadd.s32 s31, v9  }
0x277: {  	v36 =	vadd.s32 s0, v9;
	v19 =	vld.idx.msk [tilespmem:v30+s14+$0x0], $0xffff;
	[tilespmem:s28+$0xFFFFFF30] =	vst v29;
	v28 =	vadd.s32 v4, v59  }
0x278: {  	v51 =	vadd.s32 s0, v14;
	v17 =	vld.idx.msk [tilespmem:v31+s14+$0x0], $0xffff;
	[tilespmem:s28+$0xFFFFFF40] =	vst v27;
	v36 =	vadd.s32 v4, v36  }
0x279: {  	v52 =	vadd.s32 s0, v13;
	v16 =	vld.idx.msk [tilespmem:v34+s14+$0x0], $0xffff;
	[tilespmem:s28+$0xFFFFFF50] =	vst v24;
	v30 =	vadd.s32 v7, v51  }
0x27a: {  	v53 =	vadd.s32 s0, v12;
	v18 =	vld.idx.msk [tilespmem:v33+s14+$0x0], $0xffff;
	v31 =	vadd.s32 v2, v52;
	[tilespmem:s28+$0xFFFFFF60] =	vst v25  }
0x27b: {  	v55 =	vadd.s32 s0, v11;
	v54 =	vadd.s32 v5, v53;
	[tilespmem:s28+$0xFFFFFF70] =	vst v26;
	s28 =	sadd.s32 $0x200, s28;
	v22 =	vld.idx.msk [tilespmem:v35+s14+$0x0], $0xffff  }
0x27c: {  	v56 =	vadd.s32 s0, v10;
	v34 =	vadd.s32 v3, v55;
	v28 =	vld.idx.msk [tilespmem:v28+s14+$0x0], $0xffff;
	[tilespmem:s28+$0xFFFFFF80] =	vst v20  }
0x27d: {  	v58 =	vadd.s32 s0, v8;
	s30 =	sadd.s32 $0x2, s29;
	v57 =	vadd.s32 v6, v56;
	v36 =	vld.idx.msk [tilespmem:v36+s14+$0x0], $0xffff;
	[tilespmem:s28+$0xFFFFFF90] =	vst v21  }
0x27e: {  	v60 =	vadd.s32 s30, v15;
	v35 =	vadd.s32 v1, v58;
	v30 =	vld.idx.msk [tilespmem:v30+s14+$0x0], $0xffff;
	[tilespmem:s28+$0xFFFFFFA0] =	vst v32  }
0x27f: {  	v62 =	vadd.s32 s30, v14;
	v61 =	vadd.s32 v0, v60;
	v31 =	vld.idx.msk [tilespmem:v31+s14+$0x0], $0xffff;
	[tilespmem:s28+$0xFFFFFFB0] =	vst v19  }
0x280: {  	v39 =	vadd.s32 s30, v13;
	v63 =	vadd.s32 v7, v62;
	v33 =	vld.idx.msk [tilespmem:v54+s14+$0x0], $0xffff;
	[tilespmem:s28+$0xFFFFFFC0] =	vst v17  }
0x281: {  	v41 =	vadd.s32 s30, v12;
	v40 =	vadd.s32 v2, v39;
	v34 =	vld.idx.msk [tilespmem:v34+s14+$0x0], $0xffff;
	[tilespmem:s28+$0xFFFFFFD0] =	vst v16  }
0x282: {  	v43 =	vadd.s32 s30, v11;
	v42 =	vadd.s32 v5, v41;
	v23 =	vld.idx.msk [tilespmem:v57+s14+$0x0], $0xffff;
	[tilespmem:s28+$0xFFFFFFE0] =	vst v18  }
0x283: {  	v44 =	vadd.s32 s30, v10;
	v29 =	vadd.s32 v3, v43;
	v35 =	vld.idx.msk [tilespmem:v35+s14+$0x0], $0xffff;
	[tilespmem:s28+$0x80] =	vst v22  }
0x284: {  	v47 =	vadd.s32 s30, v8;
	v46 =	vadd.s32 v6, v44;
	v45 =	vld.idx.msk [tilespmem:v61+s14+$0x0], $0xffff;
	[tilespmem:s28+$0xF0] =	vst v36  }
0x285: {  	v50 =	vadd.s32 s30, v9;
	v49 =	vadd.s32 v1, v47;
	v48 =	vld.idx.msk [tilespmem:v63+s14+$0x0], $0xffff;
	[tilespmem:s28+$0xFFFFFFF0] =	vst v28  }
0x286: {  	v59 =	vadd.s32 s29, v13;
	v51 =	vadd.s32 v4, v50;
	v25 =	vld.idx.msk [tilespmem:v40+s14+$0x0], $0xffff;
	[tilespmem:s28+$0x90] =	vst v30  }
0x287: {  	v8 =	vadd.s32 s29, v8;
	v13 =	vadd.s32 v2, v59;
	v52 =	vld.idx.msk [tilespmem:v42+s14+$0x0], $0xffff;
	[tilespmem:s28+$0xA0] =	vst v31  }
0x288: {  	v60 =	vadd.s32 s29, v12;
	v8 =	vadd.s32 v1, v8;
	v53 =	vld.idx.msk [tilespmem:v29+s14+$0x0], $0xffff;
	[tilespmem:s28+$0xB0] =	vst v33  }
0x289: {  	v62 =	vadd.s32 s29, v10;
	v12 =	vadd.s32 v5, v60;
	v54 =	vld.idx.msk [tilespmem:v46+s14+$0x0], $0xffff;
	[tilespmem:s28+$0xC0] =	vst v34  }
0x28a: {  	v10 =	vadd.s32 v6, v62;
	v58 =	vadd.s32 s29, v14;
	v55 =	vld.idx.msk [tilespmem:v49+s14+$0x0], $0xffff;
	[tilespmem:s28+$0xD0] =	vst v23  }
0x28b: {  	v57 =	vadd.s32 s29, v15;
	v14 =	vadd.s32 v7, v58;
	v56 =	vld.idx.msk [tilespmem:v51+s14+$0x0], $0xffff;
	[tilespmem:s28+$0x0] =	vst v45  }
0x28c: {  	v15 =	vadd.s32 v0, v57;
	v61 =	vadd.s32 s29, v11;
	v13 =	vld.idx.msk [tilespmem:v13+s14+$0x0], $0xffff;
	[tilespmem:s28+$0x10] =	vst v48  }
0x28d: {  	v63 =	vadd.s32 s29, v9;
	v8 =	vld.idx.msk [tilespmem:v8+s14+$0x0], $0xffff;
	v11 =	vadd.s32 v3, v61;
	[tilespmem:s28+$0x20] =	vst v25  }
0x28e: {  	v9 =	vadd.s32 v4, v63;
	v12 =	vld.idx.msk [tilespmem:v12+s14+$0x0], $0xffff;
	[tilespmem:s28+$0x30] =	vst v52  }
0x28f: {  	v10 =	vld.idx.msk [tilespmem:v10+s14+$0x0], $0xffff;
	[tilespmem:s28+$0x40] =	vst v53  }
0x290: {  	v14 =	vld.idx.msk [tilespmem:v14+s14+$0x0], $0xffff;
	[tilespmem:s28+$0x50] =	vst v54  }
0x291: {  	[tilespmem:s28+$0x60] =	vst v55;
	v15 =	vld.idx.msk [tilespmem:v15+s14+$0x0], $0xffff  }
0x292: {  	[tilespmem:s28+$0x70] =	vst v56;
	v11 =	vld.idx.msk [tilespmem:v11+s14+$0x0], $0xffff  }
0x293: {  	v9 =	vld.idx.msk [tilespmem:v9+s14+$0x0], $0xffff;
	[tilespmem:s28+$0xFFFFFF20] =	vst v13  }
0x294: {  	[tilespmem:s28+$0xFFFFFF30] =	vst v12  }
0x295: {  	[tilespmem:s28+$0xFFFFFF50] =	vst v10  }
0x296: {  	[tilespmem:s28+$0xFFFFFF60] =	vst v8  }
0x297: {  	[tilespmem:s28+$0xE0] =	vst v35  }
0x298: {  	s25 =	sshll.u32 s25, $0x13;
	[tilespmem:s28+$0xFFFFFF10] =	vst v14  }
0x299: {  	s25 =	sor.u32 s25, s23;
	[tilespmem:s28+$0xFFFFFF00] =	vst v15  }
0x29a: {  	s25 =	sshrl.u32 s25, $0x3;
	[tilespmem:s28+$0xFFFFFF40] =	vst v11  }
0x29b: {  	s31 =	sadd.s32 s2, s25;
	[tilespmem:s28+$0xFFFFFF70] =	vst v9  }
0x29c: {  	[hbm4b:s31+s11] =	stream.strided.scatter [tilespmem:s19], [sflag:$0x5], $0x1000, s16, s11, $0x38;
	[tilespmem:$0xAC00] =	vst v63  }
.LBB2_14:
.Ltmp10:
0x29d: {  	(pc) =	sbr.rel @p1 .LBB2_18-.Ltmp10, $4  }
0x29e: {  	s25 =	sor.u32 $0x5, s24  }
0x29f: {  	p0 =	sgt.u32 s25, $0x31  }
0x2a0: {  	s0 =	simm.s32 @!p0 $0x80;
	s28 =	simm.s32 @!p0 $0x680;
	s29 =	simm.s32 @!p0 $0x4C00  }
0x2a1: {  	[tilespmem:s29], [sflag:$0x3] =	stream.indirect.gather @!p0 [hbm4b:s6+s0], $0x80, s28, s0, $0xb8;
	[tilespmem:$0xAC00] =	vst v63  }
0x2a2: {  	_ =	swait.ge [sflag:s15], $0x4000  }
0x2a3: {  	[sflag:s15] =	ssyncset.done $0x0  }
0x2a4: {  	[sflag:s15] =	ssyncadd.s32 $0xFFFFC000  }
0x2a5: {  	_ =	swait.ge [sflag:s20], $0x1000  }
0x2a6: {  	[sflag:s20] =	ssyncset.done $0x0  }
0x2a7: {  	[sflag:s20] =	ssyncadd.s32 $0xFFFFF000  }
0x2a8: {  	v15 =	vld [tilespmem:$0xA00]  }
0x2a9: {  	v13 =	vld [tilespmem:$0xA20]  }
0x2aa: {  	v14 =	vld [tilespmem:$0xA10]  }
0x2ab: {  	v12 =	vld [tilespmem:$0xA30]  }
0x2ac: {  	s0 =	simm.s32 $0x1  }
0x2ad: {  	v11 =	vld [tilespmem:$0xA40];
	v9 =	vadd.s32 s0, v15  }
0x2ae: {  	v10 =	vld [tilespmem:$0xA50];
	v18 =	vadd.s32 s0, v13;
	v16 =	vadd.s32 v0, v9  }
0x2af: {  	v8 =	vld [tilespmem:$0xA60];
	v9 =	vadd.s32 s0, v14;
	v18 =	vadd.s32 v2, v18  }
0x2b0: {  	v19 =	vadd.s32 s0, v12;
	v17 =	vadd.s32 v7, v9  }
0x2b1: {  	v19 =	vadd.s32 v5, v19  }
0x2b2: {  	v20 =	vadd.s32 s0, v11;
	v9 =	vld [tilespmem:$0xA70]  }
0x2b3: {  	v21 =	vadd.s32 s0, v10;
	v20 =	vadd.s32 v3, v20;
	v22 =	vld.idx.msk [tilespmem:v16+s12+$0x0], $0xffff  }
0x2b4: {  	s28 =	simm.s32 $0x3;
	v16 =	vadd.s32 v6, v21;
	v21 =	vadd.s32 s0, v8;
	v24 =	vld.idx.msk [tilespmem:v18+s12+$0x0], $0xffff  }
0x2b5: {  	v23 =	vld.idx.msk [tilespmem:v17+s12+$0x0], $0xffff;
	v17 =	vadd.s32 v1, v21;
	v21 =	vadd.s32 s28, v15  }
0x2b6: {  	v25 =	vld.idx.msk [tilespmem:v19+s12+$0x0], $0xffff;
	v19 =	vadd.s32 s28, v14;
	v18 =	vadd.s32 v0, v21  }
0x2b7: {  	v19 =	vadd.s32 v7, v19;
	v21 =	vadd.s32 s28, v9  }
0x2b8: {  	v26 =	vadd.s32 s28, v13;
	v20 =	vld.idx.msk [tilespmem:v20+s12+$0x0], $0xffff;
	v21 =	vadd.s32 v4, v21  }
0x2b9: {  	v27 =	vld.idx.msk [tilespmem:v16+s12+$0x0], $0xffff;
	v16 =	vadd.s32 v2, v26;
	v26 =	vadd.s32 s28, v12  }
0x2ba: {  	v28 =	vld.idx.msk [tilespmem:v17+s12+$0x0], $0xffff;
	v17 =	vadd.s32 v5, v26;
	v26 =	vadd.s32 s28, v11  }
0x2bb: {  	v31 =	vld.idx.msk [tilespmem:v18+s12+$0x0], $0xffff;
	v18 =	vadd.s32 v3, v26;
	v26 =	vadd.s32 s28, v10  }
0x2bc: {  	v29 =	vadd.s32 s28, v8;
	v33 =	vld.idx.msk [tilespmem:v19+s12+$0x0], $0xffff;
	v26 =	vadd.s32 v6, v26  }
0x2bd: {  	v29 =	vadd.s32 v1, v29;
	v30 =	vadd.s32 s0, v9;
	s0 =	simm.s32 $0x2;
	v21 =	vld.idx.msk [tilespmem:v21+s12+$0x0], $0xffff  }
0x2be: {  	v30 =	vadd.s32 v4, v30;
	v19 =	vadd.s32 s0, v15;
	v36 =	vld.idx.msk [tilespmem:v16+s12+$0x0], $0xffff  }
0x2bf: {  	v32 =	vadd.s32 v0, v19;
	v16 =	vadd.s32 s0, v14;
	v19 =	vld.idx.msk [tilespmem:v17+s12+$0x0], $0xffff  }
0x2c0: {  	v34 =	vadd.s32 v7, v16;
	v16 =	vadd.s32 s0, v13;
	v17 =	vld.idx.msk [tilespmem:v18+s12+$0x0], $0xffff  }
0x2c1: {  	s28 =	simm.s32 $0x8D00;
	v35 =	vadd.s32 v2, v16;
	v18 =	vadd.s32 s0, v12;
	v16 =	vld.idx.msk [tilespmem:v26+s12+$0x0], $0xffff  }
0x2c2: {  	v37 =	vadd.s32 s0, v11;
	v26 =	vadd.s32 v5, v18;
	v18 =	vld.idx.msk [tilespmem:v29+s12+$0x0], $0xffff;
	[tilespmem:s28+$0xF0] =	vst v21  }
0x2c3: {  	v54 =	vadd.s32 s0, v8;
	v21 =	vld.idx.msk [tilespmem:v30+s12+$0x0], $0xffff;
	v29 =	vadd.s32 v3, v37;
	[tilespmem:s28+$0xFFFFFF80] =	vst v22  }
0x2c4: {  	v30 =	vadd.s32 s0, v10;
	v22 =	vld.idx.msk [tilespmem:v32+s12+$0x0], $0xffff;
	[tilespmem:s28+$0xFFFFFF90] =	vst v23;
	v32 =	vadd.s32 v1, v54  }
0x2c5: {  	v55 =	vadd.s32 s0, v9;
	s0 =	simm.s32 $0x0;
	[tilespmem:s28+$0xFFFFFFA0] =	vst v24;
	v30 =	vadd.s32 v6, v30;
	v23 =	vld.idx.msk [tilespmem:v34+s12+$0x0], $0xffff  }
0x2c6: {  	[tilespmem:s28+$0xFFFFFFB0] =	vst v25;
	v56 =	vadd.s32 s0, v15;
	v34 =	vadd.s32 v4, v55;
	v24 =	vld.idx.msk [tilespmem:v35+s12+$0x0], $0xffff  }
0x2c7: {  	[tilespmem:s28+$0xFFFFFFC0] =	vst v20;
	v57 =	vadd.s32 s0, v14;
	v25 =	vld.idx.msk [tilespmem:v26+s12+$0x0], $0xffff;
	v26 =	vadd.s32 v0, v56  }
0x2c8: {  	[tilespmem:s28+$0xFFFFFFD0] =	vst v27;
	v58 =	vadd.s32 s0, v13;
	v20 =	vld.idx.msk [tilespmem:v29+s12+$0x0], $0xffff;
	v29 =	vadd.s32 v7, v57  }
0x2c9: {  	[tilespmem:s28+$0xFFFFFFE0] =	vst v28;
	v59 =	vadd.s32 s0, v12;
	v27 =	vadd.s32 v2, v58;
	v32 =	vld.idx.msk [tilespmem:v32+s12+$0x0], $0xffff  }
0x2ca: {  	v28 =	vadd.s32 s0, v11;
	v35 =	vadd.s32 v5, v59;
	[tilespmem:s28+$0xFFFFFFF0] =	vst v21;
	v30 =	vld.idx.msk [tilespmem:v30+s12+$0x0], $0xffff  }
0x2cb: {  	s31 =	simm.s32 $0x5;
	v60 =	vadd.s32 v3, v28;
	v28 =	vadd.s32 s0, v10;
	v21 =	vld.idx.msk [tilespmem:v34+s12+$0x0], $0xffff;
	[tilespmem:s28+$0x0] =	vst v22  }
0x2cc: {  	[tilespmem:s28+$0x20] =	vst v24;
	v24 =	vadd.s32 s31, v15;
	v22 =	vld.idx.msk [tilespmem:v26+s12+$0x0], $0xffff;
	v26 =	vadd.s32 v6, v28  }
0x2cd: {  	[tilespmem:s28+$0x10] =	vst v23;
	v28 =	vadd.s32 s0, v8;
	v23 =	vld.idx.msk [tilespmem:v29+s12+$0x0], $0xffff;
	v39 =	vadd.s32 v0, v24  }
0x2ce: {  	[tilespmem:s28+$0x80] =	vst v31;
	v29 =	vadd.s32 s0, v9;
	v61 =	vadd.s32 v1, v28;
	v28 =	vld.idx.msk [tilespmem:v27+s12+$0x0], $0xffff  }
0x2cf: {  	[tilespmem:s28+$0x30] =	vst v25;
	v24 =	vadd.s32 s31, v14;
	v38 =	vadd.s32 v4, v29;
	v29 =	vld.idx.msk [tilespmem:v35+s12+$0x0], $0xffff  }
0x2d0: {  	[tilespmem:s28+$0x40] =	vst v20;
	v20 =	vadd.s32 s31, v13;
	v62 =	vadd.s32 v7, v24;
	v27 =	vld.idx.msk [tilespmem:v60+s12+$0x0], $0xffff  }
0x2d1: {  	[tilespmem:s28+$0x60] =	vst v32;
	v32 =	vadd.s32 v2, v20;
	v20 =	vadd.s32 s31, v11;
	v24 =	vld.idx.msk [tilespmem:v26+s12+$0x0], $0xffff;
	v26 =	vadd.s32 s31, v12  }
0x2d2: {  	[tilespmem:s28+$0x50] =	vst v30;
	v31 =	vadd.s32 v3, v20;
	v20 =	vld.idx.msk [tilespmem:v39+s12+$0x0], $0xffff;
	v30 =	vadd.s32 v5, v26  }
0x2d3: {  	[tilespmem:s28+$0x70] =	vst v21;
	v21 =	vadd.s32 s31, v10;
	v25 =	vld.idx.msk [tilespmem:v61+s12+$0x0], $0xffff  }
0x2d4: {  	v63 =	vadd.s32 s31, v8;
	[tilespmem:s28+$0x90] =	vst v33;
	s0 =	simm.s32 $0x7;
	v34 =	vadd.s32 v6, v21;
	v26 =	vld.idx.msk [tilespmem:v38+s12+$0x0], $0xffff  }
0x2d5: {  	s29 =	simm.s32 $0x4;
	s30 =	simm.s32 $0x8;
	v33 =	vadd.s32 v1, v63;
	[tilespmem:s28+$0xA0] =	vst v36;
	v35 =	vadd.s32 s0, v15;
	v21 =	vld.idx.msk [tilespmem:v62+s12+$0x0], $0xffff  }
.LBB2_16:
0x2d6: {  	p1 =	slt.u32 s30, $0x1C;
	v32 =	vld.idx.msk [tilespmem:v32+s12+$0x0], $0xffff;
	v35 =	vadd.s32 v0, v35;
	v36 =	vadd.s32 s0, v9;
	[tilespmem:s28+$0xB0] =	vst v19  }
0x2d7: {  	v19 =	vadd.s32 s0, v14;
	v30 =	vld.idx.msk [tilespmem:v30+s12+$0x0], $0xffff;
	v36 =	vadd.s32 v4, v36;
	[tilespmem:s28+$0xC0] =	vst v17  }
0x2d8: {  	v17 =	vadd.s32 v7, v19;
	v19 =	vadd.s32 s0, v13;
	v31 =	vld.idx.msk [tilespmem:v31+s12+$0x0], $0xffff;
	[tilespmem:s28+$0xD0] =	vst v16  }
0x2d9: {  	v16 =	vadd.s32 v2, v19;
	v19 =	vadd.s32 s0, v12;
	v34 =	vld.idx.msk [tilespmem:v34+s12+$0x0], $0xffff;
	[tilespmem:s28+$0xE0] =	vst v18  }
0x2da: {  	v18 =	vadd.s32 v5, v19;
	v19 =	vadd.s32 s0, v11;
	v33 =	vld.idx.msk [tilespmem:v33+s12+$0x0], $0xffff;
	[tilespmem:s28+$0xFFFFFF00] =	vst v22  }
0x2db: {  	v22 =	vadd.s32 v3, v19;
	v19 =	vadd.s32 s0, v10;
	v35 =	vld.idx.msk [tilespmem:v35+s12+$0x0], $0xffff;
	[tilespmem:s28+$0xFFFFFF10] =	vst v23  }
0x2dc: {  	v23 =	vadd.s32 v6, v19;
	v19 =	vadd.s32 s0, v8;
	v36 =	vld.idx.msk [tilespmem:v36+s12+$0x0], $0xffff;
	[tilespmem:s28+$0xFFFFFF20] =	vst v28  }
0x2dd: {  	s0 =	sadd.s32 $0x2, s29;
	v28 =	vadd.s32 s31, v9;
	v38 =	vadd.s32 v1, v19;
	v37 =	vld.idx.msk [tilespmem:v17+s12+$0x0], $0xffff;
	[tilespmem:s28+$0xFFFFFF30] =	vst v29  }
0x2de: {  	v28 =	vadd.s32 v4, v28;
	v17 =	vadd.s32 s0, v15;
	v39 =	vld.idx.msk [tilespmem:v16+s12+$0x0], $0xffff;
	[tilespmem:s28+$0xFFFFFF40] =	vst v27  }
0x2df: {  	v27 =	vadd.s32 v0, v17;
	v16 =	vadd.s32 s0, v14;
	v19 =	vld.idx.msk [tilespmem:v18+s12+$0x0], $0xffff;
	[tilespmem:s28+$0xFFFFFF50] =	vst v24  }
0x2e0: {  	v24 =	vadd.s32 v7, v16;
	v16 =	vadd.s32 s0, v13;
	v17 =	vld.idx.msk [tilespmem:v22+s12+$0x0], $0xffff;
	[tilespmem:s28+$0xFFFFFF60] =	vst v25  }
0x2e1: {  	v18 =	vadd.s32 s0, v12;
	v22 =	vadd.s32 v2, v16;
	v16 =	vld.idx.msk [tilespmem:v23+s12+$0x0], $0xffff;
	[tilespmem:s28+$0xFFFFFF70] =	vst v26;
	s28 =	sadd.s32 $0x200, s28  }
0x2e2: {  	v25 =	vadd.s32 s0, v11;
	v23 =	vadd.s32 v5, v18;
	v18 =	vld.idx.msk [tilespmem:v38+s12+$0x0], $0xffff;
	[tilespmem:s28+$0xF0] =	vst v36  }
0x2e3: {  	v26 =	vld.idx.msk [tilespmem:v28+s12+$0x0], $0xffff;
	[tilespmem:s28+$0xFFFFFF80] =	vst v20;
	v20 =	vadd.s32 v3, v25;
	v25 =	vadd.s32 s0, v10  }
0x2e4: {  	[tilespmem:s28+$0xFFFFFF90] =	vst v21;
	v21 =	vld.idx.msk [tilespmem:v27+s12+$0x0], $0xffff;
	v25 =	vadd.s32 v6, v25;
	v27 =	vadd.s32 s0, v8  }
0x2e5: {  	v28 =	vadd.s32 s0, v9;
	[tilespmem:s28+$0xFFFFFFA0] =	vst v32;
	v24 =	vld.idx.msk [tilespmem:v24+s12+$0x0], $0xffff;
	v27 =	vadd.s32 v1, v27  }
0x2e6: {  	v29 =	vadd.s32 s29, v15;
	[tilespmem:s28+$0xFFFFFFB0] =	vst v30;
	v30 =	vld.idx.msk [tilespmem:v22+s12+$0x0], $0xffff;
	v22 =	vadd.s32 v4, v28  }
0x2e7: {  	v28 =	vadd.s32 v0, v29;
	v29 =	vadd.s32 s29, v14;
	[tilespmem:s28+$0xFFFFFFC0] =	vst v31;
	v31 =	vld.idx.msk [tilespmem:v23+s12+$0x0], $0xffff  }
0x2e8: {  	v23 =	vadd.s32 v7, v29;
	v29 =	vadd.s32 s29, v13;
	[tilespmem:s28+$0xFFFFFFD0] =	vst v34;
	v20 =	vld.idx.msk [tilespmem:v20+s12+$0x0], $0xffff  }
0x2e9: {  	v32 =	vadd.s32 s29, v12;
	v29 =	vadd.s32 v2, v29;
	[tilespmem:s28+$0xFFFFFFE0] =	vst v33;
	v25 =	vld.idx.msk [tilespmem:v25+s12+$0x0], $0xffff  }
0x2ea: {  	v32 =	vadd.s32 v5, v32;
	v33 =	vadd.s32 s29, v11;
	[tilespmem:s28+$0xFFFFFFF0] =	vst v26;
	v26 =	vld.idx.msk [tilespmem:v27+s12+$0x0], $0xffff  }
0x2eb: {  	v27 =	vadd.s32 v3, v33;
	v33 =	vadd.s32 s29, v10;
	v34 =	vld.idx.msk [tilespmem:v22+s12+$0x0], $0xffff;
	[tilespmem:s28+$0x0] =	vst v21  }
0x2ec: {  	v21 =	vadd.s32 v6, v33;
	v22 =	vld.idx.msk [tilespmem:v28+s12+$0x0], $0xffff;
	v28 =	vadd.s32 s29, v8;
	[tilespmem:s28+$0x10] =	vst v24  }
0x2ed: {  	s31 =	sadd.s32 $0x1, s30;
	v24 =	vadd.s32 s29, v9;
	s29 =	smov.u32 s30;
	v23 =	vld.idx.msk [tilespmem:v23+s12+$0x0], $0xffff;
	v33 =	vadd.s32 v1, v28;
	[tilespmem:s28+$0x20] =	vst v30  }
0x2ee: {  	v30 =	vadd.s32 s31, v15;
	v36 =	vadd.s32 v4, v24;
	v28 =	vld.idx.msk [tilespmem:v29+s12+$0x0], $0xffff;
	[tilespmem:s28+$0x30] =	vst v31  }
0x2ef: {  	v24 =	vadd.s32 s31, v14;
	v38 =	vadd.s32 v0, v30;
	v29 =	vld.idx.msk [tilespmem:v32+s12+$0x0], $0xffff;
	[tilespmem:s28+$0x40] =	vst v20  }
0x2f0: {  	v40 =	vadd.s32 v7, v24;
	v20 =	vadd.s32 s31, v13;
	v27 =	vld.idx.msk [tilespmem:v27+s12+$0x0], $0xffff;
	[tilespmem:s28+$0x50] =	vst v25  }
.Ltmp11:
0x2f1: {  	v32 =	vadd.s32 v2, v20;
	v20 =	vadd.s32 s31, v12;
	v24 =	vld.idx.msk [tilespmem:v21+s12+$0x0], $0xffff;
	[tilespmem:s28+$0x60] =	vst v26;
	(pc) =	sbr.rel @p1 .LBB2_16-.Ltmp11, $4  }
0x2f2: {  	v30 =	vadd.s32 v5, v20;
	v20 =	vadd.s32 s31, v11;
	v25 =	vld.idx.msk [tilespmem:v33+s12+$0x0], $0xffff;
	[tilespmem:s28+$0x70] =	vst v34  }
0x2f3: {  	v21 =	vadd.s32 s31, v10;
	v31 =	vadd.s32 v3, v20;
	v26 =	vld.idx.msk [tilespmem:v36+s12+$0x0], $0xffff;
	[tilespmem:s28+$0x80] =	vst v35  }
0x2f4: {  	s0 =	sadd.s32 $0x3, s30;
	v34 =	vadd.s32 v6, v21;
	v33 =	vadd.s32 s31, v8;
	v20 =	vld.idx.msk [tilespmem:v38+s12+$0x0], $0xffff;
	[tilespmem:s28+$0x90] =	vst v37  }
0x2f5: {  	s30 =	sadd.s32 $0x4, s30;
	v33 =	vadd.s32 v1, v33;
	v35 =	vadd.s32 s0, v15;
	v21 =	vld.idx.msk [tilespmem:v40+s12+$0x0], $0xffff;
	[tilespmem:s28+$0xA0] =	vst v39  }
0x2f6: {  	[tilespmem:s28+$0xB0] =	vst v19  }
0x2f7: {  	[tilespmem:s28+$0xC0] =	vst v17  }
0x2f8: {  	[tilespmem:s28+$0xD0] =	vst v16  }
0x2f9: {  	[tilespmem:s28+$0xE0] =	vst v18  }
0x2fa: {  	[tilespmem:s28+$0xFFFFFF00] =	vst v22  }
0x2fb: {  	[tilespmem:s28+$0xFFFFFF10] =	vst v23  }
0x2fc: {  	v32 =	vld.idx.msk [tilespmem:v32+s12+$0x0], $0xffff;
	v35 =	vadd.s32 v0, v35;
	[tilespmem:s28+$0xFFFFFF20] =	vst v28;
	v59 =	vadd.s32 s31, v9  }
0x2fd: {  	v36 =	vadd.s32 s0, v9;
	v19 =	vld.idx.msk [tilespmem:v30+s12+$0x0], $0xffff;
	[tilespmem:s28+$0xFFFFFF30] =	vst v29;
	v28 =	vadd.s32 v4, v59  }
0x2fe: {  	v51 =	vadd.s32 s0, v14;
	v17 =	vld.idx.msk [tilespmem:v31+s12+$0x0], $0xffff;
	[tilespmem:s28+$0xFFFFFF40] =	vst v27;
	v36 =	vadd.s32 v4, v36  }
0x2ff: {  	v52 =	vadd.s32 s0, v13;
	v16 =	vld.idx.msk [tilespmem:v34+s12+$0x0], $0xffff;
	[tilespmem:s28+$0xFFFFFF50] =	vst v24;
	v30 =	vadd.s32 v7, v51  }
0x300: {  	v53 =	vadd.s32 s0, v12;
	v18 =	vld.idx.msk [tilespmem:v33+s12+$0x0], $0xffff;
	v31 =	vadd.s32 v2, v52;
	[tilespmem:s28+$0xFFFFFF60] =	vst v25  }
0x301: {  	v55 =	vadd.s32 s0, v11;
	v54 =	vadd.s32 v5, v53;
	[tilespmem:s28+$0xFFFFFF70] =	vst v26;
	s28 =	sadd.s32 $0x200, s28;
	v22 =	vld.idx.msk [tilespmem:v35+s12+$0x0], $0xffff  }
0x302: {  	v56 =	vadd.s32 s0, v10;
	v34 =	vadd.s32 v3, v55;
	v28 =	vld.idx.msk [tilespmem:v28+s12+$0x0], $0xffff;
	[tilespmem:s28+$0xFFFFFF80] =	vst v20  }
0x303: {  	v58 =	vadd.s32 s0, v8;
	s30 =	sadd.s32 $0x2, s29;
	v57 =	vadd.s32 v6, v56;
	v36 =	vld.idx.msk [tilespmem:v36+s12+$0x0], $0xffff;
	[tilespmem:s28+$0xFFFFFF90] =	vst v21  }
0x304: {  	v60 =	vadd.s32 s30, v15;
	v35 =	vadd.s32 v1, v58;
	v30 =	vld.idx.msk [tilespmem:v30+s12+$0x0], $0xffff;
	[tilespmem:s28+$0xFFFFFFA0] =	vst v32  }
0x305: {  	v62 =	vadd.s32 s30, v14;
	v61 =	vadd.s32 v0, v60;
	v31 =	vld.idx.msk [tilespmem:v31+s12+$0x0], $0xffff;
	[tilespmem:s28+$0xFFFFFFB0] =	vst v19  }
0x306: {  	v39 =	vadd.s32 s30, v13;
	v63 =	vadd.s32 v7, v62;
	v33 =	vld.idx.msk [tilespmem:v54+s12+$0x0], $0xffff;
	[tilespmem:s28+$0xFFFFFFC0] =	vst v17  }
0x307: {  	v41 =	vadd.s32 s30, v12;
	v40 =	vadd.s32 v2, v39;
	v34 =	vld.idx.msk [tilespmem:v34+s12+$0x0], $0xffff;
	[tilespmem:s28+$0xFFFFFFD0] =	vst v16  }
0x308: {  	v43 =	vadd.s32 s30, v11;
	v42 =	vadd.s32 v5, v41;
	v23 =	vld.idx.msk [tilespmem:v57+s12+$0x0], $0xffff;
	[tilespmem:s28+$0xFFFFFFE0] =	vst v18  }
0x309: {  	v44 =	vadd.s32 s30, v10;
	v29 =	vadd.s32 v3, v43;
	v35 =	vld.idx.msk [tilespmem:v35+s12+$0x0], $0xffff;
	[tilespmem:s28+$0x80] =	vst v22  }
0x30a: {  	v47 =	vadd.s32 s30, v8;
	v46 =	vadd.s32 v6, v44;
	v45 =	vld.idx.msk [tilespmem:v61+s12+$0x0], $0xffff;
	[tilespmem:s28+$0xF0] =	vst v36  }
0x30b: {  	v50 =	vadd.s32 s30, v9;
	v49 =	vadd.s32 v1, v47;
	v48 =	vld.idx.msk [tilespmem:v63+s12+$0x0], $0xffff;
	[tilespmem:s28+$0xFFFFFFF0] =	vst v28  }
0x30c: {  	v59 =	vadd.s32 s29, v13;
	v51 =	vadd.s32 v4, v50;
	v25 =	vld.idx.msk [tilespmem:v40+s12+$0x0], $0xffff;
	[tilespmem:s28+$0x90] =	vst v30  }
0x30d: {  	v8 =	vadd.s32 s29, v8;
	v13 =	vadd.s32 v2, v59;
	v52 =	vld.idx.msk [tilespmem:v42+s12+$0x0], $0xffff;
	[tilespmem:s28+$0xA0] =	vst v31  }
0x30e: {  	v60 =	vadd.s32 s29, v12;
	v8 =	vadd.s32 v1, v8;
	v53 =	vld.idx.msk [tilespmem:v29+s12+$0x0], $0xffff;
	[tilespmem:s28+$0xB0] =	vst v33  }
0x30f: {  	v62 =	vadd.s32 s29, v10;
	v12 =	vadd.s32 v5, v60;
	v54 =	vld.idx.msk [tilespmem:v46+s12+$0x0], $0xffff;
	[tilespmem:s28+$0xC0] =	vst v34  }
0x310: {  	v10 =	vadd.s32 v6, v62;
	v58 =	vadd.s32 s29, v14;
	v55 =	vld.idx.msk [tilespmem:v49+s12+$0x0], $0xffff;
	[tilespmem:s28+$0xD0] =	vst v23  }
0x311: {  	v57 =	vadd.s32 s29, v15;
	v14 =	vadd.s32 v7, v58;
	v56 =	vld.idx.msk [tilespmem:v51+s12+$0x0], $0xffff;
	[tilespmem:s28+$0x0] =	vst v45  }
0x312: {  	v15 =	vadd.s32 v0, v57;
	v61 =	vadd.s32 s29, v11;
	v13 =	vld.idx.msk [tilespmem:v13+s12+$0x0], $0xffff;
	[tilespmem:s28+$0x10] =	vst v48  }
0x313: {  	v63 =	vadd.s32 s29, v9;
	v8 =	vld.idx.msk [tilespmem:v8+s12+$0x0], $0xffff;
	v11 =	vadd.s32 v3, v61;
	[tilespmem:s28+$0x20] =	vst v25  }
0x314: {  	v9 =	vadd.s32 v4, v63;
	v12 =	vld.idx.msk [tilespmem:v12+s12+$0x0], $0xffff;
	[tilespmem:s28+$0x30] =	vst v52  }
0x315: {  	v10 =	vld.idx.msk [tilespmem:v10+s12+$0x0], $0xffff;
	[tilespmem:s28+$0x40] =	vst v53  }
0x316: {  	v14 =	vld.idx.msk [tilespmem:v14+s12+$0x0], $0xffff;
	[tilespmem:s28+$0x50] =	vst v54  }
0x317: {  	[tilespmem:s28+$0x60] =	vst v55;
	v15 =	vld.idx.msk [tilespmem:v15+s12+$0x0], $0xffff  }
0x318: {  	[tilespmem:s28+$0x70] =	vst v56;
	v11 =	vld.idx.msk [tilespmem:v11+s12+$0x0], $0xffff  }
0x319: {  	v9 =	vld.idx.msk [tilespmem:v9+s12+$0x0], $0xffff;
	[tilespmem:s28+$0xFFFFFF20] =	vst v13  }
0x31a: {  	[tilespmem:s28+$0xFFFFFF30] =	vst v12  }
0x31b: {  	[tilespmem:s28+$0xFFFFFF50] =	vst v10  }
0x31c: {  	[tilespmem:s28+$0xFFFFFF60] =	vst v8  }
0x31d: {  	[tilespmem:s28+$0xE0] =	vst v35  }
0x31e: {  	s26 =	sshll.u32 s26, $0x13;
	[tilespmem:s28+$0xFFFFFF10] =	vst v14  }
0x31f: {  	s26 =	sor.u32 s26, s23;
	[tilespmem:s28+$0xFFFFFF00] =	vst v15  }
0x320: {  	s26 =	sshrl.u32 s26, $0x3;
	[tilespmem:s28+$0xFFFFFF40] =	vst v11  }
0x321: {  	s31 =	sadd.s32 s2, s26;
	[tilespmem:s28+$0xFFFFFF70] =	vst v9  }
0x322: {  	[hbm4b:s31+s11] =	stream.strided.scatter [tilespmem:s17], [sflag:$0x4], $0x1000, s16, s11, $0x38;
	[tilespmem:$0xAC00] =	vst v63  }
.LBB2_18:
.Ltmp12:
0x323: {  	(pc) =	sbr.rel @p0 .LBB2_22-.Ltmp12, $4  }
0x324: {  	s26 =	sor.u32 $0x6, s24  }
0x325: {  	p1 =	sgt.u32 s26, $0x31  }
0x326: {  	s0 =	simm.s32 @!p1 $0x80;
	s28 =	simm.s32 @!p1 $0x700;
	s29 =	simm.s32 @!p1 $0xC00  }
0x327: {  	[tilespmem:s29], [sflag:$0x2] =	stream.indirect.gather @!p1 [hbm4b:s6+s0], $0x80, s28, s0, $0xb8;
	[tilespmem:$0xAC00] =	vst v63  }
0x328: {  	_ =	swait.ge [sflag:s18], $0x4000  }
0x329: {  	[sflag:s18] =	ssyncset.done $0x0  }
0x32a: {  	[sflag:s18] =	ssyncadd.s32 $0xFFFFC000  }
0x32b: {  	_ =	swait.ge [sflag:s21], $0x1000  }
0x32c: {  	[sflag:s21] =	ssyncset.done $0x0  }
0x32d: {  	[sflag:s21] =	ssyncadd.s32 $0xFFFFF000  }
0x32e: {  	v15 =	vld [tilespmem:$0xA80]  }
0x32f: {  	v13 =	vld [tilespmem:$0xAA0]  }
0x330: {  	v14 =	vld [tilespmem:$0xA90]  }
0x331: {  	v12 =	vld [tilespmem:$0xAB0]  }
0x332: {  	s0 =	simm.s32 $0x1  }
0x333: {  	v11 =	vld [tilespmem:$0xAC0];
	v9 =	vadd.s32 s0, v15  }
0x334: {  	v10 =	vld [tilespmem:$0xAD0];
	v18 =	vadd.s32 s0, v13;
	v16 =	vadd.s32 v0, v9  }
0x335: {  	v8 =	vld [tilespmem:$0xAE0];
	v9 =	vadd.s32 s0, v14;
	v18 =	vadd.s32 v2, v18  }
0x336: {  	v19 =	vadd.s32 s0, v12;
	v17 =	vadd.s32 v7, v9  }
0x337: {  	v19 =	vadd.s32 v5, v19  }
0x338: {  	v20 =	vadd.s32 s0, v11;
	v9 =	vld [tilespmem:$0xAF0]  }
0x339: {  	v21 =	vadd.s32 s0, v10;
	v20 =	vadd.s32 v3, v20;
	v22 =	vld.idx.msk [tilespmem:v16+s14+$0x0], $0xffff  }
0x33a: {  	s28 =	simm.s32 $0x3;
	v16 =	vadd.s32 v6, v21;
	v21 =	vadd.s32 s0, v8;
	v24 =	vld.idx.msk [tilespmem:v18+s14+$0x0], $0xffff  }
0x33b: {  	v23 =	vld.idx.msk [tilespmem:v17+s14+$0x0], $0xffff;
	v17 =	vadd.s32 v1, v21;
	v21 =	vadd.s32 s28, v15  }
0x33c: {  	v25 =	vld.idx.msk [tilespmem:v19+s14+$0x0], $0xffff;
	v19 =	vadd.s32 s28, v14;
	v18 =	vadd.s32 v0, v21  }
0x33d: {  	v19 =	vadd.s32 v7, v19;
	v21 =	vadd.s32 s28, v9  }
0x33e: {  	v26 =	vadd.s32 s28, v13;
	v20 =	vld.idx.msk [tilespmem:v20+s14+$0x0], $0xffff;
	v21 =	vadd.s32 v4, v21  }
0x33f: {  	v27 =	vld.idx.msk [tilespmem:v16+s14+$0x0], $0xffff;
	v16 =	vadd.s32 v2, v26;
	v26 =	vadd.s32 s28, v12  }
0x340: {  	v28 =	vld.idx.msk [tilespmem:v17+s14+$0x0], $0xffff;
	v17 =	vadd.s32 v5, v26;
	v26 =	vadd.s32 s28, v11  }
0x341: {  	v31 =	vld.idx.msk [tilespmem:v18+s14+$0x0], $0xffff;
	v18 =	vadd.s32 v3, v26;
	v26 =	vadd.s32 s28, v10  }
0x342: {  	v29 =	vadd.s32 s28, v8;
	v33 =	vld.idx.msk [tilespmem:v19+s14+$0x0], $0xffff;
	v26 =	vadd.s32 v6, v26  }
0x343: {  	v29 =	vadd.s32 v1, v29;
	v30 =	vadd.s32 s0, v9;
	s0 =	simm.s32 $0x2;
	v21 =	vld.idx.msk [tilespmem:v21+s14+$0x0], $0xffff  }
0x344: {  	v30 =	vadd.s32 v4, v30;
	v19 =	vadd.s32 s0, v15;
	v36 =	vld.idx.msk [tilespmem:v16+s14+$0x0], $0xffff  }
0x345: {  	v32 =	vadd.s32 v0, v19;
	v16 =	vadd.s32 s0, v14;
	v19 =	vld.idx.msk [tilespmem:v17+s14+$0x0], $0xffff  }
0x346: {  	v34 =	vadd.s32 v7, v16;
	v16 =	vadd.s32 s0, v13;
	v17 =	vld.idx.msk [tilespmem:v18+s14+$0x0], $0xffff  }
0x347: {  	s28 =	simm.s32 $0x9D00;
	v35 =	vadd.s32 v2, v16;
	v18 =	vadd.s32 s0, v12;
	v16 =	vld.idx.msk [tilespmem:v26+s14+$0x0], $0xffff  }
0x348: {  	v37 =	vadd.s32 s0, v11;
	v26 =	vadd.s32 v5, v18;
	v18 =	vld.idx.msk [tilespmem:v29+s14+$0x0], $0xffff;
	[tilespmem:s28+$0xF0] =	vst v21  }
0x349: {  	v54 =	vadd.s32 s0, v8;
	v21 =	vld.idx.msk [tilespmem:v30+s14+$0x0], $0xffff;
	v29 =	vadd.s32 v3, v37;
	[tilespmem:s28+$0xFFFFFF80] =	vst v22  }
0x34a: {  	v30 =	vadd.s32 s0, v10;
	v22 =	vld.idx.msk [tilespmem:v32+s14+$0x0], $0xffff;
	[tilespmem:s28+$0xFFFFFF90] =	vst v23;
	v32 =	vadd.s32 v1, v54  }
0x34b: {  	v55 =	vadd.s32 s0, v9;
	s0 =	simm.s32 $0x0;
	[tilespmem:s28+$0xFFFFFFA0] =	vst v24;
	v30 =	vadd.s32 v6, v30;
	v23 =	vld.idx.msk [tilespmem:v34+s14+$0x0], $0xffff  }
0x34c: {  	[tilespmem:s28+$0xFFFFFFB0] =	vst v25;
	v56 =	vadd.s32 s0, v15;
	v34 =	vadd.s32 v4, v55;
	v24 =	vld.idx.msk [tilespmem:v35+s14+$0x0], $0xffff  }
0x34d: {  	[tilespmem:s28+$0xFFFFFFC0] =	vst v20;
	v57 =	vadd.s32 s0, v14;
	v25 =	vld.idx.msk [tilespmem:v26+s14+$0x0], $0xffff;
	v26 =	vadd.s32 v0, v56  }
0x34e: {  	[tilespmem:s28+$0xFFFFFFD0] =	vst v27;
	v58 =	vadd.s32 s0, v13;
	v20 =	vld.idx.msk [tilespmem:v29+s14+$0x0], $0xffff;
	v29 =	vadd.s32 v7, v57  }
0x34f: {  	[tilespmem:s28+$0xFFFFFFE0] =	vst v28;
	v59 =	vadd.s32 s0, v12;
	v27 =	vadd.s32 v2, v58;
	v32 =	vld.idx.msk [tilespmem:v32+s14+$0x0], $0xffff  }
0x350: {  	v28 =	vadd.s32 s0, v11;
	v35 =	vadd.s32 v5, v59;
	[tilespmem:s28+$0xFFFFFFF0] =	vst v21;
	v30 =	vld.idx.msk [tilespmem:v30+s14+$0x0], $0xffff  }
0x351: {  	s31 =	simm.s32 $0x5;
	v60 =	vadd.s32 v3, v28;
	v28 =	vadd.s32 s0, v10;
	v21 =	vld.idx.msk [tilespmem:v34+s14+$0x0], $0xffff;
	[tilespmem:s28+$0x0] =	vst v22  }
0x352: {  	[tilespmem:s28+$0x20] =	vst v24;
	v24 =	vadd.s32 s31, v15;
	v22 =	vld.idx.msk [tilespmem:v26+s14+$0x0], $0xffff;
	v26 =	vadd.s32 v6, v28  }
0x353: {  	[tilespmem:s28+$0x10] =	vst v23;
	v28 =	vadd.s32 s0, v8;
	v23 =	vld.idx.msk [tilespmem:v29+s14+$0x0], $0xffff;
	v39 =	vadd.s32 v0, v24  }
0x354: {  	[tilespmem:s28+$0x80] =	vst v31;
	v29 =	vadd.s32 s0, v9;
	v61 =	vadd.s32 v1, v28;
	v28 =	vld.idx.msk [tilespmem:v27+s14+$0x0], $0xffff  }
0x355: {  	[tilespmem:s28+$0x30] =	vst v25;
	v24 =	vadd.s32 s31, v14;
	v38 =	vadd.s32 v4, v29;
	v29 =	vld.idx.msk [tilespmem:v35+s14+$0x0], $0xffff  }
0x356: {  	[tilespmem:s28+$0x40] =	vst v20;
	v20 =	vadd.s32 s31, v13;
	v62 =	vadd.s32 v7, v24;
	v27 =	vld.idx.msk [tilespmem:v60+s14+$0x0], $0xffff  }
0x357: {  	[tilespmem:s28+$0x60] =	vst v32;
	v32 =	vadd.s32 v2, v20;
	v20 =	vadd.s32 s31, v11;
	v24 =	vld.idx.msk [tilespmem:v26+s14+$0x0], $0xffff;
	v26 =	vadd.s32 s31, v12  }
0x358: {  	[tilespmem:s28+$0x50] =	vst v30;
	v31 =	vadd.s32 v3, v20;
	v20 =	vld.idx.msk [tilespmem:v39+s14+$0x0], $0xffff;
	v30 =	vadd.s32 v5, v26  }
0x359: {  	[tilespmem:s28+$0x70] =	vst v21;
	v21 =	vadd.s32 s31, v10;
	v25 =	vld.idx.msk [tilespmem:v61+s14+$0x0], $0xffff  }
0x35a: {  	v63 =	vadd.s32 s31, v8;
	[tilespmem:s28+$0x90] =	vst v33;
	s0 =	simm.s32 $0x7;
	v34 =	vadd.s32 v6, v21;
	v26 =	vld.idx.msk [tilespmem:v38+s14+$0x0], $0xffff  }
0x35b: {  	s29 =	simm.s32 $0x4;
	s30 =	simm.s32 $0x8;
	v33 =	vadd.s32 v1, v63;
	[tilespmem:s28+$0xA0] =	vst v36;
	v35 =	vadd.s32 s0, v15;
	v21 =	vld.idx.msk [tilespmem:v62+s14+$0x0], $0xffff  }
.LBB2_20:
0x35c: {  	p0 =	slt.u32 s30, $0x1C;
	v32 =	vld.idx.msk [tilespmem:v32+s14+$0x0], $0xffff;
	v35 =	vadd.s32 v0, v35;
	v36 =	vadd.s32 s0, v9;
	[tilespmem:s28+$0xB0] =	vst v19  }
0x35d: {  	v19 =	vadd.s32 s0, v14;
	v30 =	vld.idx.msk [tilespmem:v30+s14+$0x0], $0xffff;
	v36 =	vadd.s32 v4, v36;
	[tilespmem:s28+$0xC0] =	vst v17  }
0x35e: {  	v17 =	vadd.s32 v7, v19;
	v19 =	vadd.s32 s0, v13;
	v31 =	vld.idx.msk [tilespmem:v31+s14+$0x0], $0xffff;
	[tilespmem:s28+$0xD0] =	vst v16  }
0x35f: {  	v16 =	vadd.s32 v2, v19;
	v19 =	vadd.s32 s0, v12;
	v34 =	vld.idx.msk [tilespmem:v34+s14+$0x0], $0xffff;
	[tilespmem:s28+$0xE0] =	vst v18  }
0x360: {  	v18 =	vadd.s32 v5, v19;
	v19 =	vadd.s32 s0, v11;
	v33 =	vld.idx.msk [tilespmem:v33+s14+$0x0], $0xffff;
	[tilespmem:s28+$0xFFFFFF00] =	vst v22  }
0x361: {  	v22 =	vadd.s32 v3, v19;
	v19 =	vadd.s32 s0, v10;
	v35 =	vld.idx.msk [tilespmem:v35+s14+$0x0], $0xffff;
	[tilespmem:s28+$0xFFFFFF10] =	vst v23  }
0x362: {  	v23 =	vadd.s32 v6, v19;
	v19 =	vadd.s32 s0, v8;
	v36 =	vld.idx.msk [tilespmem:v36+s14+$0x0], $0xffff;
	[tilespmem:s28+$0xFFFFFF20] =	vst v28  }
0x363: {  	s0 =	sadd.s32 $0x2, s29;
	v28 =	vadd.s32 s31, v9;
	v38 =	vadd.s32 v1, v19;
	v37 =	vld.idx.msk [tilespmem:v17+s14+$0x0], $0xffff;
	[tilespmem:s28+$0xFFFFFF30] =	vst v29  }
0x364: {  	v28 =	vadd.s32 v4, v28;
	v17 =	vadd.s32 s0, v15;
	v39 =	vld.idx.msk [tilespmem:v16+s14+$0x0], $0xffff;
	[tilespmem:s28+$0xFFFFFF40] =	vst v27  }
0x365: {  	v27 =	vadd.s32 v0, v17;
	v16 =	vadd.s32 s0, v14;
	v19 =	vld.idx.msk [tilespmem:v18+s14+$0x0], $0xffff;
	[tilespmem:s28+$0xFFFFFF50] =	vst v24  }
0x366: {  	v24 =	vadd.s32 v7, v16;
	v16 =	vadd.s32 s0, v13;
	v17 =	vld.idx.msk [tilespmem:v22+s14+$0x0], $0xffff;
	[tilespmem:s28+$0xFFFFFF60] =	vst v25  }
0x367: {  	v18 =	vadd.s32 s0, v12;
	v22 =	vadd.s32 v2, v16;
	v16 =	vld.idx.msk [tilespmem:v23+s14+$0x0], $0xffff;
	[tilespmem:s28+$0xFFFFFF70] =	vst v26;
	s28 =	sadd.s32 $0x200, s28  }
0x368: {  	v25 =	vadd.s32 s0, v11;
	v23 =	vadd.s32 v5, v18;
	v18 =	vld.idx.msk [tilespmem:v38+s14+$0x0], $0xffff;
	[tilespmem:s28+$0xF0] =	vst v36  }
0x369: {  	v26 =	vld.idx.msk [tilespmem:v28+s14+$0x0], $0xffff;
	[tilespmem:s28+$0xFFFFFF80] =	vst v20;
	v20 =	vadd.s32 v3, v25;
	v25 =	vadd.s32 s0, v10  }
0x36a: {  	[tilespmem:s28+$0xFFFFFF90] =	vst v21;
	v21 =	vld.idx.msk [tilespmem:v27+s14+$0x0], $0xffff;
	v25 =	vadd.s32 v6, v25;
	v27 =	vadd.s32 s0, v8  }
0x36b: {  	v28 =	vadd.s32 s0, v9;
	[tilespmem:s28+$0xFFFFFFA0] =	vst v32;
	v24 =	vld.idx.msk [tilespmem:v24+s14+$0x0], $0xffff;
	v27 =	vadd.s32 v1, v27  }
0x36c: {  	v29 =	vadd.s32 s29, v15;
	[tilespmem:s28+$0xFFFFFFB0] =	vst v30;
	v30 =	vld.idx.msk [tilespmem:v22+s14+$0x0], $0xffff;
	v22 =	vadd.s32 v4, v28  }
0x36d: {  	v28 =	vadd.s32 v0, v29;
	v29 =	vadd.s32 s29, v14;
	[tilespmem:s28+$0xFFFFFFC0] =	vst v31;
	v31 =	vld.idx.msk [tilespmem:v23+s14+$0x0], $0xffff  }
0x36e: {  	v23 =	vadd.s32 v7, v29;
	v29 =	vadd.s32 s29, v13;
	[tilespmem:s28+$0xFFFFFFD0] =	vst v34;
	v20 =	vld.idx.msk [tilespmem:v20+s14+$0x0], $0xffff  }
0x36f: {  	v32 =	vadd.s32 s29, v12;
	v29 =	vadd.s32 v2, v29;
	[tilespmem:s28+$0xFFFFFFE0] =	vst v33;
	v25 =	vld.idx.msk [tilespmem:v25+s14+$0x0], $0xffff  }
0x370: {  	v32 =	vadd.s32 v5, v32;
	v33 =	vadd.s32 s29, v11;
	[tilespmem:s28+$0xFFFFFFF0] =	vst v26;
	v26 =	vld.idx.msk [tilespmem:v27+s14+$0x0], $0xffff  }
0x371: {  	v27 =	vadd.s32 v3, v33;
	v33 =	vadd.s32 s29, v10;
	v34 =	vld.idx.msk [tilespmem:v22+s14+$0x0], $0xffff;
	[tilespmem:s28+$0x0] =	vst v21  }
0x372: {  	v21 =	vadd.s32 v6, v33;
	v22 =	vld.idx.msk [tilespmem:v28+s14+$0x0], $0xffff;
	v28 =	vadd.s32 s29, v8;
	[tilespmem:s28+$0x10] =	vst v24  }
0x373: {  	s31 =	sadd.s32 $0x1, s30;
	v24 =	vadd.s32 s29, v9;
	s29 =	smov.u32 s30;
	v23 =	vld.idx.msk [tilespmem:v23+s14+$0x0], $0xffff;
	v33 =	vadd.s32 v1, v28;
	[tilespmem:s28+$0x20] =	vst v30  }
0x374: {  	v30 =	vadd.s32 s31, v15;
	v36 =	vadd.s32 v4, v24;
	v28 =	vld.idx.msk [tilespmem:v29+s14+$0x0], $0xffff;
	[tilespmem:s28+$0x30] =	vst v31  }
0x375: {  	v24 =	vadd.s32 s31, v14;
	v38 =	vadd.s32 v0, v30;
	v29 =	vld.idx.msk [tilespmem:v32+s14+$0x0], $0xffff;
	[tilespmem:s28+$0x40] =	vst v20  }
0x376: {  	v40 =	vadd.s32 v7, v24;
	v20 =	vadd.s32 s31, v13;
	v27 =	vld.idx.msk [tilespmem:v27+s14+$0x0], $0xffff;
	[tilespmem:s28+$0x50] =	vst v25  }
.Ltmp13:
0x377: {  	v32 =	vadd.s32 v2, v20;
	v20 =	vadd.s32 s31, v12;
	v24 =	vld.idx.msk [tilespmem:v21+s14+$0x0], $0xffff;
	[tilespmem:s28+$0x60] =	vst v26;
	(pc) =	sbr.rel @p0 .LBB2_20-.Ltmp13, $4  }
0x378: {  	v30 =	vadd.s32 v5, v20;
	v20 =	vadd.s32 s31, v11;
	v25 =	vld.idx.msk [tilespmem:v33+s14+$0x0], $0xffff;
	[tilespmem:s28+$0x70] =	vst v34  }
0x379: {  	v21 =	vadd.s32 s31, v10;
	v31 =	vadd.s32 v3, v20;
	v26 =	vld.idx.msk [tilespmem:v36+s14+$0x0], $0xffff;
	[tilespmem:s28+$0x80] =	vst v35  }
0x37a: {  	s0 =	sadd.s32 $0x3, s30;
	v34 =	vadd.s32 v6, v21;
	v33 =	vadd.s32 s31, v8;
	v20 =	vld.idx.msk [tilespmem:v38+s14+$0x0], $0xffff;
	[tilespmem:s28+$0x90] =	vst v37  }
0x37b: {  	s30 =	sadd.s32 $0x4, s30;
	v33 =	vadd.s32 v1, v33;
	v35 =	vadd.s32 s0, v15;
	v21 =	vld.idx.msk [tilespmem:v40+s14+$0x0], $0xffff;
	[tilespmem:s28+$0xA0] =	vst v39  }
0x37c: {  	[tilespmem:s28+$0xB0] =	vst v19  }
0x37d: {  	[tilespmem:s28+$0xC0] =	vst v17  }
0x37e: {  	[tilespmem:s28+$0xD0] =	vst v16  }
0x37f: {  	[tilespmem:s28+$0xE0] =	vst v18  }
0x380: {  	[tilespmem:s28+$0xFFFFFF00] =	vst v22  }
0x381: {  	[tilespmem:s28+$0xFFFFFF10] =	vst v23  }
0x382: {  	v32 =	vld.idx.msk [tilespmem:v32+s14+$0x0], $0xffff;
	v35 =	vadd.s32 v0, v35;
	[tilespmem:s28+$0xFFFFFF20] =	vst v28;
	v59 =	vadd.s32 s31, v9  }
0x383: {  	v36 =	vadd.s32 s0, v9;
	v19 =	vld.idx.msk [tilespmem:v30+s14+$0x0], $0xffff;
	[tilespmem:s28+$0xFFFFFF30] =	vst v29;
	v28 =	vadd.s32 v4, v59  }
0x384: {  	v51 =	vadd.s32 s0, v14;
	v17 =	vld.idx.msk [tilespmem:v31+s14+$0x0], $0xffff;
	[tilespmem:s28+$0xFFFFFF40] =	vst v27;
	v36 =	vadd.s32 v4, v36  }
0x385: {  	v52 =	vadd.s32 s0, v13;
	v16 =	vld.idx.msk [tilespmem:v34+s14+$0x0], $0xffff;
	[tilespmem:s28+$0xFFFFFF50] =	vst v24;
	v30 =	vadd.s32 v7, v51  }
0x386: {  	v53 =	vadd.s32 s0, v12;
	v18 =	vld.idx.msk [tilespmem:v33+s14+$0x0], $0xffff;
	v31 =	vadd.s32 v2, v52;
	[tilespmem:s28+$0xFFFFFF60] =	vst v25  }
0x387: {  	v55 =	vadd.s32 s0, v11;
	v54 =	vadd.s32 v5, v53;
	[tilespmem:s28+$0xFFFFFF70] =	vst v26;
	s28 =	sadd.s32 $0x200, s28;
	v22 =	vld.idx.msk [tilespmem:v35+s14+$0x0], $0xffff  }
0x388: {  	v56 =	vadd.s32 s0, v10;
	v34 =	vadd.s32 v3, v55;
	v28 =	vld.idx.msk [tilespmem:v28+s14+$0x0], $0xffff;
	[tilespmem:s28+$0xFFFFFF80] =	vst v20  }
0x389: {  	v58 =	vadd.s32 s0, v8;
	s30 =	sadd.s32 $0x2, s29;
	v57 =	vadd.s32 v6, v56;
	v36 =	vld.idx.msk [tilespmem:v36+s14+$0x0], $0xffff;
	[tilespmem:s28+$0xFFFFFF90] =	vst v21  }
0x38a: {  	v60 =	vadd.s32 s30, v15;
	v35 =	vadd.s32 v1, v58;
	v30 =	vld.idx.msk [tilespmem:v30+s14+$0x0], $0xffff;
	[tilespmem:s28+$0xFFFFFFA0] =	vst v32  }
0x38b: {  	v62 =	vadd.s32 s30, v14;
	v61 =	vadd.s32 v0, v60;
	v31 =	vld.idx.msk [tilespmem:v31+s14+$0x0], $0xffff;
	[tilespmem:s28+$0xFFFFFFB0] =	vst v19  }
0x38c: {  	v39 =	vadd.s32 s30, v13;
	v63 =	vadd.s32 v7, v62;
	v33 =	vld.idx.msk [tilespmem:v54+s14+$0x0], $0xffff;
	[tilespmem:s28+$0xFFFFFFC0] =	vst v17  }
0x38d: {  	v41 =	vadd.s32 s30, v12;
	v40 =	vadd.s32 v2, v39;
	v34 =	vld.idx.msk [tilespmem:v34+s14+$0x0], $0xffff;
	[tilespmem:s28+$0xFFFFFFD0] =	vst v16  }
0x38e: {  	v43 =	vadd.s32 s30, v11;
	v42 =	vadd.s32 v5, v41;
	v23 =	vld.idx.msk [tilespmem:v57+s14+$0x0], $0xffff;
	[tilespmem:s28+$0xFFFFFFE0] =	vst v18  }
0x38f: {  	v44 =	vadd.s32 s30, v10;
	v29 =	vadd.s32 v3, v43;
	v35 =	vld.idx.msk [tilespmem:v35+s14+$0x0], $0xffff;
	[tilespmem:s28+$0x80] =	vst v22  }
0x390: {  	v47 =	vadd.s32 s30, v8;
	v46 =	vadd.s32 v6, v44;
	v45 =	vld.idx.msk [tilespmem:v61+s14+$0x0], $0xffff;
	[tilespmem:s28+$0xF0] =	vst v36  }
0x391: {  	v50 =	vadd.s32 s30, v9;
	v49 =	vadd.s32 v1, v47;
	v48 =	vld.idx.msk [tilespmem:v63+s14+$0x0], $0xffff;
	[tilespmem:s28+$0xFFFFFFF0] =	vst v28  }
0x392: {  	v59 =	vadd.s32 s29, v13;
	v51 =	vadd.s32 v4, v50;
	v25 =	vld.idx.msk [tilespmem:v40+s14+$0x0], $0xffff;
	[tilespmem:s28+$0x90] =	vst v30  }
0x393: {  	v8 =	vadd.s32 s29, v8;
	v13 =	vadd.s32 v2, v59;
	v52 =	vld.idx.msk [tilespmem:v42+s14+$0x0], $0xffff;
	[tilespmem:s28+$0xA0] =	vst v31  }
0x394: {  	v60 =	vadd.s32 s29, v12;
	v8 =	vadd.s32 v1, v8;
	v53 =	vld.idx.msk [tilespmem:v29+s14+$0x0], $0xffff;
	[tilespmem:s28+$0xB0] =	vst v33  }
0x395: {  	v62 =	vadd.s32 s29, v10;
	v12 =	vadd.s32 v5, v60;
	v54 =	vld.idx.msk [tilespmem:v46+s14+$0x0], $0xffff;
	[tilespmem:s28+$0xC0] =	vst v34  }
0x396: {  	v10 =	vadd.s32 v6, v62;
	v58 =	vadd.s32 s29, v14;
	v55 =	vld.idx.msk [tilespmem:v49+s14+$0x0], $0xffff;
	[tilespmem:s28+$0xD0] =	vst v23  }
0x397: {  	v57 =	vadd.s32 s29, v15;
	v14 =	vadd.s32 v7, v58;
	v56 =	vld.idx.msk [tilespmem:v51+s14+$0x0], $0xffff;
	[tilespmem:s28+$0x0] =	vst v45  }
0x398: {  	v15 =	vadd.s32 v0, v57;
	v61 =	vadd.s32 s29, v11;
	v13 =	vld.idx.msk [tilespmem:v13+s14+$0x0], $0xffff;
	[tilespmem:s28+$0x10] =	vst v48  }
0x399: {  	v63 =	vadd.s32 s29, v9;
	v8 =	vld.idx.msk [tilespmem:v8+s14+$0x0], $0xffff;
	v11 =	vadd.s32 v3, v61;
	[tilespmem:s28+$0x20] =	vst v25  }
0x39a: {  	v9 =	vadd.s32 v4, v63;
	v12 =	vld.idx.msk [tilespmem:v12+s14+$0x0], $0xffff;
	[tilespmem:s28+$0x30] =	vst v52  }
0x39b: {  	v10 =	vld.idx.msk [tilespmem:v10+s14+$0x0], $0xffff;
	[tilespmem:s28+$0x40] =	vst v53  }
0x39c: {  	v14 =	vld.idx.msk [tilespmem:v14+s14+$0x0], $0xffff;
	[tilespmem:s28+$0x50] =	vst v54  }
0x39d: {  	[tilespmem:s28+$0x60] =	vst v55;
	v15 =	vld.idx.msk [tilespmem:v15+s14+$0x0], $0xffff  }
0x39e: {  	[tilespmem:s28+$0x70] =	vst v56;
	v11 =	vld.idx.msk [tilespmem:v11+s14+$0x0], $0xffff  }
0x39f: {  	v9 =	vld.idx.msk [tilespmem:v9+s14+$0x0], $0xffff;
	[tilespmem:s28+$0xFFFFFF20] =	vst v13  }
0x3a0: {  	[tilespmem:s28+$0xFFFFFF30] =	vst v12  }
0x3a1: {  	[tilespmem:s28+$0xFFFFFF50] =	vst v10  }
0x3a2: {  	[tilespmem:s28+$0xFFFFFF60] =	vst v8  }
0x3a3: {  	[tilespmem:s28+$0xE0] =	vst v35  }
0x3a4: {  	s25 =	sshll.u32 s25, $0x13;
	[tilespmem:s28+$0xFFFFFF10] =	vst v14  }
0x3a5: {  	s25 =	sor.u32 s25, s23;
	[tilespmem:s28+$0xFFFFFF00] =	vst v15  }
0x3a6: {  	s25 =	sshrl.u32 s25, $0x3;
	[tilespmem:s28+$0xFFFFFF40] =	vst v11  }
0x3a7: {  	s31 =	sadd.s32 s2, s25;
	[tilespmem:s28+$0xFFFFFF70] =	vst v9  }
0x3a8: {  	[hbm4b:s31+s11] =	stream.strided.scatter [tilespmem:s19], [sflag:$0x5], $0x1000, s16, s11, $0x38;
	[tilespmem:$0xAC00] =	vst v63  }
.LBB2_22:
.Ltmp14:
0x3a9: {  	(pc) =	sbr.rel @p1 .LBB2_26-.Ltmp14, $4  }
0x3aa: {  	s24 =	sor.u32 $0x7, s24  }
0x3ab: {  	p0 =	sgt.u32 s24, $0x31  }
0x3ac: {  	s0 =	simm.s32 @!p0 $0x80;
	s25 =	simm.s32 @!p0 $0x780;
	s28 =	simm.s32 @!p0 $0x4C00  }
0x3ad: {  	[tilespmem:s28], [sflag:$0x3] =	stream.indirect.gather @!p0 [hbm4b:s6+s0], $0x80, s25, s0, $0xb8;
	[tilespmem:$0xAC00] =	vst v63  }
0x3ae: {  	_ =	swait.ge [sflag:s15], $0x4000  }
0x3af: {  	[sflag:s15] =	ssyncset.done $0x0  }
0x3b0: {  	[sflag:s15] =	ssyncadd.s32 $0xFFFFC000  }
0x3b1: {  	_ =	swait.ge [sflag:s20], $0x1000  }
0x3b2: {  	[sflag:s20] =	ssyncset.done $0x0  }
0x3b3: {  	[sflag:s20] =	ssyncadd.s32 $0xFFFFF000  }
0x3b4: {  	v15 =	vld [tilespmem:$0xB00]  }
0x3b5: {  	v13 =	vld [tilespmem:$0xB20]  }
0x3b6: {  	v14 =	vld [tilespmem:$0xB10]  }
0x3b7: {  	v12 =	vld [tilespmem:$0xB30]  }
0x3b8: {  	s0 =	simm.s32 $0x1  }
0x3b9: {  	v11 =	vld [tilespmem:$0xB40];
	v9 =	vadd.s32 s0, v15  }
0x3ba: {  	v10 =	vld [tilespmem:$0xB50];
	v18 =	vadd.s32 s0, v13;
	v16 =	vadd.s32 v0, v9  }
0x3bb: {  	v8 =	vld [tilespmem:$0xB60];
	v9 =	vadd.s32 s0, v14;
	v18 =	vadd.s32 v2, v18  }
0x3bc: {  	v19 =	vadd.s32 s0, v12;
	v17 =	vadd.s32 v7, v9  }
0x3bd: {  	v19 =	vadd.s32 v5, v19  }
0x3be: {  	v20 =	vadd.s32 s0, v11;
	v9 =	vld [tilespmem:$0xB70]  }
0x3bf: {  	v21 =	vadd.s32 s0, v10;
	v20 =	vadd.s32 v3, v20;
	v22 =	vld.idx.msk [tilespmem:v16+s12+$0x0], $0xffff  }
0x3c0: {  	s25 =	simm.s32 $0x3;
	v16 =	vadd.s32 v6, v21;
	v21 =	vadd.s32 s0, v8;
	v24 =	vld.idx.msk [tilespmem:v18+s12+$0x0], $0xffff  }
0x3c1: {  	v23 =	vld.idx.msk [tilespmem:v17+s12+$0x0], $0xffff;
	v17 =	vadd.s32 v1, v21;
	v21 =	vadd.s32 s25, v15  }
0x3c2: {  	v25 =	vld.idx.msk [tilespmem:v19+s12+$0x0], $0xffff;
	v19 =	vadd.s32 s25, v14;
	v18 =	vadd.s32 v0, v21  }
0x3c3: {  	v19 =	vadd.s32 v7, v19;
	v21 =	vadd.s32 s25, v9  }
0x3c4: {  	v26 =	vadd.s32 s25, v13;
	v20 =	vld.idx.msk [tilespmem:v20+s12+$0x0], $0xffff;
	v21 =	vadd.s32 v4, v21  }
0x3c5: {  	v27 =	vld.idx.msk [tilespmem:v16+s12+$0x0], $0xffff;
	v16 =	vadd.s32 v2, v26;
	v26 =	vadd.s32 s25, v12  }
0x3c6: {  	v28 =	vld.idx.msk [tilespmem:v17+s12+$0x0], $0xffff;
	v17 =	vadd.s32 v5, v26;
	v26 =	vadd.s32 s25, v11  }
0x3c7: {  	v31 =	vld.idx.msk [tilespmem:v18+s12+$0x0], $0xffff;
	v18 =	vadd.s32 v3, v26;
	v26 =	vadd.s32 s25, v10  }
0x3c8: {  	v29 =	vadd.s32 s25, v8;
	v33 =	vld.idx.msk [tilespmem:v19+s12+$0x0], $0xffff;
	v26 =	vadd.s32 v6, v26  }
0x3c9: {  	s31 =	simm.s32 $0x2;
	v29 =	vadd.s32 v1, v29;
	v30 =	vadd.s32 s0, v9;
	v21 =	vld.idx.msk [tilespmem:v21+s12+$0x0], $0xffff  }
0x3ca: {  	v30 =	vadd.s32 v4, v30;
	v19 =	vadd.s32 s31, v15;
	v36 =	vld.idx.msk [tilespmem:v16+s12+$0x0], $0xffff  }
0x3cb: {  	v32 =	vadd.s32 v0, v19;
	v16 =	vadd.s32 s31, v14;
	v19 =	vld.idx.msk [tilespmem:v17+s12+$0x0], $0xffff  }
0x3cc: {  	v34 =	vadd.s32 v7, v16;
	v16 =	vadd.s32 s31, v13;
	v17 =	vld.idx.msk [tilespmem:v18+s12+$0x0], $0xffff  }
0x3cd: {  	s25 =	simm.s32 $0x8D00;
	v35 =	vadd.s32 v2, v16;
	v18 =	vadd.s32 s31, v12;
	v16 =	vld.idx.msk [tilespmem:v26+s12+$0x0], $0xffff  }
0x3ce: {  	v37 =	vadd.s32 s31, v11;
	v26 =	vadd.s32 v5, v18;
	v18 =	vld.idx.msk [tilespmem:v29+s12+$0x0], $0xffff;
	[tilespmem:s25+$0xF0] =	vst v21  }
0x3cf: {  	v54 =	vadd.s32 s31, v8;
	v21 =	vld.idx.msk [tilespmem:v30+s12+$0x0], $0xffff;
	v29 =	vadd.s32 v3, v37;
	[tilespmem:s25+$0xFFFFFF80] =	vst v22  }
0x3d0: {  	v30 =	vadd.s32 s31, v10;
	v22 =	vld.idx.msk [tilespmem:v32+s12+$0x0], $0xffff;
	[tilespmem:s25+$0xFFFFFF90] =	vst v23;
	v32 =	vadd.s32 v1, v54  }
0x3d1: {  	v55 =	vadd.s32 s31, v9;
	s31 =	simm.s32 $0x0;
	[tilespmem:s25+$0xFFFFFFA0] =	vst v24;
	v30 =	vadd.s32 v6, v30;
	v23 =	vld.idx.msk [tilespmem:v34+s12+$0x0], $0xffff  }
0x3d2: {  	[tilespmem:s25+$0xFFFFFFB0] =	vst v25;
	v56 =	vadd.s32 s31, v15;
	v34 =	vadd.s32 v4, v55;
	v24 =	vld.idx.msk [tilespmem:v35+s12+$0x0], $0xffff  }
0x3d3: {  	[tilespmem:s25+$0xFFFFFFC0] =	vst v20;
	v57 =	vadd.s32 s31, v14;
	v25 =	vld.idx.msk [tilespmem:v26+s12+$0x0], $0xffff;
	v26 =	vadd.s32 v0, v56  }
0x3d4: {  	[tilespmem:s25+$0xFFFFFFD0] =	vst v27;
	v58 =	vadd.s32 s31, v13;
	v20 =	vld.idx.msk [tilespmem:v29+s12+$0x0], $0xffff;
	v29 =	vadd.s32 v7, v57  }
0x3d5: {  	[tilespmem:s25+$0xFFFFFFE0] =	vst v28;
	v59 =	vadd.s32 s31, v12;
	v27 =	vadd.s32 v2, v58;
	v32 =	vld.idx.msk [tilespmem:v32+s12+$0x0], $0xffff  }
0x3d6: {  	v28 =	vadd.s32 s31, v11;
	v35 =	vadd.s32 v5, v59;
	[tilespmem:s25+$0xFFFFFFF0] =	vst v21;
	v30 =	vld.idx.msk [tilespmem:v30+s12+$0x0], $0xffff  }
0x3d7: {  	s30 =	simm.s32 $0x5;
	v60 =	vadd.s32 v3, v28;
	v28 =	vadd.s32 s31, v10;
	v21 =	vld.idx.msk [tilespmem:v34+s12+$0x0], $0xffff;
	[tilespmem:s25+$0x0] =	vst v22  }
0x3d8: {  	[tilespmem:s25+$0x20] =	vst v24;
	v24 =	vadd.s32 s30, v15;
	v22 =	vld.idx.msk [tilespmem:v26+s12+$0x0], $0xffff;
	v26 =	vadd.s32 v6, v28  }
0x3d9: {  	[tilespmem:s25+$0x10] =	vst v23;
	v28 =	vadd.s32 s31, v8;
	v23 =	vld.idx.msk [tilespmem:v29+s12+$0x0], $0xffff;
	v39 =	vadd.s32 v0, v24  }
0x3da: {  	[tilespmem:s25+$0x80] =	vst v31;
	v29 =	vadd.s32 s31, v9;
	v61 =	vadd.s32 v1, v28;
	v28 =	vld.idx.msk [tilespmem:v27+s12+$0x0], $0xffff  }
0x3db: {  	[tilespmem:s25+$0x30] =	vst v25;
	v24 =	vadd.s32 s30, v14;
	v38 =	vadd.s32 v4, v29;
	v29 =	vld.idx.msk [tilespmem:v35+s12+$0x0], $0xffff  }
0x3dc: {  	[tilespmem:s25+$0x40] =	vst v20;
	v20 =	vadd.s32 s30, v13;
	v62 =	vadd.s32 v7, v24;
	v27 =	vld.idx.msk [tilespmem:v60+s12+$0x0], $0xffff  }
0x3dd: {  	[tilespmem:s25+$0x60] =	vst v32;
	v32 =	vadd.s32 v2, v20;
	v20 =	vadd.s32 s30, v11;
	v24 =	vld.idx.msk [tilespmem:v26+s12+$0x0], $0xffff;
	v26 =	vadd.s32 s30, v12  }
0x3de: {  	[tilespmem:s25+$0x50] =	vst v30;
	v31 =	vadd.s32 v3, v20;
	v20 =	vld.idx.msk [tilespmem:v39+s12+$0x0], $0xffff;
	v30 =	vadd.s32 v5, v26  }
0x3df: {  	[tilespmem:s25+$0x70] =	vst v21;
	v21 =	vadd.s32 s30, v10;
	v25 =	vld.idx.msk [tilespmem:v61+s12+$0x0], $0xffff  }
0x3e0: {  	v63 =	vadd.s32 s30, v8;
	s0 =	simm.s32 $0x7;
	[tilespmem:s25+$0x90] =	vst v33;
	v34 =	vadd.s32 v6, v21;
	v26 =	vld.idx.msk [tilespmem:v38+s12+$0x0], $0xffff  }
0x3e1: {  	s28 =	simm.s32 $0x4;
	s29 =	simm.s32 $0x8;
	v33 =	vadd.s32 v1, v63;
	[tilespmem:s25+$0xA0] =	vst v36;
	v35 =	vadd.s32 s0, v15;
	v21 =	vld.idx.msk [tilespmem:v62+s12+$0x0], $0xffff  }
.LBB2_24:
0x3e2: {  	p1 =	slt.u32 s29, $0x1C;
	v32 =	vld.idx.msk [tilespmem:v32+s12+$0x0], $0xffff;
	v35 =	vadd.s32 v0, v35;
	v36 =	vadd.s32 s0, v9;
	[tilespmem:s25+$0xB0] =	vst v19  }
0x3e3: {  	v19 =	vadd.s32 s0, v14;
	v30 =	vld.idx.msk [tilespmem:v30+s12+$0x0], $0xffff;
	v36 =	vadd.s32 v4, v36;
	[tilespmem:s25+$0xC0] =	vst v17  }
0x3e4: {  	v17 =	vadd.s32 v7, v19;
	v19 =	vadd.s32 s0, v13;
	v31 =	vld.idx.msk [tilespmem:v31+s12+$0x0], $0xffff;
	[tilespmem:s25+$0xD0] =	vst v16  }
0x3e5: {  	v16 =	vadd.s32 v2, v19;
	v19 =	vadd.s32 s0, v12;
	v34 =	vld.idx.msk [tilespmem:v34+s12+$0x0], $0xffff;
	[tilespmem:s25+$0xE0] =	vst v18  }
0x3e6: {  	v18 =	vadd.s32 v5, v19;
	v19 =	vadd.s32 s0, v11;
	v33 =	vld.idx.msk [tilespmem:v33+s12+$0x0], $0xffff;
	[tilespmem:s25+$0xFFFFFF00] =	vst v22  }
0x3e7: {  	v22 =	vadd.s32 v3, v19;
	v19 =	vadd.s32 s0, v10;
	v35 =	vld.idx.msk [tilespmem:v35+s12+$0x0], $0xffff;
	[tilespmem:s25+$0xFFFFFF10] =	vst v23  }
0x3e8: {  	v23 =	vadd.s32 v6, v19;
	v19 =	vadd.s32 s0, v8;
	v36 =	vld.idx.msk [tilespmem:v36+s12+$0x0], $0xffff;
	[tilespmem:s25+$0xFFFFFF20] =	vst v28  }
0x3e9: {  	s0 =	sadd.s32 $0x2, s28;
	v28 =	vadd.s32 s30, v9;
	v38 =	vadd.s32 v1, v19;
	v37 =	vld.idx.msk [tilespmem:v17+s12+$0x0], $0xffff;
	[tilespmem:s25+$0xFFFFFF30] =	vst v29  }
0x3ea: {  	v28 =	vadd.s32 v4, v28;
	v17 =	vadd.s32 s0, v15;
	v39 =	vld.idx.msk [tilespmem:v16+s12+$0x0], $0xffff;
	[tilespmem:s25+$0xFFFFFF40] =	vst v27  }
0x3eb: {  	v27 =	vadd.s32 v0, v17;
	v16 =	vadd.s32 s0, v14;
	v19 =	vld.idx.msk [tilespmem:v18+s12+$0x0], $0xffff;
	[tilespmem:s25+$0xFFFFFF50] =	vst v24  }
0x3ec: {  	v24 =	vadd.s32 v7, v16;
	v16 =	vadd.s32 s0, v13;
	v17 =	vld.idx.msk [tilespmem:v22+s12+$0x0], $0xffff;
	[tilespmem:s25+$0xFFFFFF60] =	vst v25  }
0x3ed: {  	v18 =	vadd.s32 s0, v12;
	v22 =	vadd.s32 v2, v16;
	v16 =	vld.idx.msk [tilespmem:v23+s12+$0x0], $0xffff;
	[tilespmem:s25+$0xFFFFFF70] =	vst v26;
	s25 =	sadd.s32 $0x200, s25  }
0x3ee: {  	v25 =	vadd.s32 s0, v11;
	v23 =	vadd.s32 v5, v18;
	v18 =	vld.idx.msk [tilespmem:v38+s12+$0x0], $0xffff;
	[tilespmem:s25+$0xF0] =	vst v36  }
0x3ef: {  	v26 =	vld.idx.msk [tilespmem:v28+s12+$0x0], $0xffff;
	[tilespmem:s25+$0xFFFFFF80] =	vst v20;
	v20 =	vadd.s32 v3, v25;
	v25 =	vadd.s32 s0, v10  }
0x3f0: {  	[tilespmem:s25+$0xFFFFFF90] =	vst v21;
	v21 =	vld.idx.msk [tilespmem:v27+s12+$0x0], $0xffff;
	v25 =	vadd.s32 v6, v25;
	v27 =	vadd.s32 s0, v8  }
0x3f1: {  	v28 =	vadd.s32 s0, v9;
	[tilespmem:s25+$0xFFFFFFA0] =	vst v32;
	v24 =	vld.idx.msk [tilespmem:v24+s12+$0x0], $0xffff;
	v27 =	vadd.s32 v1, v27  }
0x3f2: {  	v29 =	vadd.s32 s28, v15;
	[tilespmem:s25+$0xFFFFFFB0] =	vst v30;
	v30 =	vld.idx.msk [tilespmem:v22+s12+$0x0], $0xffff;
	v22 =	vadd.s32 v4, v28  }
0x3f3: {  	v28 =	vadd.s32 v0, v29;
	v29 =	vadd.s32 s28, v14;
	[tilespmem:s25+$0xFFFFFFC0] =	vst v31;
	v31 =	vld.idx.msk [tilespmem:v23+s12+$0x0], $0xffff  }
0x3f4: {  	v23 =	vadd.s32 v7, v29;
	v29 =	vadd.s32 s28, v13;
	[tilespmem:s25+$0xFFFFFFD0] =	vst v34;
	v20 =	vld.idx.msk [tilespmem:v20+s12+$0x0], $0xffff  }
0x3f5: {  	v32 =	vadd.s32 s28, v12;
	v29 =	vadd.s32 v2, v29;
	[tilespmem:s25+$0xFFFFFFE0] =	vst v33;
	v25 =	vld.idx.msk [tilespmem:v25+s12+$0x0], $0xffff  }
0x3f6: {  	v32 =	vadd.s32 v5, v32;
	v33 =	vadd.s32 s28, v11;
	[tilespmem:s25+$0xFFFFFFF0] =	vst v26;
	v26 =	vld.idx.msk [tilespmem:v27+s12+$0x0], $0xffff  }
0x3f7: {  	v27 =	vadd.s32 v3, v33;
	v33 =	vadd.s32 s28, v10;
	v34 =	vld.idx.msk [tilespmem:v22+s12+$0x0], $0xffff;
	[tilespmem:s25+$0x0] =	vst v21  }
0x3f8: {  	v21 =	vadd.s32 v6, v33;
	v22 =	vld.idx.msk [tilespmem:v28+s12+$0x0], $0xffff;
	v28 =	vadd.s32 s28, v8;
	[tilespmem:s25+$0x10] =	vst v24  }
0x3f9: {  	s30 =	sadd.s32 $0x1, s29;
	v24 =	vadd.s32 s28, v9;
	s28 =	smov.u32 s29;
	v23 =	vld.idx.msk [tilespmem:v23+s12+$0x0], $0xffff;
	v33 =	vadd.s32 v1, v28;
	[tilespmem:s25+$0x20] =	vst v30  }
0x3fa: {  	v30 =	vadd.s32 s30, v15;
	v36 =	vadd.s32 v4, v24;
	v28 =	vld.idx.msk [tilespmem:v29+s12+$0x0], $0xffff;
	[tilespmem:s25+$0x30] =	vst v31  }
0x3fb: {  	v24 =	vadd.s32 s30, v14;
	v38 =	vadd.s32 v0, v30;
	v29 =	vld.idx.msk [tilespmem:v32+s12+$0x0], $0xffff;
	[tilespmem:s25+$0x40] =	vst v20  }
0x3fc: {  	v40 =	vadd.s32 v7, v24;
	v20 =	vadd.s32 s30, v13;
	v27 =	vld.idx.msk [tilespmem:v27+s12+$0x0], $0xffff;
	[tilespmem:s25+$0x50] =	vst v25  }
.Ltmp15:
0x3fd: {  	v32 =	vadd.s32 v2, v20;
	v20 =	vadd.s32 s30, v12;
	v24 =	vld.idx.msk [tilespmem:v21+s12+$0x0], $0xffff;
	[tilespmem:s25+$0x60] =	vst v26;
	(pc) =	sbr.rel @p1 .LBB2_24-.Ltmp15, $4  }
0x3fe: {  	v30 =	vadd.s32 v5, v20;
	v20 =	vadd.s32 s30, v11;
	v25 =	vld.idx.msk [tilespmem:v33+s12+$0x0], $0xffff;
	[tilespmem:s25+$0x70] =	vst v34  }
0x3ff: {  	v21 =	vadd.s32 s30, v10;
	v31 =	vadd.s32 v3, v20;
	v26 =	vld.idx.msk [tilespmem:v36+s12+$0x0], $0xffff;
	[tilespmem:s25+$0x80] =	vst v35  }
0x400: {  	s0 =	sadd.s32 $0x3, s29;
	v34 =	vadd.s32 v6, v21;
	v33 =	vadd.s32 s30, v8;
	v20 =	vld.idx.msk [tilespmem:v38+s12+$0x0], $0xffff;
	[tilespmem:s25+$0x90] =	vst v37  }
0x401: {  	s29 =	sadd.s32 $0x4, s29;
	v33 =	vadd.s32 v1, v33;
	v35 =	vadd.s32 s0, v15;
	v21 =	vld.idx.msk [tilespmem:v40+s12+$0x0], $0xffff;
	[tilespmem:s25+$0xA0] =	vst v39  }
0x402: {  	[tilespmem:s25+$0xB0] =	vst v19  }
0x403: {  	[tilespmem:s25+$0xC0] =	vst v17  }
0x404: {  	[tilespmem:s25+$0xD0] =	vst v16  }
0x405: {  	[tilespmem:s25+$0xE0] =	vst v18  }
0x406: {  	[tilespmem:s25+$0xFFFFFF00] =	vst v22  }
0x407: {  	[tilespmem:s25+$0xFFFFFF10] =	vst v23  }
0x408: {  	v32 =	vld.idx.msk [tilespmem:v32+s12+$0x0], $0xffff;
	v35 =	vadd.s32 v0, v35;
	[tilespmem:s25+$0xFFFFFF20] =	vst v28;
	v59 =	vadd.s32 s30, v9  }
0x409: {  	v36 =	vadd.s32 s0, v9;
	v19 =	vld.idx.msk [tilespmem:v30+s12+$0x0], $0xffff;
	[tilespmem:s25+$0xFFFFFF30] =	vst v29;
	v28 =	vadd.s32 v4, v59  }
0x40a: {  	v51 =	vadd.s32 s0, v14;
	v17 =	vld.idx.msk [tilespmem:v31+s12+$0x0], $0xffff;
	[tilespmem:s25+$0xFFFFFF40] =	vst v27;
	v36 =	vadd.s32 v4, v36  }
0x40b: {  	v52 =	vadd.s32 s0, v13;
	v16 =	vld.idx.msk [tilespmem:v34+s12+$0x0], $0xffff;
	[tilespmem:s25+$0xFFFFFF50] =	vst v24;
	v30 =	vadd.s32 v7, v51  }
0x40c: {  	v53 =	vadd.s32 s0, v12;
	v18 =	vld.idx.msk [tilespmem:v33+s12+$0x0], $0xffff;
	v31 =	vadd.s32 v2, v52;
	[tilespmem:s25+$0xFFFFFF60] =	vst v25  }
0x40d: {  	v55 =	vadd.s32 s0, v11;
	s31 =	sadd.s32 $0x200, s25;
	v54 =	vadd.s32 v5, v53;
	[tilespmem:s25+$0xFFFFFF70] =	vst v26;
	v22 =	vld.idx.msk [tilespmem:v35+s12+$0x0], $0xffff  }
0x40e: {  	v56 =	vadd.s32 s0, v10;
	v34 =	vadd.s32 v3, v55;
	v28 =	vld.idx.msk [tilespmem:v28+s12+$0x0], $0xffff;
	[tilespmem:s31+$0xFFFFFF80] =	vst v20  }
0x40f: {  	v58 =	vadd.s32 s0, v8;
	s29 =	sadd.s32 $0x2, s28;
	v57 =	vadd.s32 v6, v56;
	v36 =	vld.idx.msk [tilespmem:v36+s12+$0x0], $0xffff;
	[tilespmem:s31+$0xFFFFFF90] =	vst v21  }
0x410: {  	v60 =	vadd.s32 s29, v15;
	v35 =	vadd.s32 v1, v58;
	v30 =	vld.idx.msk [tilespmem:v30+s12+$0x0], $0xffff;
	[tilespmem:s31+$0xFFFFFFA0] =	vst v32  }
0x411: {  	v62 =	vadd.s32 s29, v14;
	v61 =	vadd.s32 v0, v60;
	v31 =	vld.idx.msk [tilespmem:v31+s12+$0x0], $0xffff;
	[tilespmem:s31+$0xFFFFFFB0] =	vst v19  }
0x412: {  	v39 =	vadd.s32 s29, v13;
	v63 =	vadd.s32 v7, v62;
	v33 =	vld.idx.msk [tilespmem:v54+s12+$0x0], $0xffff;
	[tilespmem:s31+$0xFFFFFFC0] =	vst v17  }
0x413: {  	v41 =	vadd.s32 s29, v12;
	v40 =	vadd.s32 v2, v39;
	v34 =	vld.idx.msk [tilespmem:v34+s12+$0x0], $0xffff;
	[tilespmem:s31+$0xFFFFFFD0] =	vst v16  }
0x414: {  	v43 =	vadd.s32 s29, v11;
	v42 =	vadd.s32 v5, v41;
	v23 =	vld.idx.msk [tilespmem:v57+s12+$0x0], $0xffff;
	[tilespmem:s31+$0xFFFFFFE0] =	vst v18  }
0x415: {  	v44 =	vadd.s32 s29, v10;
	v29 =	vadd.s32 v3, v43;
	v35 =	vld.idx.msk [tilespmem:v35+s12+$0x0], $0xffff;
	[tilespmem:s31+$0x80] =	vst v22  }
0x416: {  	v47 =	vadd.s32 s29, v8;
	v46 =	vadd.s32 v6, v44;
	v45 =	vld.idx.msk [tilespmem:v61+s12+$0x0], $0xffff;
	[tilespmem:s31+$0xF0] =	vst v36  }
0x417: {  	v50 =	vadd.s32 s29, v9;
	v49 =	vadd.s32 v1, v47;
	v48 =	vld.idx.msk [tilespmem:v63+s12+$0x0], $0xffff;
	[tilespmem:s31+$0xFFFFFFF0] =	vst v28  }
0x418: {  	v59 =	vadd.s32 s28, v13;
	v51 =	vadd.s32 v4, v50;
	v25 =	vld.idx.msk [tilespmem:v40+s12+$0x0], $0xffff;
	[tilespmem:s31+$0x90] =	vst v30  }
0x419: {  	v8 =	vadd.s32 s28, v8;
	v13 =	vadd.s32 v2, v59;
	v52 =	vld.idx.msk [tilespmem:v42+s12+$0x0], $0xffff;
	[tilespmem:s31+$0xA0] =	vst v31  }
0x41a: {  	v60 =	vadd.s32 s28, v12;
	v8 =	vadd.s32 v1, v8;
	v53 =	vld.idx.msk [tilespmem:v29+s12+$0x0], $0xffff;
	[tilespmem:s31+$0xB0] =	vst v33  }
0x41b: {  	v62 =	vadd.s32 s28, v10;
	v12 =	vadd.s32 v5, v60;
	v54 =	vld.idx.msk [tilespmem:v46+s12+$0x0], $0xffff;
	[tilespmem:s31+$0xC0] =	vst v34  }
0x41c: {  	v10 =	vadd.s32 v6, v62;
	v58 =	vadd.s32 s28, v14;
	v55 =	vld.idx.msk [tilespmem:v49+s12+$0x0], $0xffff;
	[tilespmem:s31+$0xD0] =	vst v23  }
0x41d: {  	v57 =	vadd.s32 s28, v15;
	v14 =	vadd.s32 v7, v58;
	v56 =	vld.idx.msk [tilespmem:v51+s12+$0x0], $0xffff;
	[tilespmem:s31+$0x0] =	vst v45  }
0x41e: {  	v15 =	vadd.s32 v0, v57;
	v61 =	vadd.s32 s28, v11;
	v13 =	vld.idx.msk [tilespmem:v13+s12+$0x0], $0xffff;
	[tilespmem:s31+$0x10] =	vst v48  }
0x41f: {  	v63 =	vadd.s32 s28, v9;
	v8 =	vld.idx.msk [tilespmem:v8+s12+$0x0], $0xffff;
	v11 =	vadd.s32 v3, v61;
	[tilespmem:s31+$0x20] =	vst v25  }
0x420: {  	v9 =	vadd.s32 v4, v63;
	v12 =	vld.idx.msk [tilespmem:v12+s12+$0x0], $0xffff;
	[tilespmem:s31+$0x30] =	vst v52  }
0x421: {  	v10 =	vld.idx.msk [tilespmem:v10+s12+$0x0], $0xffff;
	[tilespmem:s31+$0x40] =	vst v53  }
0x422: {  	v14 =	vld.idx.msk [tilespmem:v14+s12+$0x0], $0xffff;
	[tilespmem:s31+$0x50] =	vst v54  }
0x423: {  	[tilespmem:s31+$0x60] =	vst v55;
	v15 =	vld.idx.msk [tilespmem:v15+s12+$0x0], $0xffff  }
0x424: {  	[tilespmem:s31+$0x70] =	vst v56;
	v11 =	vld.idx.msk [tilespmem:v11+s12+$0x0], $0xffff  }
0x425: {  	v9 =	vld.idx.msk [tilespmem:v9+s12+$0x0], $0xffff;
	[tilespmem:s31+$0xFFFFFF20] =	vst v13  }
0x426: {  	[tilespmem:s31+$0xFFFFFF30] =	vst v12  }
0x427: {  	[tilespmem:s31+$0xFFFFFF50] =	vst v10  }
0x428: {  	[tilespmem:s31+$0xFFFFFF60] =	vst v8  }
0x429: {  	[tilespmem:s31+$0xE0] =	vst v35  }
0x42a: {  	s30 =	sshll.u32 s26, $0x13;
	[tilespmem:s31+$0xFFFFFF10] =	vst v14  }
0x42b: {  	s25 =	sor.u32 s30, s23;
	[tilespmem:s31+$0xFFFFFF00] =	vst v15  }
0x42c: {  	s25 =	sshrl.u32 s25, $0x3;
	[tilespmem:s31+$0xFFFFFF40] =	vst v11  }
0x42d: {  	[tilespmem:s31+$0xFFFFFF70] =	vst v9;
	s31 =	sadd.s32 s2, s25  }
0x42e: {  	[hbm4b:s31+s11] =	stream.strided.scatter [tilespmem:s17], [sflag:$0x4], $0x1000, s16, s11, $0x38;
	[tilespmem:$0xAC00] =	vst v63  }
.LBB2_26:
.Ltmp16:
0x42f: {  	(pc) =	sbr.rel @p0 .LBB2_30-.Ltmp16, $1  }
0x430: {  	_ =	sdelay $0x3  }
0x431: {  	_ =	swait.ge [sflag:s18], $0x4000  }
0x432: {  	[sflag:s18] =	ssyncset.done $0x0  }
0x433: {  	[sflag:s18] =	ssyncadd.s32 $0xFFFFC000  }
0x434: {  	_ =	swait.ge [sflag:s21], $0x1000  }
0x435: {  	[sflag:s21] =	ssyncset.done $0x0  }
0x436: {  	[sflag:s21] =	ssyncadd.s32 $0xFFFFF000  }
0x437: {  	v15 =	vld [tilespmem:$0xB80]  }
0x438: {  	v13 =	vld [tilespmem:$0xBA0]  }
0x439: {  	v14 =	vld [tilespmem:$0xB90]  }
0x43a: {  	v12 =	vld [tilespmem:$0xBB0]  }
0x43b: {  	s0 =	simm.s32 $0x1  }
0x43c: {  	v11 =	vld [tilespmem:$0xBC0];
	v9 =	vadd.s32 s0, v15  }
0x43d: {  	v10 =	vld [tilespmem:$0xBD0];
	v18 =	vadd.s32 s0, v13;
	v16 =	vadd.s32 v0, v9  }
0x43e: {  	v8 =	vld [tilespmem:$0xBE0];
	v9 =	vadd.s32 s0, v14;
	v18 =	vadd.s32 v2, v18  }
0x43f: {  	v19 =	vadd.s32 s0, v12;
	v17 =	vadd.s32 v7, v9  }
0x440: {  	v19 =	vadd.s32 v5, v19  }
0x441: {  	v20 =	vadd.s32 s0, v11;
	v9 =	vld [tilespmem:$0xBF0]  }
0x442: {  	v21 =	vadd.s32 s0, v10;
	v20 =	vadd.s32 v3, v20;
	v22 =	vld.idx.msk [tilespmem:v16+s14+$0x0], $0xffff  }
0x443: {  	s25 =	simm.s32 $0x3;
	v16 =	vadd.s32 v6, v21;
	v21 =	vadd.s32 s0, v8;
	v24 =	vld.idx.msk [tilespmem:v18+s14+$0x0], $0xffff  }
0x444: {  	v23 =	vld.idx.msk [tilespmem:v17+s14+$0x0], $0xffff;
	v17 =	vadd.s32 v1, v21;
	v21 =	vadd.s32 s25, v15  }
0x445: {  	v25 =	vld.idx.msk [tilespmem:v19+s14+$0x0], $0xffff;
	v19 =	vadd.s32 s25, v14;
	v18 =	vadd.s32 v0, v21  }
0x446: {  	v19 =	vadd.s32 v7, v19;
	v21 =	vadd.s32 s25, v9  }
0x447: {  	v26 =	vadd.s32 s25, v13;
	v20 =	vld.idx.msk [tilespmem:v20+s14+$0x0], $0xffff;
	v21 =	vadd.s32 v4, v21  }
0x448: {  	v27 =	vld.idx.msk [tilespmem:v16+s14+$0x0], $0xffff;
	v16 =	vadd.s32 v2, v26;
	v26 =	vadd.s32 s25, v12  }
0x449: {  	v28 =	vld.idx.msk [tilespmem:v17+s14+$0x0], $0xffff;
	v17 =	vadd.s32 v5, v26;
	v26 =	vadd.s32 s25, v11  }
0x44a: {  	v31 =	vld.idx.msk [tilespmem:v18+s14+$0x0], $0xffff;
	v18 =	vadd.s32 v3, v26;
	v26 =	vadd.s32 s25, v10  }
0x44b: {  	v29 =	vadd.s32 s25, v8;
	v33 =	vld.idx.msk [tilespmem:v19+s14+$0x0], $0xffff;
	v26 =	vadd.s32 v6, v26  }
0x44c: {  	s30 =	simm.s32 $0x2;
	v29 =	vadd.s32 v1, v29;
	v30 =	vadd.s32 s0, v9;
	v21 =	vld.idx.msk [tilespmem:v21+s14+$0x0], $0xffff  }
0x44d: {  	v30 =	vadd.s32 v4, v30;
	v19 =	vadd.s32 s30, v15;
	v36 =	vld.idx.msk [tilespmem:v16+s14+$0x0], $0xffff  }
0x44e: {  	v32 =	vadd.s32 v0, v19;
	v16 =	vadd.s32 s30, v14;
	v19 =	vld.idx.msk [tilespmem:v17+s14+$0x0], $0xffff  }
0x44f: {  	v34 =	vadd.s32 v7, v16;
	v16 =	vadd.s32 s30, v13;
	v17 =	vld.idx.msk [tilespmem:v18+s14+$0x0], $0xffff  }
0x450: {  	s25 =	simm.s32 $0x9D00;
	v35 =	vadd.s32 v2, v16;
	v18 =	vadd.s32 s30, v12;
	v16 =	vld.idx.msk [tilespmem:v26+s14+$0x0], $0xffff  }
0x451: {  	v37 =	vadd.s32 s30, v11;
	v26 =	vadd.s32 v5, v18;
	v18 =	vld.idx.msk [tilespmem:v29+s14+$0x0], $0xffff;
	[tilespmem:s25+$0xF0] =	vst v21  }
0x452: {  	v54 =	vadd.s32 s30, v8;
	v21 =	vld.idx.msk [tilespmem:v30+s14+$0x0], $0xffff;
	v29 =	vadd.s32 v3, v37;
	[tilespmem:s25+$0xFFFFFF80] =	vst v22  }
0x453: {  	v30 =	vadd.s32 s30, v10;
	v22 =	vld.idx.msk [tilespmem:v32+s14+$0x0], $0xffff;
	[tilespmem:s25+$0xFFFFFF90] =	vst v23;
	v32 =	vadd.s32 v1, v54  }
0x454: {  	s31 =	simm.s32 $0x0;
	v55 =	vadd.s32 s30, v9;
	[tilespmem:s25+$0xFFFFFFA0] =	vst v24;
	v30 =	vadd.s32 v6, v30;
	v23 =	vld.idx.msk [tilespmem:v34+s14+$0x0], $0xffff  }
0x455: {  	v56 =	vadd.s32 s31, v15;
	[tilespmem:s25+$0xFFFFFFB0] =	vst v25;
	v34 =	vadd.s32 v4, v55;
	v24 =	vld.idx.msk [tilespmem:v35+s14+$0x0], $0xffff  }
0x456: {  	v57 =	vadd.s32 s31, v14;
	[tilespmem:s25+$0xFFFFFFC0] =	vst v20;
	v25 =	vld.idx.msk [tilespmem:v26+s14+$0x0], $0xffff;
	v26 =	vadd.s32 v0, v56  }
0x457: {  	v58 =	vadd.s32 s31, v13;
	[tilespmem:s25+$0xFFFFFFD0] =	vst v27;
	v20 =	vld.idx.msk [tilespmem:v29+s14+$0x0], $0xffff;
	v29 =	vadd.s32 v7, v57  }
0x458: {  	v59 =	vadd.s32 s31, v12;
	v27 =	vadd.s32 v2, v58;
	[tilespmem:s25+$0xFFFFFFE0] =	vst v28;
	v32 =	vld.idx.msk [tilespmem:v32+s14+$0x0], $0xffff  }
0x459: {  	v28 =	vadd.s32 s31, v11;
	v35 =	vadd.s32 v5, v59;
	[tilespmem:s25+$0xFFFFFFF0] =	vst v21;
	v30 =	vld.idx.msk [tilespmem:v30+s14+$0x0], $0xffff  }
0x45a: {  	s29 =	simm.s32 $0x5;
	v60 =	vadd.s32 v3, v28;
	v28 =	vadd.s32 s31, v10;
	v21 =	vld.idx.msk [tilespmem:v34+s14+$0x0], $0xffff;
	[tilespmem:s25+$0x0] =	vst v22  }
0x45b: {  	[tilespmem:s25+$0x20] =	vst v24;
	v24 =	vadd.s32 s29, v15;
	v22 =	vld.idx.msk [tilespmem:v26+s14+$0x0], $0xffff;
	v26 =	vadd.s32 v6, v28  }
0x45c: {  	[tilespmem:s25+$0x10] =	vst v23;
	v28 =	vadd.s32 s31, v8;
	v23 =	vld.idx.msk [tilespmem:v29+s14+$0x0], $0xffff;
	v39 =	vadd.s32 v0, v24  }
0x45d: {  	[tilespmem:s25+$0x80] =	vst v31;
	v29 =	vadd.s32 s31, v9;
	v61 =	vadd.s32 v1, v28;
	v28 =	vld.idx.msk [tilespmem:v27+s14+$0x0], $0xffff  }
0x45e: {  	[tilespmem:s25+$0x30] =	vst v25;
	v24 =	vadd.s32 s29, v14;
	v38 =	vadd.s32 v4, v29;
	v29 =	vld.idx.msk [tilespmem:v35+s14+$0x0], $0xffff  }
0x45f: {  	[tilespmem:s25+$0x40] =	vst v20;
	v20 =	vadd.s32 s29, v13;
	v62 =	vadd.s32 v7, v24;
	v27 =	vld.idx.msk [tilespmem:v60+s14+$0x0], $0xffff  }
0x460: {  	[tilespmem:s25+$0x60] =	vst v32;
	v32 =	vadd.s32 v2, v20;
	v20 =	vadd.s32 s29, v11;
	v24 =	vld.idx.msk [tilespmem:v26+s14+$0x0], $0xffff;
	v26 =	vadd.s32 s29, v12  }
0x461: {  	[tilespmem:s25+$0x50] =	vst v30;
	v31 =	vadd.s32 v3, v20;
	v20 =	vld.idx.msk [tilespmem:v39+s14+$0x0], $0xffff;
	v30 =	vadd.s32 v5, v26  }
0x462: {  	[tilespmem:s25+$0x70] =	vst v21;
	v21 =	vadd.s32 s29, v10;
	v25 =	vld.idx.msk [tilespmem:v61+s14+$0x0], $0xffff  }
0x463: {  	v63 =	vadd.s32 s29, v8;
	s0 =	simm.s32 $0x7;
	[tilespmem:s25+$0x90] =	vst v33;
	v34 =	vadd.s32 v6, v21;
	v26 =	vld.idx.msk [tilespmem:v38+s14+$0x0], $0xffff  }
0x464: {  	s26 =	simm.s32 $0x4;
	s28 =	simm.s32 $0x8;
	v33 =	vadd.s32 v1, v63;
	[tilespmem:s25+$0xA0] =	vst v36;
	v35 =	vadd.s32 s0, v15;
	v21 =	vld.idx.msk [tilespmem:v62+s14+$0x0], $0xffff  }
.LBB2_28:
0x465: {  	p0 =	slt.u32 s28, $0x1C;
	v32 =	vld.idx.msk [tilespmem:v32+s14+$0x0], $0xffff;
	v35 =	vadd.s32 v0, v35;
	v36 =	vadd.s32 s0, v9;
	[tilespmem:s25+$0xB0] =	vst v19  }
0x466: {  	v19 =	vadd.s32 s0, v14;
	v30 =	vld.idx.msk [tilespmem:v30+s14+$0x0], $0xffff;
	v36 =	vadd.s32 v4, v36;
	[tilespmem:s25+$0xC0] =	vst v17  }
0x467: {  	v17 =	vadd.s32 v7, v19;
	v19 =	vadd.s32 s0, v13;
	v31 =	vld.idx.msk [tilespmem:v31+s14+$0x0], $0xffff;
	[tilespmem:s25+$0xD0] =	vst v16  }
0x468: {  	v16 =	vadd.s32 v2, v19;
	v19 =	vadd.s32 s0, v12;
	v34 =	vld.idx.msk [tilespmem:v34+s14+$0x0], $0xffff;
	[tilespmem:s25+$0xE0] =	vst v18  }
0x469: {  	v18 =	vadd.s32 v5, v19;
	v19 =	vadd.s32 s0, v11;
	v33 =	vld.idx.msk [tilespmem:v33+s14+$0x0], $0xffff;
	[tilespmem:s25+$0xFFFFFF00] =	vst v22  }
0x46a: {  	v22 =	vadd.s32 v3, v19;
	v19 =	vadd.s32 s0, v10;
	v35 =	vld.idx.msk [tilespmem:v35+s14+$0x0], $0xffff;
	[tilespmem:s25+$0xFFFFFF10] =	vst v23  }
0x46b: {  	v23 =	vadd.s32 v6, v19;
	v19 =	vadd.s32 s0, v8;
	v36 =	vld.idx.msk [tilespmem:v36+s14+$0x0], $0xffff;
	[tilespmem:s25+$0xFFFFFF20] =	vst v28  }
0x46c: {  	s0 =	sadd.s32 $0x2, s26;
	v28 =	vadd.s32 s29, v9;
	v38 =	vadd.s32 v1, v19;
	v37 =	vld.idx.msk [tilespmem:v17+s14+$0x0], $0xffff;
	[tilespmem:s25+$0xFFFFFF30] =	vst v29  }
0x46d: {  	v28 =	vadd.s32 v4, v28;
	v17 =	vadd.s32 s0, v15;
	v39 =	vld.idx.msk [tilespmem:v16+s14+$0x0], $0xffff;
	[tilespmem:s25+$0xFFFFFF40] =	vst v27  }
0x46e: {  	v27 =	vadd.s32 v0, v17;
	v16 =	vadd.s32 s0, v14;
	v19 =	vld.idx.msk [tilespmem:v18+s14+$0x0], $0xffff;
	[tilespmem:s25+$0xFFFFFF50] =	vst v24  }
0x46f: {  	v24 =	vadd.s32 v7, v16;
	v16 =	vadd.s32 s0, v13;
	v17 =	vld.idx.msk [tilespmem:v22+s14+$0x0], $0xffff;
	[tilespmem:s25+$0xFFFFFF60] =	vst v25  }
0x470: {  	v18 =	vadd.s32 s0, v12;
	v22 =	vadd.s32 v2, v16;
	v16 =	vld.idx.msk [tilespmem:v23+s14+$0x0], $0xffff;
	[tilespmem:s25+$0xFFFFFF70] =	vst v26;
	s25 =	sadd.s32 $0x200, s25  }
0x471: {  	v25 =	vadd.s32 s0, v11;
	v23 =	vadd.s32 v5, v18;
	v18 =	vld.idx.msk [tilespmem:v38+s14+$0x0], $0xffff;
	[tilespmem:s25+$0xF0] =	vst v36  }
0x472: {  	v26 =	vld.idx.msk [tilespmem:v28+s14+$0x0], $0xffff;
	[tilespmem:s25+$0xFFFFFF80] =	vst v20;
	v20 =	vadd.s32 v3, v25;
	v25 =	vadd.s32 s0, v10  }
0x473: {  	[tilespmem:s25+$0xFFFFFF90] =	vst v21;
	v21 =	vld.idx.msk [tilespmem:v27+s14+$0x0], $0xffff;
	v25 =	vadd.s32 v6, v25;
	v27 =	vadd.s32 s0, v8  }
0x474: {  	v28 =	vadd.s32 s0, v9;
	[tilespmem:s25+$0xFFFFFFA0] =	vst v32;
	v24 =	vld.idx.msk [tilespmem:v24+s14+$0x0], $0xffff;
	v27 =	vadd.s32 v1, v27  }
0x475: {  	v29 =	vadd.s32 s26, v15;
	[tilespmem:s25+$0xFFFFFFB0] =	vst v30;
	v30 =	vld.idx.msk [tilespmem:v22+s14+$0x0], $0xffff;
	v22 =	vadd.s32 v4, v28  }
0x476: {  	v28 =	vadd.s32 v0, v29;
	v29 =	vadd.s32 s26, v14;
	[tilespmem:s25+$0xFFFFFFC0] =	vst v31;
	v31 =	vld.idx.msk [tilespmem:v23+s14+$0x0], $0xffff  }
0x477: {  	v23 =	vadd.s32 v7, v29;
	v29 =	vadd.s32 s26, v13;
	[tilespmem:s25+$0xFFFFFFD0] =	vst v34;
	v20 =	vld.idx.msk [tilespmem:v20+s14+$0x0], $0xffff  }
0x478: {  	v32 =	vadd.s32 s26, v12;
	v29 =	vadd.s32 v2, v29;
	[tilespmem:s25+$0xFFFFFFE0] =	vst v33;
	v25 =	vld.idx.msk [tilespmem:v25+s14+$0x0], $0xffff  }
0x479: {  	v32 =	vadd.s32 v5, v32;
	v33 =	vadd.s32 s26, v11;
	[tilespmem:s25+$0xFFFFFFF0] =	vst v26;
	v26 =	vld.idx.msk [tilespmem:v27+s14+$0x0], $0xffff  }
0x47a: {  	v27 =	vadd.s32 v3, v33;
	v33 =	vadd.s32 s26, v10;
	v34 =	vld.idx.msk [tilespmem:v22+s14+$0x0], $0xffff;
	[tilespmem:s25+$0x0] =	vst v21  }
0x47b: {  	v21 =	vadd.s32 v6, v33;
	v22 =	vld.idx.msk [tilespmem:v28+s14+$0x0], $0xffff;
	v28 =	vadd.s32 s26, v8;
	[tilespmem:s25+$0x10] =	vst v24  }
0x47c: {  	s29 =	sadd.s32 $0x1, s28;
	v24 =	vadd.s32 s26, v9;
	s26 =	smov.u32 s28;
	v23 =	vld.idx.msk [tilespmem:v23+s14+$0x0], $0xffff;
	v33 =	vadd.s32 v1, v28;
	[tilespmem:s25+$0x20] =	vst v30  }
0x47d: {  	v30 =	vadd.s32 s29, v15;
	v36 =	vadd.s32 v4, v24;
	v28 =	vld.idx.msk [tilespmem:v29+s14+$0x0], $0xffff;
	[tilespmem:s25+$0x30] =	vst v31  }
0x47e: {  	v24 =	vadd.s32 s29, v14;
	v38 =	vadd.s32 v0, v30;
	v29 =	vld.idx.msk [tilespmem:v32+s14+$0x0], $0xffff;
	[tilespmem:s25+$0x40] =	vst v20  }
0x47f: {  	v40 =	vadd.s32 v7, v24;
	v20 =	vadd.s32 s29, v13;
	v27 =	vld.idx.msk [tilespmem:v27+s14+$0x0], $0xffff;
	[tilespmem:s25+$0x50] =	vst v25  }
.Ltmp17:
0x480: {  	v32 =	vadd.s32 v2, v20;
	v20 =	vadd.s32 s29, v12;
	v24 =	vld.idx.msk [tilespmem:v21+s14+$0x0], $0xffff;
	[tilespmem:s25+$0x60] =	vst v26;
	(pc) =	sbr.rel @p0 .LBB2_28-.Ltmp17, $4  }
0x481: {  	v30 =	vadd.s32 v5, v20;
	v20 =	vadd.s32 s29, v11;
	v25 =	vld.idx.msk [tilespmem:v33+s14+$0x0], $0xffff;
	[tilespmem:s25+$0x70] =	vst v34  }
0x482: {  	v21 =	vadd.s32 s29, v10;
	v31 =	vadd.s32 v3, v20;
	v26 =	vld.idx.msk [tilespmem:v36+s14+$0x0], $0xffff;
	[tilespmem:s25+$0x80] =	vst v35  }
0x483: {  	s0 =	sadd.s32 $0x3, s28;
	v34 =	vadd.s32 v6, v21;
	v33 =	vadd.s32 s29, v8;
	v20 =	vld.idx.msk [tilespmem:v38+s14+$0x0], $0xffff;
	[tilespmem:s25+$0x90] =	vst v37  }
0x484: {  	s28 =	sadd.s32 $0x4, s28;
	v33 =	vadd.s32 v1, v33;
	v35 =	vadd.s32 s0, v15;
	v21 =	vld.idx.msk [tilespmem:v40+s14+$0x0], $0xffff;
	[tilespmem:s25+$0xA0] =	vst v39  }
0x485: {  	[tilespmem:s25+$0xB0] =	vst v19  }
0x486: {  	[tilespmem:s25+$0xC0] =	vst v17  }
0x487: {  	[tilespmem:s25+$0xD0] =	vst v16  }
0x488: {  	[tilespmem:s25+$0xE0] =	vst v18  }
0x489: {  	[tilespmem:s25+$0xFFFFFF00] =	vst v22  }
0x48a: {  	[tilespmem:s25+$0xFFFFFF10] =	vst v23  }
0x48b: {  	v32 =	vld.idx.msk [tilespmem:v32+s14+$0x0], $0xffff;
	v35 =	vadd.s32 v0, v35;
	[tilespmem:s25+$0xFFFFFF20] =	vst v28;
	v52 =	vadd.s32 s29, v9  }
0x48c: {  	v36 =	vadd.s32 s0, v9;
	v19 =	vld.idx.msk [tilespmem:v30+s14+$0x0], $0xffff;
	[tilespmem:s25+$0xFFFFFF30] =	vst v29;
	v28 =	vadd.s32 v4, v52  }
0x48d: {  	v44 =	vadd.s32 s0, v14;
	v17 =	vld.idx.msk [tilespmem:v31+s14+$0x0], $0xffff;
	[tilespmem:s25+$0xFFFFFF40] =	vst v27;
	v36 =	vadd.s32 v4, v36  }
0x48e: {  	v45 =	vadd.s32 s0, v13;
	v16 =	vld.idx.msk [tilespmem:v34+s14+$0x0], $0xffff;
	[tilespmem:s25+$0xFFFFFF50] =	vst v24;
	v30 =	vadd.s32 v7, v44  }
0x48f: {  	v46 =	vadd.s32 s0, v12;
	v18 =	vld.idx.msk [tilespmem:v33+s14+$0x0], $0xffff;
	v31 =	vadd.s32 v2, v45;
	[tilespmem:s25+$0xFFFFFF60] =	vst v25  }
0x490: {  	v48 =	vadd.s32 s0, v11;
	s30 =	sadd.s32 $0x200, s25;
	v47 =	vadd.s32 v5, v46;
	[tilespmem:s25+$0xFFFFFF70] =	vst v26;
	v22 =	vld.idx.msk [tilespmem:v35+s14+$0x0], $0xffff  }
0x491: {  	v49 =	vadd.s32 s0, v10;
	v34 =	vadd.s32 v3, v48;
	v28 =	vld.idx.msk [tilespmem:v28+s14+$0x0], $0xffff;
	[tilespmem:s30+$0xFFFFFF80] =	vst v20  }
0x492: {  	v51 =	vadd.s32 s0, v8;
	s28 =	sadd.s32 $0x2, s26;
	v50 =	vadd.s32 v6, v49;
	v36 =	vld.idx.msk [tilespmem:v36+s14+$0x0], $0xffff;
	[tilespmem:s30+$0xFFFFFF90] =	vst v21  }
0x493: {  	v53 =	vadd.s32 s28, v15;
	v35 =	vadd.s32 v1, v51;
	v30 =	vld.idx.msk [tilespmem:v30+s14+$0x0], $0xffff;
	[tilespmem:s30+$0xFFFFFFA0] =	vst v32  }
0x494: {  	v55 =	vadd.s32 s28, v14;
	v54 =	vadd.s32 v0, v53;
	v31 =	vld.idx.msk [tilespmem:v31+s14+$0x0], $0xffff;
	[tilespmem:s30+$0xFFFFFFB0] =	vst v19  }
0x495: {  	v57 =	vadd.s32 s28, v13;
	v56 =	vadd.s32 v7, v55;
	v33 =	vld.idx.msk [tilespmem:v47+s14+$0x0], $0xffff;
	[tilespmem:s30+$0xFFFFFFC0] =	vst v17  }
0x496: {  	v59 =	vadd.s32 s28, v12;
	v58 =	vadd.s32 v2, v57;
	v34 =	vld.idx.msk [tilespmem:v34+s14+$0x0], $0xffff;
	[tilespmem:s30+$0xFFFFFFD0] =	vst v16  }
0x497: {  	v61 =	vadd.s32 s28, v11;
	v60 =	vadd.s32 v5, v59;
	v23 =	vld.idx.msk [tilespmem:v50+s14+$0x0], $0xffff;
	[tilespmem:s30+$0xFFFFFFE0] =	vst v18  }
0x498: {  	v62 =	vadd.s32 s28, v10;
	v29 =	vadd.s32 v3, v61;
	v35 =	vld.idx.msk [tilespmem:v35+s14+$0x0], $0xffff;
	[tilespmem:s30+$0x80] =	vst v22  }
0x499: {  	v41 =	vadd.s32 s28, v8;
	v40 =	vadd.s32 v6, v62;
	v63 =	vld.idx.msk [tilespmem:v54+s14+$0x0], $0xffff;
	[tilespmem:s30+$0xF0] =	vst v36  }
0x49a: {  	v44 =	vadd.s32 s28, v9;
	v43 =	vadd.s32 v1, v41;
	v42 =	vld.idx.msk [tilespmem:v56+s14+$0x0], $0xffff;
	[tilespmem:s30+$0xFFFFFFF0] =	vst v28  }
0x49b: {  	v45 =	vadd.s32 v4, v44;
	v25 =	vld.idx.msk [tilespmem:v58+s14+$0x0], $0xffff;
	[tilespmem:s30+$0x90] =	vst v30  }
0x49c: {  	v52 =	vadd.s32 s26, v14;
	v46 =	vld.idx.msk [tilespmem:v60+s14+$0x0], $0xffff;
	[tilespmem:s30+$0xA0] =	vst v31  }
0x49d: {  	v53 =	vadd.s32 v7, v52;
	v57 =	vadd.s32 s26, v11;
	v47 =	vld.idx.msk [tilespmem:v29+s14+$0x0], $0xffff;
	[tilespmem:s30+$0xB0] =	vst v33  }
0x49e: {  	v3 =	vadd.s32 v3, v57;
	v51 =	vadd.s32 s26, v15;
	v48 =	vld.idx.msk [tilespmem:v40+s14+$0x0], $0xffff;
	[tilespmem:s30+$0xC0] =	vst v34  }
0x49f: {  	v61 =	vadd.s32 s26, v8;
	v15 =	vadd.s32 v0, v51;
	v49 =	vld.idx.msk [tilespmem:v43+s14+$0x0], $0xffff;
	[tilespmem:s30+$0xD0] =	vst v23  }
0x4a0: {  	v55 =	vadd.s32 s26, v12;
	v1 =	vadd.s32 v1, v61;
	v50 =	vld.idx.msk [tilespmem:v45+s14+$0x0], $0xffff;
	[tilespmem:s30+$0x0] =	vst v63  }
0x4a1: {  	v54 =	vadd.s32 s26, v13;
	v56 =	vadd.s32 v5, v55;
	[tilespmem:s30+$0x10] =	vst v42  }
0x4a2: {  	v58 =	vadd.s32 s26, v10;
	v7 =	vld.idx.msk [tilespmem:v53+s14+$0x0], $0xffff;
	v2 =	vadd.s32 v2, v54;
	[tilespmem:s30+$0x20] =	vst v25  }
0x4a3: {  	v62 =	vadd.s32 s26, v9;
	v60 =	vadd.s32 v6, v58;
	v3 =	vld.idx.msk [tilespmem:v3+s14+$0x0], $0xffff;
	[tilespmem:s30+$0x30] =	vst v46  }
0x4a4: {  	v59 =	vld.idx.msk [tilespmem:v15+s14+$0x0], $0xffff;
	[tilespmem:s30+$0x40] =	vst v47;
	v63 =	vadd.s32 v4, v62  }
0x4a5: {  	v1 =	vld.idx.msk [tilespmem:v1+s14+$0x0], $0xffff;
	[tilespmem:s30+$0x50] =	vst v48  }
0x4a6: {  	[tilespmem:s30+$0x60] =	vst v49;
	v5 =	vld.idx.msk [tilespmem:v56+s14+$0x0], $0xffff  }
0x4a7: {  	[tilespmem:s30+$0x70] =	vst v50;
	v2 =	vld.idx.msk [tilespmem:v2+s14+$0x0], $0xffff  }
0x4a8: {  	v6 =	vld.idx.msk [tilespmem:v60+s14+$0x0], $0xffff;
	[tilespmem:s30+$0xE0] =	vst v35  }
0x4a9: {  	v4 =	vld.idx.msk [tilespmem:v63+s14+$0x0], $0xffff;
	[tilespmem:s30+$0xFFFFFF00] =	vst v59  }
0x4aa: {  	[tilespmem:s30+$0xFFFFFF10] =	vst v7  }
0x4ab: {  	[tilespmem:s30+$0xFFFFFF30] =	vst v5  }
0x4ac: {  	[tilespmem:s30+$0xFFFFFF40] =	vst v3  }
.Ltmp18:
0x4ad: {  	s24 =	sshll.u32 s24, $0x13;
	[tilespmem:s30+$0xFFFFFF60] =	vst v1;
	(pc) =	sbr.rel .LBB2_30-.Ltmp18, $4  }
0x4ae: {  	s23 =	sor.u32 s24, s23;
	[tilespmem:s30+$0xFFFFFF20] =	vst v2  }
0x4af: {  	s23 =	sshrl.u32 s23, $0x3;
	[tilespmem:s30+$0xFFFFFF50] =	vst v6  }
0x4b0: {  	s31 =	sadd.s32 s2, s23;
	[tilespmem:s30+$0xFFFFFF70] =	vst v4  }
0x4b1: {  	[hbm4b:s31+s11] =	stream.strided.scatter [tilespmem:s19], [sflag:$0x5], $0x1000, s16, s11, $0x38;
	[tilespmem:$0xAC00] =	vst v63  }
.LBB2_32:
0x4b2: {  	_ =	sfence.sel $0x180000  }
0x4b3: {  	[bflag:$0x0] =	sbarrier.arrive $0xFFFF  }
0x4b4: {  	_ =	strace $0x9000004A  }
0x4b5: {  	[bflag:$0x2] =	sbarrier.arrive $0xFFFF  }
0x4b6: {  	p0 =	sne.s32 s5, $0x0;
	s0 =	rddreg [dreg:$0x3]  }
0x4b7: {  	s0 =	sadd.s32 @!p0 $0x100000, s0  }
0x4b8: {  	[sflag:s0] =	ssyncadd.tile.s32 @!p0 $0x1;
	_ =	shalt  }
.Lfunc_end2:
_tile_overlayer_lowered:
.L_overlay_start_2:
0x4b9: {  	(tag) =	ssettag $0x2  }
0x4ba: {  	s0 =	rddreg [dreg:$0x0];
	s2 =	stileid.u32  }
0x4bb: {  	s1 =	rddreg [dreg:$0x1];
	p0 =	sne.s32 s2, $0x0  }
0x4bc: {  	s3 =	rddreg [dreg:$0x2];
	[bflag:$0x3] =	sbarrier.arrive $0xFFFF;
	s2 =	simm.s32 @!p0 $0x1C06  }
0x4bd: {  	[timem:s3], [sflag:s2] =	dma.local @!p0 [hbm:s0], s1  }
0x4be: {  	s0 =	simm.s32 @!p0 $0x6  }
0x4bf: {  	_ =	swait.ge @!p0 [sflag:s0], s1  }
0x4c0: {  	s1 =	ssub.s32 @!p0 $0x0, s1;
	[sflag:s0] =	ssyncset.done @!p0 $0x0  }
0x4c1: {  	[sflag:s0] =	ssyncadd.s32 @!p0 s1  }
0x4c2: {  	[bflag:$0x3] =	sbarrier.arrive $0xFFFF  }
0x4c3: {  	_ =	shalt  }

</sc_bundles>
